<compile_context>
chip_gen: v7x
topology: tpu7x:2x2x1
jax: 0.10.2.dev20260603
libtpu: 0.0.44.dev20260713+nightly
codegen_flags: <defaults>
</compile_context>

<pallas_src>
import functools

import jax
import jax.numpy as jnp
from jax import lax
from jax.experimental import pallas as pl
from jax.experimental.pallas import tpu as pltpu
from jax.experimental.pallas import tpu_sc as plsc

N_NODES = 10000
D = 128
E = 320000
DELTA = 1.0

SEG = 10240
NC = 2
NS = 16
L = 16
NW = NC * NS
EPW = E // NW
C = 80
NCHUNK = EPW // C
GROUPS = C // L
NEG_INIT = -3.0e38


def _shift(tmp_v, x, idx):
  tmp_v[pl.ds(0, L)] = x
  return plsc.load_gather(tmp_v, [idx])


def _seg_sum_update(keys, dots, ii, sum_v, cnt_v, ktmp_v, vtmp_v, ctmp_v):
  ks, vs = plsc.sort_key_val(keys, dots)
  ktmp_v[pl.ds(0, L)] = ks
  k_prev = plsc.load_gather(ktmp_v, [jnp.maximum(ii - 1, 0)])
  is_head = (ii == 0) | (ks != k_prev)
  head = plsc.cummax(jnp.where(is_head, ii, 0))
  csum = plsc.cumsum(vs)
  vtmp_v[pl.ds(0, L)] = csum
  s_prev = plsc.load_gather(vtmp_v, [jnp.maximum(head - 1, 0)])
  run_sum = csum - jnp.where(head > 0, s_prev, 0.0)
  run_cnt = (ii - head + 1).astype(jnp.float32)
  k_next = plsc.load_gather(ktmp_v, [jnp.minimum(ii + 1, L - 1)])
  is_tail = (ii == L - 1) | (ks != k_next)
  old_s = plsc.load_gather(sum_v, [ks])
  plsc.store_scatter(sum_v, [ks], old_s + run_sum, mask=is_tail)
  old_c = plsc.load_gather(cnt_v, [ks])
  plsc.store_scatter(cnt_v, [ks], old_c + run_cnt, mask=is_tail)


def _seg_max_update(keys, dots, ii, max_v, flag_v, ktmp_v, vtmp_v):
  vs1, ks1 = plsc.sort_key_val(dots, keys, descending=True)
  ks, vs = plsc.sort_key_val(ks1, vs1)
  ktmp_v[pl.ds(0, L)] = ks
  k_prev = plsc.load_gather(ktmp_v, [jnp.maximum(ii - 1, 0)])
  is_head = (ii == 0) | (ks != k_prev)
  old_m = plsc.load_gather(max_v, [ks])
  plsc.store_scatter(max_v, [ks], jnp.maximum(old_m, vs), mask=is_head)
  plsc.store_scatter(flag_v, [ks], jnp.ones((L,), jnp.float32), mask=is_head)


_MESH = plsc.VectorSubcoreMesh(core_axis_name="c", subcore_axis_name="s")


@functools.partial(
    pl.kernel,
    out_type=[jax.ShapeDtypeStruct((NW, SEG), jnp.float32)] * 4,
    mesh=_MESH,
    compiler_params=pltpu.CompilerParams(
        needs_layout_passes=False, use_tc_tiling_on_sc=False),
    scratch_types=[
        pltpu.VMEM((N_NODES,), jnp.int32),
        pltpu.VMEM((SEG,), jnp.float32),
        pltpu.VMEM((SEG,), jnp.float32),
        pltpu.VMEM((SEG,), jnp.float32),
        pltpu.VMEM((SEG,), jnp.float32),
        pltpu.VMEM((2, C), jnp.int32),
        pltpu.VMEM((2, C), jnp.int32),
        pltpu.VMEM((C,), jnp.int32),
        pltpu.VMEM((C,), jnp.int32),
        pltpu.VMEM((C,), jnp.int32),
        pltpu.VMEM((C,), jnp.int32),
        pltpu.VMEM((C,), jnp.int32),
        pltpu.VMEM((C,), jnp.int32),
        pltpu.VMEM((C, D // 2), jnp.int32),
        pltpu.VMEM((C, D // 2), jnp.int32),
        pltpu.VMEM((C, D // 2), jnp.int32),
        pltpu.VMEM((C, D // 2), jnp.int32),
        pltpu.VMEM((L,), jnp.int32),
        pltpu.VMEM((L,), jnp.float32),
        pltpu.VMEM((L,), jnp.float32),
        pltpu.SemaphoreType.DMA,
        pltpu.SemaphoreType.DMA,
        pltpu.SemaphoreType.DMA,
        pltpu.SemaphoreType.DMA,
        pltpu.SemaphoreType.DMA,
        pltpu.SemaphoreType.DMA,
    ],
)
def _sc_partials(emb_hbm, inv_hbm, pos_hbm, neg_hbm,
                 psum_out, pcnt_out, nmax_out, ncnt_out,
                 inv_v, psum_v, pcnt_v, nmax_v, ncnt_v,
                 edges_p, edges_n, keys_p, keys_n,
                 fsrc_p, fdst_p, fsrc_n, fdst_n,
                 rows_pa, rows_pb, rows_na, rows_nb,
                 ktmp_v, vtmp_v, ctmp_v,
                 sem_ep, sem_en, sem_rpa, sem_rpb, sem_rna, sem_rnb):
  wid = lax.axis_index("s") * NC + lax.axis_index("c")
  ii = lax.iota(jnp.int32, L)
  ebase = wid * EPW

  zero16 = jnp.zeros((L,), jnp.float32)
  neg16 = jnp.full((L,), NEG_INIT, jnp.float32)

  def init_body(i, carry):
    off = i * L
    psum_v[pl.ds(off, L)] = zero16
    pcnt_v[pl.ds(off, L)] = zero16
    nmax_v[pl.ds(off, L)] = neg16
    ncnt_v[pl.ds(off, L)] = zero16
    return carry

  lax.fori_loop(0, SEG // L, init_body, 0)

  pltpu.sync_copy(inv_hbm, inv_v)

  def fire_edges(e_hbm, ci, ebuf, sem):
    base = ebase + ci * C
    pltpu.async_copy(e_hbm.at[pl.ds(0, 2), pl.ds(base, C)], ebuf, sem)

  def wait_edges(e_hbm, ebuf, sem):
    pltpu.make_async_copy(e_hbm.at[pl.ds(0, 2), pl.ds(0, C)], ebuf,
                          sem).wait()

  def translate(ebuf, kv, fs, fd):
    for g in range(GROUPS):
      s16 = ebuf[0, pl.ds(g * L, L)]
      d16 = ebuf[1, pl.ds(g * L, L)]
      fs[pl.ds(g * L, L)] = plsc.load_gather(inv_v, [s16])
      fd[pl.ds(g * L, L)] = plsc.load_gather(inv_v, [d16])
      kv[pl.ds(g * L, L)] = s16

  def fire_rows(fs, fd, ra, rb, sa, sb):
    pltpu.async_copy(emb_hbm.at[fs], ra, sa)
    pltpu.async_copy(emb_hbm.at[fd], rb, sb)

  def wait_rows(fs, fd, ra, rb, sa, sb):
    pltpu.make_async_copy(emb_hbm.at[fs], ra, sa).wait()
    pltpu.make_async_copy(emb_hbm.at[fd], rb, sb).wait()

  def compute(rows_a, rows_b, kv, is_pos):
    def group_body(g):
      dots = jnp.zeros((L,), jnp.float32)
      for j in range(L):
        e = g * L + j
        acc = jnp.zeros((L,), jnp.float32)
        for b in range(D // (2 * L)):
          a_bf = plsc.bitcast(rows_a[e, pl.ds(b * L, L)], jnp.bfloat16)
          b_bf = plsc.bitcast(rows_b[e, pl.ds(b * L, L)], jnp.bfloat16)
          p_lo, p_hi = plsc.unpack(a_bf * b_bf,
                                   format=plsc.PackFormat.INTERLEAVED)
          acc = acc + p_lo + p_hi
        s = jnp.sum(acc)
        dots = jnp.where(ii == j, s, dots)
      keys = kv[pl.ds(g * L, L)]
      if is_pos:
        _seg_sum_update(keys, dots, ii, psum_v, pcnt_v, ktmp_v, vtmp_v,
                        ctmp_v)
      else:
        _seg_max_update(keys, dots, ii, nmax_v, ncnt_v, ktmp_v, vtmp_v)
      return 0

    lax.fori_loop(0, GROUPS, lambda g, c: group_body(g), 0)

  fire_edges(pos_hbm, 0, edges_p, sem_ep)

  def iter_body(i, carry):
    wait_edges(pos_hbm, edges_p, sem_ep)
    translate(edges_p, keys_p, fsrc_p, fdst_p)
    fire_rows(fsrc_p, fdst_p, rows_pa, rows_pb, sem_rpa, sem_rpb)
    fire_edges(neg_hbm, i, edges_n, sem_en)

    @pl.when(i > 0)
    def _():
      wait_rows(fsrc_n, fdst_n, rows_na, rows_nb, sem_rna, sem_rnb)
      compute(rows_na, rows_nb, keys_n, False)

    wait_edges(neg_hbm, edges_n, sem_en)
    translate(edges_n, keys_n, fsrc_n, fdst_n)
    fire_rows(fsrc_n, fdst_n, rows_na, rows_nb, sem_rna, sem_rnb)
    fire_edges(pos_hbm, jnp.minimum(i + 1, NCHUNK - 1),
               edges_p, sem_ep)

    wait_rows(fsrc_p, fdst_p, rows_pa, rows_pb, sem_rpa, sem_rpb)
    compute(rows_pa, rows_pb, keys_p, True)
    return carry

  lax.fori_loop(0, NCHUNK, iter_body, 0)

  wait_rows(fsrc_n, fdst_n, rows_na, rows_nb, sem_rna, sem_rnb)
  compute(rows_na, rows_nb, keys_n, False)
  wait_edges(pos_hbm, edges_p, sem_ep)

  pltpu.sync_copy(psum_v, psum_out.at[wid])
  pltpu.sync_copy(pcnt_v, pcnt_out.at[wid])
  pltpu.sync_copy(nmax_v, nmax_out.at[wid])
  pltpu.sync_copy(ncnt_v, ncnt_out.at[wid])


def _combine_body(psum_ref, pcnt_ref, nmax_ref, ncnt_ref, out_ref):
  p_sum = jnp.sum(psum_ref[...], axis=0, keepdims=True)
  p_cnt = jnp.sum(pcnt_ref[...], axis=0, keepdims=True)
  n_max = jnp.max(nmax_ref[...], axis=0, keepdims=True)
  n_cnt = jnp.sum(ncnt_ref[...], axis=0, keepdims=True)
  p_d = p_sum / jnp.maximum(p_cnt, 1.0)
  n_d = jnp.where(n_cnt > 0.0, n_max, 0.0)
  hinge = jnp.maximum(n_d - p_d + DELTA, 0.0)
  idx = lax.broadcasted_iota(jnp.int32, (1, SEG), 1)
  hinge = jnp.where(idx < N_NODES, hinge, 0.0)
  out_ref[...] = (jnp.sum(hinge) / N_NODES).reshape(1, 1)


def kernel(emb, inv_idx, pos_edges, neg_edges):
  emb_pk = lax.bitcast_convert_type(
      emb.astype(jnp.bfloat16).reshape(N_NODES, D // 2, 2), jnp.int32)
  psum, pcnt, nmax, ncnt = _sc_partials(
      emb_pk,
      inv_idx.astype(jnp.int32),
      pos_edges.astype(jnp.int32),
      neg_edges.astype(jnp.int32),
  )
  loss = pl.pallas_call(
      _combine_body,
      out_shape=jax.ShapeDtypeStruct((1, 1), jnp.float32),
  )(psum, pcnt, nmax, ncnt)
  return loss[0, 0]

# --- scband reference (transcript-rebuilt; emitter-appended) ---
"""Pipeline reference for scband-hinge-loss-23837068493403 (READ-ONLY COPY).

The authoritative reference and input builder live on the scoring server;
editing this copy changes nothing except your own understanding.
"""

import jax, jax.numpy as jnp
import numpy as np

N_NODES = 10000
E = 320000
D = 128
DELTA = 1.0


def setup_inputs(seed: int = 0) -> dict:
    key = jax.random.key(seed)
    k1, k2, k3, k4 = jax.random.split(key, 4)
    emb = jax.random.normal(k1, (N_NODES, D), dtype=jnp.float32)
    inv_idx = jax.random.randint(k2, (N_NODES,), 0, N_NODES)
    pos_edges = jax.random.randint(k3, (2, E), 0, N_NODES)
    neg_edges = jax.random.randint(k4, (2, E), 0, N_NODES)
    return {"emb": emb, "inv_idx": inv_idx, "pos_edges": pos_edges, "neg_edges": neg_edges}


def reference(emb, inv_idx, pos_edges, neg_edges):
    # gather embeddings through the inverse index (emb[inv_idx[idx]])
    pc_emb = emb[inv_idx[pos_edges[0]], :]
    pp_emb = emb[inv_idx[pos_edges[1]], :]
    nc_emb = emb[inv_idx[neg_edges[0]], :]
    nn_emb = emb[inv_idx[neg_edges[1]], :]
    # bmm of (1,d) x (d,1) == rowwise dot product
    p_d_full = jnp.sum(pc_emb * pp_emb, axis=1)
    n_d_full = jnp.sum(nc_emb * nn_emb, axis=1)
    num_seg = N_NODES
    # scatter(..., reduce='mean') over pos source nodes
    p_sum = jax.ops.segment_sum(p_d_full, pos_edges[0], num_segments=num_seg)
    p_cnt = jax.ops.segment_sum(jnp.ones_like(p_d_full), pos_edges[0], num_segments=num_seg)
    p_d = p_sum / jnp.maximum(p_cnt, 1.0)
    # scatter(..., reduce='max') over neg source nodes (empty segments -> 0, matching torch_scatter init)
    n_max = jax.ops.segment_max(n_d_full, neg_edges[0], num_segments=num_seg)
    n_cnt = jax.ops.segment_sum(jnp.ones_like(n_d_full), neg_edges[0], num_segments=num_seg)
    n_d = jnp.where(n_cnt > 0, n_max, 0.0)
    loss = jnp.mean(jnp.clip(n_d - p_d + DELTA, 0.0))
    return loss

if __name__ == "__main__":
    import jax
    _d = setup_inputs()
    print(jax.jit(kernel)(*tuple(_d.values())))

</pallas_src>

<mosaic_0001>
#map = affine_map<(d0, d1) -> (0, 0)>
#map1 = affine_map<(d0, d1) -> (0)>
module attributes {stable_mosaic.version = 14 : i64} {
  func.func @_sc_partials(%arg0: i32, %arg1: i32, %arg2: memref<10000x64xi32, #tpu.memory_space<hbm>>, %arg3: memref<10000xi32, #tpu.memory_space<hbm>>, %arg4: memref<2x320000xi32, #tpu.memory_space<hbm>>, %arg5: memref<2x320000xi32, #tpu.memory_space<hbm>>, %arg6: memref<32x10240xf32, #tpu.memory_space<hbm>>, %arg7: memref<32x10240xf32, #tpu.memory_space<hbm>>, %arg8: memref<32x10240xf32, #tpu.memory_space<hbm>>, %arg9: memref<32x10240xf32, #tpu.memory_space<hbm>>, %arg10: memref<10000xi32, #tpu.memory_space<vmem>>, %arg11: memref<10240xf32, #tpu.memory_space<vmem>>, %arg12: memref<10240xf32, #tpu.memory_space<vmem>>, %arg13: memref<10240xf32, #tpu.memory_space<vmem>>, %arg14: memref<10240xf32, #tpu.memory_space<vmem>>, %arg15: memref<2x80xi32, #tpu.memory_space<vmem>>, %arg16: memref<2x80xi32, #tpu.memory_space<vmem>>, %arg17: memref<80xi32, #tpu.memory_space<vmem>>, %arg18: memref<80xi32, #tpu.memory_space<vmem>>, %arg19: memref<80xi32, #tpu.memory_space<vmem>>, %arg20: memref<80xi32, #tpu.memory_space<vmem>>, %arg21: memref<80xi32, #tpu.memory_space<vmem>>, %arg22: memref<80xi32, #tpu.memory_space<vmem>>, %arg23: memref<80x64xi32, #tpu.memory_space<vmem>>, %arg24: memref<80x64xi32, #tpu.memory_space<vmem>>, %arg25: memref<80x64xi32, #tpu.memory_space<vmem>>, %arg26: memref<80x64xi32, #tpu.memory_space<vmem>>, %arg27: memref<16xi32, #tpu.memory_space<vmem>>, %arg28: memref<16xf32, #tpu.memory_space<vmem>>, %arg29: memref<16xf32, #tpu.memory_space<vmem>>, %arg30: memref<!tpu.dma_semaphore, #tpu.memory_space<semaphore_mem>>, %arg31: memref<!tpu.dma_semaphore, #tpu.memory_space<semaphore_mem>>, %arg32: memref<!tpu.dma_semaphore, #tpu.memory_space<semaphore_mem>>, %arg33: memref<!tpu.dma_semaphore, #tpu.memory_space<semaphore_mem>>, %arg34: memref<!tpu.dma_semaphore, #tpu.memory_space<semaphore_mem>>, %arg35: memref<!tpu.dma_semaphore, #tpu.memory_space<semaphore_mem>>) attributes {dimension_semantics = [#tpu.dimension_semantics<core_parallel>, #tpu.dimension_semantics<subcore_parallel>], iteration_bounds = array<i64: 2, 16>, scalar_prefetch = 0 : i64, scratch_operands = 26 : i64, tpu.core_type = #tpu.core_type<sc_vector_subcore>, window_params = [{transform_indices = #map}, {transform_indices = #map1}, {transform_indices = #map}, {transform_indices = #map}, {transform_indices = #map}, {transform_indices = #map}, {transform_indices = #map}, {transform_indices = #map}]} {
    %mul3A = arith.constant 2 : i32
    %mul3A_0 = arith.muli %arg1, %mul3A : i32
    %add3A = arith.addi %mul3A_0, %arg0 : i32
    %iota3A = tpu.iota {dimensions = array<i32: 0>} : vector<16xi32>
    %mul3A_1 = arith.constant 10000 : i32
    %mul3A_2 = arith.muli %add3A, %mul3A_1 : i32
    %broadcast_in_dim3A = arith.constant 0.000000e+00 : f32
    %broadcast_in_dim3A_3 = vector.broadcast %broadcast_in_dim3A : f32 to vector<16xf32>
    %broadcast_in_dim3A_4 = arith.constant -3.000000e+38 : f32
    %broadcast_in_dim3A_5 = vector.broadcast %broadcast_in_dim3A_4 : f32 to vector<16xf32>
    %scan3A = arith.constant 0 : i32
    %scan3A_6 = arith.constant 0 : i32
    %scan3A_7 = arith.constant 640 : i32
    %scan3A_8 = arith.addi %scan3A_6, %scan3A_7 : i32
    %scan3A_9 = arith.constant 1 : i32
    scf.for %scan3A_40 = %scan3A_6 to %scan3A_8 step %scan3A_9  : i32 {
      %mul3A_41 = arith.constant 16 : i32
      %mul3A_42 = arith.muli %scan3A_40, %mul3A_41 : i32
      %swap3A = arith.index_cast %mul3A_42 : i32 to index
      %swap3A_43 = tpu.vector_load %arg11[%swap3A] {strides = array<i32>} : memref<10240xf32, #tpu.memory_space<vmem>>, vector<16xf32>,
      tpu.vector_store %arg11[%swap3A], %broadcast_in_dim3A_3 {strides = array<i32>} : memref<10240xf32, #tpu.memory_space<vmem>>, vector<16xf32>,
      %swap3A_44 = arith.index_cast %mul3A_42 : i32 to index
      %swap3A_45 = tpu.vector_load %arg12[%swap3A_44] {strides = array<i32>} : memref<10240xf32, #tpu.memory_space<vmem>>, vector<16xf32>,
      tpu.vector_store %arg12[%swap3A_44], %broadcast_in_dim3A_3 {strides = array<i32>} : memref<10240xf32, #tpu.memory_space<vmem>>, vector<16xf32>,
      %swap3A_46 = arith.index_cast %mul3A_42 : i32 to index
      %swap3A_47 = tpu.vector_load %arg13[%swap3A_46] {strides = array<i32>} : memref<10240xf32, #tpu.memory_space<vmem>>, vector<16xf32>,
      tpu.vector_store %arg13[%swap3A_46], %broadcast_in_dim3A_5 {strides = array<i32>} : memref<10240xf32, #tpu.memory_space<vmem>>, vector<16xf32>,
      %swap3A_48 = arith.index_cast %mul3A_42 : i32 to index
      %swap3A_49 = tpu.vector_load %arg14[%swap3A_48] {strides = array<i32>} : memref<10240xf32, #tpu.memory_space<vmem>>, vector<16xf32>,
      tpu.vector_store %arg14[%swap3A_48], %broadcast_in_dim3A_3 {strides = array<i32>} : memref<10240xf32, #tpu.memory_space<vmem>>, vector<16xf32>,
    }
    %scan3A_10 = arith.constant 640 : i32
    "tpu.region"() ({
      %run_scoped3A = tpu.sem_alloc : memref<!tpu.dma_semaphore, #tpu.memory_space<semaphore_mem>>
      tpu.enqueue_dma source(%arg3 : memref<10000xi32, #tpu.memory_space<hbm>>) target(%arg10 : memref<10000xi32, #tpu.memory_space<vmem>>) target_semaphore(%run_scoped3A : memref<!tpu.dma_semaphore, #tpu.memory_space<semaphore_mem>>)
      tpu.wait_dma2 semaphore(%run_scoped3A : memref<!tpu.dma_semaphore, #tpu.memory_space<semaphore_mem>>) src(%arg3 : memref<10000xi32, #tpu.memory_space<hbm>>) dst(%arg10 : memref<10000xi32, #tpu.memory_space<vmem>>)
      tpu.yield
    }) : () -> ()
    %add3A_11 = arith.constant 0 : i32
    %add3A_12 = arith.addi %mul3A_2, %add3A_11 : i32
    %dma_start3A = arith.constant 0 : i32
    %dma_start3A_13 = tpu.memref_slice %arg4[%dma_start3A, %add3A_12] : memref<2x320000xi32, #tpu.memory_space<hbm>> -> memref<2x80xi32, #tpu.memory_space<hbm>>
    %dma_start3A_14 = arith.constant 0 : i32
    %dma_start3A_15 = tpu.memref_slice %arg4[%dma_start3A_14, %add3A_12] : memref<2x320000xi32, #tpu.memory_space<hbm>> -> memref<2x80xi32, #tpu.memory_space<hbm>>
    tpu.enqueue_dma source(%dma_start3A_15 : memref<2x80xi32, #tpu.memory_space<hbm>>) target(%arg15 : memref<2x80xi32, #tpu.memory_space<vmem>>) target_semaphore(%arg30 : memref<!tpu.dma_semaphore, #tpu.memory_space<semaphore_mem>>)
    %scan3A_16 = arith.constant 0 : i32
    %scan3A_17 = arith.constant 0 : i32
    %scan3A_18 = arith.constant 125 : i32
    %scan3A_19 = arith.addi %scan3A_17, %scan3A_18 : i32
    %scan3A_20 = arith.constant 1 : i32
    scf.for %scan3A_40 = %scan3A_17 to %scan3A_19 step %scan3A_20  : i32 {
      %dma_wait3A_41 = arith.constant 0 : i32
      %dma_wait3A_42 = arith.constant 0 : i32
      %dma_wait3A_43 = tpu.memref_slice %arg4[%dma_wait3A_41, %dma_wait3A_42] : memref<2x320000xi32, #tpu.memory_space<hbm>> -> memref<2x80xi32, #tpu.memory_space<hbm>>
      %dma_wait3A_44 = arith.constant 0 : i32
      %dma_wait3A_45 = arith.constant 0 : i32
      %dma_wait3A_46 = tpu.memref_slice %arg4[%dma_wait3A_44, %dma_wait3A_45] : memref<2x320000xi32, #tpu.memory_space<hbm>> -> memref<2x80xi32, #tpu.memory_space<hbm>>
      tpu.wait_dma2 semaphore(%arg30 : memref<!tpu.dma_semaphore, #tpu.memory_space<semaphore_mem>>) src(%dma_wait3A_46 : memref<2x80xi32, #tpu.memory_space<hbm>>) dst(%arg15 : memref<2x80xi32, #tpu.memory_space<vmem>>)
      %get3A = arith.constant 0 : i32
      %get3A_47 = arith.index_cast %get3A : i32 to index
      %get3A_48 = arith.constant 0 : index
      %get3A_49 = tpu.vector_load %arg15[%get3A_47, %get3A_48] {strides = array<i32>} : memref<2x80xi32, #tpu.memory_space<vmem>>, vector<16xi32>,
      %get3A_50 = arith.constant 1 : i32
      %get3A_51 = arith.index_cast %get3A_50 : i32 to index
      %get3A_52 = arith.constant 0 : index
      %get3A_53 = tpu.vector_load %arg15[%get3A_51, %get3A_52] {strides = array<i32>} : memref<2x80xi32, #tpu.memory_space<vmem>>, vector<16xi32>,
      %gather3A = tpu.vector_load_idx %arg10[%get3A_49] : memref<10000xi32, #tpu.memory_space<vmem>>[vector<16xi32>], vector<16xi32>,
      %swap3A = arith.constant 0 : index
      %swap3A_54 = tpu.vector_load %arg19[%swap3A] {strides = array<i32>} : memref<80xi32, #tpu.memory_space<vmem>>, vector<16xi32>,
      tpu.vector_store %arg19[%swap3A], %gather3A {strides = array<i32>} : memref<80xi32, #tpu.memory_space<vmem>>, vector<16xi32>,
      %gather3A_55 = tpu.vector_load_idx %arg10[%get3A_53] : memref<10000xi32, #tpu.memory_space<vmem>>[vector<16xi32>], vector<16xi32>,
      %swap3A_56 = arith.constant 0 : index
      %swap3A_57 = tpu.vector_load %arg20[%swap3A_56] {strides = array<i32>} : memref<80xi32, #tpu.memory_space<vmem>>, vector<16xi32>,
      tpu.vector_store %arg20[%swap3A_56], %gather3A_55 {strides = array<i32>} : memref<80xi32, #tpu.memory_space<vmem>>, vector<16xi32>,
      %swap3A_58 = arith.constant 0 : index
      %swap3A_59 = tpu.vector_load %arg17[%swap3A_58] {strides = array<i32>} : memref<80xi32, #tpu.memory_space<vmem>>, vector<16xi32>,
      tpu.vector_store %arg17[%swap3A_58], %get3A_49 {strides = array<i32>} : memref<80xi32, #tpu.memory_space<vmem>>, vector<16xi32>,
      %get3A_60 = arith.constant 0 : i32
      %get3A_61 = arith.index_cast %get3A_60 : i32 to index
      %get3A_62 = arith.constant 16 : index
      %get3A_63 = tpu.vector_load %arg15[%get3A_61, %get3A_62] {strides = array<i32>} : memref<2x80xi32, #tpu.memory_space<vmem>>, vector<16xi32>,
      %get3A_64 = arith.constant 1 : i32
      %get3A_65 = arith.index_cast %get3A_64 : i32 to index
      %get3A_66 = arith.constant 16 : index
      %get3A_67 = tpu.vector_load %arg15[%get3A_65, %get3A_66] {strides = array<i32>} : memref<2x80xi32, #tpu.memory_space<vmem>>, vector<16xi32>,
      %gather3A_68 = tpu.vector_load_idx %arg10[%get3A_63] : memref<10000xi32, #tpu.memory_space<vmem>>[vector<16xi32>], vector<16xi32>,
      %swap3A_69 = arith.constant 16 : index
      %swap3A_70 = tpu.vector_load %arg19[%swap3A_69] {strides = array<i32>} : memref<80xi32, #tpu.memory_space<vmem>>, vector<16xi32>,
      tpu.vector_store %arg19[%swap3A_69], %gather3A_68 {strides = array<i32>} : memref<80xi32, #tpu.memory_space<vmem>>, vector<16xi32>,
      %gather3A_71 = tpu.vector_load_idx %arg10[%get3A_67] : memref<10000xi32, #tpu.memory_space<vmem>>[vector<16xi32>], vector<16xi32>,
      %swap3A_72 = arith.constant 16 : index
      %swap3A_73 = tpu.vector_load %arg20[%swap3A_72] {strides = array<i32>} : memref<80xi32, #tpu.memory_space<vmem>>, vector<16xi32>,
      tpu.vector_store %arg20[%swap3A_72], %gather3A_71 {strides = array<i32>} : memref<80xi32, #tpu.memory_space<vmem>>, vector<16xi32>,
      %swap3A_74 = arith.constant 16 : index
      %swap3A_75 = tpu.vector_load %arg17[%swap3A_74] {strides = array<i32>} : memref<80xi32, #tpu.memory_space<vmem>>, vector<16xi32>,
      tpu.vector_store %arg17[%swap3A_74], %get3A_63 {strides = array<i32>} : memref<80xi32, #tpu.memory_space<vmem>>, vector<16xi32>,
      %get3A_76 = arith.constant 0 : i32
      %get3A_77 = arith.index_cast %get3A_76 : i32 to index
      %get3A_78 = arith.constant 32 : index
      %get3A_79 = tpu.vector_load %arg15[%get3A_77, %get3A_78] {strides = array<i32>} : memref<2x80xi32, #tpu.memory_space<vmem>>, vector<16xi32>,
      %get3A_80 = arith.constant 1 : i32
      %get3A_81 = arith.index_cast %get3A_80 : i32 to index
      %get3A_82 = arith.constant 32 : index
      %get3A_83 = tpu.vector_load %arg15[%get3A_81, %get3A_82] {strides = array<i32>} : memref<2x80xi32, #tpu.memory_space<vmem>>, vector<16xi32>,
      %gather3A_84 = tpu.vector_load_idx %arg10[%get3A_79] : memref<10000xi32, #tpu.memory_space<vmem>>[vector<16xi32>], vector<16xi32>,
      %swap3A_85 = arith.constant 32 : index
      %swap3A_86 = tpu.vector_load %arg19[%swap3A_85] {strides = array<i32>} : memref<80xi32, #tpu.memory_space<vmem>>, vector<16xi32>,
      tpu.vector_store %arg19[%swap3A_85], %gather3A_84 {strides = array<i32>} : memref<80xi32, #tpu.memory_space<vmem>>, vector<16xi32>,
      %gather3A_87 = tpu.vector_load_idx %arg10[%get3A_83] : memref<10000xi32, #tpu.memory_space<vmem>>[vector<16xi32>], vector<16xi32>,
      %swap3A_88 = arith.constant 32 : index
      %swap3A_89 = tpu.vector_load %arg20[%swap3A_88] {strides = array<i32>} : memref<80xi32, #tpu.memory_space<vmem>>, vector<16xi32>,
      tpu.vector_store %arg20[%swap3A_88], %gather3A_87 {strides = array<i32>} : memref<80xi32, #tpu.memory_space<vmem>>, vector<16xi32>,
      %swap3A_90 = arith.constant 32 : index
      %swap3A_91 = tpu.vector_load %arg17[%swap3A_90] {strides = array<i32>} : memref<80xi32, #tpu.memory_space<vmem>>, vector<16xi32>,
      tpu.vector_store %arg17[%swap3A_90], %get3A_79 {strides = array<i32>} : memref<80xi32, #tpu.memory_space<vmem>>, vector<16xi32>,
      %get3A_92 = arith.constant 0 : i32
      %get3A_93 = arith.index_cast %get3A_92 : i32 to index
      %get3A_94 = arith.constant 48 : index
      %get3A_95 = tpu.vector_load %arg15[%get3A_93, %get3A_94] {strides = array<i32>} : memref<2x80xi32, #tpu.memory_space<vmem>>, vector<16xi32>,
      %get3A_96 = arith.constant 1 : i32
      %get3A_97 = arith.index_cast %get3A_96 : i32 to index
      %get3A_98 = arith.constant 48 : index
      %get3A_99 = tpu.vector_load %arg15[%get3A_97, %get3A_98] {strides = array<i32>} : memref<2x80xi32, #tpu.memory_space<vmem>>, vector<16xi32>,
      %gather3A_100 = tpu.vector_load_idx %arg10[%get3A_95] : memref<10000xi32, #tpu.memory_space<vmem>>[vector<16xi32>], vector<16xi32>,
      %swap3A_101 = arith.constant 48 : index
      %swap3A_102 = tpu.vector_load %arg19[%swap3A_101] {strides = array<i32>} : memref<80xi32, #tpu.memory_space<vmem>>, vector<16xi32>,
      tpu.vector_store %arg19[%swap3A_101], %gather3A_100 {strides = array<i32>} : memref<80xi32, #tpu.memory_space<vmem>>, vector<16xi32>,
      %gather3A_103 = tpu.vector_load_idx %arg10[%get3A_99] : memref<10000xi32, #tpu.memory_space<vmem>>[vector<16xi32>], vector<16xi32>,
      %swap3A_104 = arith.constant 48 : index
      %swap3A_105 = tpu.vector_load %arg20[%swap3A_104] {strides = array<i32>} : memref<80xi32, #tpu.memory_space<vmem>>, vector<16xi32>,
      tpu.vector_store %arg20[%swap3A_104], %gather3A_103 {strides = array<i32>} : memref<80xi32, #tpu.memory_space<vmem>>, vector<16xi32>,
      %swap3A_106 = arith.constant 48 : index
      %swap3A_107 = tpu.vector_load %arg17[%swap3A_106] {strides = array<i32>} : memref<80xi32, #tpu.memory_space<vmem>>, vector<16xi32>,
      tpu.vector_store %arg17[%swap3A_106], %get3A_95 {strides = array<i32>} : memref<80xi32, #tpu.memory_space<vmem>>, vector<16xi32>,
      %get3A_108 = arith.constant 0 : i32
      %get3A_109 = arith.index_cast %get3A_108 : i32 to index
      %get3A_110 = arith.constant 64 : index
      %get3A_111 = tpu.vector_load %arg15[%get3A_109, %get3A_110] {strides = array<i32>} : memref<2x80xi32, #tpu.memory_space<vmem>>, vector<16xi32>,
      %get3A_112 = arith.constant 1 : i32
      %get3A_113 = arith.index_cast %get3A_112 : i32 to index
      %get3A_114 = arith.constant 64 : index
      %get3A_115 = tpu.vector_load %arg15[%get3A_113, %get3A_114] {strides = array<i32>} : memref<2x80xi32, #tpu.memory_space<vmem>>, vector<16xi32>,
      %gather3A_116 = tpu.vector_load_idx %arg10[%get3A_111] : memref<10000xi32, #tpu.memory_space<vmem>>[vector<16xi32>], vector<16xi32>,
      %swap3A_117 = arith.constant 64 : index
      %swap3A_118 = tpu.vector_load %arg19[%swap3A_117] {strides = array<i32>} : memref<80xi32, #tpu.memory_space<vmem>>, vector<16xi32>,
      tpu.vector_store %arg19[%swap3A_117], %gather3A_116 {strides = array<i32>} : memref<80xi32, #tpu.memory_space<vmem>>, vector<16xi32>,
      %gather3A_119 = tpu.vector_load_idx %arg10[%get3A_115] : memref<10000xi32, #tpu.memory_space<vmem>>[vector<16xi32>], vector<16xi32>,
      %swap3A_120 = arith.constant 64 : index
      %swap3A_121 = tpu.vector_load %arg20[%swap3A_120] {strides = array<i32>} : memref<80xi32, #tpu.memory_space<vmem>>, vector<16xi32>,
      tpu.vector_store %arg20[%swap3A_120], %gather3A_119 {strides = array<i32>} : memref<80xi32, #tpu.memory_space<vmem>>, vector<16xi32>,
      %swap3A_122 = arith.constant 64 : index
      %swap3A_123 = tpu.vector_load %arg17[%swap3A_122] {strides = array<i32>} : memref<80xi32, #tpu.memory_space<vmem>>, vector<16xi32>,
      tpu.vector_store %arg17[%swap3A_122], %get3A_111 {strides = array<i32>} : memref<80xi32, #tpu.memory_space<vmem>>, vector<16xi32>,
      %dma_start3A_124 = arith.constant 0 : i32
      %dma_start3A_125 = arith.constant 0 : i32
      %dma_start3A_126 = tpu.memref_slice %arg2[%dma_start3A_124, %dma_start3A_125] : memref<10000x64xi32, #tpu.memory_space<hbm>> -> memref<10000x64xi32, #tpu.memory_space<hbm>>
      tpu.enqueue_indirect_dma source(%dma_start3A_126 : memref<10000x64xi32, #tpu.memory_space<hbm>>) target(%arg23 : memref<80x64xi32, #tpu.memory_space<vmem>>) offsets(%arg19 : memref<80xi32, #tpu.memory_space<vmem>>) semaphore(%arg32 : memref<!tpu.dma_semaphore, #tpu.memory_space<semaphore_mem>>)
      %dma_start3A_127 = arith.constant 0 : i32
      %dma_start3A_128 = arith.constant 0 : i32
      %dma_start3A_129 = tpu.memref_slice %arg2[%dma_start3A_127, %dma_start3A_128] : memref<10000x64xi32, #tpu.memory_space<hbm>> -> memref<10000x64xi32, #tpu.memory_space<hbm>>
      tpu.enqueue_indirect_dma source(%dma_start3A_129 : memref<10000x64xi32, #tpu.memory_space<hbm>>) target(%arg24 : memref<80x64xi32, #tpu.memory_space<vmem>>) offsets(%arg20 : memref<80xi32, #tpu.memory_space<vmem>>) semaphore(%arg33 : memref<!tpu.dma_semaphore, #tpu.memory_space<semaphore_mem>>)
      %mul3A_130 = arith.constant 80 : i32
      %mul3A_131 = arith.muli %scan3A_40, %mul3A_130 : i32
      %add3A_132 = arith.addi %mul3A_2, %mul3A_131 : i32
      %dma_start3A_133 = arith.constant 0 : i32
      %dma_start3A_134 = tpu.memref_slice %arg5[%dma_start3A_133, %add3A_132] : memref<2x320000xi32, #tpu.memory_space<hbm>> -> memref<2x80xi32, #tpu.memory_space<hbm>>
      %dma_start3A_135 = arith.constant 0 : i32
      %dma_start3A_136 = tpu.memref_slice %arg5[%dma_start3A_135, %add3A_132] : memref<2x320000xi32, #tpu.memory_space<hbm>> -> memref<2x80xi32, #tpu.memory_space<hbm>>
      tpu.enqueue_dma source(%dma_start3A_136 : memref<2x80xi32, #tpu.memory_space<hbm>>) target(%arg16 : memref<2x80xi32, #tpu.memory_space<vmem>>) target_semaphore(%arg31 : memref<!tpu.dma_semaphore, #tpu.memory_space<semaphore_mem>>)
      %gt3A = arith.constant 0 : i32
      %gt3A_137 = arith.cmpi sgt, %scan3A_40, %gt3A : i32
      %convert_element_type3A = arith.extui %gt3A_137 : i1 to i32
      %cond3A = arith.constant 0 : i32
      %cond3A_138 = arith.cmpi ne, %convert_element_type3A, %cond3A : i32
      scf.if %cond3A_138 {
        %dma_wait3A_254 = arith.constant 0 : i32
        %dma_wait3A_255 = arith.constant 0 : i32
        %dma_wait3A_256 = tpu.memref_slice %arg2[%dma_wait3A_254, %dma_wait3A_255] : memref<10000x64xi32, #tpu.memory_space<hbm>> -> memref<10000x64xi32, #tpu.memory_space<hbm>>
        tpu.wait_indirect_dma semaphore(%arg34 : memref<!tpu.dma_semaphore, #tpu.memory_space<semaphore_mem>>) src(%dma_wait3A_256 : memref<10000x64xi32, #tpu.memory_space<hbm>>) dst(%arg25 : memref<80x64xi32, #tpu.memory_space<vmem>>)
        %dma_wait3A_257 = arith.constant 0 : i32
        %dma_wait3A_258 = arith.constant 0 : i32
        %dma_wait3A_259 = tpu.memref_slice %arg2[%dma_wait3A_257, %dma_wait3A_258] : memref<10000x64xi32, #tpu.memory_space<hbm>> -> memref<10000x64xi32, #tpu.memory_space<hbm>>
        tpu.wait_indirect_dma semaphore(%arg35 : memref<!tpu.dma_semaphore, #tpu.memory_space<semaphore_mem>>) src(%dma_wait3A_259 : memref<10000x64xi32, #tpu.memory_space<hbm>>) dst(%arg26 : memref<80x64xi32, #tpu.memory_space<vmem>>)
        %scan3A_260 = arith.constant 0 : i32
        %scan3A_261 = arith.constant 0 : i32
        %scan3A_262 = arith.constant 5 : i32
        %scan3A_263 = arith.addi %scan3A_261, %scan3A_262 : i32
        %scan3A_264 = arith.constant 1 : i32
        %scan3A_265 = scf.for %scan3A_267 = %scan3A_261 to %scan3A_263 step %scan3A_264 iter_args(%scan3A_268 = %scan3A_260) -> (i32)  : i32 {
          %broadcast_in_dim3A_269 = arith.constant 0.000000e+00 : f32
          %broadcast_in_dim3A_270 = vector.broadcast %broadcast_in_dim3A_269 : f32 to vector<16xf32>
          %mul3A_271 = arith.constant 16 : i32
          %mul3A_272 = arith.muli %scan3A_267, %mul3A_271 : i32
          %add3A_273 = arith.constant 0 : i32
          %add3A_274 = arith.addi %mul3A_272, %add3A_273 : i32
          %broadcast_in_dim3A_275 = arith.constant 0.000000e+00 : f32
          %broadcast_in_dim3A_276 = vector.broadcast %broadcast_in_dim3A_275 : f32 to vector<16xf32>
          %get3A_277 = arith.index_cast %add3A_274 : i32 to index
          %get3A_278 = arith.constant 0 : index
          %get3A_279 = tpu.vector_load %arg25[%get3A_277, %get3A_278] {strides = array<i32>} : memref<80x64xi32, #tpu.memory_space<vmem>>, vector<16xi32>,
          %bitcast3A = vector.bitcast %get3A_279 : vector<16xi32> to vector<32xbf16>
          %get3A_280 = arith.index_cast %add3A_274 : i32 to index
          %get3A_281 = arith.constant 0 : index
          %get3A_282 = tpu.vector_load %arg26[%get3A_280, %get3A_281] {strides = array<i32>} : memref<80x64xi32, #tpu.memory_space<vmem>>, vector<16xi32>,
          %bitcast3A_283 = vector.bitcast %get3A_282 : vector<16xi32> to vector<32xbf16>
          %mul3A_284 = arith.mulf %bitcast3A, %bitcast3A_283 : vector<32xbf16>
          %unpack3A = tpu.unpack_subelements %mul3A_284, 0 {pack_format = #tpu.pack_format<interleaved>} : vector<32xbf16> -> vector<16xf32>
          %unpack3A_285 = tpu.unpack_subelements %mul3A_284, 1 {pack_format = #tpu.pack_format<interleaved>} : vector<32xbf16> -> vector<16xf32>
          %add3A_286 = arith.addf %broadcast_in_dim3A_276, %unpack3A : vector<16xf32>
          %add3A_287 = arith.addf %add3A_286, %unpack3A_285 : vector<16xf32>
          %get3A_288 = arith.index_cast %add3A_274 : i32 to index
          %get3A_289 = arith.constant 16 : index
          %get3A_290 = tpu.vector_load %arg25[%get3A_288, %get3A_289] {strides = array<i32>} : memref<80x64xi32, #tpu.memory_space<vmem>>, vector<16xi32>,
          %bitcast3A_291 = vector.bitcast %get3A_290 : vector<16xi32> to vector<32xbf16>
          %get3A_292 = arith.index_cast %add3A_274 : i32 to index
          %get3A_293 = arith.constant 16 : index
          %get3A_294 = tpu.vector_load %arg26[%get3A_292, %get3A_293] {strides = array<i32>} : memref<80x64xi32, #tpu.memory_space<vmem>>, vector<16xi32>,
          %bitcast3A_295 = vector.bitcast %get3A_294 : vector<16xi32> to vector<32xbf16>
          %mul3A_296 = arith.mulf %bitcast3A_291, %bitcast3A_295 : vector<32xbf16>
          %unpack3A_297 = tpu.unpack_subelements %mul3A_296, 0 {pack_format = #tpu.pack_format<interleaved>} : vector<32xbf16> -> vector<16xf32>
          %unpack3A_298 = tpu.unpack_subelements %mul3A_296, 1 {pack_format = #tpu.pack_format<interleaved>} : vector<32xbf16> -> vector<16xf32>
          %add3A_299 = arith.addf %add3A_287, %unpack3A_297 : vector<16xf32>
          %add3A_300 = arith.addf %add3A_299, %unpack3A_298 : vector<16xf32>
          %get3A_301 = arith.index_cast %add3A_274 : i32 to index
          %get3A_302 = arith.constant 32 : index
          %get3A_303 = tpu.vector_load %arg25[%get3A_301, %get3A_302] {strides = array<i32>} : memref<80x64xi32, #tpu.memory_space<vmem>>, vector<16xi32>,
          %bitcast3A_304 = vector.bitcast %get3A_303 : vector<16xi32> to vector<32xbf16>
          %get3A_305 = arith.index_cast %add3A_274 : i32 to index
          %get3A_306 = arith.constant 32 : index
          %get3A_307 = tpu.vector_load %arg26[%get3A_305, %get3A_306] {strides = array<i32>} : memref<80x64xi32, #tpu.memory_space<vmem>>, vector<16xi32>,
          %bitcast3A_308 = vector.bitcast %get3A_307 : vector<16xi32> to vector<32xbf16>
          %mul3A_309 = arith.mulf %bitcast3A_304, %bitcast3A_308 : vector<32xbf16>
          %unpack3A_310 = tpu.unpack_subelements %mul3A_309, 0 {pack_format = #tpu.pack_format<interleaved>} : vector<32xbf16> -> vector<16xf32>
          %unpack3A_311 = tpu.unpack_subelements %mul3A_309, 1 {pack_format = #tpu.pack_format<interleaved>} : vector<32xbf16> -> vector<16xf32>
          %add3A_312 = arith.addf %add3A_300, %unpack3A_310 : vector<16xf32>
          %add3A_313 = arith.addf %add3A_312, %unpack3A_311 : vector<16xf32>
          %get3A_314 = arith.index_cast %add3A_274 : i32 to index
          %get3A_315 = arith.constant 48 : index
          %get3A_316 = tpu.vector_load %arg25[%get3A_314, %get3A_315] {strides = array<i32>} : memref<80x64xi32, #tpu.memory_space<vmem>>, vector<16xi32>,
          %bitcast3A_317 = vector.bitcast %get3A_316 : vector<16xi32> to vector<32xbf16>
          %get3A_318 = arith.index_cast %add3A_274 : i32 to index
          %get3A_319 = arith.constant 48 : index
          %get3A_320 = tpu.vector_load %arg26[%get3A_318, %get3A_319] {strides = array<i32>} : memref<80x64xi32, #tpu.memory_space<vmem>>, vector<16xi32>,
          %bitcast3A_321 = vector.bitcast %get3A_320 : vector<16xi32> to vector<32xbf16>
          %mul3A_322 = arith.mulf %bitcast3A_317, %bitcast3A_321 : vector<32xbf16>
          %unpack3A_323 = tpu.unpack_subelements %mul3A_322, 0 {pack_format = #tpu.pack_format<interleaved>} : vector<32xbf16> -> vector<16xf32>
          %unpack3A_324 = tpu.unpack_subelements %mul3A_322, 1 {pack_format = #tpu.pack_format<interleaved>} : vector<32xbf16> -> vector<16xf32>
          %add3A_325 = arith.addf %add3A_313, %unpack3A_323 : vector<16xf32>
          %add3A_326 = arith.addf %add3A_325, %unpack3A_324 : vector<16xf32>
          %reduce_sum3A = arith.constant true
          %reduce_sum3A_327 = vector.broadcast %reduce_sum3A : i1 to vector<16xi1>
          %reduce_sum3A_328 = tpu.scan <sum>, %add3A_326 masked %reduce_sum3A_327 : vector<16xf32>, vector<16xi1> -> vector<16xf32>
          %reduce_sum3A_329 = vector.extract %reduce_sum3A_328[15] : f32 from vector<16xf32>
          %eq3A = arith.constant 0 : i32
          %eq3A_330 = vector.broadcast %eq3A : i32 to vector<16xi32>
          %eq3A_331 = arith.cmpi eq, %iota3A, %eq3A_330 : vector<16xi32>
          %broadcast_in_dim3A_332 = vector.broadcast %reduce_sum3A_329 : f32 to vector<16xf32>
          %select_n3A = arith.select %eq3A_331, %broadcast_in_dim3A_332, %broadcast_in_dim3A_270 : vector<16xi1>, vector<16xf32>
          %mul3A_333 = arith.constant 16 : i32
          %mul3A_334 = arith.muli %scan3A_267, %mul3A_333 : i32
          %add3A_335 = arith.constant 1 : i32
          %add3A_336 = arith.addi %mul3A_334, %add3A_335 : i32
          %broadcast_in_dim3A_337 = arith.constant 0.000000e+00 : f32
          %broadcast_in_dim3A_338 = vector.broadcast %broadcast_in_dim3A_337 : f32 to vector<16xf32>
          %get3A_339 = arith.index_cast %add3A_336 : i32 to index
          %get3A_340 = arith.constant 0 : index
          %get3A_341 = tpu.vector_load %arg25[%get3A_339, %get3A_340] {strides = array<i32>} : memref<80x64xi32, #tpu.memory_space<vmem>>, vector<16xi32>,
          %bitcast3A_342 = vector.bitcast %get3A_341 : vector<16xi32> to vector<32xbf16>
          %get3A_343 = arith.index_cast %add3A_336 : i32 to index
          %get3A_344 = arith.constant 0 : index
          %get3A_345 = tpu.vector_load %arg26[%get3A_343, %get3A_344] {strides = array<i32>} : memref<80x64xi32, #tpu.memory_space<vmem>>, vector<16xi32>,
          %bitcast3A_346 = vector.bitcast %get3A_345 : vector<16xi32> to vector<32xbf16>
          %mul3A_347 = arith.mulf %bitcast3A_342, %bitcast3A_346 : vector<32xbf16>
          %unpack3A_348 = tpu.unpack_subelements %mul3A_347, 0 {pack_format = #tpu.pack_format<interleaved>} : vector<32xbf16> -> vector<16xf32>
          %unpack3A_349 = tpu.unpack_subelements %mul3A_347, 1 {pack_format = #tpu.pack_format<interleaved>} : vector<32xbf16> -> vector<16xf32>
          %add3A_350 = arith.addf %broadcast_in_dim3A_338, %unpack3A_348 : vector<16xf32>
          %add3A_351 = arith.addf %add3A_350, %unpack3A_349 : vector<16xf32>
          %get3A_352 = arith.index_cast %add3A_336 : i32 to index
          %get3A_353 = arith.constant 16 : index
          %get3A_354 = tpu.vector_load %arg25[%get3A_352, %get3A_353] {strides = array<i32>} : memref<80x64xi32, #tpu.memory_space<vmem>>, vector<16xi32>,
          %bitcast3A_355 = vector.bitcast %get3A_354 : vector<16xi32> to vector<32xbf16>
          %get3A_356 = arith.index_cast %add3A_336 : i32 to index
          %get3A_357 = arith.constant 16 : index
          %get3A_358 = tpu.vector_load %arg26[%get3A_356, %get3A_357] {strides = array<i32>} : memref<80x64xi32, #tpu.memory_space<vmem>>, vector<16xi32>,
          %bitcast3A_359 = vector.bitcast %get3A_358 : vector<16xi32> to vector<32xbf16>
          %mul3A_360 = arith.mulf %bitcast3A_355, %bitcast3A_359 : vector<32xbf16>
          %unpack3A_361 = tpu.unpack_subelements %mul3A_360, 0 {pack_format = #tpu.pack_format<interleaved>} : vector<32xbf16> -> vector<16xf32>
          %unpack3A_362 = tpu.unpack_subelements %mul3A_360, 1 {pack_format = #tpu.pack_format<interleaved>} : vector<32xbf16> -> vector<16xf32>
          %add3A_363 = arith.addf %add3A_351, %unpack3A_361 : vector<16xf32>
          %add3A_364 = arith.addf %add3A_363, %unpack3A_362 : vector<16xf32>
          %get3A_365 = arith.index_cast %add3A_336 : i32 to index
          %get3A_366 = arith.constant 32 : index
          %get3A_367 = tpu.vector_load %arg25[%get3A_365, %get3A_366] {strides = array<i32>} : memref<80x64xi32, #tpu.memory_space<vmem>>, vector<16xi32>,
          %bitcast3A_368 = vector.bitcast %get3A_367 : vector<16xi32> to vector<32xbf16>
          %get3A_369 = arith.index_cast %add3A_336 : i32 to index
          %get3A_370 = arith.constant 32 : index
          %get3A_371 = tpu.vector_load %arg26[%get3A_369, %get3A_370] {strides = array<i32>} : memref<80x64xi32, #tpu.memory_space<vmem>>, vector<16xi32>,
          %bitcast3A_372 = vector.bitcast %get3A_371 : vector<16xi32> to vector<32xbf16>
          %mul3A_373 = arith.mulf %bitcast3A_368, %bitcast3A_372 : vector<32xbf16>
          %unpack3A_374 = tpu.unpack_subelements %mul3A_373, 0 {pack_format = #tpu.pack_format<interleaved>} : vector<32xbf16> -> vector<16xf32>
          %unpack3A_375 = tpu.unpack_subelements %mul3A_373, 1 {pack_format = #tpu.pack_format<interleaved>} : vector<32xbf16> -> vector<16xf32>
          %add3A_376 = arith.addf %add3A_364, %unpack3A_374 : vector<16xf32>
          %add3A_377 = arith.addf %add3A_376, %unpack3A_375 : vector<16xf32>
          %get3A_378 = arith.index_cast %add3A_336 : i32 to index
          %get3A_379 = arith.constant 48 : index
          %get3A_380 = tpu.vector_load %arg25[%get3A_378, %get3A_379] {strides = array<i32>} : memref<80x64xi32, #tpu.memory_space<vmem>>, vector<16xi32>,
          %bitcast3A_381 = vector.bitcast %get3A_380 : vector<16xi32> to vector<32xbf16>
          %get3A_382 = arith.index_cast %add3A_336 : i32 to index
          %get3A_383 = arith.constant 48 : index
          %get3A_384 = tpu.vector_load %arg26[%get3A_382, %get3A_383] {strides = array<i32>} : memref<80x64xi32, #tpu.memory_space<vmem>>, vector<16xi32>,
          %bitcast3A_385 = vector.bitcast %get3A_384 : vector<16xi32> to vector<32xbf16>
          %mul3A_386 = arith.mulf %bitcast3A_381, %bitcast3A_385 : vector<32xbf16>
          %unpack3A_387 = tpu.unpack_subelements %mul3A_386, 0 {pack_format = #tpu.pack_format<interleaved>} : vector<32xbf16> -> vector<16xf32>
          %unpack3A_388 = tpu.unpack_subelements %mul3A_386, 1 {pack_format = #tpu.pack_format<interleaved>} : vector<32xbf16> -> vector<16xf32>
          %add3A_389 = arith.addf %add3A_377, %unpack3A_387 : vector<16xf32>
          %add3A_390 = arith.addf %add3A_389, %unpack3A_388 : vector<16xf32>
          %reduce_sum3A_391 = arith.constant true
          %reduce_sum3A_392 = vector.broadcast %reduce_sum3A_391 : i1 to vector<16xi1>
          %reduce_sum3A_393 = tpu.scan <sum>, %add3A_390 masked %reduce_sum3A_392 : vector<16xf32>, vector<16xi1> -> vector<16xf32>
          %reduce_sum3A_394 = vector.extract %reduce_sum3A_393[15] : f32 from vector<16xf32>
          %eq3A_395 = arith.constant 1 : i32
          %eq3A_396 = vector.broadcast %eq3A_395 : i32 to vector<16xi32>
          %eq3A_397 = arith.cmpi eq, %iota3A, %eq3A_396 : vector<16xi32>
          %broadcast_in_dim3A_398 = vector.broadcast %reduce_sum3A_394 : f32 to vector<16xf32>
          %select_n3A_399 = arith.select %eq3A_397, %broadcast_in_dim3A_398, %select_n3A : vector<16xi1>, vector<16xf32>
          %mul3A_400 = arith.constant 16 : i32
          %mul3A_401 = arith.muli %scan3A_267, %mul3A_400 : i32
          %add3A_402 = arith.constant 2 : i32
          %add3A_403 = arith.addi %mul3A_401, %add3A_402 : i32
          %broadcast_in_dim3A_404 = arith.constant 0.000000e+00 : f32
          %broadcast_in_dim3A_405 = vector.broadcast %broadcast_in_dim3A_404 : f32 to vector<16xf32>
          %get3A_406 = arith.index_cast %add3A_403 : i32 to index
          %get3A_407 = arith.constant 0 : index
          %get3A_408 = tpu.vector_load %arg25[%get3A_406, %get3A_407] {strides = array<i32>} : memref<80x64xi32, #tpu.memory_space<vmem>>, vector<16xi32>,
          %bitcast3A_409 = vector.bitcast %get3A_408 : vector<16xi32> to vector<32xbf16>
          %get3A_410 = arith.index_cast %add3A_403 : i32 to index
          %get3A_411 = arith.constant 0 : index
          %get3A_412 = tpu.vector_load %arg26[%get3A_410, %get3A_411] {strides = array<i32>} : memref<80x64xi32, #tpu.memory_space<vmem>>, vector<16xi32>,
          %bitcast3A_413 = vector.bitcast %get3A_412 : vector<16xi32> to vector<32xbf16>
          %mul3A_414 = arith.mulf %bitcast3A_409, %bitcast3A_413 : vector<32xbf16>
          %unpack3A_415 = tpu.unpack_subelements %mul3A_414, 0 {pack_format = #tpu.pack_format<interleaved>} : vector<32xbf16> -> vector<16xf32>
          %unpack3A_416 = tpu.unpack_subelements %mul3A_414, 1 {pack_format = #tpu.pack_format<interleaved>} : vector<32xbf16> -> vector<16xf32>
          %add3A_417 = arith.addf %broadcast_in_dim3A_405, %unpack3A_415 : vector<16xf32>
          %add3A_418 = arith.addf %add3A_417, %unpack3A_416 : vector<16xf32>
          %get3A_419 = arith.index_cast %add3A_403 : i32 to index
          %get3A_420 = arith.constant 16 : index
          %get3A_421 = tpu.vector_load %arg25[%get3A_419, %get3A_420] {strides = array<i32>} : memref<80x64xi32, #tpu.memory_space<vmem>>, vector<16xi32>,
          %bitcast3A_422 = vector.bitcast %get3A_421 : vector<16xi32> to vector<32xbf16>
          %get3A_423 = arith.index_cast %add3A_403 : i32 to index
          %get3A_424 = arith.constant 16 : index
          %get3A_425 = tpu.vector_load %arg26[%get3A_423, %get3A_424] {strides = array<i32>} : memref<80x64xi32, #tpu.memory_space<vmem>>, vector<16xi32>,
          %bitcast3A_426 = vector.bitcast %get3A_425 : vector<16xi32> to vector<32xbf16>
          %mul3A_427 = arith.mulf %bitcast3A_422, %bitcast3A_426 : vector<32xbf16>
          %unpack3A_428 = tpu.unpack_subelements %mul3A_427, 0 {pack_format = #tpu.pack_format<interleaved>} : vector<32xbf16> -> vector<16xf32>
          %unpack3A_429 = tpu.unpack_subelements %mul3A_427, 1 {pack_format = #tpu.pack_format<interleaved>} : vector<32xbf16> -> vector<16xf32>
          %add3A_430 = arith.addf %add3A_418, %unpack3A_428 : vector<16xf32>
          %add3A_431 = arith.addf %add3A_430, %unpack3A_429 : vector<16xf32>
          %get3A_432 = arith.index_cast %add3A_403 : i32 to index
          %get3A_433 = arith.constant 32 : index
          %get3A_434 = tpu.vector_load %arg25[%get3A_432, %get3A_433] {strides = array<i32>} : memref<80x64xi32, #tpu.memory_space<vmem>>, vector<16xi32>,
          %bitcast3A_435 = vector.bitcast %get3A_434 : vector<16xi32> to vector<32xbf16>
          %get3A_436 = arith.index_cast %add3A_403 : i32 to index
          %get3A_437 = arith.constant 32 : index
          %get3A_438 = tpu.vector_load %arg26[%get3A_436, %get3A_437] {strides = array<i32>} : memref<80x64xi32, #tpu.memory_space<vmem>>, vector<16xi32>,
          %bitcast3A_439 = vector.bitcast %get3A_438 : vector<16xi32> to vector<32xbf16>
          %mul3A_440 = arith.mulf %bitcast3A_435, %bitcast3A_439 : vector<32xbf16>
          %unpack3A_441 = tpu.unpack_subelements %mul3A_440, 0 {pack_format = #tpu.pack_format<interleaved>} : vector<32xbf16> -> vector<16xf32>
          %unpack3A_442 = tpu.unpack_subelements %mul3A_440, 1 {pack_format = #tpu.pack_format<interleaved>} : vector<32xbf16> -> vector<16xf32>
          %add3A_443 = arith.addf %add3A_431, %unpack3A_441 : vector<16xf32>
          %add3A_444 = arith.addf %add3A_443, %unpack3A_442 : vector<16xf32>
          %get3A_445 = arith.index_cast %add3A_403 : i32 to index
          %get3A_446 = arith.constant 48 : index
          %get3A_447 = tpu.vector_load %arg25[%get3A_445, %get3A_446] {strides = array<i32>} : memref<80x64xi32, #tpu.memory_space<vmem>>, vector<16xi32>,
          %bitcast3A_448 = vector.bitcast %get3A_447 : vector<16xi32> to vector<32xbf16>
          %get3A_449 = arith.index_cast %add3A_403 : i32 to index
          %get3A_450 = arith.constant 48 : index
          %get3A_451 = tpu.vector_load %arg26[%get3A_449, %get3A_450] {strides = array<i32>} : memref<80x64xi32, #tpu.memory_space<vmem>>, vector<16xi32>,
          %bitcast3A_452 = vector.bitcast %get3A_451 : vector<16xi32> to vector<32xbf16>
          %mul3A_453 = arith.mulf %bitcast3A_448, %bitcast3A_452 : vector<32xbf16>
          %unpack3A_454 = tpu.unpack_subelements %mul3A_453, 0 {pack_format = #tpu.pack_format<interleaved>} : vector<32xbf16> -> vector<16xf32>
          %unpack3A_455 = tpu.unpack_subelements %mul3A_453, 1 {pack_format = #tpu.pack_format<interleaved>} : vector<32xbf16> -> vector<16xf32>
          %add3A_456 = arith.addf %add3A_444, %unpack3A_454 : vector<16xf32>
          %add3A_457 = arith.addf %add3A_456, %unpack3A_455 : vector<16xf32>
          %reduce_sum3A_458 = arith.constant true
          %reduce_sum3A_459 = vector.broadcast %reduce_sum3A_458 : i1 to vector<16xi1>
          %reduce_sum3A_460 = tpu.scan <sum>, %add3A_457 masked %reduce_sum3A_459 : vector<16xf32>, vector<16xi1> -> vector<16xf32>
          %reduce_sum3A_461 = vector.extract %reduce_sum3A_460[15] : f32 from vector<16xf32>
          %eq3A_462 = arith.constant 2 : i32
          %eq3A_463 = vector.broadcast %eq3A_462 : i32 to vector<16xi32>
          %eq3A_464 = arith.cmpi eq, %iota3A, %eq3A_463 : vector<16xi32>
          %broadcast_in_dim3A_465 = vector.broadcast %reduce_sum3A_461 : f32 to vector<16xf32>
          %select_n3A_466 = arith.select %eq3A_464, %broadcast_in_dim3A_465, %select_n3A_399 : vector<16xi1>, vector<16xf32>
          %mul3A_467 = arith.constant 16 : i32
          %mul3A_468 = arith.muli %scan3A_267, %mul3A_467 : i32
          %add3A_469 = arith.constant 3 : i32
          %add3A_470 = arith.addi %mul3A_468, %add3A_469 : i32
          %broadcast_in_dim3A_471 = arith.constant 0.000000e+00 : f32
          %broadcast_in_dim3A_472 = vector.broadcast %broadcast_in_dim3A_471 : f32 to vector<16xf32>
          %get3A_473 = arith.index_cast %add3A_470 : i32 to index
          %get3A_474 = arith.constant 0 : index
          %get3A_475 = tpu.vector_load %arg25[%get3A_473, %get3A_474] {strides = array<i32>} : memref<80x64xi32, #tpu.memory_space<vmem>>, vector<16xi32>,
          %bitcast3A_476 = vector.bitcast %get3A_475 : vector<16xi32> to vector<32xbf16>
          %get3A_477 = arith.index_cast %add3A_470 : i32 to index
          %get3A_478 = arith.constant 0 : index
          %get3A_479 = tpu.vector_load %arg26[%get3A_477, %get3A_478] {strides = array<i32>} : memref<80x64xi32, #tpu.memory_space<vmem>>, vector<16xi32>,
          %bitcast3A_480 = vector.bitcast %get3A_479 : vector<16xi32> to vector<32xbf16>
          %mul3A_481 = arith.mulf %bitcast3A_476, %bitcast3A_480 : vector<32xbf16>
          %unpack3A_482 = tpu.unpack_subelements %mul3A_481, 0 {pack_format = #tpu.pack_format<interleaved>} : vector<32xbf16> -> vector<16xf32>
          %unpack3A_483 = tpu.unpack_subelements %mul3A_481, 1 {pack_format = #tpu.pack_format<interleaved>} : vector<32xbf16> -> vector<16xf32>
          %add3A_484 = arith.addf %broadcast_in_dim3A_472, %unpack3A_482 : vector<16xf32>
          %add3A_485 = arith.addf %add3A_484, %unpack3A_483 : vector<16xf32>
          %get3A_486 = arith.index_cast %add3A_470 : i32 to index
          %get3A_487 = arith.constant 16 : index
          %get3A_488 = tpu.vector_load %arg25[%get3A_486, %get3A_487] {strides = array<i32>} : memref<80x64xi32, #tpu.memory_space<vmem>>, vector<16xi32>,
          %bitcast3A_489 = vector.bitcast %get3A_488 : vector<16xi32> to vector<32xbf16>
          %get3A_490 = arith.index_cast %add3A_470 : i32 to index
          %get3A_491 = arith.constant 16 : index
          %get3A_492 = tpu.vector_load %arg26[%get3A_490, %get3A_491] {strides = array<i32>} : memref<80x64xi32, #tpu.memory_space<vmem>>, vector<16xi32>,
          %bitcast3A_493 = vector.bitcast %get3A_492 : vector<16xi32> to vector<32xbf16>
          %mul3A_494 = arith.mulf %bitcast3A_489, %bitcast3A_493 : vector<32xbf16>
          %unpack3A_495 = tpu.unpack_subelements %mul3A_494, 0 {pack_format = #tpu.pack_format<interleaved>} : vector<32xbf16> -> vector<16xf32>
          %unpack3A_496 = tpu.unpack_subelements %mul3A_494, 1 {pack_format = #tpu.pack_format<interleaved>} : vector<32xbf16> -> vector<16xf32>
          %add3A_497 = arith.addf %add3A_485, %unpack3A_495 : vector<16xf32>
          %add3A_498 = arith.addf %add3A_497, %unpack3A_496 : vector<16xf32>
          %get3A_499 = arith.index_cast %add3A_470 : i32 to index
          %get3A_500 = arith.constant 32 : index
          %get3A_501 = tpu.vector_load %arg25[%get3A_499, %get3A_500] {strides = array<i32>} : memref<80x64xi32, #tpu.memory_space<vmem>>, vector<16xi32>,
          %bitcast3A_502 = vector.bitcast %get3A_501 : vector<16xi32> to vector<32xbf16>
          %get3A_503 = arith.index_cast %add3A_470 : i32 to index
          %get3A_504 = arith.constant 32 : index
          %get3A_505 = tpu.vector_load %arg26[%get3A_503, %get3A_504] {strides = array<i32>} : memref<80x64xi32, #tpu.memory_space<vmem>>, vector<16xi32>,
          %bitcast3A_506 = vector.bitcast %get3A_505 : vector<16xi32> to vector<32xbf16>
          %mul3A_507 = arith.mulf %bitcast3A_502, %bitcast3A_506 : vector<32xbf16>
          %unpack3A_508 = tpu.unpack_subelements %mul3A_507, 0 {pack_format = #tpu.pack_format<interleaved>} : vector<32xbf16> -> vector<16xf32>
          %unpack3A_509 = tpu.unpack_subelements %mul3A_507, 1 {pack_format = #tpu.pack_format<interleaved>} : vector<32xbf16> -> vector<16xf32>
          %add3A_510 = arith.addf %add3A_498, %unpack3A_508 : vector<16xf32>
          %add3A_511 = arith.addf %add3A_510, %unpack3A_509 : vector<16xf32>
          %get3A_512 = arith.index_cast %add3A_470 : i32 to index
          %get3A_513 = arith.constant 48 : index
          %get3A_514 = tpu.vector_load %arg25[%get3A_512, %get3A_513] {strides = array<i32>} : memref<80x64xi32, #tpu.memory_space<vmem>>, vector<16xi32>,
          %bitcast3A_515 = vector.bitcast %get3A_514 : vector<16xi32> to vector<32xbf16>
          %get3A_516 = arith.index_cast %add3A_470 : i32 to index
          %get3A_517 = arith.constant 48 : index
          %get3A_518 = tpu.vector_load %arg26[%get3A_516, %get3A_517] {strides = array<i32>} : memref<80x64xi32, #tpu.memory_space<vmem>>, vector<16xi32>,
          %bitcast3A_519 = vector.bitcast %get3A_518 : vector<16xi32> to vector<32xbf16>
          %mul3A_520 = arith.mulf %bitcast3A_515, %bitcast3A_519 : vector<32xbf16>
          %unpack3A_521 = tpu.unpack_subelements %mul3A_520, 0 {pack_format = #tpu.pack_format<interleaved>} : vector<32xbf16> -> vector<16xf32>
          %unpack3A_522 = tpu.unpack_subelements %mul3A_520, 1 {pack_format = #tpu.pack_format<interleaved>} : vector<32xbf16> -> vector<16xf32>
          %add3A_523 = arith.addf %add3A_511, %unpack3A_521 : vector<16xf32>
          %add3A_524 = arith.addf %add3A_523, %unpack3A_522 : vector<16xf32>
          %reduce_sum3A_525 = arith.constant true
          %reduce_sum3A_526 = vector.broadcast %reduce_sum3A_525 : i1 to vector<16xi1>
          %reduce_sum3A_527 = tpu.scan <sum>, %add3A_524 masked %reduce_sum3A_526 : vector<16xf32>, vector<16xi1> -> vector<16xf32>
          %reduce_sum3A_528 = vector.extract %reduce_sum3A_527[15] : f32 from vector<16xf32>
          %eq3A_529 = arith.constant 3 : i32
          %eq3A_530 = vector.broadcast %eq3A_529 : i32 to vector<16xi32>
          %eq3A_531 = arith.cmpi eq, %iota3A, %eq3A_530 : vector<16xi32>
          %broadcast_in_dim3A_532 = vector.broadcast %reduce_sum3A_528 : f32 to vector<16xf32>
          %select_n3A_533 = arith.select %eq3A_531, %broadcast_in_dim3A_532, %select_n3A_466 : vector<16xi1>, vector<16xf32>
          %mul3A_534 = arith.constant 16 : i32
          %mul3A_535 = arith.muli %scan3A_267, %mul3A_534 : i32
          %add3A_536 = arith.constant 4 : i32
          %add3A_537 = arith.addi %mul3A_535, %add3A_536 : i32
          %broadcast_in_dim3A_538 = arith.constant 0.000000e+00 : f32
          %broadcast_in_dim3A_539 = vector.broadcast %broadcast_in_dim3A_538 : f32 to vector<16xf32>
          %get3A_540 = arith.index_cast %add3A_537 : i32 to index
          %get3A_541 = arith.constant 0 : index
          %get3A_542 = tpu.vector_load %arg25[%get3A_540, %get3A_541] {strides = array<i32>} : memref<80x64xi32, #tpu.memory_space<vmem>>, vector<16xi32>,
          %bitcast3A_543 = vector.bitcast %get3A_542 : vector<16xi32> to vector<32xbf16>
          %get3A_544 = arith.index_cast %add3A_537 : i32 to index
          %get3A_545 = arith.constant 0 : index
          %get3A_546 = tpu.vector_load %arg26[%get3A_544, %get3A_545] {strides = array<i32>} : memref<80x64xi32, #tpu.memory_space<vmem>>, vector<16xi32>,
          %bitcast3A_547 = vector.bitcast %get3A_546 : vector<16xi32> to vector<32xbf16>
          %mul3A_548 = arith.mulf %bitcast3A_543, %bitcast3A_547 : vector<32xbf16>
          %unpack3A_549 = tpu.unpack_subelements %mul3A_548, 0 {pack_format = #tpu.pack_format<interleaved>} : vector<32xbf16> -> vector<16xf32>
          %unpack3A_550 = tpu.unpack_subelements %mul3A_548, 1 {pack_format = #tpu.pack_format<interleaved>} : vector<32xbf16> -> vector<16xf32>
          %add3A_551 = arith.addf %broadcast_in_dim3A_539, %unpack3A_549 : vector<16xf32>
          %add3A_552 = arith.addf %add3A_551, %unpack3A_550 : vector<16xf32>
          %get3A_553 = arith.index_cast %add3A_537 : i32 to index
          %get3A_554 = arith.constant 16 : index
          %get3A_555 = tpu.vector_load %arg25[%get3A_553, %get3A_554] {strides = array<i32>} : memref<80x64xi32, #tpu.memory_space<vmem>>, vector<16xi32>,
          %bitcast3A_556 = vector.bitcast %get3A_555 : vector<16xi32> to vector<32xbf16>
          %get3A_557 = arith.index_cast %add3A_537 : i32 to index
          %get3A_558 = arith.constant 16 : index
          %get3A_559 = tpu.vector_load %arg26[%get3A_557, %get3A_558] {strides = array<i32>} : memref<80x64xi32, #tpu.memory_space<vmem>>, vector<16xi32>,
          %bitcast3A_560 = vector.bitcast %get3A_559 : vector<16xi32> to vector<32xbf16>
          %mul3A_561 = arith.mulf %bitcast3A_556, %bitcast3A_560 : vector<32xbf16>
          %unpack3A_562 = tpu.unpack_subelements %mul3A_561, 0 {pack_format = #tpu.pack_format<interleaved>} : vector<32xbf16> -> vector<16xf32>
          %unpack3A_563 = tpu.unpack_subelements %mul3A_561, 1 {pack_format = #tpu.pack_format<interleaved>} : vector<32xbf16> -> vector<16xf32>
          %add3A_564 = arith.addf %add3A_552, %unpack3A_562 : vector<16xf32>
          %add3A_565 = arith.addf %add3A_564, %unpack3A_563 : vector<16xf32>
          %get3A_566 = arith.index_cast %add3A_537 : i32 to index
          %get3A_567 = arith.constant 32 : index
          %get3A_568 = tpu.vector_load %arg25[%get3A_566, %get3A_567] {strides = array<i32>} : memref<80x64xi32, #tpu.memory_space<vmem>>, vector<16xi32>,
          %bitcast3A_569 = vector.bitcast %get3A_568 : vector<16xi32> to vector<32xbf16>
          %get3A_570 = arith.index_cast %add3A_537 : i32 to index
          %get3A_571 = arith.constant 32 : index
          %get3A_572 = tpu.vector_load %arg26[%get3A_570, %get3A_571] {strides = array<i32>} : memref<80x64xi32, #tpu.memory_space<vmem>>, vector<16xi32>,
          %bitcast3A_573 = vector.bitcast %get3A_572 : vector<16xi32> to vector<32xbf16>
          %mul3A_574 = arith.mulf %bitcast3A_569, %bitcast3A_573 : vector<32xbf16>
          %unpack3A_575 = tpu.unpack_subelements %mul3A_574, 0 {pack_format = #tpu.pack_format<interleaved>} : vector<32xbf16> -> vector<16xf32>
          %unpack3A_576 = tpu.unpack_subelements %mul3A_574, 1 {pack_format = #tpu.pack_format<interleaved>} : vector<32xbf16> -> vector<16xf32>
          %add3A_577 = arith.addf %add3A_565, %unpack3A_575 : vector<16xf32>
          %add3A_578 = arith.addf %add3A_577, %unpack3A_576 : vector<16xf32>
          %get3A_579 = arith.index_cast %add3A_537 : i32 to index
          %get3A_580 = arith.constant 48 : index
          %get3A_581 = tpu.vector_load %arg25[%get3A_579, %get3A_580] {strides = array<i32>} : memref<80x64xi32, #tpu.memory_space<vmem>>, vector<16xi32>,
          %bitcast3A_582 = vector.bitcast %get3A_581 : vector<16xi32> to vector<32xbf16>
          %get3A_583 = arith.index_cast %add3A_537 : i32 to index
          %get3A_584 = arith.constant 48 : index
          %get3A_585 = tpu.vector_load %arg26[%get3A_583, %get3A_584] {strides = array<i32>} : memref<80x64xi32, #tpu.memory_space<vmem>>, vector<16xi32>,
          %bitcast3A_586 = vector.bitcast %get3A_585 : vector<16xi32> to vector<32xbf16>
          %mul3A_587 = arith.mulf %bitcast3A_582, %bitcast3A_586 : vector<32xbf16>
          %unpack3A_588 = tpu.unpack_subelements %mul3A_587, 0 {pack_format = #tpu.pack_format<interleaved>} : vector<32xbf16> -> vector<16xf32>
          %unpack3A_589 = tpu.unpack_subelements %mul3A_587, 1 {pack_format = #tpu.pack_format<interleaved>} : vector<32xbf16> -> vector<16xf32>
          %add3A_590 = arith.addf %add3A_578, %unpack3A_588 : vector<16xf32>
          %add3A_591 = arith.addf %add3A_590, %unpack3A_589 : vector<16xf32>
          %reduce_sum3A_592 = arith.constant true
          %reduce_sum3A_593 = vector.broadcast %reduce_sum3A_592 : i1 to vector<16xi1>
          %reduce_sum3A_594 = tpu.scan <sum>, %add3A_591 masked %reduce_sum3A_593 : vector<16xf32>, vector<16xi1> -> vector<16xf32>
          %reduce_sum3A_595 = vector.extract %reduce_sum3A_594[15] : f32 from vector<16xf32>
          %eq3A_596 = arith.constant 4 : i32
          %eq3A_597 = vector.broadcast %eq3A_596 : i32 to vector<16xi32>
          %eq3A_598 = arith.cmpi eq, %iota3A, %eq3A_597 : vector<16xi32>
          %broadcast_in_dim3A_599 = vector.broadcast %reduce_sum3A_595 : f32 to vector<16xf32>
          %select_n3A_600 = arith.select %eq3A_598, %broadcast_in_dim3A_599, %select_n3A_533 : vector<16xi1>, vector<16xf32>
          %mul3A_601 = arith.constant 16 : i32
          %mul3A_602 = arith.muli %scan3A_267, %mul3A_601 : i32
          %add3A_603 = arith.constant 5 : i32
          %add3A_604 = arith.addi %mul3A_602, %add3A_603 : i32
          %broadcast_in_dim3A_605 = arith.constant 0.000000e+00 : f32
          %broadcast_in_dim3A_606 = vector.broadcast %broadcast_in_dim3A_605 : f32 to vector<16xf32>
          %get3A_607 = arith.index_cast %add3A_604 : i32 to index
          %get3A_608 = arith.constant 0 : index
          %get3A_609 = tpu.vector_load %arg25[%get3A_607, %get3A_608] {strides = array<i32>} : memref<80x64xi32, #tpu.memory_space<vmem>>, vector<16xi32>,
          %bitcast3A_610 = vector.bitcast %get3A_609 : vector<16xi32> to vector<32xbf16>
          %get3A_611 = arith.index_cast %add3A_604 : i32 to index
          %get3A_612 = arith.constant 0 : index
          %get3A_613 = tpu.vector_load %arg26[%get3A_611, %get3A_612] {strides = array<i32>} : memref<80x64xi32, #tpu.memory_space<vmem>>, vector<16xi32>,
          %bitcast3A_614 = vector.bitcast %get3A_613 : vector<16xi32> to vector<32xbf16>
          %mul3A_615 = arith.mulf %bitcast3A_610, %bitcast3A_614 : vector<32xbf16>
          %unpack3A_616 = tpu.unpack_subelements %mul3A_615, 0 {pack_format = #tpu.pack_format<interleaved>} : vector<32xbf16> -> vector<16xf32>
          %unpack3A_617 = tpu.unpack_subelements %mul3A_615, 1 {pack_format = #tpu.pack_format<interleaved>} : vector<32xbf16> -> vector<16xf32>
          %add3A_618 = arith.addf %broadcast_in_dim3A_606, %unpack3A_616 : vector<16xf32>
          %add3A_619 = arith.addf %add3A_618, %unpack3A_617 : vector<16xf32>
          %get3A_620 = arith.index_cast %add3A_604 : i32 to index
          %get3A_621 = arith.constant 16 : index
          %get3A_622 = tpu.vector_load %arg25[%get3A_620, %get3A_621] {strides = array<i32>} : memref<80x64xi32, #tpu.memory_space<vmem>>, vector<16xi32>,
          %bitcast3A_623 = vector.bitcast %get3A_622 : vector<16xi32> to vector<32xbf16>
          %get3A_624 = arith.index_cast %add3A_604 : i32 to index
          %get3A_625 = arith.constant 16 : index
          %get3A_626 = tpu.vector_load %arg26[%get3A_624, %get3A_625] {strides = array<i32>} : memref<80x64xi32, #tpu.memory_space<vmem>>, vector<16xi32>,
          %bitcast3A_627 = vector.bitcast %get3A_626 : vector<16xi32> to vector<32xbf16>
          %mul3A_628 = arith.mulf %bitcast3A_623, %bitcast3A_627 : vector<32xbf16>
          %unpack3A_629 = tpu.unpack_subelements %mul3A_628, 0 {pack_format = #tpu.pack_format<interleaved>} : vector<32xbf16> -> vector<16xf32>
          %unpack3A_630 = tpu.unpack_subelements %mul3A_628, 1 {pack_format = #tpu.pack_format<interleaved>} : vector<32xbf16> -> vector<16xf32>
          %add3A_631 = arith.addf %add3A_619, %unpack3A_629 : vector<16xf32>
          %add3A_632 = arith.addf %add3A_631, %unpack3A_630 : vector<16xf32>
          %get3A_633 = arith.index_cast %add3A_604 : i32 to index
          %get3A_634 = arith.constant 32 : index
          %get3A_635 = tpu.vector_load %arg25[%get3A_633, %get3A_634] {strides = array<i32>} : memref<80x64xi32, #tpu.memory_space<vmem>>, vector<16xi32>,
          %bitcast3A_636 = vector.bitcast %get3A_635 : vector<16xi32> to vector<32xbf16>
          %get3A_637 = arith.index_cast %add3A_604 : i32 to index
          %get3A_638 = arith.constant 32 : index
          %get3A_639 = tpu.vector_load %arg26[%get3A_637, %get3A_638] {strides = array<i32>} : memref<80x64xi32, #tpu.memory_space<vmem>>, vector<16xi32>,
          %bitcast3A_640 = vector.bitcast %get3A_639 : vector<16xi32> to vector<32xbf16>
          %mul3A_641 = arith.mulf %bitcast3A_636, %bitcast3A_640 : vector<32xbf16>
          %unpack3A_642 = tpu.unpack_subelements %mul3A_641, 0 {pack_format = #tpu.pack_format<interleaved>} : vector<32xbf16> -> vector<16xf32>
          %unpack3A_643 = tpu.unpack_subelements %mul3A_641, 1 {pack_format = #tpu.pack_format<interleaved>} : vector<32xbf16> -> vector<16xf32>
          %add3A_644 = arith.addf %add3A_632, %unpack3A_642 : vector<16xf32>
          %add3A_645 = arith.addf %add3A_644, %unpack3A_643 : vector<16xf32>
          %get3A_646 = arith.index_cast %add3A_604 : i32 to index
          %get3A_647 = arith.constant 48 : index
          %get3A_648 = tpu.vector_load %arg25[%get3A_646, %get3A_647] {strides = array<i32>} : memref<80x64xi32, #tpu.memory_space<vmem>>, vector<16xi32>,
          %bitcast3A_649 = vector.bitcast %get3A_648 : vector<16xi32> to vector<32xbf16>
          %get3A_650 = arith.index_cast %add3A_604 : i32 to index
          %get3A_651 = arith.constant 48 : index
          %get3A_652 = tpu.vector_load %arg26[%get3A_650, %get3A_651] {strides = array<i32>} : memref<80x64xi32, #tpu.memory_space<vmem>>, vector<16xi32>,
          %bitcast3A_653 = vector.bitcast %get3A_652 : vector<16xi32> to vector<32xbf16>
          %mul3A_654 = arith.mulf %bitcast3A_649, %bitcast3A_653 : vector<32xbf16>
          %unpack3A_655 = tpu.unpack_subelements %mul3A_654, 0 {pack_format = #tpu.pack_format<interleaved>} : vector<32xbf16> -> vector<16xf32>
          %unpack3A_656 = tpu.unpack_subelements %mul3A_654, 1 {pack_format = #tpu.pack_format<interleaved>} : vector<32xbf16> -> vector<16xf32>
          %add3A_657 = arith.addf %add3A_645, %unpack3A_655 : vector<16xf32>
          %add3A_658 = arith.addf %add3A_657, %unpack3A_656 : vector<16xf32>
          %reduce_sum3A_659 = arith.constant true
          %reduce_sum3A_660 = vector.broadcast %reduce_sum3A_659 : i1 to vector<16xi1>
          %reduce_sum3A_661 = tpu.scan <sum>, %add3A_658 masked %reduce_sum3A_660 : vector<16xf32>, vector<16xi1> -> vector<16xf32>
          %reduce_sum3A_662 = vector.extract %reduce_sum3A_661[15] : f32 from vector<16xf32>
          %eq3A_663 = arith.constant 5 : i32
          %eq3A_664 = vector.broadcast %eq3A_663 : i32 to vector<16xi32>
          %eq3A_665 = arith.cmpi eq, %iota3A, %eq3A_664 : vector<16xi32>
          %broadcast_in_dim3A_666 = vector.broadcast %reduce_sum3A_662 : f32 to vector<16xf32>
          %select_n3A_667 = arith.select %eq3A_665, %broadcast_in_dim3A_666, %select_n3A_600 : vector<16xi1>, vector<16xf32>
          %mul3A_668 = arith.constant 16 : i32
          %mul3A_669 = arith.muli %scan3A_267, %mul3A_668 : i32
          %add3A_670 = arith.constant 6 : i32
          %add3A_671 = arith.addi %mul3A_669, %add3A_670 : i32
          %broadcast_in_dim3A_672 = arith.constant 0.000000e+00 : f32
          %broadcast_in_dim3A_673 = vector.broadcast %broadcast_in_dim3A_672 : f32 to vector<16xf32>
          %get3A_674 = arith.index_cast %add3A_671 : i32 to index
          %get3A_675 = arith.constant 0 : index
          %get3A_676 = tpu.vector_load %arg25[%get3A_674, %get3A_675] {strides = array<i32>} : memref<80x64xi32, #tpu.memory_space<vmem>>, vector<16xi32>,
          %bitcast3A_677 = vector.bitcast %get3A_676 : vector<16xi32> to vector<32xbf16>
          %get3A_678 = arith.index_cast %add3A_671 : i32 to index
          %get3A_679 = arith.constant 0 : index
          %get3A_680 = tpu.vector_load %arg26[%get3A_678, %get3A_679] {strides = array<i32>} : memref<80x64xi32, #tpu.memory_space<vmem>>, vector<16xi32>,
          %bitcast3A_681 = vector.bitcast %get3A_680 : vector<16xi32> to vector<32xbf16>
          %mul3A_682 = arith.mulf %bitcast3A_677, %bitcast3A_681 : vector<32xbf16>
          %unpack3A_683 = tpu.unpack_subelements %mul3A_682, 0 {pack_format = #tpu.pack_format<interleaved>} : vector<32xbf16> -> vector<16xf32>
          %unpack3A_684 = tpu.unpack_subelements %mul3A_682, 1 {pack_format = #tpu.pack_format<interleaved>} : vector<32xbf16> -> vector<16xf32>
          %add3A_685 = arith.addf %broadcast_in_dim3A_673, %unpack3A_683 : vector<16xf32>
          %add3A_686 = arith.addf %add3A_685, %unpack3A_684 : vector<16xf32>
          %get3A_687 = arith.index_cast %add3A_671 : i32 to index
          %get3A_688 = arith.constant 16 : index
          %get3A_689 = tpu.vector_load %arg25[%get3A_687, %get3A_688] {strides = array<i32>} : memref<80x64xi32, #tpu.memory_space<vmem>>, vector<16xi32>,
          %bitcast3A_690 = vector.bitcast %get3A_689 : vector<16xi32> to vector<32xbf16>
          %get3A_691 = arith.index_cast %add3A_671 : i32 to index
          %get3A_692 = arith.constant 16 : index
          %get3A_693 = tpu.vector_load %arg26[%get3A_691, %get3A_692] {strides = array<i32>} : memref<80x64xi32, #tpu.memory_space<vmem>>, vector<16xi32>,
          %bitcast3A_694 = vector.bitcast %get3A_693 : vector<16xi32> to vector<32xbf16>
          %mul3A_695 = arith.mulf %bitcast3A_690, %bitcast3A_694 : vector<32xbf16>
          %unpack3A_696 = tpu.unpack_subelements %mul3A_695, 0 {pack_format = #tpu.pack_format<interleaved>} : vector<32xbf16> -> vector<16xf32>
          %unpack3A_697 = tpu.unpack_subelements %mul3A_695, 1 {pack_format = #tpu.pack_format<interleaved>} : vector<32xbf16> -> vector<16xf32>
          %add3A_698 = arith.addf %add3A_686, %unpack3A_696 : vector<16xf32>
          %add3A_699 = arith.addf %add3A_698, %unpack3A_697 : vector<16xf32>
          %get3A_700 = arith.index_cast %add3A_671 : i32 to index
          %get3A_701 = arith.constant 32 : index
          %get3A_702 = tpu.vector_load %arg25[%get3A_700, %get3A_701] {strides = array<i32>} : memref<80x64xi32, #tpu.memory_space<vmem>>, vector<16xi32>,
          %bitcast3A_703 = vector.bitcast %get3A_702 : vector<16xi32> to vector<32xbf16>
          %get3A_704 = arith.index_cast %add3A_671 : i32 to index
          %get3A_705 = arith.constant 32 : index
          %get3A_706 = tpu.vector_load %arg26[%get3A_704, %get3A_705] {strides = array<i32>} : memref<80x64xi32, #tpu.memory_space<vmem>>, vector<16xi32>,
          %bitcast3A_707 = vector.bitcast %get3A_706 : vector<16xi32> to vector<32xbf16>
          %mul3A_708 = arith.mulf %bitcast3A_703, %bitcast3A_707 : vector<32xbf16>
          %unpack3A_709 = tpu.unpack_subelements %mul3A_708, 0 {pack_format = #tpu.pack_format<interleaved>} : vector<32xbf16> -> vector<16xf32>
          %unpack3A_710 = tpu.unpack_subelements %mul3A_708, 1 {pack_format = #tpu.pack_format<interleaved>} : vector<32xbf16> -> vector<16xf32>
          %add3A_711 = arith.addf %add3A_699, %unpack3A_709 : vector<16xf32>
          %add3A_712 = arith.addf %add3A_711, %unpack3A_710 : vector<16xf32>
          %get3A_713 = arith.index_cast %add3A_671 : i32 to index
          %get3A_714 = arith.constant 48 : index
          %get3A_715 = tpu.vector_load %arg25[%get3A_713, %get3A_714] {strides = array<i32>} : memref<80x64xi32, #tpu.memory_space<vmem>>, vector<16xi32>,
          %bitcast3A_716 = vector.bitcast %get3A_715 : vector<16xi32> to vector<32xbf16>
          %get3A_717 = arith.index_cast %add3A_671 : i32 to index
          %get3A_718 = arith.constant 48 : index
          %get3A_719 = tpu.vector_load %arg26[%get3A_717, %get3A_718] {strides = array<i32>} : memref<80x64xi32, #tpu.memory_space<vmem>>, vector<16xi32>,
          %bitcast3A_720 = vector.bitcast %get3A_719 : vector<16xi32> to vector<32xbf16>
          %mul3A_721 = arith.mulf %bitcast3A_716, %bitcast3A_720 : vector<32xbf16>
          %unpack3A_722 = tpu.unpack_subelements %mul3A_721, 0 {pack_format = #tpu.pack_format<interleaved>} : vector<32xbf16> -> vector<16xf32>
          %unpack3A_723 = tpu.unpack_subelements %mul3A_721, 1 {pack_format = #tpu.pack_format<interleaved>} : vector<32xbf16> -> vector<16xf32>
          %add3A_724 = arith.addf %add3A_712, %unpack3A_722 : vector<16xf32>
          %add3A_725 = arith.addf %add3A_724, %unpack3A_723 : vector<16xf32>
          %reduce_sum3A_726 = arith.constant true
          %reduce_sum3A_727 = vector.broadcast %reduce_sum3A_726 : i1 to vector<16xi1>
          %reduce_sum3A_728 = tpu.scan <sum>, %add3A_725 masked %reduce_sum3A_727 : vector<16xf32>, vector<16xi1> -> vector<16xf32>
          %reduce_sum3A_729 = vector.extract %reduce_sum3A_728[15] : f32 from vector<16xf32>
          %eq3A_730 = arith.constant 6 : i32
          %eq3A_731 = vector.broadcast %eq3A_730 : i32 to vector<16xi32>
          %eq3A_732 = arith.cmpi eq, %iota3A, %eq3A_731 : vector<16xi32>
          %broadcast_in_dim3A_733 = vector.broadcast %reduce_sum3A_729 : f32 to vector<16xf32>
          %select_n3A_734 = arith.select %eq3A_732, %broadcast_in_dim3A_733, %select_n3A_667 : vector<16xi1>, vector<16xf32>
          %mul3A_735 = arith.constant 16 : i32
          %mul3A_736 = arith.muli %scan3A_267, %mul3A_735 : i32
          %add3A_737 = arith.constant 7 : i32
          %add3A_738 = arith.addi %mul3A_736, %add3A_737 : i32
          %broadcast_in_dim3A_739 = arith.constant 0.000000e+00 : f32
          %broadcast_in_dim3A_740 = vector.broadcast %broadcast_in_dim3A_739 : f32 to vector<16xf32>
          %get3A_741 = arith.index_cast %add3A_738 : i32 to index
          %get3A_742 = arith.constant 0 : index
          %get3A_743 = tpu.vector_load %arg25[%get3A_741, %get3A_742] {strides = array<i32>} : memref<80x64xi32, #tpu.memory_space<vmem>>, vector<16xi32>,
          %bitcast3A_744 = vector.bitcast %get3A_743 : vector<16xi32> to vector<32xbf16>
          %get3A_745 = arith.index_cast %add3A_738 : i32 to index
          %get3A_746 = arith.constant 0 : index
          %get3A_747 = tpu.vector_load %arg26[%get3A_745, %get3A_746] {strides = array<i32>} : memref<80x64xi32, #tpu.memory_space<vmem>>, vector<16xi32>,
          %bitcast3A_748 = vector.bitcast %get3A_747 : vector<16xi32> to vector<32xbf16>
          %mul3A_749 = arith.mulf %bitcast3A_744, %bitcast3A_748 : vector<32xbf16>
          %unpack3A_750 = tpu.unpack_subelements %mul3A_749, 0 {pack_format = #tpu.pack_format<interleaved>} : vector<32xbf16> -> vector<16xf32>
          %unpack3A_751 = tpu.unpack_subelements %mul3A_749, 1 {pack_format = #tpu.pack_format<interleaved>} : vector<32xbf16> -> vector<16xf32>
          %add3A_752 = arith.addf %broadcast_in_dim3A_740, %unpack3A_750 : vector<16xf32>
          %add3A_753 = arith.addf %add3A_752, %unpack3A_751 : vector<16xf32>
          %get3A_754 = arith.index_cast %add3A_738 : i32 to index
          %get3A_755 = arith.constant 16 : index
          %get3A_756 = tpu.vector_load %arg25[%get3A_754, %get3A_755] {strides = array<i32>} : memref<80x64xi32, #tpu.memory_space<vmem>>, vector<16xi32>,
          %bitcast3A_757 = vector.bitcast %get3A_756 : vector<16xi32> to vector<32xbf16>
          %get3A_758 = arith.index_cast %add3A_738 : i32 to index
          %get3A_759 = arith.constant 16 : index
          %get3A_760 = tpu.vector_load %arg26[%get3A_758, %get3A_759] {strides = array<i32>} : memref<80x64xi32, #tpu.memory_space<vmem>>, vector<16xi32>,
          %bitcast3A_761 = vector.bitcast %get3A_760 : vector<16xi32> to vector<32xbf16>
          %mul3A_762 = arith.mulf %bitcast3A_757, %bitcast3A_761 : vector<32xbf16>
          %unpack3A_763 = tpu.unpack_subelements %mul3A_762, 0 {pack_format = #tpu.pack_format<interleaved>} : vector<32xbf16> -> vector<16xf32>
          %unpack3A_764 = tpu.unpack_subelements %mul3A_762, 1 {pack_format = #tpu.pack_format<interleaved>} : vector<32xbf16> -> vector<16xf32>
          %add3A_765 = arith.addf %add3A_753, %unpack3A_763 : vector<16xf32>
          %add3A_766 = arith.addf %add3A_765, %unpack3A_764 : vector<16xf32>
          %get3A_767 = arith.index_cast %add3A_738 : i32 to index
          %get3A_768 = arith.constant 32 : index
          %get3A_769 = tpu.vector_load %arg25[%get3A_767, %get3A_768] {strides = array<i32>} : memref<80x64xi32, #tpu.memory_space<vmem>>, vector<16xi32>,
          %bitcast3A_770 = vector.bitcast %get3A_769 : vector<16xi32> to vector<32xbf16>
          %get3A_771 = arith.index_cast %add3A_738 : i32 to index
          %get3A_772 = arith.constant 32 : index
          %get3A_773 = tpu.vector_load %arg26[%get3A_771, %get3A_772] {strides = array<i32>} : memref<80x64xi32, #tpu.memory_space<vmem>>, vector<16xi32>,
          %bitcast3A_774 = vector.bitcast %get3A_773 : vector<16xi32> to vector<32xbf16>
          %mul3A_775 = arith.mulf %bitcast3A_770, %bitcast3A_774 : vector<32xbf16>
          %unpack3A_776 = tpu.unpack_subelements %mul3A_775, 0 {pack_format = #tpu.pack_format<interleaved>} : vector<32xbf16> -> vector<16xf32>
          %unpack3A_777 = tpu.unpack_subelements %mul3A_775, 1 {pack_format = #tpu.pack_format<interleaved>} : vector<32xbf16> -> vector<16xf32>
          %add3A_778 = arith.addf %add3A_766, %unpack3A_776 : vector<16xf32>
          %add3A_779 = arith.addf %add3A_778, %unpack3A_777 : vector<16xf32>
          %get3A_780 = arith.index_cast %add3A_738 : i32 to index
          %get3A_781 = arith.constant 48 : index
          %get3A_782 = tpu.vector_load %arg25[%get3A_780, %get3A_781] {strides = array<i32>} : memref<80x64xi32, #tpu.memory_space<vmem>>, vector<16xi32>,
          %bitcast3A_783 = vector.bitcast %get3A_782 : vector<16xi32> to vector<32xbf16>
          %get3A_784 = arith.index_cast %add3A_738 : i32 to index
          %get3A_785 = arith.constant 48 : index
          %get3A_786 = tpu.vector_load %arg26[%get3A_784, %get3A_785] {strides = array<i32>} : memref<80x64xi32, #tpu.memory_space<vmem>>, vector<16xi32>,
          %bitcast3A_787 = vector.bitcast %get3A_786 : vector<16xi32> to vector<32xbf16>
          %mul3A_788 = arith.mulf %bitcast3A_783, %bitcast3A_787 : vector<32xbf16>
          %unpack3A_789 = tpu.unpack_subelements %mul3A_788, 0 {pack_format = #tpu.pack_format<interleaved>} : vector<32xbf16> -> vector<16xf32>
          %unpack3A_790 = tpu.unpack_subelements %mul3A_788, 1 {pack_format = #tpu.pack_format<interleaved>} : vector<32xbf16> -> vector<16xf32>
          %add3A_791 = arith.addf %add3A_779, %unpack3A_789 : vector<16xf32>
          %add3A_792 = arith.addf %add3A_791, %unpack3A_790 : vector<16xf32>
          %reduce_sum3A_793 = arith.constant true
          %reduce_sum3A_794 = vector.broadcast %reduce_sum3A_793 : i1 to vector<16xi1>
          %reduce_sum3A_795 = tpu.scan <sum>, %add3A_792 masked %reduce_sum3A_794 : vector<16xf32>, vector<16xi1> -> vector<16xf32>
          %reduce_sum3A_796 = vector.extract %reduce_sum3A_795[15] : f32 from vector<16xf32>
          %eq3A_797 = arith.constant 7 : i32
          %eq3A_798 = vector.broadcast %eq3A_797 : i32 to vector<16xi32>
          %eq3A_799 = arith.cmpi eq, %iota3A, %eq3A_798 : vector<16xi32>
          %broadcast_in_dim3A_800 = vector.broadcast %reduce_sum3A_796 : f32 to vector<16xf32>
          %select_n3A_801 = arith.select %eq3A_799, %broadcast_in_dim3A_800, %select_n3A_734 : vector<16xi1>, vector<16xf32>
          %mul3A_802 = arith.constant 16 : i32
          %mul3A_803 = arith.muli %scan3A_267, %mul3A_802 : i32
          %add3A_804 = arith.constant 8 : i32
          %add3A_805 = arith.addi %mul3A_803, %add3A_804 : i32
          %broadcast_in_dim3A_806 = arith.constant 0.000000e+00 : f32
          %broadcast_in_dim3A_807 = vector.broadcast %broadcast_in_dim3A_806 : f32 to vector<16xf32>
          %get3A_808 = arith.index_cast %add3A_805 : i32 to index
          %get3A_809 = arith.constant 0 : index
          %get3A_810 = tpu.vector_load %arg25[%get3A_808, %get3A_809] {strides = array<i32>} : memref<80x64xi32, #tpu.memory_space<vmem>>, vector<16xi32>,
          %bitcast3A_811 = vector.bitcast %get3A_810 : vector<16xi32> to vector<32xbf16>
          %get3A_812 = arith.index_cast %add3A_805 : i32 to index
          %get3A_813 = arith.constant 0 : index
          %get3A_814 = tpu.vector_load %arg26[%get3A_812, %get3A_813] {strides = array<i32>} : memref<80x64xi32, #tpu.memory_space<vmem>>, vector<16xi32>,
          %bitcast3A_815 = vector.bitcast %get3A_814 : vector<16xi32> to vector<32xbf16>
          %mul3A_816 = arith.mulf %bitcast3A_811, %bitcast3A_815 : vector<32xbf16>
          %unpack3A_817 = tpu.unpack_subelements %mul3A_816, 0 {pack_format = #tpu.pack_format<interleaved>} : vector<32xbf16> -> vector<16xf32>
          %unpack3A_818 = tpu.unpack_subelements %mul3A_816, 1 {pack_format = #tpu.pack_format<interleaved>} : vector<32xbf16> -> vector<16xf32>
          %add3A_819 = arith.addf %broadcast_in_dim3A_807, %unpack3A_817 : vector<16xf32>
          %add3A_820 = arith.addf %add3A_819, %unpack3A_818 : vector<16xf32>
          %get3A_821 = arith.index_cast %add3A_805 : i32 to index
          %get3A_822 = arith.constant 16 : index
          %get3A_823 = tpu.vector_load %arg25[%get3A_821, %get3A_822] {strides = array<i32>} : memref<80x64xi32, #tpu.memory_space<vmem>>, vector<16xi32>,
          %bitcast3A_824 = vector.bitcast %get3A_823 : vector<16xi32> to vector<32xbf16>
          %get3A_825 = arith.index_cast %add3A_805 : i32 to index
          %get3A_826 = arith.constant 16 : index
          %get3A_827 = tpu.vector_load %arg26[%get3A_825, %get3A_826] {strides = array<i32>} : memref<80x64xi32, #tpu.memory_space<vmem>>, vector<16xi32>,
          %bitcast3A_828 = vector.bitcast %get3A_827 : vector<16xi32> to vector<32xbf16>
          %mul3A_829 = arith.mulf %bitcast3A_824, %bitcast3A_828 : vector<32xbf16>
          %unpack3A_830 = tpu.unpack_subelements %mul3A_829, 0 {pack_format = #tpu.pack_format<interleaved>} : vector<32xbf16> -> vector<16xf32>
          %unpack3A_831 = tpu.unpack_subelements %mul3A_829, 1 {pack_format = #tpu.pack_format<interleaved>} : vector<32xbf16> -> vector<16xf32>
          %add3A_832 = arith.addf %add3A_820, %unpack3A_830 : vector<16xf32>
          %add3A_833 = arith.addf %add3A_832, %unpack3A_831 : vector<16xf32>
          %get3A_834 = arith.index_cast %add3A_805 : i32 to index
          %get3A_835 = arith.constant 32 : index
          %get3A_836 = tpu.vector_load %arg25[%get3A_834, %get3A_835] {strides = array<i32>} : memref<80x64xi32, #tpu.memory_space<vmem>>, vector<16xi32>,
          %bitcast3A_837 = vector.bitcast %get3A_836 : vector<16xi32> to vector<32xbf16>
          %get3A_838 = arith.index_cast %add3A_805 : i32 to index
          %get3A_839 = arith.constant 32 : index
          %get3A_840 = tpu.vector_load %arg26[%get3A_838, %get3A_839] {strides = array<i32>} : memref<80x64xi32, #tpu.memory_space<vmem>>, vector<16xi32>,
          %bitcast3A_841 = vector.bitcast %get3A_840 : vector<16xi32> to vector<32xbf16>
          %mul3A_842 = arith.mulf %bitcast3A_837, %bitcast3A_841 : vector<32xbf16>
          %unpack3A_843 = tpu.unpack_subelements %mul3A_842, 0 {pack_format = #tpu.pack_format<interleaved>} : vector<32xbf16> -> vector<16xf32>
          %unpack3A_844 = tpu.unpack_subelements %mul3A_842, 1 {pack_format = #tpu.pack_format<interleaved>} : vector<32xbf16> -> vector<16xf32>
          %add3A_845 = arith.addf %add3A_833, %unpack3A_843 : vector<16xf32>
          %add3A_846 = arith.addf %add3A_845, %unpack3A_844 : vector<16xf32>
          %get3A_847 = arith.index_cast %add3A_805 : i32 to index
          %get3A_848 = arith.constant 48 : index
          %get3A_849 = tpu.vector_load %arg25[%get3A_847, %get3A_848] {strides = array<i32>} : memref<80x64xi32, #tpu.memory_space<vmem>>, vector<16xi32>,
          %bitcast3A_850 = vector.bitcast %get3A_849 : vector<16xi32> to vector<32xbf16>
          %get3A_851 = arith.index_cast %add3A_805 : i32 to index
          %get3A_852 = arith.constant 48 : index
          %get3A_853 = tpu.vector_load %arg26[%get3A_851, %get3A_852] {strides = array<i32>} : memref<80x64xi32, #tpu.memory_space<vmem>>, vector<16xi32>,
          %bitcast3A_854 = vector.bitcast %get3A_853 : vector<16xi32> to vector<32xbf16>
          %mul3A_855 = arith.mulf %bitcast3A_850, %bitcast3A_854 : vector<32xbf16>
          %unpack3A_856 = tpu.unpack_subelements %mul3A_855, 0 {pack_format = #tpu.pack_format<interleaved>} : vector<32xbf16> -> vector<16xf32>
          %unpack3A_857 = tpu.unpack_subelements %mul3A_855, 1 {pack_format = #tpu.pack_format<interleaved>} : vector<32xbf16> -> vector<16xf32>
          %add3A_858 = arith.addf %add3A_846, %unpack3A_856 : vector<16xf32>
          %add3A_859 = arith.addf %add3A_858, %unpack3A_857 : vector<16xf32>
          %reduce_sum3A_860 = arith.constant true
          %reduce_sum3A_861 = vector.broadcast %reduce_sum3A_860 : i1 to vector<16xi1>
          %reduce_sum3A_862 = tpu.scan <sum>, %add3A_859 masked %reduce_sum3A_861 : vector<16xf32>, vector<16xi1> -> vector<16xf32>
          %reduce_sum3A_863 = vector.extract %reduce_sum3A_862[15] : f32 from vector<16xf32>
          %eq3A_864 = arith.constant 8 : i32
          %eq3A_865 = vector.broadcast %eq3A_864 : i32 to vector<16xi32>
          %eq3A_866 = arith.cmpi eq, %iota3A, %eq3A_865 : vector<16xi32>
          %broadcast_in_dim3A_867 = vector.broadcast %reduce_sum3A_863 : f32 to vector<16xf32>
          %select_n3A_868 = arith.select %eq3A_866, %broadcast_in_dim3A_867, %select_n3A_801 : vector<16xi1>, vector<16xf32>
          %mul3A_869 = arith.constant 16 : i32
          %mul3A_870 = arith.muli %scan3A_267, %mul3A_869 : i32
          %add3A_871 = arith.constant 9 : i32
          %add3A_872 = arith.addi %mul3A_870, %add3A_871 : i32
          %broadcast_in_dim3A_873 = arith.constant 0.000000e+00 : f32
          %broadcast_in_dim3A_874 = vector.broadcast %broadcast_in_dim3A_873 : f32 to vector<16xf32>
          %get3A_875 = arith.index_cast %add3A_872 : i32 to index
          %get3A_876 = arith.constant 0 : index
          %get3A_877 = tpu.vector_load %arg25[%get3A_875, %get3A_876] {strides = array<i32>} : memref<80x64xi32, #tpu.memory_space<vmem>>, vector<16xi32>,
          %bitcast3A_878 = vector.bitcast %get3A_877 : vector<16xi32> to vector<32xbf16>
          %get3A_879 = arith.index_cast %add3A_872 : i32 to index
          %get3A_880 = arith.constant 0 : index
          %get3A_881 = tpu.vector_load %arg26[%get3A_879, %get3A_880] {strides = array<i32>} : memref<80x64xi32, #tpu.memory_space<vmem>>, vector<16xi32>,
          %bitcast3A_882 = vector.bitcast %get3A_881 : vector<16xi32> to vector<32xbf16>
          %mul3A_883 = arith.mulf %bitcast3A_878, %bitcast3A_882 : vector<32xbf16>
          %unpack3A_884 = tpu.unpack_subelements %mul3A_883, 0 {pack_format = #tpu.pack_format<interleaved>} : vector<32xbf16> -> vector<16xf32>
          %unpack3A_885 = tpu.unpack_subelements %mul3A_883, 1 {pack_format = #tpu.pack_format<interleaved>} : vector<32xbf16> -> vector<16xf32>
          %add3A_886 = arith.addf %broadcast_in_dim3A_874, %unpack3A_884 : vector<16xf32>
          %add3A_887 = arith.addf %add3A_886, %unpack3A_885 : vector<16xf32>
          %get3A_888 = arith.index_cast %add3A_872 : i32 to index
          %get3A_889 = arith.constant 16 : index
          %get3A_890 = tpu.vector_load %arg25[%get3A_888, %get3A_889] {strides = array<i32>} : memref<80x64xi32, #tpu.memory_space<vmem>>, vector<16xi32>,
          %bitcast3A_891 = vector.bitcast %get3A_890 : vector<16xi32> to vector<32xbf16>
          %get3A_892 = arith.index_cast %add3A_872 : i32 to index
          %get3A_893 = arith.constant 16 : index
          %get3A_894 = tpu.vector_load %arg26[%get3A_892, %get3A_893] {strides = array<i32>} : memref<80x64xi32, #tpu.memory_space<vmem>>, vector<16xi32>,
          %bitcast3A_895 = vector.bitcast %get3A_894 : vector<16xi32> to vector<32xbf16>
          %mul3A_896 = arith.mulf %bitcast3A_891, %bitcast3A_895 : vector<32xbf16>
          %unpack3A_897 = tpu.unpack_subelements %mul3A_896, 0 {pack_format = #tpu.pack_format<interleaved>} : vector<32xbf16> -> vector<16xf32>
          %unpack3A_898 = tpu.unpack_subelements %mul3A_896, 1 {pack_format = #tpu.pack_format<interleaved>} : vector<32xbf16> -> vector<16xf32>
          %add3A_899 = arith.addf %add3A_887, %unpack3A_897 : vector<16xf32>
          %add3A_900 = arith.addf %add3A_899, %unpack3A_898 : vector<16xf32>
          %get3A_901 = arith.index_cast %add3A_872 : i32 to index
          %get3A_902 = arith.constant 32 : index
          %get3A_903 = tpu.vector_load %arg25[%get3A_901, %get3A_902] {strides = array<i32>} : memref<80x64xi32, #tpu.memory_space<vmem>>, vector<16xi32>,
          %bitcast3A_904 = vector.bitcast %get3A_903 : vector<16xi32> to vector<32xbf16>
          %get3A_905 = arith.index_cast %add3A_872 : i32 to index
          %get3A_906 = arith.constant 32 : index
          %get3A_907 = tpu.vector_load %arg26[%get3A_905, %get3A_906] {strides = array<i32>} : memref<80x64xi32, #tpu.memory_space<vmem>>, vector<16xi32>,
          %bitcast3A_908 = vector.bitcast %get3A_907 : vector<16xi32> to vector<32xbf16>
          %mul3A_909 = arith.mulf %bitcast3A_904, %bitcast3A_908 : vector<32xbf16>
          %unpack3A_910 = tpu.unpack_subelements %mul3A_909, 0 {pack_format = #tpu.pack_format<interleaved>} : vector<32xbf16> -> vector<16xf32>
          %unpack3A_911 = tpu.unpack_subelements %mul3A_909, 1 {pack_format = #tpu.pack_format<interleaved>} : vector<32xbf16> -> vector<16xf32>
          %add3A_912 = arith.addf %add3A_900, %unpack3A_910 : vector<16xf32>
          %add3A_913 = arith.addf %add3A_912, %unpack3A_911 : vector<16xf32>
          %get3A_914 = arith.index_cast %add3A_872 : i32 to index
          %get3A_915 = arith.constant 48 : index
          %get3A_916 = tpu.vector_load %arg25[%get3A_914, %get3A_915] {strides = array<i32>} : memref<80x64xi32, #tpu.memory_space<vmem>>, vector<16xi32>,
          %bitcast3A_917 = vector.bitcast %get3A_916 : vector<16xi32> to vector<32xbf16>
          %get3A_918 = arith.index_cast %add3A_872 : i32 to index
          %get3A_919 = arith.constant 48 : index
          %get3A_920 = tpu.vector_load %arg26[%get3A_918, %get3A_919] {strides = array<i32>} : memref<80x64xi32, #tpu.memory_space<vmem>>, vector<16xi32>,
          %bitcast3A_921 = vector.bitcast %get3A_920 : vector<16xi32> to vector<32xbf16>
          %mul3A_922 = arith.mulf %bitcast3A_917, %bitcast3A_921 : vector<32xbf16>
          %unpack3A_923 = tpu.unpack_subelements %mul3A_922, 0 {pack_format = #tpu.pack_format<interleaved>} : vector<32xbf16> -> vector<16xf32>
          %unpack3A_924 = tpu.unpack_subelements %mul3A_922, 1 {pack_format = #tpu.pack_format<interleaved>} : vector<32xbf16> -> vector<16xf32>
          %add3A_925 = arith.addf %add3A_913, %unpack3A_923 : vector<16xf32>
          %add3A_926 = arith.addf %add3A_925, %unpack3A_924 : vector<16xf32>
          %reduce_sum3A_927 = arith.constant true
          %reduce_sum3A_928 = vector.broadcast %reduce_sum3A_927 : i1 to vector<16xi1>
          %reduce_sum3A_929 = tpu.scan <sum>, %add3A_926 masked %reduce_sum3A_928 : vector<16xf32>, vector<16xi1> -> vector<16xf32>
          %reduce_sum3A_930 = vector.extract %reduce_sum3A_929[15] : f32 from vector<16xf32>
          %eq3A_931 = arith.constant 9 : i32
          %eq3A_932 = vector.broadcast %eq3A_931 : i32 to vector<16xi32>
          %eq3A_933 = arith.cmpi eq, %iota3A, %eq3A_932 : vector<16xi32>
          %broadcast_in_dim3A_934 = vector.broadcast %reduce_sum3A_930 : f32 to vector<16xf32>
          %select_n3A_935 = arith.select %eq3A_933, %broadcast_in_dim3A_934, %select_n3A_868 : vector<16xi1>, vector<16xf32>
          %mul3A_936 = arith.constant 16 : i32
          %mul3A_937 = arith.muli %scan3A_267, %mul3A_936 : i32
          %add3A_938 = arith.constant 10 : i32
          %add3A_939 = arith.addi %mul3A_937, %add3A_938 : i32
          %broadcast_in_dim3A_940 = arith.constant 0.000000e+00 : f32
          %broadcast_in_dim3A_941 = vector.broadcast %broadcast_in_dim3A_940 : f32 to vector<16xf32>
          %get3A_942 = arith.index_cast %add3A_939 : i32 to index
          %get3A_943 = arith.constant 0 : index
          %get3A_944 = tpu.vector_load %arg25[%get3A_942, %get3A_943] {strides = array<i32>} : memref<80x64xi32, #tpu.memory_space<vmem>>, vector<16xi32>,
          %bitcast3A_945 = vector.bitcast %get3A_944 : vector<16xi32> to vector<32xbf16>
          %get3A_946 = arith.index_cast %add3A_939 : i32 to index
          %get3A_947 = arith.constant 0 : index
          %get3A_948 = tpu.vector_load %arg26[%get3A_946, %get3A_947] {strides = array<i32>} : memref<80x64xi32, #tpu.memory_space<vmem>>, vector<16xi32>,
          %bitcast3A_949 = vector.bitcast %get3A_948 : vector<16xi32> to vector<32xbf16>
          %mul3A_950 = arith.mulf %bitcast3A_945, %bitcast3A_949 : vector<32xbf16>
          %unpack3A_951 = tpu.unpack_subelements %mul3A_950, 0 {pack_format = #tpu.pack_format<interleaved>} : vector<32xbf16> -> vector<16xf32>
          %unpack3A_952 = tpu.unpack_subelements %mul3A_950, 1 {pack_format = #tpu.pack_format<interleaved>} : vector<32xbf16> -> vector<16xf32>
          %add3A_953 = arith.addf %broadcast_in_dim3A_941, %unpack3A_951 : vector<16xf32>
          %add3A_954 = arith.addf %add3A_953, %unpack3A_952 : vector<16xf32>
          %get3A_955 = arith.index_cast %add3A_939 : i32 to index
          %get3A_956 = arith.constant 16 : index
          %get3A_957 = tpu.vector_load %arg25[%get3A_955, %get3A_956] {strides = array<i32>} : memref<80x64xi32, #tpu.memory_space<vmem>>, vector<16xi32>,
          %bitcast3A_958 = vector.bitcast %get3A_957 : vector<16xi32> to vector<32xbf16>
          %get3A_959 = arith.index_cast %add3A_939 : i32 to index
          %get3A_960 = arith.constant 16 : index
          %get3A_961 = tpu.vector_load %arg26[%get3A_959, %get3A_960] {strides = array<i32>} : memref<80x64xi32, #tpu.memory_space<vmem>>, vector<16xi32>,
          %bitcast3A_962 = vector.bitcast %get3A_961 : vector<16xi32> to vector<32xbf16>
          %mul3A_963 = arith.mulf %bitcast3A_958, %bitcast3A_962 : vector<32xbf16>
          %unpack3A_964 = tpu.unpack_subelements %mul3A_963, 0 {pack_format = #tpu.pack_format<interleaved>} : vector<32xbf16> -> vector<16xf32>
          %unpack3A_965 = tpu.unpack_subelements %mul3A_963, 1 {pack_format = #tpu.pack_format<interleaved>} : vector<32xbf16> -> vector<16xf32>
          %add3A_966 = arith.addf %add3A_954, %unpack3A_964 : vector<16xf32>
          %add3A_967 = arith.addf %add3A_966, %unpack3A_965 : vector<16xf32>
          %get3A_968 = arith.index_cast %add3A_939 : i32 to index
          %get3A_969 = arith.constant 32 : index
          %get3A_970 = tpu.vector_load %arg25[%get3A_968, %get3A_969] {strides = array<i32>} : memref<80x64xi32, #tpu.memory_space<vmem>>, vector<16xi32>,
          %bitcast3A_971 = vector.bitcast %get3A_970 : vector<16xi32> to vector<32xbf16>
          %get3A_972 = arith.index_cast %add3A_939 : i32 to index
          %get3A_973 = arith.constant 32 : index
          %get3A_974 = tpu.vector_load %arg26[%get3A_972, %get3A_973] {strides = array<i32>} : memref<80x64xi32, #tpu.memory_space<vmem>>, vector<16xi32>,
          %bitcast3A_975 = vector.bitcast %get3A_974 : vector<16xi32> to vector<32xbf16>
          %mul3A_976 = arith.mulf %bitcast3A_971, %bitcast3A_975 : vector<32xbf16>
          %unpack3A_977 = tpu.unpack_subelements %mul3A_976, 0 {pack_format = #tpu.pack_format<interleaved>} : vector<32xbf16> -> vector<16xf32>
          %unpack3A_978 = tpu.unpack_subelements %mul3A_976, 1 {pack_format = #tpu.pack_format<interleaved>} : vector<32xbf16> -> vector<16xf32>
          %add3A_979 = arith.addf %add3A_967, %unpack3A_977 : vector<16xf32>
          %add3A_980 = arith.addf %add3A_979, %unpack3A_978 : vector<16xf32>
          %get3A_981 = arith.index_cast %add3A_939 : i32 to index
          %get3A_982 = arith.constant 48 : index
          %get3A_983 = tpu.vector_load %arg25[%get3A_981, %get3A_982] {strides = array<i32>} : memref<80x64xi32, #tpu.memory_space<vmem>>, vector<16xi32>,
          %bitcast3A_984 = vector.bitcast %get3A_983 : vector<16xi32> to vector<32xbf16>
          %get3A_985 = arith.index_cast %add3A_939 : i32 to index
          %get3A_986 = arith.constant 48 : index
          %get3A_987 = tpu.vector_load %arg26[%get3A_985, %get3A_986] {strides = array<i32>} : memref<80x64xi32, #tpu.memory_space<vmem>>, vector<16xi32>,
          %bitcast3A_988 = vector.bitcast %get3A_987 : vector<16xi32> to vector<32xbf16>
          %mul3A_989 = arith.mulf %bitcast3A_984, %bitcast3A_988 : vector<32xbf16>
          %unpack3A_990 = tpu.unpack_subelements %mul3A_989, 0 {pack_format = #tpu.pack_format<interleaved>} : vector<32xbf16> -> vector<16xf32>
          %unpack3A_991 = tpu.unpack_subelements %mul3A_989, 1 {pack_format = #tpu.pack_format<interleaved>} : vector<32xbf16> -> vector<16xf32>
          %add3A_992 = arith.addf %add3A_980, %unpack3A_990 : vector<16xf32>
          %add3A_993 = arith.addf %add3A_992, %unpack3A_991 : vector<16xf32>
          %reduce_sum3A_994 = arith.constant true
          %reduce_sum3A_995 = vector.broadcast %reduce_sum3A_994 : i1 to vector<16xi1>
          %reduce_sum3A_996 = tpu.scan <sum>, %add3A_993 masked %reduce_sum3A_995 : vector<16xf32>, vector<16xi1> -> vector<16xf32>
          %reduce_sum3A_997 = vector.extract %reduce_sum3A_996[15] : f32 from vector<16xf32>
          %eq3A_998 = arith.constant 10 : i32
          %eq3A_999 = vector.broadcast %eq3A_998 : i32 to vector<16xi32>
          %eq3A_1000 = arith.cmpi eq, %iota3A, %eq3A_999 : vector<16xi32>
          %broadcast_in_dim3A_1001 = vector.broadcast %reduce_sum3A_997 : f32 to vector<16xf32>
          %select_n3A_1002 = arith.select %eq3A_1000, %broadcast_in_dim3A_1001, %select_n3A_935 : vector<16xi1>, vector<16xf32>
          %mul3A_1003 = arith.constant 16 : i32
          %mul3A_1004 = arith.muli %scan3A_267, %mul3A_1003 : i32
          %add3A_1005 = arith.constant 11 : i32
          %add3A_1006 = arith.addi %mul3A_1004, %add3A_1005 : i32
          %broadcast_in_dim3A_1007 = arith.constant 0.000000e+00 : f32
          %broadcast_in_dim3A_1008 = vector.broadcast %broadcast_in_dim3A_1007 : f32 to vector<16xf32>
          %get3A_1009 = arith.index_cast %add3A_1006 : i32 to index
          %get3A_1010 = arith.constant 0 : index
          %get3A_1011 = tpu.vector_load %arg25[%get3A_1009, %get3A_1010] {strides = array<i32>} : memref<80x64xi32, #tpu.memory_space<vmem>>, vector<16xi32>,
          %bitcast3A_1012 = vector.bitcast %get3A_1011 : vector<16xi32> to vector<32xbf16>
          %get3A_1013 = arith.index_cast %add3A_1006 : i32 to index
          %get3A_1014 = arith.constant 0 : index
          %get3A_1015 = tpu.vector_load %arg26[%get3A_1013, %get3A_1014] {strides = array<i32>} : memref<80x64xi32, #tpu.memory_space<vmem>>, vector<16xi32>,
          %bitcast3A_1016 = vector.bitcast %get3A_1015 : vector<16xi32> to vector<32xbf16>
          %mul3A_1017 = arith.mulf %bitcast3A_1012, %bitcast3A_1016 : vector<32xbf16>
          %unpack3A_1018 = tpu.unpack_subelements %mul3A_1017, 0 {pack_format = #tpu.pack_format<interleaved>} : vector<32xbf16> -> vector<16xf32>
          %unpack3A_1019 = tpu.unpack_subelements %mul3A_1017, 1 {pack_format = #tpu.pack_format<interleaved>} : vector<32xbf16> -> vector<16xf32>
          %add3A_1020 = arith.addf %broadcast_in_dim3A_1008, %unpack3A_1018 : vector<16xf32>
          %add3A_1021 = arith.addf %add3A_1020, %unpack3A_1019 : vector<16xf32>
          %get3A_1022 = arith.index_cast %add3A_1006 : i32 to index
          %get3A_1023 = arith.constant 16 : index
          %get3A_1024 = tpu.vector_load %arg25[%get3A_1022, %get3A_1023] {strides = array<i32>} : memref<80x64xi32, #tpu.memory_space<vmem>>, vector<16xi32>,
          %bitcast3A_1025 = vector.bitcast %get3A_1024 : vector<16xi32> to vector<32xbf16>
          %get3A_1026 = arith.index_cast %add3A_1006 : i32 to index
          %get3A_1027 = arith.constant 16 : index
          %get3A_1028 = tpu.vector_load %arg26[%get3A_1026, %get3A_1027] {strides = array<i32>} : memref<80x64xi32, #tpu.memory_space<vmem>>, vector<16xi32>,
          %bitcast3A_1029 = vector.bitcast %get3A_1028 : vector<16xi32> to vector<32xbf16>
          %mul3A_1030 = arith.mulf %bitcast3A_1025, %bitcast3A_1029 : vector<32xbf16>
          %unpack3A_1031 = tpu.unpack_subelements %mul3A_1030, 0 {pack_format = #tpu.pack_format<interleaved>} : vector<32xbf16> -> vector<16xf32>
          %unpack3A_1032 = tpu.unpack_subelements %mul3A_1030, 1 {pack_format = #tpu.pack_format<interleaved>} : vector<32xbf16> -> vector<16xf32>
          %add3A_1033 = arith.addf %add3A_1021, %unpack3A_1031 : vector<16xf32>
          %add3A_1034 = arith.addf %add3A_1033, %unpack3A_1032 : vector<16xf32>
          %get3A_1035 = arith.index_cast %add3A_1006 : i32 to index
          %get3A_1036 = arith.constant 32 : index
          %get3A_1037 = tpu.vector_load %arg25[%get3A_1035, %get3A_1036] {strides = array<i32>} : memref<80x64xi32, #tpu.memory_space<vmem>>, vector<16xi32>,
          %bitcast3A_1038 = vector.bitcast %get3A_1037 : vector<16xi32> to vector<32xbf16>
          %get3A_1039 = arith.index_cast %add3A_1006 : i32 to index
          %get3A_1040 = arith.constant 32 : index
          %get3A_1041 = tpu.vector_load %arg26[%get3A_1039, %get3A_1040] {strides = array<i32>} : memref<80x64xi32, #tpu.memory_space<vmem>>, vector<16xi32>,
          %bitcast3A_1042 = vector.bitcast %get3A_1041 : vector<16xi32> to vector<32xbf16>
          %mul3A_1043 = arith.mulf %bitcast3A_1038, %bitcast3A_1042 : vector<32xbf16>
          %unpack3A_1044 = tpu.unpack_subelements %mul3A_1043, 0 {pack_format = #tpu.pack_format<interleaved>} : vector<32xbf16> -> vector<16xf32>
          %unpack3A_1045 = tpu.unpack_subelements %mul3A_1043, 1 {pack_format = #tpu.pack_format<interleaved>} : vector<32xbf16> -> vector<16xf32>
          %add3A_1046 = arith.addf %add3A_1034, %unpack3A_1044 : vector<16xf32>
          %add3A_1047 = arith.addf %add3A_1046, %unpack3A_1045 : vector<16xf32>
          %get3A_1048 = arith.index_cast %add3A_1006 : i32 to index
          %get3A_1049 = arith.constant 48 : index
          %get3A_1050 = tpu.vector_load %arg25[%get3A_1048, %get3A_1049] {strides = array<i32>} : memref<80x64xi32, #tpu.memory_space<vmem>>, vector<16xi32>,
          %bitcast3A_1051 = vector.bitcast %get3A_1050 : vector<16xi32> to vector<32xbf16>
          %get3A_1052 = arith.index_cast %add3A_1006 : i32 to index
          %get3A_1053 = arith.constant 48 : index
          %get3A_1054 = tpu.vector_load %arg26[%get3A_1052, %get3A_1053] {strides = array<i32>} : memref<80x64xi32, #tpu.memory_space<vmem>>, vector<16xi32>,
          %bitcast3A_1055 = vector.bitcast %get3A_1054 : vector<16xi32> to vector<32xbf16>
          %mul3A_1056 = arith.mulf %bitcast3A_1051, %bitcast3A_1055 : vector<32xbf16>
          %unpack3A_1057 = tpu.unpack_subelements %mul3A_1056, 0 {pack_format = #tpu.pack_format<interleaved>} : vector<32xbf16> -> vector<16xf32>
          %unpack3A_1058 = tpu.unpack_subelements %mul3A_1056, 1 {pack_format = #tpu.pack_format<interleaved>} : vector<32xbf16> -> vector<16xf32>
          %add3A_1059 = arith.addf %add3A_1047, %unpack3A_1057 : vector<16xf32>
          %add3A_1060 = arith.addf %add3A_1059, %unpack3A_1058 : vector<16xf32>
          %reduce_sum3A_1061 = arith.constant true
          %reduce_sum3A_1062 = vector.broadcast %reduce_sum3A_1061 : i1 to vector<16xi1>
          %reduce_sum3A_1063 = tpu.scan <sum>, %add3A_1060 masked %reduce_sum3A_1062 : vector<16xf32>, vector<16xi1> -> vector<16xf32>
          %reduce_sum3A_1064 = vector.extract %reduce_sum3A_1063[15] : f32 from vector<16xf32>
          %eq3A_1065 = arith.constant 11 : i32
          %eq3A_1066 = vector.broadcast %eq3A_1065 : i32 to vector<16xi32>
          %eq3A_1067 = arith.cmpi eq, %iota3A, %eq3A_1066 : vector<16xi32>
          %broadcast_in_dim3A_1068 = vector.broadcast %reduce_sum3A_1064 : f32 to vector<16xf32>
          %select_n3A_1069 = arith.select %eq3A_1067, %broadcast_in_dim3A_1068, %select_n3A_1002 : vector<16xi1>, vector<16xf32>
          %mul3A_1070 = arith.constant 16 : i32
          %mul3A_1071 = arith.muli %scan3A_267, %mul3A_1070 : i32
          %add3A_1072 = arith.constant 12 : i32
          %add3A_1073 = arith.addi %mul3A_1071, %add3A_1072 : i32
          %broadcast_in_dim3A_1074 = arith.constant 0.000000e+00 : f32
          %broadcast_in_dim3A_1075 = vector.broadcast %broadcast_in_dim3A_1074 : f32 to vector<16xf32>
          %get3A_1076 = arith.index_cast %add3A_1073 : i32 to index
          %get3A_1077 = arith.constant 0 : index
          %get3A_1078 = tpu.vector_load %arg25[%get3A_1076, %get3A_1077] {strides = array<i32>} : memref<80x64xi32, #tpu.memory_space<vmem>>, vector<16xi32>,
          %bitcast3A_1079 = vector.bitcast %get3A_1078 : vector<16xi32> to vector<32xbf16>
          %get3A_1080 = arith.index_cast %add3A_1073 : i32 to index
          %get3A_1081 = arith.constant 0 : index
          %get3A_1082 = tpu.vector_load %arg26[%get3A_1080, %get3A_1081] {strides = array<i32>} : memref<80x64xi32, #tpu.memory_space<vmem>>, vector<16xi32>,
          %bitcast3A_1083 = vector.bitcast %get3A_1082 : vector<16xi32> to vector<32xbf16>
          %mul3A_1084 = arith.mulf %bitcast3A_1079, %bitcast3A_1083 : vector<32xbf16>
          %unpack3A_1085 = tpu.unpack_subelements %mul3A_1084, 0 {pack_format = #tpu.pack_format<interleaved>} : vector<32xbf16> -> vector<16xf32>
          %unpack3A_1086 = tpu.unpack_subelements %mul3A_1084, 1 {pack_format = #tpu.pack_format<interleaved>} : vector<32xbf16> -> vector<16xf32>
          %add3A_1087 = arith.addf %broadcast_in_dim3A_1075, %unpack3A_1085 : vector<16xf32>
          %add3A_1088 = arith.addf %add3A_1087, %unpack3A_1086 : vector<16xf32>
          %get3A_1089 = arith.index_cast %add3A_1073 : i32 to index
          %get3A_1090 = arith.constant 16 : index
          %get3A_1091 = tpu.vector_load %arg25[%get3A_1089, %get3A_1090] {strides = array<i32>} : memref<80x64xi32, #tpu.memory_space<vmem>>, vector<16xi32>,
          %bitcast3A_1092 = vector.bitcast %get3A_1091 : vector<16xi32> to vector<32xbf16>
          %get3A_1093 = arith.index_cast %add3A_1073 : i32 to index
          %get3A_1094 = arith.constant 16 : index
          %get3A_1095 = tpu.vector_load %arg26[%get3A_1093, %get3A_1094] {strides = array<i32>} : memref<80x64xi32, #tpu.memory_space<vmem>>, vector<16xi32>,
          %bitcast3A_1096 = vector.bitcast %get3A_1095 : vector<16xi32> to vector<32xbf16>
          %mul3A_1097 = arith.mulf %bitcast3A_1092, %bitcast3A_1096 : vector<32xbf16>
          %unpack3A_1098 = tpu.unpack_subelements %mul3A_1097, 0 {pack_format = #tpu.pack_format<interleaved>} : vector<32xbf16> -> vector<16xf32>
          %unpack3A_1099 = tpu.unpack_subelements %mul3A_1097, 1 {pack_format = #tpu.pack_format<interleaved>} : vector<32xbf16> -> vector<16xf32>
          %add3A_1100 = arith.addf %add3A_1088, %unpack3A_1098 : vector<16xf32>
          %add3A_1101 = arith.addf %add3A_1100, %unpack3A_1099 : vector<16xf32>
          %get3A_1102 = arith.index_cast %add3A_1073 : i32 to index
          %get3A_1103 = arith.constant 32 : index
          %get3A_1104 = tpu.vector_load %arg25[%get3A_1102, %get3A_1103] {strides = array<i32>} : memref<80x64xi32, #tpu.memory_space<vmem>>, vector<16xi32>,
          %bitcast3A_1105 = vector.bitcast %get3A_1104 : vector<16xi32> to vector<32xbf16>
          %get3A_1106 = arith.index_cast %add3A_1073 : i32 to index
          %get3A_1107 = arith.constant 32 : index
          %get3A_1108 = tpu.vector_load %arg26[%get3A_1106, %get3A_1107] {strides = array<i32>} : memref<80x64xi32, #tpu.memory_space<vmem>>, vector<16xi32>,
          %bitcast3A_1109 = vector.bitcast %get3A_1108 : vector<16xi32> to vector<32xbf16>
          %mul3A_1110 = arith.mulf %bitcast3A_1105, %bitcast3A_1109 : vector<32xbf16>
          %unpack3A_1111 = tpu.unpack_subelements %mul3A_1110, 0 {pack_format = #tpu.pack_format<interleaved>} : vector<32xbf16> -> vector<16xf32>
          %unpack3A_1112 = tpu.unpack_subelements %mul3A_1110, 1 {pack_format = #tpu.pack_format<interleaved>} : vector<32xbf16> -> vector<16xf32>
          %add3A_1113 = arith.addf %add3A_1101, %unpack3A_1111 : vector<16xf32>
          %add3A_1114 = arith.addf %add3A_1113, %unpack3A_1112 : vector<16xf32>
          %get3A_1115 = arith.index_cast %add3A_1073 : i32 to index
          %get3A_1116 = arith.constant 48 : index
          %get3A_1117 = tpu.vector_load %arg25[%get3A_1115, %get3A_1116] {strides = array<i32>} : memref<80x64xi32, #tpu.memory_space<vmem>>, vector<16xi32>,
          %bitcast3A_1118 = vector.bitcast %get3A_1117 : vector<16xi32> to vector<32xbf16>
          %get3A_1119 = arith.index_cast %add3A_1073 : i32 to index
          %get3A_1120 = arith.constant 48 : index
          %get3A_1121 = tpu.vector_load %arg26[%get3A_1119, %get3A_1120] {strides = array<i32>} : memref<80x64xi32, #tpu.memory_space<vmem>>, vector<16xi32>,
          %bitcast3A_1122 = vector.bitcast %get3A_1121 : vector<16xi32> to vector<32xbf16>
          %mul3A_1123 = arith.mulf %bitcast3A_1118, %bitcast3A_1122 : vector<32xbf16>
          %unpack3A_1124 = tpu.unpack_subelements %mul3A_1123, 0 {pack_format = #tpu.pack_format<interleaved>} : vector<32xbf16> -> vector<16xf32>
          %unpack3A_1125 = tpu.unpack_subelements %mul3A_1123, 1 {pack_format = #tpu.pack_format<interleaved>} : vector<32xbf16> -> vector<16xf32>
          %add3A_1126 = arith.addf %add3A_1114, %unpack3A_1124 : vector<16xf32>
          %add3A_1127 = arith.addf %add3A_1126, %unpack3A_1125 : vector<16xf32>
          %reduce_sum3A_1128 = arith.constant true
          %reduce_sum3A_1129 = vector.broadcast %reduce_sum3A_1128 : i1 to vector<16xi1>
          %reduce_sum3A_1130 = tpu.scan <sum>, %add3A_1127 masked %reduce_sum3A_1129 : vector<16xf32>, vector<16xi1> -> vector<16xf32>
          %reduce_sum3A_1131 = vector.extract %reduce_sum3A_1130[15] : f32 from vector<16xf32>
          %eq3A_1132 = arith.constant 12 : i32
          %eq3A_1133 = vector.broadcast %eq3A_1132 : i32 to vector<16xi32>
          %eq3A_1134 = arith.cmpi eq, %iota3A, %eq3A_1133 : vector<16xi32>
          %broadcast_in_dim3A_1135 = vector.broadcast %reduce_sum3A_1131 : f32 to vector<16xf32>
          %select_n3A_1136 = arith.select %eq3A_1134, %broadcast_in_dim3A_1135, %select_n3A_1069 : vector<16xi1>, vector<16xf32>
          %mul3A_1137 = arith.constant 16 : i32
          %mul3A_1138 = arith.muli %scan3A_267, %mul3A_1137 : i32
          %add3A_1139 = arith.constant 13 : i32
          %add3A_1140 = arith.addi %mul3A_1138, %add3A_1139 : i32
          %broadcast_in_dim3A_1141 = arith.constant 0.000000e+00 : f32
          %broadcast_in_dim3A_1142 = vector.broadcast %broadcast_in_dim3A_1141 : f32 to vector<16xf32>
          %get3A_1143 = arith.index_cast %add3A_1140 : i32 to index
          %get3A_1144 = arith.constant 0 : index
          %get3A_1145 = tpu.vector_load %arg25[%get3A_1143, %get3A_1144] {strides = array<i32>} : memref<80x64xi32, #tpu.memory_space<vmem>>, vector<16xi32>,
          %bitcast3A_1146 = vector.bitcast %get3A_1145 : vector<16xi32> to vector<32xbf16>
          %get3A_1147 = arith.index_cast %add3A_1140 : i32 to index
          %get3A_1148 = arith.constant 0 : index
          %get3A_1149 = tpu.vector_load %arg26[%get3A_1147, %get3A_1148] {strides = array<i32>} : memref<80x64xi32, #tpu.memory_space<vmem>>, vector<16xi32>,
          %bitcast3A_1150 = vector.bitcast %get3A_1149 : vector<16xi32> to vector<32xbf16>
          %mul3A_1151 = arith.mulf %bitcast3A_1146, %bitcast3A_1150 : vector<32xbf16>
          %unpack3A_1152 = tpu.unpack_subelements %mul3A_1151, 0 {pack_format = #tpu.pack_format<interleaved>} : vector<32xbf16> -> vector<16xf32>
          %unpack3A_1153 = tpu.unpack_subelements %mul3A_1151, 1 {pack_format = #tpu.pack_format<interleaved>} : vector<32xbf16> -> vector<16xf32>
          %add3A_1154 = arith.addf %broadcast_in_dim3A_1142, %unpack3A_1152 : vector<16xf32>
          %add3A_1155 = arith.addf %add3A_1154, %unpack3A_1153 : vector<16xf32>
          %get3A_1156 = arith.index_cast %add3A_1140 : i32 to index
          %get3A_1157 = arith.constant 16 : index
          %get3A_1158 = tpu.vector_load %arg25[%get3A_1156, %get3A_1157] {strides = array<i32>} : memref<80x64xi32, #tpu.memory_space<vmem>>, vector<16xi32>,
          %bitcast3A_1159 = vector.bitcast %get3A_1158 : vector<16xi32> to vector<32xbf16>
          %get3A_1160 = arith.index_cast %add3A_1140 : i32 to index
          %get3A_1161 = arith.constant 16 : index
          %get3A_1162 = tpu.vector_load %arg26[%get3A_1160, %get3A_1161] {strides = array<i32>} : memref<80x64xi32, #tpu.memory_space<vmem>>, vector<16xi32>,
          %bitcast3A_1163 = vector.bitcast %get3A_1162 : vector<16xi32> to vector<32xbf16>
          %mul3A_1164 = arith.mulf %bitcast3A_1159, %bitcast3A_1163 : vector<32xbf16>
          %unpack3A_1165 = tpu.unpack_subelements %mul3A_1164, 0 {pack_format = #tpu.pack_format<interleaved>} : vector<32xbf16> -> vector<16xf32>
          %unpack3A_1166 = tpu.unpack_subelements %mul3A_1164, 1 {pack_format = #tpu.pack_format<interleaved>} : vector<32xbf16> -> vector<16xf32>
          %add3A_1167 = arith.addf %add3A_1155, %unpack3A_1165 : vector<16xf32>
          %add3A_1168 = arith.addf %add3A_1167, %unpack3A_1166 : vector<16xf32>
          %get3A_1169 = arith.index_cast %add3A_1140 : i32 to index
          %get3A_1170 = arith.constant 32 : index
          %get3A_1171 = tpu.vector_load %arg25[%get3A_1169, %get3A_1170] {strides = array<i32>} : memref<80x64xi32, #tpu.memory_space<vmem>>, vector<16xi32>,
          %bitcast3A_1172 = vector.bitcast %get3A_1171 : vector<16xi32> to vector<32xbf16>
          %get3A_1173 = arith.index_cast %add3A_1140 : i32 to index
          %get3A_1174 = arith.constant 32 : index
          %get3A_1175 = tpu.vector_load %arg26[%get3A_1173, %get3A_1174] {strides = array<i32>} : memref<80x64xi32, #tpu.memory_space<vmem>>, vector<16xi32>,
          %bitcast3A_1176 = vector.bitcast %get3A_1175 : vector<16xi32> to vector<32xbf16>
          %mul3A_1177 = arith.mulf %bitcast3A_1172, %bitcast3A_1176 : vector<32xbf16>
          %unpack3A_1178 = tpu.unpack_subelements %mul3A_1177, 0 {pack_format = #tpu.pack_format<interleaved>} : vector<32xbf16> -> vector<16xf32>
          %unpack3A_1179 = tpu.unpack_subelements %mul3A_1177, 1 {pack_format = #tpu.pack_format<interleaved>} : vector<32xbf16> -> vector<16xf32>
          %add3A_1180 = arith.addf %add3A_1168, %unpack3A_1178 : vector<16xf32>
          %add3A_1181 = arith.addf %add3A_1180, %unpack3A_1179 : vector<16xf32>
          %get3A_1182 = arith.index_cast %add3A_1140 : i32 to index
          %get3A_1183 = arith.constant 48 : index
          %get3A_1184 = tpu.vector_load %arg25[%get3A_1182, %get3A_1183] {strides = array<i32>} : memref<80x64xi32, #tpu.memory_space<vmem>>, vector<16xi32>,
          %bitcast3A_1185 = vector.bitcast %get3A_1184 : vector<16xi32> to vector<32xbf16>
          %get3A_1186 = arith.index_cast %add3A_1140 : i32 to index
          %get3A_1187 = arith.constant 48 : index
          %get3A_1188 = tpu.vector_load %arg26[%get3A_1186, %get3A_1187] {strides = array<i32>} : memref<80x64xi32, #tpu.memory_space<vmem>>, vector<16xi32>,
          %bitcast3A_1189 = vector.bitcast %get3A_1188 : vector<16xi32> to vector<32xbf16>
          %mul3A_1190 = arith.mulf %bitcast3A_1185, %bitcast3A_1189 : vector<32xbf16>
          %unpack3A_1191 = tpu.unpack_subelements %mul3A_1190, 0 {pack_format = #tpu.pack_format<interleaved>} : vector<32xbf16> -> vector<16xf32>
          %unpack3A_1192 = tpu.unpack_subelements %mul3A_1190, 1 {pack_format = #tpu.pack_format<interleaved>} : vector<32xbf16> -> vector<16xf32>
          %add3A_1193 = arith.addf %add3A_1181, %unpack3A_1191 : vector<16xf32>
          %add3A_1194 = arith.addf %add3A_1193, %unpack3A_1192 : vector<16xf32>
          %reduce_sum3A_1195 = arith.constant true
          %reduce_sum3A_1196 = vector.broadcast %reduce_sum3A_1195 : i1 to vector<16xi1>
          %reduce_sum3A_1197 = tpu.scan <sum>, %add3A_1194 masked %reduce_sum3A_1196 : vector<16xf32>, vector<16xi1> -> vector<16xf32>
          %reduce_sum3A_1198 = vector.extract %reduce_sum3A_1197[15] : f32 from vector<16xf32>
          %eq3A_1199 = arith.constant 13 : i32
          %eq3A_1200 = vector.broadcast %eq3A_1199 : i32 to vector<16xi32>
          %eq3A_1201 = arith.cmpi eq, %iota3A, %eq3A_1200 : vector<16xi32>
          %broadcast_in_dim3A_1202 = vector.broadcast %reduce_sum3A_1198 : f32 to vector<16xf32>
          %select_n3A_1203 = arith.select %eq3A_1201, %broadcast_in_dim3A_1202, %select_n3A_1136 : vector<16xi1>, vector<16xf32>
          %mul3A_1204 = arith.constant 16 : i32
          %mul3A_1205 = arith.muli %scan3A_267, %mul3A_1204 : i32
          %add3A_1206 = arith.constant 14 : i32
          %add3A_1207 = arith.addi %mul3A_1205, %add3A_1206 : i32
          %broadcast_in_dim3A_1208 = arith.constant 0.000000e+00 : f32
          %broadcast_in_dim3A_1209 = vector.broadcast %broadcast_in_dim3A_1208 : f32 to vector<16xf32>
          %get3A_1210 = arith.index_cast %add3A_1207 : i32 to index
          %get3A_1211 = arith.constant 0 : index
          %get3A_1212 = tpu.vector_load %arg25[%get3A_1210, %get3A_1211] {strides = array<i32>} : memref<80x64xi32, #tpu.memory_space<vmem>>, vector<16xi32>,
          %bitcast3A_1213 = vector.bitcast %get3A_1212 : vector<16xi32> to vector<32xbf16>
          %get3A_1214 = arith.index_cast %add3A_1207 : i32 to index
          %get3A_1215 = arith.constant 0 : index
          %get3A_1216 = tpu.vector_load %arg26[%get3A_1214, %get3A_1215] {strides = array<i32>} : memref<80x64xi32, #tpu.memory_space<vmem>>, vector<16xi32>,
          %bitcast3A_1217 = vector.bitcast %get3A_1216 : vector<16xi32> to vector<32xbf16>
          %mul3A_1218 = arith.mulf %bitcast3A_1213, %bitcast3A_1217 : vector<32xbf16>
          %unpack3A_1219 = tpu.unpack_subelements %mul3A_1218, 0 {pack_format = #tpu.pack_format<interleaved>} : vector<32xbf16> -> vector<16xf32>
          %unpack3A_1220 = tpu.unpack_subelements %mul3A_1218, 1 {pack_format = #tpu.pack_format<interleaved>} : vector<32xbf16> -> vector<16xf32>
          %add3A_1221 = arith.addf %broadcast_in_dim3A_1209, %unpack3A_1219 : vector<16xf32>
          %add3A_1222 = arith.addf %add3A_1221, %unpack3A_1220 : vector<16xf32>
          %get3A_1223 = arith.index_cast %add3A_1207 : i32 to index
          %get3A_1224 = arith.constant 16 : index
          %get3A_1225 = tpu.vector_load %arg25[%get3A_1223, %get3A_1224] {strides = array<i32>} : memref<80x64xi32, #tpu.memory_space<vmem>>, vector<16xi32>,
          %bitcast3A_1226 = vector.bitcast %get3A_1225 : vector<16xi32> to vector<32xbf16>
          %get3A_1227 = arith.index_cast %add3A_1207 : i32 to index
          %get3A_1228 = arith.constant 16 : index
          %get3A_1229 = tpu.vector_load %arg26[%get3A_1227, %get3A_1228] {strides = array<i32>} : memref<80x64xi32, #tpu.memory_space<vmem>>, vector<16xi32>,
          %bitcast3A_1230 = vector.bitcast %get3A_1229 : vector<16xi32> to vector<32xbf16>
          %mul3A_1231 = arith.mulf %bitcast3A_1226, %bitcast3A_1230 : vector<32xbf16>
          %unpack3A_1232 = tpu.unpack_subelements %mul3A_1231, 0 {pack_format = #tpu.pack_format<interleaved>} : vector<32xbf16> -> vector<16xf32>
          %unpack3A_1233 = tpu.unpack_subelements %mul3A_1231, 1 {pack_format = #tpu.pack_format<interleaved>} : vector<32xbf16> -> vector<16xf32>
          %add3A_1234 = arith.addf %add3A_1222, %unpack3A_1232 : vector<16xf32>
          %add3A_1235 = arith.addf %add3A_1234, %unpack3A_1233 : vector<16xf32>
          %get3A_1236 = arith.index_cast %add3A_1207 : i32 to index
          %get3A_1237 = arith.constant 32 : index
          %get3A_1238 = tpu.vector_load %arg25[%get3A_1236, %get3A_1237] {strides = array<i32>} : memref<80x64xi32, #tpu.memory_space<vmem>>, vector<16xi32>,
          %bitcast3A_1239 = vector.bitcast %get3A_1238 : vector<16xi32> to vector<32xbf16>
          %get3A_1240 = arith.index_cast %add3A_1207 : i32 to index
          %get3A_1241 = arith.constant 32 : index
          %get3A_1242 = tpu.vector_load %arg26[%get3A_1240, %get3A_1241] {strides = array<i32>} : memref<80x64xi32, #tpu.memory_space<vmem>>, vector<16xi32>,
          %bitcast3A_1243 = vector.bitcast %get3A_1242 : vector<16xi32> to vector<32xbf16>
          %mul3A_1244 = arith.mulf %bitcast3A_1239, %bitcast3A_1243 : vector<32xbf16>
          %unpack3A_1245 = tpu.unpack_subelements %mul3A_1244, 0 {pack_format = #tpu.pack_format<interleaved>} : vector<32xbf16> -> vector<16xf32>
          %unpack3A_1246 = tpu.unpack_subelements %mul3A_1244, 1 {pack_format = #tpu.pack_format<interleaved>} : vector<32xbf16> -> vector<16xf32>
          %add3A_1247 = arith.addf %add3A_1235, %unpack3A_1245 : vector<16xf32>
          %add3A_1248 = arith.addf %add3A_1247, %unpack3A_1246 : vector<16xf32>
          %get3A_1249 = arith.index_cast %add3A_1207 : i32 to index
          %get3A_1250 = arith.constant 48 : index
          %get3A_1251 = tpu.vector_load %arg25[%get3A_1249, %get3A_1250] {strides = array<i32>} : memref<80x64xi32, #tpu.memory_space<vmem>>, vector<16xi32>,
          %bitcast3A_1252 = vector.bitcast %get3A_1251 : vector<16xi32> to vector<32xbf16>
          %get3A_1253 = arith.index_cast %add3A_1207 : i32 to index
          %get3A_1254 = arith.constant 48 : index
          %get3A_1255 = tpu.vector_load %arg26[%get3A_1253, %get3A_1254] {strides = array<i32>} : memref<80x64xi32, #tpu.memory_space<vmem>>, vector<16xi32>,
          %bitcast3A_1256 = vector.bitcast %get3A_1255 : vector<16xi32> to vector<32xbf16>
          %mul3A_1257 = arith.mulf %bitcast3A_1252, %bitcast3A_1256 : vector<32xbf16>
          %unpack3A_1258 = tpu.unpack_subelements %mul3A_1257, 0 {pack_format = #tpu.pack_format<interleaved>} : vector<32xbf16> -> vector<16xf32>
          %unpack3A_1259 = tpu.unpack_subelements %mul3A_1257, 1 {pack_format = #tpu.pack_format<interleaved>} : vector<32xbf16> -> vector<16xf32>
          %add3A_1260 = arith.addf %add3A_1248, %unpack3A_1258 : vector<16xf32>
          %add3A_1261 = arith.addf %add3A_1260, %unpack3A_1259 : vector<16xf32>
          %reduce_sum3A_1262 = arith.constant true
          %reduce_sum3A_1263 = vector.broadcast %reduce_sum3A_1262 : i1 to vector<16xi1>
          %reduce_sum3A_1264 = tpu.scan <sum>, %add3A_1261 masked %reduce_sum3A_1263 : vector<16xf32>, vector<16xi1> -> vector<16xf32>
          %reduce_sum3A_1265 = vector.extract %reduce_sum3A_1264[15] : f32 from vector<16xf32>
          %eq3A_1266 = arith.constant 14 : i32
          %eq3A_1267 = vector.broadcast %eq3A_1266 : i32 to vector<16xi32>
          %eq3A_1268 = arith.cmpi eq, %iota3A, %eq3A_1267 : vector<16xi32>
          %broadcast_in_dim3A_1269 = vector.broadcast %reduce_sum3A_1265 : f32 to vector<16xf32>
          %select_n3A_1270 = arith.select %eq3A_1268, %broadcast_in_dim3A_1269, %select_n3A_1203 : vector<16xi1>, vector<16xf32>
          %mul3A_1271 = arith.constant 16 : i32
          %mul3A_1272 = arith.muli %scan3A_267, %mul3A_1271 : i32
          %add3A_1273 = arith.constant 15 : i32
          %add3A_1274 = arith.addi %mul3A_1272, %add3A_1273 : i32
          %broadcast_in_dim3A_1275 = arith.constant 0.000000e+00 : f32
          %broadcast_in_dim3A_1276 = vector.broadcast %broadcast_in_dim3A_1275 : f32 to vector<16xf32>
          %get3A_1277 = arith.index_cast %add3A_1274 : i32 to index
          %get3A_1278 = arith.constant 0 : index
          %get3A_1279 = tpu.vector_load %arg25[%get3A_1277, %get3A_1278] {strides = array<i32>} : memref<80x64xi32, #tpu.memory_space<vmem>>, vector<16xi32>,
          %bitcast3A_1280 = vector.bitcast %get3A_1279 : vector<16xi32> to vector<32xbf16>
          %get3A_1281 = arith.index_cast %add3A_1274 : i32 to index
          %get3A_1282 = arith.constant 0 : index
          %get3A_1283 = tpu.vector_load %arg26[%get3A_1281, %get3A_1282] {strides = array<i32>} : memref<80x64xi32, #tpu.memory_space<vmem>>, vector<16xi32>,
          %bitcast3A_1284 = vector.bitcast %get3A_1283 : vector<16xi32> to vector<32xbf16>
          %mul3A_1285 = arith.mulf %bitcast3A_1280, %bitcast3A_1284 : vector<32xbf16>
          %unpack3A_1286 = tpu.unpack_subelements %mul3A_1285, 0 {pack_format = #tpu.pack_format<interleaved>} : vector<32xbf16> -> vector<16xf32>
          %unpack3A_1287 = tpu.unpack_subelements %mul3A_1285, 1 {pack_format = #tpu.pack_format<interleaved>} : vector<32xbf16> -> vector<16xf32>
          %add3A_1288 = arith.addf %broadcast_in_dim3A_1276, %unpack3A_1286 : vector<16xf32>
          %add3A_1289 = arith.addf %add3A_1288, %unpack3A_1287 : vector<16xf32>
          %get3A_1290 = arith.index_cast %add3A_1274 : i32 to index
          %get3A_1291 = arith.constant 16 : index
          %get3A_1292 = tpu.vector_load %arg25[%get3A_1290, %get3A_1291] {strides = array<i32>} : memref<80x64xi32, #tpu.memory_space<vmem>>, vector<16xi32>,
          %bitcast3A_1293 = vector.bitcast %get3A_1292 : vector<16xi32> to vector<32xbf16>
          %get3A_1294 = arith.index_cast %add3A_1274 : i32 to index
          %get3A_1295 = arith.constant 16 : index
          %get3A_1296 = tpu.vector_load %arg26[%get3A_1294, %get3A_1295] {strides = array<i32>} : memref<80x64xi32, #tpu.memory_space<vmem>>, vector<16xi32>,
          %bitcast3A_1297 = vector.bitcast %get3A_1296 : vector<16xi32> to vector<32xbf16>
          %mul3A_1298 = arith.mulf %bitcast3A_1293, %bitcast3A_1297 : vector<32xbf16>
          %unpack3A_1299 = tpu.unpack_subelements %mul3A_1298, 0 {pack_format = #tpu.pack_format<interleaved>} : vector<32xbf16> -> vector<16xf32>
          %unpack3A_1300 = tpu.unpack_subelements %mul3A_1298, 1 {pack_format = #tpu.pack_format<interleaved>} : vector<32xbf16> -> vector<16xf32>
          %add3A_1301 = arith.addf %add3A_1289, %unpack3A_1299 : vector<16xf32>
          %add3A_1302 = arith.addf %add3A_1301, %unpack3A_1300 : vector<16xf32>
          %get3A_1303 = arith.index_cast %add3A_1274 : i32 to index
          %get3A_1304 = arith.constant 32 : index
          %get3A_1305 = tpu.vector_load %arg25[%get3A_1303, %get3A_1304] {strides = array<i32>} : memref<80x64xi32, #tpu.memory_space<vmem>>, vector<16xi32>,
          %bitcast3A_1306 = vector.bitcast %get3A_1305 : vector<16xi32> to vector<32xbf16>
          %get3A_1307 = arith.index_cast %add3A_1274 : i32 to index
          %get3A_1308 = arith.constant 32 : index
          %get3A_1309 = tpu.vector_load %arg26[%get3A_1307, %get3A_1308] {strides = array<i32>} : memref<80x64xi32, #tpu.memory_space<vmem>>, vector<16xi32>,
          %bitcast3A_1310 = vector.bitcast %get3A_1309 : vector<16xi32> to vector<32xbf16>
          %mul3A_1311 = arith.mulf %bitcast3A_1306, %bitcast3A_1310 : vector<32xbf16>
          %unpack3A_1312 = tpu.unpack_subelements %mul3A_1311, 0 {pack_format = #tpu.pack_format<interleaved>} : vector<32xbf16> -> vector<16xf32>
          %unpack3A_1313 = tpu.unpack_subelements %mul3A_1311, 1 {pack_format = #tpu.pack_format<interleaved>} : vector<32xbf16> -> vector<16xf32>
          %add3A_1314 = arith.addf %add3A_1302, %unpack3A_1312 : vector<16xf32>
          %add3A_1315 = arith.addf %add3A_1314, %unpack3A_1313 : vector<16xf32>
          %get3A_1316 = arith.index_cast %add3A_1274 : i32 to index
          %get3A_1317 = arith.constant 48 : index
          %get3A_1318 = tpu.vector_load %arg25[%get3A_1316, %get3A_1317] {strides = array<i32>} : memref<80x64xi32, #tpu.memory_space<vmem>>, vector<16xi32>,
          %bitcast3A_1319 = vector.bitcast %get3A_1318 : vector<16xi32> to vector<32xbf16>
          %get3A_1320 = arith.index_cast %add3A_1274 : i32 to index
          %get3A_1321 = arith.constant 48 : index
          %get3A_1322 = tpu.vector_load %arg26[%get3A_1320, %get3A_1321] {strides = array<i32>} : memref<80x64xi32, #tpu.memory_space<vmem>>, vector<16xi32>,
          %bitcast3A_1323 = vector.bitcast %get3A_1322 : vector<16xi32> to vector<32xbf16>
          %mul3A_1324 = arith.mulf %bitcast3A_1319, %bitcast3A_1323 : vector<32xbf16>
          %unpack3A_1325 = tpu.unpack_subelements %mul3A_1324, 0 {pack_format = #tpu.pack_format<interleaved>} : vector<32xbf16> -> vector<16xf32>
          %unpack3A_1326 = tpu.unpack_subelements %mul3A_1324, 1 {pack_format = #tpu.pack_format<interleaved>} : vector<32xbf16> -> vector<16xf32>
          %add3A_1327 = arith.addf %add3A_1315, %unpack3A_1325 : vector<16xf32>
          %add3A_1328 = arith.addf %add3A_1327, %unpack3A_1326 : vector<16xf32>
          %reduce_sum3A_1329 = arith.constant true
          %reduce_sum3A_1330 = vector.broadcast %reduce_sum3A_1329 : i1 to vector<16xi1>
          %reduce_sum3A_1331 = tpu.scan <sum>, %add3A_1328 masked %reduce_sum3A_1330 : vector<16xf32>, vector<16xi1> -> vector<16xf32>
          %reduce_sum3A_1332 = vector.extract %reduce_sum3A_1331[15] : f32 from vector<16xf32>
          %eq3A_1333 = arith.constant 15 : i32
          %eq3A_1334 = vector.broadcast %eq3A_1333 : i32 to vector<16xi32>
          %eq3A_1335 = arith.cmpi eq, %iota3A, %eq3A_1334 : vector<16xi32>
          %broadcast_in_dim3A_1336 = vector.broadcast %reduce_sum3A_1332 : f32 to vector<16xf32>
          %select_n3A_1337 = arith.select %eq3A_1335, %broadcast_in_dim3A_1336, %select_n3A_1270 : vector<16xi1>, vector<16xf32>
          %mul3A_1338 = arith.constant 16 : i32
          %mul3A_1339 = arith.muli %scan3A_267, %mul3A_1338 : i32
          %get3A_1340 = arith.index_cast %mul3A_1339 : i32 to index
          %get3A_1341 = tpu.vector_load %arg18[%get3A_1340] {strides = array<i32>} : memref<80xi32, #tpu.memory_space<vmem>>, vector<16xi32>,
          %masked_sort3A = arith.constant dense<true> : vector<16xi1>
          %masked_sort3A_1342, %masked_sort3A_1343, %masked_sort3A_1344 = tpu.sort %select_n3A_1337, %get3A_1341 masked %masked_sort3A {descending = true} : (vector<16xf32>, vector<16xi32>, vector<16xi1>) -> (vector<16xi1>, vector<16xf32>, vector<16xi32>)
          %masked_sort3A_1345 = arith.constant dense<true> : vector<16xi1>
          %masked_sort3A_1346 = arith.constant -2147483648 : i32
          %masked_sort3A_1347 = vector.broadcast %masked_sort3A_1346 : i32 to vector<16xi32>
          %masked_sort3A_1348 = arith.xori %masked_sort3A_1344, %masked_sort3A_1347 : vector<16xi32>
          %masked_sort3A_1349, %masked_sort3A_1350, %masked_sort3A_1351 = tpu.sort %masked_sort3A_1348, %masked_sort3A_1343 masked %masked_sort3A_1345 : (vector<16xi32>, vector<16xf32>, vector<16xi1>) -> (vector<16xi1>, vector<16xi32>, vector<16xf32>)
          %masked_sort3A_1352 = arith.xori %masked_sort3A_1350, %masked_sort3A_1347 : vector<16xi32>
          %swap3A_1353 = arith.constant 0 : index
          %swap3A_1354 = tpu.vector_load %arg27[%swap3A_1353] {strides = array<i32>} : memref<16xi32, #tpu.memory_space<vmem>>, vector<16xi32>,
          tpu.vector_store %arg27[%swap3A_1353], %masked_sort3A_1352 {strides = array<i32>} : memref<16xi32, #tpu.memory_space<vmem>>, vector<16xi32>,
          %sub3A = arith.constant 1 : i32
          %sub3A_1355 = vector.broadcast %sub3A : i32 to vector<16xi32>
          %sub3A_1356 = arith.subi %iota3A, %sub3A_1355 : vector<16xi32>
          %max3A = arith.constant 0 : i32
          %max3A_1357 = vector.broadcast %max3A : i32 to vector<16xi32>
          %max3A_1358 = arith.maxsi %sub3A_1356, %max3A_1357 : vector<16xi32>
          %gather3A_1359 = tpu.vector_load_idx %arg27[%max3A_1358] : memref<16xi32, #tpu.memory_space<vmem>>[vector<16xi32>], vector<16xi32>,
          %eq3A_1360 = arith.constant 0 : i32
          %eq3A_1361 = vector.broadcast %eq3A_1360 : i32 to vector<16xi32>
          %eq3A_1362 = arith.cmpi eq, %iota3A, %eq3A_1361 : vector<16xi32>
          %ne3A = arith.cmpi ne, %masked_sort3A_1352, %gather3A_1359 : vector<16xi32>
          %or3A = arith.ori %eq3A_1362, %ne3A : vector<16xi1>
          %gather3A_1363 = tpu.vector_load_idx %arg13[%masked_sort3A_1352] : memref<10240xf32, #tpu.memory_space<vmem>>[vector<16xi32>], vector<16xf32>,
          %max3A_1364 = arith.maximumf %gather3A_1363, %masked_sort3A_1351 : vector<16xf32>
          tpu.vector_store_idx %arg13[%masked_sort3A_1352], %max3A_1364 masked %or3A : memref<10240xf32, #tpu.memory_space<vmem>>[vector<16xi32>], vector<16xf32>, vector<16xi1>
          %broadcast_in_dim3A_1365 = arith.constant 1.000000e+00 : f32
          %broadcast_in_dim3A_1366 = vector.broadcast %broadcast_in_dim3A_1365 : f32 to vector<16xf32>
          tpu.vector_store_idx %arg14[%masked_sort3A_1352], %broadcast_in_dim3A_1366 masked %or3A : memref<10240xf32, #tpu.memory_space<vmem>>[vector<16xi32>], vector<16xf32>, vector<16xi1>
          %scan3A_1367 = arith.constant 0 : i32
          scf.yield %scan3A_1367 : i32
        }
        %scan3A_266 = arith.constant 5 : i32
      } else {
      }
      %dma_wait3A_139 = arith.constant 0 : i32
      %dma_wait3A_140 = arith.constant 0 : i32
      %dma_wait3A_141 = tpu.memref_slice %arg5[%dma_wait3A_139, %dma_wait3A_140] : memref<2x320000xi32, #tpu.memory_space<hbm>> -> memref<2x80xi32, #tpu.memory_space<hbm>>
      %dma_wait3A_142 = arith.constant 0 : i32
      %dma_wait3A_143 = arith.constant 0 : i32
      %dma_wait3A_144 = tpu.memref_slice %arg5[%dma_wait3A_142, %dma_wait3A_143] : memref<2x320000xi32, #tpu.memory_space<hbm>> -> memref<2x80xi32, #tpu.memory_space<hbm>>
      tpu.wait_dma2 semaphore(%arg31 : memref<!tpu.dma_semaphore, #tpu.memory_space<semaphore_mem>>) src(%dma_wait3A_144 : memref<2x80xi32, #tpu.memory_space<hbm>>) dst(%arg16 : memref<2x80xi32, #tpu.memory_space<vmem>>)
      %get3A_145 = arith.constant 0 : i32
      %get3A_146 = arith.index_cast %get3A_145 : i32 to index
      %get3A_147 = arith.constant 0 : index
      %get3A_148 = tpu.vector_load %arg16[%get3A_146, %get3A_147] {strides = array<i32>} : memref<2x80xi32, #tpu.memory_space<vmem>>, vector<16xi32>,
      %get3A_149 = arith.constant 1 : i32
      %get3A_150 = arith.index_cast %get3A_149 : i32 to index
      %get3A_151 = arith.constant 0 : index
      %get3A_152 = tpu.vector_load %arg16[%get3A_150, %get3A_151] {strides = array<i32>} : memref<2x80xi32, #tpu.memory_space<vmem>>, vector<16xi32>,
      %gather3A_153 = tpu.vector_load_idx %arg10[%get3A_148] : memref<10000xi32, #tpu.memory_space<vmem>>[vector<16xi32>], vector<16xi32>,
      %swap3A_154 = arith.constant 0 : index
      %swap3A_155 = tpu.vector_load %arg21[%swap3A_154] {strides = array<i32>} : memref<80xi32, #tpu.memory_space<vmem>>, vector<16xi32>,
      tpu.vector_store %arg21[%swap3A_154], %gather3A_153 {strides = array<i32>} : memref<80xi32, #tpu.memory_space<vmem>>, vector<16xi32>,
      %gather3A_156 = tpu.vector_load_idx %arg10[%get3A_152] : memref<10000xi32, #tpu.memory_space<vmem>>[vector<16xi32>], vector<16xi32>,
      %swap3A_157 = arith.constant 0 : index
      %swap3A_158 = tpu.vector_load %arg22[%swap3A_157] {strides = array<i32>} : memref<80xi32, #tpu.memory_space<vmem>>, vector<16xi32>,
      tpu.vector_store %arg22[%swap3A_157], %gather3A_156 {strides = array<i32>} : memref<80xi32, #tpu.memory_space<vmem>>, vector<16xi32>,
      %swap3A_159 = arith.constant 0 : index
      %swap3A_160 = tpu.vector_load %arg18[%swap3A_159] {strides = array<i32>} : memref<80xi32, #tpu.memory_space<vmem>>, vector<16xi32>,
      tpu.vector_store %arg18[%swap3A_159], %get3A_148 {strides = array<i32>} : memref<80xi32, #tpu.memory_space<vmem>>, vector<16xi32>,
      %get3A_161 = arith.constant 0 : i32
      %get3A_162 = arith.index_cast %get3A_161 : i32 to index
      %get3A_163 = arith.constant 16 : index
      %get3A_164 = tpu.vector_load %arg16[%get3A_162, %get3A_163] {strides = array<i32>} : memref<2x80xi32, #tpu.memory_space<vmem>>, vector<16xi32>,
      %get3A_165 = arith.constant 1 : i32
      %get3A_166 = arith.index_cast %get3A_165 : i32 to index
      %get3A_167 = arith.constant 16 : index
      %get3A_168 = tpu.vector_load %arg16[%get3A_166, %get3A_167] {strides = array<i32>} : memref<2x80xi32, #tpu.memory_space<vmem>>, vector<16xi32>,
      %gather3A_169 = tpu.vector_load_idx %arg10[%get3A_164] : memref<10000xi32, #tpu.memory_space<vmem>>[vector<16xi32>], vector<16xi32>,
      %swap3A_170 = arith.constant 16 : index
      %swap3A_171 = tpu.vector_load %arg21[%swap3A_170] {strides = array<i32>} : memref<80xi32, #tpu.memory_space<vmem>>, vector<16xi32>,
      tpu.vector_store %arg21[%swap3A_170], %gather3A_169 {strides = array<i32>} : memref<80xi32, #tpu.memory_space<vmem>>, vector<16xi32>,
      %gather3A_172 = tpu.vector_load_idx %arg10[%get3A_168] : memref<10000xi32, #tpu.memory_space<vmem>>[vector<16xi32>], vector<16xi32>,
      %swap3A_173 = arith.constant 16 : index
      %swap3A_174 = tpu.vector_load %arg22[%swap3A_173] {strides = array<i32>} : memref<80xi32, #tpu.memory_space<vmem>>, vector<16xi32>,
      tpu.vector_store %arg22[%swap3A_173], %gather3A_172 {strides = array<i32>} : memref<80xi32, #tpu.memory_space<vmem>>, vector<16xi32>,
      %swap3A_175 = arith.constant 16 : index
      %swap3A_176 = tpu.vector_load %arg18[%swap3A_175] {strides = array<i32>} : memref<80xi32, #tpu.memory_space<vmem>>, vector<16xi32>,
      tpu.vector_store %arg18[%swap3A_175], %get3A_164 {strides = array<i32>} : memref<80xi32, #tpu.memory_space<vmem>>, vector<16xi32>,
      %get3A_177 = arith.constant 0 : i32
      %get3A_178 = arith.index_cast %get3A_177 : i32 to index
      %get3A_179 = arith.constant 32 : index
      %get3A_180 = tpu.vector_load %arg16[%get3A_178, %get3A_179] {strides = array<i32>} : memref<2x80xi32, #tpu.memory_space<vmem>>, vector<16xi32>,
      %get3A_181 = arith.constant 1 : i32
      %get3A_182 = arith.index_cast %get3A_181 : i32 to index
      %get3A_183 = arith.constant 32 : index
      %get3A_184 = tpu.vector_load %arg16[%get3A_182, %get3A_183] {strides = array<i32>} : memref<2x80xi32, #tpu.memory_space<vmem>>, vector<16xi32>,
      %gather3A_185 = tpu.vector_load_idx %arg10[%get3A_180] : memref<10000xi32, #tpu.memory_space<vmem>>[vector<16xi32>], vector<16xi32>,
      %swap3A_186 = arith.constant 32 : index
      %swap3A_187 = tpu.vector_load %arg21[%swap3A_186] {strides = array<i32>} : memref<80xi32, #tpu.memory_space<vmem>>, vector<16xi32>,
      tpu.vector_store %arg21[%swap3A_186], %gather3A_185 {strides = array<i32>} : memref<80xi32, #tpu.memory_space<vmem>>, vector<16xi32>,
      %gather3A_188 = tpu.vector_load_idx %arg10[%get3A_184] : memref<10000xi32, #tpu.memory_space<vmem>>[vector<16xi32>], vector<16xi32>,
      %swap3A_189 = arith.constant 32 : index
      %swap3A_190 = tpu.vector_load %arg22[%swap3A_189] {strides = array<i32>} : memref<80xi32, #tpu.memory_space<vmem>>, vector<16xi32>,
      tpu.vector_store %arg22[%swap3A_189], %gather3A_188 {strides = array<i32>} : memref<80xi32, #tpu.memory_space<vmem>>, vector<16xi32>,
      %swap3A_191 = arith.constant 32 : index
      %swap3A_192 = tpu.vector_load %arg18[%swap3A_191] {strides = array<i32>} : memref<80xi32, #tpu.memory_space<vmem>>, vector<16xi32>,
      tpu.vector_store %arg18[%swap3A_191], %get3A_180 {strides = array<i32>} : memref<80xi32, #tpu.memory_space<vmem>>, vector<16xi32>,
      %get3A_193 = arith.constant 0 : i32
      %get3A_194 = arith.index_cast %get3A_193 : i32 to index
      %get3A_195 = arith.constant 48 : index
      %get3A_196 = tpu.vector_load %arg16[%get3A_194, %get3A_195] {strides = array<i32>} : memref<2x80xi32, #tpu.memory_space<vmem>>, vector<16xi32>,
      %get3A_197 = arith.constant 1 : i32
      %get3A_198 = arith.index_cast %get3A_197 : i32 to index
      %get3A_199 = arith.constant 48 : index
      %get3A_200 = tpu.vector_load %arg16[%get3A_198, %get3A_199] {strides = array<i32>} : memref<2x80xi32, #tpu.memory_space<vmem>>, vector<16xi32>,
      %gather3A_201 = tpu.vector_load_idx %arg10[%get3A_196] : memref<10000xi32, #tpu.memory_space<vmem>>[vector<16xi32>], vector<16xi32>,
      %swap3A_202 = arith.constant 48 : index
      %swap3A_203 = tpu.vector_load %arg21[%swap3A_202] {strides = array<i32>} : memref<80xi32, #tpu.memory_space<vmem>>, vector<16xi32>,
      tpu.vector_store %arg21[%swap3A_202], %gather3A_201 {strides = array<i32>} : memref<80xi32, #tpu.memory_space<vmem>>, vector<16xi32>,
      %gather3A_204 = tpu.vector_load_idx %arg10[%get3A_200] : memref<10000xi32, #tpu.memory_space<vmem>>[vector<16xi32>], vector<16xi32>,
      %swap3A_205 = arith.constant 48 : index
      %swap3A_206 = tpu.vector_load %arg22[%swap3A_205] {strides = array<i32>} : memref<80xi32, #tpu.memory_space<vmem>>, vector<16xi32>,
      tpu.vector_store %arg22[%swap3A_205], %gather3A_204 {strides = array<i32>} : memref<80xi32, #tpu.memory_space<vmem>>, vector<16xi32>,
      %swap3A_207 = arith.constant 48 : index
      %swap3A_208 = tpu.vector_load %arg18[%swap3A_207] {strides = array<i32>} : memref<80xi32, #tpu.memory_space<vmem>>, vector<16xi32>,
      tpu.vector_store %arg18[%swap3A_207], %get3A_196 {strides = array<i32>} : memref<80xi32, #tpu.memory_space<vmem>>, vector<16xi32>,
      %get3A_209 = arith.constant 0 : i32
      %get3A_210 = arith.index_cast %get3A_209 : i32 to index
      %get3A_211 = arith.constant 64 : index
      %get3A_212 = tpu.vector_load %arg16[%get3A_210, %get3A_211] {strides = array<i32>} : memref<2x80xi32, #tpu.memory_space<vmem>>, vector<16xi32>,
      %get3A_213 = arith.constant 1 : i32
      %get3A_214 = arith.index_cast %get3A_213 : i32 to index
      %get3A_215 = arith.constant 64 : index
      %get3A_216 = tpu.vector_load %arg16[%get3A_214, %get3A_215] {strides = array<i32>} : memref<2x80xi32, #tpu.memory_space<vmem>>, vector<16xi32>,
      %gather3A_217 = tpu.vector_load_idx %arg10[%get3A_212] : memref<10000xi32, #tpu.memory_space<vmem>>[vector<16xi32>], vector<16xi32>,
      %swap3A_218 = arith.constant 64 : index
      %swap3A_219 = tpu.vector_load %arg21[%swap3A_218] {strides = array<i32>} : memref<80xi32, #tpu.memory_space<vmem>>, vector<16xi32>,
      tpu.vector_store %arg21[%swap3A_218], %gather3A_217 {strides = array<i32>} : memref<80xi32, #tpu.memory_space<vmem>>, vector<16xi32>,
      %gather3A_220 = tpu.vector_load_idx %arg10[%get3A_216] : memref<10000xi32, #tpu.memory_space<vmem>>[vector<16xi32>], vector<16xi32>,
      %swap3A_221 = arith.constant 64 : index
      %swap3A_222 = tpu.vector_load %arg22[%swap3A_221] {strides = array<i32>} : memref<80xi32, #tpu.memory_space<vmem>>, vector<16xi32>,
      tpu.vector_store %arg22[%swap3A_221], %gather3A_220 {strides = array<i32>} : memref<80xi32, #tpu.memory_space<vmem>>, vector<16xi32>,
      %swap3A_223 = arith.constant 64 : index
      %swap3A_224 = tpu.vector_load %arg18[%swap3A_223] {strides = array<i32>} : memref<80xi32, #tpu.memory_space<vmem>>, vector<16xi32>,
      tpu.vector_store %arg18[%swap3A_223], %get3A_212 {strides = array<i32>} : memref<80xi32, #tpu.memory_space<vmem>>, vector<16xi32>,
      %dma_start3A_225 = arith.constant 0 : i32
      %dma_start3A_226 = arith.constant 0 : i32
      %dma_start3A_227 = tpu.memref_slice %arg2[%dma_start3A_225, %dma_start3A_226] : memref<10000x64xi32, #tpu.memory_space<hbm>> -> memref<10000x64xi32, #tpu.memory_space<hbm>>
      tpu.enqueue_indirect_dma source(%dma_start3A_227 : memref<10000x64xi32, #tpu.memory_space<hbm>>) target(%arg25 : memref<80x64xi32, #tpu.memory_space<vmem>>) offsets(%arg21 : memref<80xi32, #tpu.memory_space<vmem>>) semaphore(%arg34 : memref<!tpu.dma_semaphore, #tpu.memory_space<semaphore_mem>>)
      %dma_start3A_228 = arith.constant 0 : i32
      %dma_start3A_229 = arith.constant 0 : i32
      %dma_start3A_230 = tpu.memref_slice %arg2[%dma_start3A_228, %dma_start3A_229] : memref<10000x64xi32, #tpu.memory_space<hbm>> -> memref<10000x64xi32, #tpu.memory_space<hbm>>
      tpu.enqueue_indirect_dma source(%dma_start3A_230 : memref<10000x64xi32, #tpu.memory_space<hbm>>) target(%arg26 : memref<80x64xi32, #tpu.memory_space<vmem>>) offsets(%arg22 : memref<80xi32, #tpu.memory_space<vmem>>) semaphore(%arg35 : memref<!tpu.dma_semaphore, #tpu.memory_space<semaphore_mem>>)
      %add3A_231 = arith.constant 1 : i32
      %add3A_232 = arith.addi %scan3A_40, %add3A_231 : i32
      %min3A = arith.constant 124 : i32
      %min3A_233 = arith.minsi %add3A_232, %min3A : i32
      %mul3A_234 = arith.constant 80 : i32
      %mul3A_235 = arith.muli %min3A_233, %mul3A_234 : i32
      %add3A_236 = arith.addi %mul3A_2, %mul3A_235 : i32
      %dma_start3A_237 = arith.constant 0 : i32
      %dma_start3A_238 = tpu.memref_slice %arg4[%dma_start3A_237, %add3A_236] : memref<2x320000xi32, #tpu.memory_space<hbm>> -> memref<2x80xi32, #tpu.memory_space<hbm>>
      %dma_start3A_239 = arith.constant 0 : i32
      %dma_start3A_240 = tpu.memref_slice %arg4[%dma_start3A_239, %add3A_236] : memref<2x320000xi32, #tpu.memory_space<hbm>> -> memref<2x80xi32, #tpu.memory_space<hbm>>
      tpu.enqueue_dma source(%dma_start3A_240 : memref<2x80xi32, #tpu.memory_space<hbm>>) target(%arg15 : memref<2x80xi32, #tpu.memory_space<vmem>>) target_semaphore(%arg30 : memref<!tpu.dma_semaphore, #tpu.memory_space<semaphore_mem>>)
      %dma_wait3A_241 = arith.constant 0 : i32
      %dma_wait3A_242 = arith.constant 0 : i32
      %dma_wait3A_243 = tpu.memref_slice %arg2[%dma_wait3A_241, %dma_wait3A_242] : memref<10000x64xi32, #tpu.memory_space<hbm>> -> memref<10000x64xi32, #tpu.memory_space<hbm>>
      tpu.wait_indirect_dma semaphore(%arg32 : memref<!tpu.dma_semaphore, #tpu.memory_space<semaphore_mem>>) src(%dma_wait3A_243 : memref<10000x64xi32, #tpu.memory_space<hbm>>) dst(%arg23 : memref<80x64xi32, #tpu.memory_space<vmem>>)
      %dma_wait3A_244 = arith.constant 0 : i32
      %dma_wait3A_245 = arith.constant 0 : i32
      %dma_wait3A_246 = tpu.memref_slice %arg2[%dma_wait3A_244, %dma_wait3A_245] : memref<10000x64xi32, #tpu.memory_space<hbm>> -> memref<10000x64xi32, #tpu.memory_space<hbm>>
      tpu.wait_indirect_dma semaphore(%arg33 : memref<!tpu.dma_semaphore, #tpu.memory_space<semaphore_mem>>) src(%dma_wait3A_246 : memref<10000x64xi32, #tpu.memory_space<hbm>>) dst(%arg24 : memref<80x64xi32, #tpu.memory_space<vmem>>)
      %scan3A_247 = arith.constant 0 : i32
      %scan3A_248 = arith.constant 0 : i32
      %scan3A_249 = arith.constant 5 : i32
      %scan3A_250 = arith.addi %scan3A_248, %scan3A_249 : i32
      %scan3A_251 = arith.constant 1 : i32
      %scan3A_252 = scf.for %scan3A_254 = %scan3A_248 to %scan3A_250 step %scan3A_251 iter_args(%scan3A_255 = %scan3A_247) -> (i32)  : i32 {
        %broadcast_in_dim3A_256 = arith.constant 0.000000e+00 : f32
        %broadcast_in_dim3A_257 = vector.broadcast %broadcast_in_dim3A_256 : f32 to vector<16xf32>
        %mul3A_258 = arith.constant 16 : i32
        %mul3A_259 = arith.muli %scan3A_254, %mul3A_258 : i32
        %add3A_260 = arith.constant 0 : i32
        %add3A_261 = arith.addi %mul3A_259, %add3A_260 : i32
        %broadcast_in_dim3A_262 = arith.constant 0.000000e+00 : f32
        %broadcast_in_dim3A_263 = vector.broadcast %broadcast_in_dim3A_262 : f32 to vector<16xf32>
        %get3A_264 = arith.index_cast %add3A_261 : i32 to index
        %get3A_265 = arith.constant 0 : index
        %get3A_266 = tpu.vector_load %arg23[%get3A_264, %get3A_265] {strides = array<i32>} : memref<80x64xi32, #tpu.memory_space<vmem>>, vector<16xi32>,
        %bitcast3A = vector.bitcast %get3A_266 : vector<16xi32> to vector<32xbf16>
        %get3A_267 = arith.index_cast %add3A_261 : i32 to index
        %get3A_268 = arith.constant 0 : index
        %get3A_269 = tpu.vector_load %arg24[%get3A_267, %get3A_268] {strides = array<i32>} : memref<80x64xi32, #tpu.memory_space<vmem>>, vector<16xi32>,
        %bitcast3A_270 = vector.bitcast %get3A_269 : vector<16xi32> to vector<32xbf16>
        %mul3A_271 = arith.mulf %bitcast3A, %bitcast3A_270 : vector<32xbf16>
        %unpack3A = tpu.unpack_subelements %mul3A_271, 0 {pack_format = #tpu.pack_format<interleaved>} : vector<32xbf16> -> vector<16xf32>
        %unpack3A_272 = tpu.unpack_subelements %mul3A_271, 1 {pack_format = #tpu.pack_format<interleaved>} : vector<32xbf16> -> vector<16xf32>
        %add3A_273 = arith.addf %broadcast_in_dim3A_263, %unpack3A : vector<16xf32>
        %add3A_274 = arith.addf %add3A_273, %unpack3A_272 : vector<16xf32>
        %get3A_275 = arith.index_cast %add3A_261 : i32 to index
        %get3A_276 = arith.constant 16 : index
        %get3A_277 = tpu.vector_load %arg23[%get3A_275, %get3A_276] {strides = array<i32>} : memref<80x64xi32, #tpu.memory_space<vmem>>, vector<16xi32>,
        %bitcast3A_278 = vector.bitcast %get3A_277 : vector<16xi32> to vector<32xbf16>
        %get3A_279 = arith.index_cast %add3A_261 : i32 to index
        %get3A_280 = arith.constant 16 : index
        %get3A_281 = tpu.vector_load %arg24[%get3A_279, %get3A_280] {strides = array<i32>} : memref<80x64xi32, #tpu.memory_space<vmem>>, vector<16xi32>,
        %bitcast3A_282 = vector.bitcast %get3A_281 : vector<16xi32> to vector<32xbf16>
        %mul3A_283 = arith.mulf %bitcast3A_278, %bitcast3A_282 : vector<32xbf16>
        %unpack3A_284 = tpu.unpack_subelements %mul3A_283, 0 {pack_format = #tpu.pack_format<interleaved>} : vector<32xbf16> -> vector<16xf32>
        %unpack3A_285 = tpu.unpack_subelements %mul3A_283, 1 {pack_format = #tpu.pack_format<interleaved>} : vector<32xbf16> -> vector<16xf32>
        %add3A_286 = arith.addf %add3A_274, %unpack3A_284 : vector<16xf32>
        %add3A_287 = arith.addf %add3A_286, %unpack3A_285 : vector<16xf32>
        %get3A_288 = arith.index_cast %add3A_261 : i32 to index
        %get3A_289 = arith.constant 32 : index
        %get3A_290 = tpu.vector_load %arg23[%get3A_288, %get3A_289] {strides = array<i32>} : memref<80x64xi32, #tpu.memory_space<vmem>>, vector<16xi32>,
        %bitcast3A_291 = vector.bitcast %get3A_290 : vector<16xi32> to vector<32xbf16>
        %get3A_292 = arith.index_cast %add3A_261 : i32 to index
        %get3A_293 = arith.constant 32 : index
        %get3A_294 = tpu.vector_load %arg24[%get3A_292, %get3A_293] {strides = array<i32>} : memref<80x64xi32, #tpu.memory_space<vmem>>, vector<16xi32>,
        %bitcast3A_295 = vector.bitcast %get3A_294 : vector<16xi32> to vector<32xbf16>
        %mul3A_296 = arith.mulf %bitcast3A_291, %bitcast3A_295 : vector<32xbf16>
        %unpack3A_297 = tpu.unpack_subelements %mul3A_296, 0 {pack_format = #tpu.pack_format<interleaved>} : vector<32xbf16> -> vector<16xf32>
        %unpack3A_298 = tpu.unpack_subelements %mul3A_296, 1 {pack_format = #tpu.pack_format<interleaved>} : vector<32xbf16> -> vector<16xf32>
        %add3A_299 = arith.addf %add3A_287, %unpack3A_297 : vector<16xf32>
        %add3A_300 = arith.addf %add3A_299, %unpack3A_298 : vector<16xf32>
        %get3A_301 = arith.index_cast %add3A_261 : i32 to index
        %get3A_302 = arith.constant 48 : index
        %get3A_303 = tpu.vector_load %arg23[%get3A_301, %get3A_302] {strides = array<i32>} : memref<80x64xi32, #tpu.memory_space<vmem>>, vector<16xi32>,
        %bitcast3A_304 = vector.bitcast %get3A_303 : vector<16xi32> to vector<32xbf16>
        %get3A_305 = arith.index_cast %add3A_261 : i32 to index
        %get3A_306 = arith.constant 48 : index
        %get3A_307 = tpu.vector_load %arg24[%get3A_305, %get3A_306] {strides = array<i32>} : memref<80x64xi32, #tpu.memory_space<vmem>>, vector<16xi32>,
        %bitcast3A_308 = vector.bitcast %get3A_307 : vector<16xi32> to vector<32xbf16>
        %mul3A_309 = arith.mulf %bitcast3A_304, %bitcast3A_308 : vector<32xbf16>
        %unpack3A_310 = tpu.unpack_subelements %mul3A_309, 0 {pack_format = #tpu.pack_format<interleaved>} : vector<32xbf16> -> vector<16xf32>
        %unpack3A_311 = tpu.unpack_subelements %mul3A_309, 1 {pack_format = #tpu.pack_format<interleaved>} : vector<32xbf16> -> vector<16xf32>
        %add3A_312 = arith.addf %add3A_300, %unpack3A_310 : vector<16xf32>
        %add3A_313 = arith.addf %add3A_312, %unpack3A_311 : vector<16xf32>
        %reduce_sum3A = arith.constant true
        %reduce_sum3A_314 = vector.broadcast %reduce_sum3A : i1 to vector<16xi1>
        %reduce_sum3A_315 = tpu.scan <sum>, %add3A_313 masked %reduce_sum3A_314 : vector<16xf32>, vector<16xi1> -> vector<16xf32>
        %reduce_sum3A_316 = vector.extract %reduce_sum3A_315[15] : f32 from vector<16xf32>
        %eq3A = arith.constant 0 : i32
        %eq3A_317 = vector.broadcast %eq3A : i32 to vector<16xi32>
        %eq3A_318 = arith.cmpi eq, %iota3A, %eq3A_317 : vector<16xi32>
        %broadcast_in_dim3A_319 = vector.broadcast %reduce_sum3A_316 : f32 to vector<16xf32>
        %select_n3A = arith.select %eq3A_318, %broadcast_in_dim3A_319, %broadcast_in_dim3A_257 : vector<16xi1>, vector<16xf32>
        %mul3A_320 = arith.constant 16 : i32
        %mul3A_321 = arith.muli %scan3A_254, %mul3A_320 : i32
        %add3A_322 = arith.constant 1 : i32
        %add3A_323 = arith.addi %mul3A_321, %add3A_322 : i32
        %broadcast_in_dim3A_324 = arith.constant 0.000000e+00 : f32
        %broadcast_in_dim3A_325 = vector.broadcast %broadcast_in_dim3A_324 : f32 to vector<16xf32>
        %get3A_326 = arith.index_cast %add3A_323 : i32 to index
        %get3A_327 = arith.constant 0 : index
        %get3A_328 = tpu.vector_load %arg23[%get3A_326, %get3A_327] {strides = array<i32>} : memref<80x64xi32, #tpu.memory_space<vmem>>, vector<16xi32>,
        %bitcast3A_329 = vector.bitcast %get3A_328 : vector<16xi32> to vector<32xbf16>
        %get3A_330 = arith.index_cast %add3A_323 : i32 to index
        %get3A_331 = arith.constant 0 : index
        %get3A_332 = tpu.vector_load %arg24[%get3A_330, %get3A_331] {strides = array<i32>} : memref<80x64xi32, #tpu.memory_space<vmem>>, vector<16xi32>,
        %bitcast3A_333 = vector.bitcast %get3A_332 : vector<16xi32> to vector<32xbf16>
        %mul3A_334 = arith.mulf %bitcast3A_329, %bitcast3A_333 : vector<32xbf16>
        %unpack3A_335 = tpu.unpack_subelements %mul3A_334, 0 {pack_format = #tpu.pack_format<interleaved>} : vector<32xbf16> -> vector<16xf32>
        %unpack3A_336 = tpu.unpack_subelements %mul3A_334, 1 {pack_format = #tpu.pack_format<interleaved>} : vector<32xbf16> -> vector<16xf32>
        %add3A_337 = arith.addf %broadcast_in_dim3A_325, %unpack3A_335 : vector<16xf32>
        %add3A_338 = arith.addf %add3A_337, %unpack3A_336 : vector<16xf32>
        %get3A_339 = arith.index_cast %add3A_323 : i32 to index
        %get3A_340 = arith.constant 16 : index
        %get3A_341 = tpu.vector_load %arg23[%get3A_339, %get3A_340] {strides = array<i32>} : memref<80x64xi32, #tpu.memory_space<vmem>>, vector<16xi32>,
        %bitcast3A_342 = vector.bitcast %get3A_341 : vector<16xi32> to vector<32xbf16>
        %get3A_343 = arith.index_cast %add3A_323 : i32 to index
        %get3A_344 = arith.constant 16 : index
        %get3A_345 = tpu.vector_load %arg24[%get3A_343, %get3A_344] {strides = array<i32>} : memref<80x64xi32, #tpu.memory_space<vmem>>, vector<16xi32>,
        %bitcast3A_346 = vector.bitcast %get3A_345 : vector<16xi32> to vector<32xbf16>
        %mul3A_347 = arith.mulf %bitcast3A_342, %bitcast3A_346 : vector<32xbf16>
        %unpack3A_348 = tpu.unpack_subelements %mul3A_347, 0 {pack_format = #tpu.pack_format<interleaved>} : vector<32xbf16> -> vector<16xf32>
        %unpack3A_349 = tpu.unpack_subelements %mul3A_347, 1 {pack_format = #tpu.pack_format<interleaved>} : vector<32xbf16> -> vector<16xf32>
        %add3A_350 = arith.addf %add3A_338, %unpack3A_348 : vector<16xf32>
        %add3A_351 = arith.addf %add3A_350, %unpack3A_349 : vector<16xf32>
        %get3A_352 = arith.index_cast %add3A_323 : i32 to index
        %get3A_353 = arith.constant 32 : index
        %get3A_354 = tpu.vector_load %arg23[%get3A_352, %get3A_353] {strides = array<i32>} : memref<80x64xi32, #tpu.memory_space<vmem>>, vector<16xi32>,
        %bitcast3A_355 = vector.bitcast %get3A_354 : vector<16xi32> to vector<32xbf16>
        %get3A_356 = arith.index_cast %add3A_323 : i32 to index
        %get3A_357 = arith.constant 32 : index
        %get3A_358 = tpu.vector_load %arg24[%get3A_356, %get3A_357] {strides = array<i32>} : memref<80x64xi32, #tpu.memory_space<vmem>>, vector<16xi32>,
        %bitcast3A_359 = vector.bitcast %get3A_358 : vector<16xi32> to vector<32xbf16>
        %mul3A_360 = arith.mulf %bitcast3A_355, %bitcast3A_359 : vector<32xbf16>
        %unpack3A_361 = tpu.unpack_subelements %mul3A_360, 0 {pack_format = #tpu.pack_format<interleaved>} : vector<32xbf16> -> vector<16xf32>
        %unpack3A_362 = tpu.unpack_subelements %mul3A_360, 1 {pack_format = #tpu.pack_format<interleaved>} : vector<32xbf16> -> vector<16xf32>
        %add3A_363 = arith.addf %add3A_351, %unpack3A_361 : vector<16xf32>
        %add3A_364 = arith.addf %add3A_363, %unpack3A_362 : vector<16xf32>
        %get3A_365 = arith.index_cast %add3A_323 : i32 to index
        %get3A_366 = arith.constant 48 : index
        %get3A_367 = tpu.vector_load %arg23[%get3A_365, %get3A_366] {strides = array<i32>} : memref<80x64xi32, #tpu.memory_space<vmem>>, vector<16xi32>,
        %bitcast3A_368 = vector.bitcast %get3A_367 : vector<16xi32> to vector<32xbf16>
        %get3A_369 = arith.index_cast %add3A_323 : i32 to index
        %get3A_370 = arith.constant 48 : index
        %get3A_371 = tpu.vector_load %arg24[%get3A_369, %get3A_370] {strides = array<i32>} : memref<80x64xi32, #tpu.memory_space<vmem>>, vector<16xi32>,
        %bitcast3A_372 = vector.bitcast %get3A_371 : vector<16xi32> to vector<32xbf16>
        %mul3A_373 = arith.mulf %bitcast3A_368, %bitcast3A_372 : vector<32xbf16>
        %unpack3A_374 = tpu.unpack_subelements %mul3A_373, 0 {pack_format = #tpu.pack_format<interleaved>} : vector<32xbf16> -> vector<16xf32>
        %unpack3A_375 = tpu.unpack_subelements %mul3A_373, 1 {pack_format = #tpu.pack_format<interleaved>} : vector<32xbf16> -> vector<16xf32>
        %add3A_376 = arith.addf %add3A_364, %unpack3A_374 : vector<16xf32>
        %add3A_377 = arith.addf %add3A_376, %unpack3A_375 : vector<16xf32>
        %reduce_sum3A_378 = arith.constant true
        %reduce_sum3A_379 = vector.broadcast %reduce_sum3A_378 : i1 to vector<16xi1>
        %reduce_sum3A_380 = tpu.scan <sum>, %add3A_377 masked %reduce_sum3A_379 : vector<16xf32>, vector<16xi1> -> vector<16xf32>
        %reduce_sum3A_381 = vector.extract %reduce_sum3A_380[15] : f32 from vector<16xf32>
        %eq3A_382 = arith.constant 1 : i32
        %eq3A_383 = vector.broadcast %eq3A_382 : i32 to vector<16xi32>
        %eq3A_384 = arith.cmpi eq, %iota3A, %eq3A_383 : vector<16xi32>
        %broadcast_in_dim3A_385 = vector.broadcast %reduce_sum3A_381 : f32 to vector<16xf32>
        %select_n3A_386 = arith.select %eq3A_384, %broadcast_in_dim3A_385, %select_n3A : vector<16xi1>, vector<16xf32>
        %mul3A_387 = arith.constant 16 : i32
        %mul3A_388 = arith.muli %scan3A_254, %mul3A_387 : i32
        %add3A_389 = arith.constant 2 : i32
        %add3A_390 = arith.addi %mul3A_388, %add3A_389 : i32
        %broadcast_in_dim3A_391 = arith.constant 0.000000e+00 : f32
        %broadcast_in_dim3A_392 = vector.broadcast %broadcast_in_dim3A_391 : f32 to vector<16xf32>
        %get3A_393 = arith.index_cast %add3A_390 : i32 to index
        %get3A_394 = arith.constant 0 : index
        %get3A_395 = tpu.vector_load %arg23[%get3A_393, %get3A_394] {strides = array<i32>} : memref<80x64xi32, #tpu.memory_space<vmem>>, vector<16xi32>,
        %bitcast3A_396 = vector.bitcast %get3A_395 : vector<16xi32> to vector<32xbf16>
        %get3A_397 = arith.index_cast %add3A_390 : i32 to index
        %get3A_398 = arith.constant 0 : index
        %get3A_399 = tpu.vector_load %arg24[%get3A_397, %get3A_398] {strides = array<i32>} : memref<80x64xi32, #tpu.memory_space<vmem>>, vector<16xi32>,
        %bitcast3A_400 = vector.bitcast %get3A_399 : vector<16xi32> to vector<32xbf16>
        %mul3A_401 = arith.mulf %bitcast3A_396, %bitcast3A_400 : vector<32xbf16>
        %unpack3A_402 = tpu.unpack_subelements %mul3A_401, 0 {pack_format = #tpu.pack_format<interleaved>} : vector<32xbf16> -> vector<16xf32>
        %unpack3A_403 = tpu.unpack_subelements %mul3A_401, 1 {pack_format = #tpu.pack_format<interleaved>} : vector<32xbf16> -> vector<16xf32>
        %add3A_404 = arith.addf %broadcast_in_dim3A_392, %unpack3A_402 : vector<16xf32>
        %add3A_405 = arith.addf %add3A_404, %unpack3A_403 : vector<16xf32>
        %get3A_406 = arith.index_cast %add3A_390 : i32 to index
        %get3A_407 = arith.constant 16 : index
        %get3A_408 = tpu.vector_load %arg23[%get3A_406, %get3A_407] {strides = array<i32>} : memref<80x64xi32, #tpu.memory_space<vmem>>, vector<16xi32>,
        %bitcast3A_409 = vector.bitcast %get3A_408 : vector<16xi32> to vector<32xbf16>
        %get3A_410 = arith.index_cast %add3A_390 : i32 to index
        %get3A_411 = arith.constant 16 : index
        %get3A_412 = tpu.vector_load %arg24[%get3A_410, %get3A_411] {strides = array<i32>} : memref<80x64xi32, #tpu.memory_space<vmem>>, vector<16xi32>,
        %bitcast3A_413 = vector.bitcast %get3A_412 : vector<16xi32> to vector<32xbf16>
        %mul3A_414 = arith.mulf %bitcast3A_409, %bitcast3A_413 : vector<32xbf16>
        %unpack3A_415 = tpu.unpack_subelements %mul3A_414, 0 {pack_format = #tpu.pack_format<interleaved>} : vector<32xbf16> -> vector<16xf32>
        %unpack3A_416 = tpu.unpack_subelements %mul3A_414, 1 {pack_format = #tpu.pack_format<interleaved>} : vector<32xbf16> -> vector<16xf32>
        %add3A_417 = arith.addf %add3A_405, %unpack3A_415 : vector<16xf32>
        %add3A_418 = arith.addf %add3A_417, %unpack3A_416 : vector<16xf32>
        %get3A_419 = arith.index_cast %add3A_390 : i32 to index
        %get3A_420 = arith.constant 32 : index
        %get3A_421 = tpu.vector_load %arg23[%get3A_419, %get3A_420] {strides = array<i32>} : memref<80x64xi32, #tpu.memory_space<vmem>>, vector<16xi32>,
        %bitcast3A_422 = vector.bitcast %get3A_421 : vector<16xi32> to vector<32xbf16>
        %get3A_423 = arith.index_cast %add3A_390 : i32 to index
        %get3A_424 = arith.constant 32 : index
        %get3A_425 = tpu.vector_load %arg24[%get3A_423, %get3A_424] {strides = array<i32>} : memref<80x64xi32, #tpu.memory_space<vmem>>, vector<16xi32>,
        %bitcast3A_426 = vector.bitcast %get3A_425 : vector<16xi32> to vector<32xbf16>
        %mul3A_427 = arith.mulf %bitcast3A_422, %bitcast3A_426 : vector<32xbf16>
        %unpack3A_428 = tpu.unpack_subelements %mul3A_427, 0 {pack_format = #tpu.pack_format<interleaved>} : vector<32xbf16> -> vector<16xf32>
        %unpack3A_429 = tpu.unpack_subelements %mul3A_427, 1 {pack_format = #tpu.pack_format<interleaved>} : vector<32xbf16> -> vector<16xf32>
        %add3A_430 = arith.addf %add3A_418, %unpack3A_428 : vector<16xf32>
        %add3A_431 = arith.addf %add3A_430, %unpack3A_429 : vector<16xf32>
        %get3A_432 = arith.index_cast %add3A_390 : i32 to index
        %get3A_433 = arith.constant 48 : index
        %get3A_434 = tpu.vector_load %arg23[%get3A_432, %get3A_433] {strides = array<i32>} : memref<80x64xi32, #tpu.memory_space<vmem>>, vector<16xi32>,
        %bitcast3A_435 = vector.bitcast %get3A_434 : vector<16xi32> to vector<32xbf16>
        %get3A_436 = arith.index_cast %add3A_390 : i32 to index
        %get3A_437 = arith.constant 48 : index
        %get3A_438 = tpu.vector_load %arg24[%get3A_436, %get3A_437] {strides = array<i32>} : memref<80x64xi32, #tpu.memory_space<vmem>>, vector<16xi32>,
        %bitcast3A_439 = vector.bitcast %get3A_438 : vector<16xi32> to vector<32xbf16>
        %mul3A_440 = arith.mulf %bitcast3A_435, %bitcast3A_439 : vector<32xbf16>
        %unpack3A_441 = tpu.unpack_subelements %mul3A_440, 0 {pack_format = #tpu.pack_format<interleaved>} : vector<32xbf16> -> vector<16xf32>
        %unpack3A_442 = tpu.unpack_subelements %mul3A_440, 1 {pack_format = #tpu.pack_format<interleaved>} : vector<32xbf16> -> vector<16xf32>
        %add3A_443 = arith.addf %add3A_431, %unpack3A_441 : vector<16xf32>
        %add3A_444 = arith.addf %add3A_443, %unpack3A_442 : vector<16xf32>
        %reduce_sum3A_445 = arith.constant true
        %reduce_sum3A_446 = vector.broadcast %reduce_sum3A_445 : i1 to vector<16xi1>
        %reduce_sum3A_447 = tpu.scan <sum>, %add3A_444 masked %reduce_sum3A_446 : vector<16xf32>, vector<16xi1> -> vector<16xf32>
        %reduce_sum3A_448 = vector.extract %reduce_sum3A_447[15] : f32 from vector<16xf32>
        %eq3A_449 = arith.constant 2 : i32
        %eq3A_450 = vector.broadcast %eq3A_449 : i32 to vector<16xi32>
        %eq3A_451 = arith.cmpi eq, %iota3A, %eq3A_450 : vector<16xi32>
        %broadcast_in_dim3A_452 = vector.broadcast %reduce_sum3A_448 : f32 to vector<16xf32>
        %select_n3A_453 = arith.select %eq3A_451, %broadcast_in_dim3A_452, %select_n3A_386 : vector<16xi1>, vector<16xf32>
        %mul3A_454 = arith.constant 16 : i32
        %mul3A_455 = arith.muli %scan3A_254, %mul3A_454 : i32
        %add3A_456 = arith.constant 3 : i32
        %add3A_457 = arith.addi %mul3A_455, %add3A_456 : i32
        %broadcast_in_dim3A_458 = arith.constant 0.000000e+00 : f32
        %broadcast_in_dim3A_459 = vector.broadcast %broadcast_in_dim3A_458 : f32 to vector<16xf32>
        %get3A_460 = arith.index_cast %add3A_457 : i32 to index
        %get3A_461 = arith.constant 0 : index
        %get3A_462 = tpu.vector_load %arg23[%get3A_460, %get3A_461] {strides = array<i32>} : memref<80x64xi32, #tpu.memory_space<vmem>>, vector<16xi32>,
        %bitcast3A_463 = vector.bitcast %get3A_462 : vector<16xi32> to vector<32xbf16>
        %get3A_464 = arith.index_cast %add3A_457 : i32 to index
        %get3A_465 = arith.constant 0 : index
        %get3A_466 = tpu.vector_load %arg24[%get3A_464, %get3A_465] {strides = array<i32>} : memref<80x64xi32, #tpu.memory_space<vmem>>, vector<16xi32>,
        %bitcast3A_467 = vector.bitcast %get3A_466 : vector<16xi32> to vector<32xbf16>
        %mul3A_468 = arith.mulf %bitcast3A_463, %bitcast3A_467 : vector<32xbf16>
        %unpack3A_469 = tpu.unpack_subelements %mul3A_468, 0 {pack_format = #tpu.pack_format<interleaved>} : vector<32xbf16> -> vector<16xf32>
        %unpack3A_470 = tpu.unpack_subelements %mul3A_468, 1 {pack_format = #tpu.pack_format<interleaved>} : vector<32xbf16> -> vector<16xf32>
        %add3A_471 = arith.addf %broadcast_in_dim3A_459, %unpack3A_469 : vector<16xf32>
        %add3A_472 = arith.addf %add3A_471, %unpack3A_470 : vector<16xf32>
        %get3A_473 = arith.index_cast %add3A_457 : i32 to index
        %get3A_474 = arith.constant 16 : index
        %get3A_475 = tpu.vector_load %arg23[%get3A_473, %get3A_474] {strides = array<i32>} : memref<80x64xi32, #tpu.memory_space<vmem>>, vector<16xi32>,
        %bitcast3A_476 = vector.bitcast %get3A_475 : vector<16xi32> to vector<32xbf16>
        %get3A_477 = arith.index_cast %add3A_457 : i32 to index
        %get3A_478 = arith.constant 16 : index
        %get3A_479 = tpu.vector_load %arg24[%get3A_477, %get3A_478] {strides = array<i32>} : memref<80x64xi32, #tpu.memory_space<vmem>>, vector<16xi32>,
        %bitcast3A_480 = vector.bitcast %get3A_479 : vector<16xi32> to vector<32xbf16>
        %mul3A_481 = arith.mulf %bitcast3A_476, %bitcast3A_480 : vector<32xbf16>
        %unpack3A_482 = tpu.unpack_subelements %mul3A_481, 0 {pack_format = #tpu.pack_format<interleaved>} : vector<32xbf16> -> vector<16xf32>
        %unpack3A_483 = tpu.unpack_subelements %mul3A_481, 1 {pack_format = #tpu.pack_format<interleaved>} : vector<32xbf16> -> vector<16xf32>
        %add3A_484 = arith.addf %add3A_472, %unpack3A_482 : vector<16xf32>
        %add3A_485 = arith.addf %add3A_484, %unpack3A_483 : vector<16xf32>
        %get3A_486 = arith.index_cast %add3A_457 : i32 to index
        %get3A_487 = arith.constant 32 : index
        %get3A_488 = tpu.vector_load %arg23[%get3A_486, %get3A_487] {strides = array<i32>} : memref<80x64xi32, #tpu.memory_space<vmem>>, vector<16xi32>,
        %bitcast3A_489 = vector.bitcast %get3A_488 : vector<16xi32> to vector<32xbf16>
        %get3A_490 = arith.index_cast %add3A_457 : i32 to index
        %get3A_491 = arith.constant 32 : index
        %get3A_492 = tpu.vector_load %arg24[%get3A_490, %get3A_491] {strides = array<i32>} : memref<80x64xi32, #tpu.memory_space<vmem>>, vector<16xi32>,
        %bitcast3A_493 = vector.bitcast %get3A_492 : vector<16xi32> to vector<32xbf16>
        %mul3A_494 = arith.mulf %bitcast3A_489, %bitcast3A_493 : vector<32xbf16>
        %unpack3A_495 = tpu.unpack_subelements %mul3A_494, 0 {pack_format = #tpu.pack_format<interleaved>} : vector<32xbf16> -> vector<16xf32>
        %unpack3A_496 = tpu.unpack_subelements %mul3A_494, 1 {pack_format = #tpu.pack_format<interleaved>} : vector<32xbf16> -> vector<16xf32>
        %add3A_497 = arith.addf %add3A_485, %unpack3A_495 : vector<16xf32>
        %add3A_498 = arith.addf %add3A_497, %unpack3A_496 : vector<16xf32>
        %get3A_499 = arith.index_cast %add3A_457 : i32 to index
        %get3A_500 = arith.constant 48 : index
        %get3A_501 = tpu.vector_load %arg23[%get3A_499, %get3A_500] {strides = array<i32>} : memref<80x64xi32, #tpu.memory_space<vmem>>, vector<16xi32>,
        %bitcast3A_502 = vector.bitcast %get3A_501 : vector<16xi32> to vector<32xbf16>
        %get3A_503 = arith.index_cast %add3A_457 : i32 to index
        %get3A_504 = arith.constant 48 : index
        %get3A_505 = tpu.vector_load %arg24[%get3A_503, %get3A_504] {strides = array<i32>} : memref<80x64xi32, #tpu.memory_space<vmem>>, vector<16xi32>,
        %bitcast3A_506 = vector.bitcast %get3A_505 : vector<16xi32> to vector<32xbf16>
        %mul3A_507 = arith.mulf %bitcast3A_502, %bitcast3A_506 : vector<32xbf16>
        %unpack3A_508 = tpu.unpack_subelements %mul3A_507, 0 {pack_format = #tpu.pack_format<interleaved>} : vector<32xbf16> -> vector<16xf32>
        %unpack3A_509 = tpu.unpack_subelements %mul3A_507, 1 {pack_format = #tpu.pack_format<interleaved>} : vector<32xbf16> -> vector<16xf32>
        %add3A_510 = arith.addf %add3A_498, %unpack3A_508 : vector<16xf32>
        %add3A_511 = arith.addf %add3A_510, %unpack3A_509 : vector<16xf32>
        %reduce_sum3A_512 = arith.constant true
        %reduce_sum3A_513 = vector.broadcast %reduce_sum3A_512 : i1 to vector<16xi1>
        %reduce_sum3A_514 = tpu.scan <sum>, %add3A_511 masked %reduce_sum3A_513 : vector<16xf32>, vector<16xi1> -> vector<16xf32>
        %reduce_sum3A_515 = vector.extract %reduce_sum3A_514[15] : f32 from vector<16xf32>
        %eq3A_516 = arith.constant 3 : i32
        %eq3A_517 = vector.broadcast %eq3A_516 : i32 to vector<16xi32>
        %eq3A_518 = arith.cmpi eq, %iota3A, %eq3A_517 : vector<16xi32>
        %broadcast_in_dim3A_519 = vector.broadcast %reduce_sum3A_515 : f32 to vector<16xf32>
        %select_n3A_520 = arith.select %eq3A_518, %broadcast_in_dim3A_519, %select_n3A_453 : vector<16xi1>, vector<16xf32>
        %mul3A_521 = arith.constant 16 : i32
        %mul3A_522 = arith.muli %scan3A_254, %mul3A_521 : i32
        %add3A_523 = arith.constant 4 : i32
        %add3A_524 = arith.addi %mul3A_522, %add3A_523 : i32
        %broadcast_in_dim3A_525 = arith.constant 0.000000e+00 : f32
        %broadcast_in_dim3A_526 = vector.broadcast %broadcast_in_dim3A_525 : f32 to vector<16xf32>
        %get3A_527 = arith.index_cast %add3A_524 : i32 to index
        %get3A_528 = arith.constant 0 : index
        %get3A_529 = tpu.vector_load %arg23[%get3A_527, %get3A_528] {strides = array<i32>} : memref<80x64xi32, #tpu.memory_space<vmem>>, vector<16xi32>,
        %bitcast3A_530 = vector.bitcast %get3A_529 : vector<16xi32> to vector<32xbf16>
        %get3A_531 = arith.index_cast %add3A_524 : i32 to index
        %get3A_532 = arith.constant 0 : index
        %get3A_533 = tpu.vector_load %arg24[%get3A_531, %get3A_532] {strides = array<i32>} : memref<80x64xi32, #tpu.memory_space<vmem>>, vector<16xi32>,
        %bitcast3A_534 = vector.bitcast %get3A_533 : vector<16xi32> to vector<32xbf16>
        %mul3A_535 = arith.mulf %bitcast3A_530, %bitcast3A_534 : vector<32xbf16>
        %unpack3A_536 = tpu.unpack_subelements %mul3A_535, 0 {pack_format = #tpu.pack_format<interleaved>} : vector<32xbf16> -> vector<16xf32>
        %unpack3A_537 = tpu.unpack_subelements %mul3A_535, 1 {pack_format = #tpu.pack_format<interleaved>} : vector<32xbf16> -> vector<16xf32>
        %add3A_538 = arith.addf %broadcast_in_dim3A_526, %unpack3A_536 : vector<16xf32>
        %add3A_539 = arith.addf %add3A_538, %unpack3A_537 : vector<16xf32>
        %get3A_540 = arith.index_cast %add3A_524 : i32 to index
        %get3A_541 = arith.constant 16 : index
        %get3A_542 = tpu.vector_load %arg23[%get3A_540, %get3A_541] {strides = array<i32>} : memref<80x64xi32, #tpu.memory_space<vmem>>, vector<16xi32>,
        %bitcast3A_543 = vector.bitcast %get3A_542 : vector<16xi32> to vector<32xbf16>
        %get3A_544 = arith.index_cast %add3A_524 : i32 to index
        %get3A_545 = arith.constant 16 : index
        %get3A_546 = tpu.vector_load %arg24[%get3A_544, %get3A_545] {strides = array<i32>} : memref<80x64xi32, #tpu.memory_space<vmem>>, vector<16xi32>,
        %bitcast3A_547 = vector.bitcast %get3A_546 : vector<16xi32> to vector<32xbf16>
        %mul3A_548 = arith.mulf %bitcast3A_543, %bitcast3A_547 : vector<32xbf16>
        %unpack3A_549 = tpu.unpack_subelements %mul3A_548, 0 {pack_format = #tpu.pack_format<interleaved>} : vector<32xbf16> -> vector<16xf32>
        %unpack3A_550 = tpu.unpack_subelements %mul3A_548, 1 {pack_format = #tpu.pack_format<interleaved>} : vector<32xbf16> -> vector<16xf32>
        %add3A_551 = arith.addf %add3A_539, %unpack3A_549 : vector<16xf32>
        %add3A_552 = arith.addf %add3A_551, %unpack3A_550 : vector<16xf32>
        %get3A_553 = arith.index_cast %add3A_524 : i32 to index
        %get3A_554 = arith.constant 32 : index
        %get3A_555 = tpu.vector_load %arg23[%get3A_553, %get3A_554] {strides = array<i32>} : memref<80x64xi32, #tpu.memory_space<vmem>>, vector<16xi32>,
        %bitcast3A_556 = vector.bitcast %get3A_555 : vector<16xi32> to vector<32xbf16>
        %get3A_557 = arith.index_cast %add3A_524 : i32 to index
        %get3A_558 = arith.constant 32 : index
        %get3A_559 = tpu.vector_load %arg24[%get3A_557, %get3A_558] {strides = array<i32>} : memref<80x64xi32, #tpu.memory_space<vmem>>, vector<16xi32>,
        %bitcast3A_560 = vector.bitcast %get3A_559 : vector<16xi32> to vector<32xbf16>
        %mul3A_561 = arith.mulf %bitcast3A_556, %bitcast3A_560 : vector<32xbf16>
        %unpack3A_562 = tpu.unpack_subelements %mul3A_561, 0 {pack_format = #tpu.pack_format<interleaved>} : vector<32xbf16> -> vector<16xf32>
        %unpack3A_563 = tpu.unpack_subelements %mul3A_561, 1 {pack_format = #tpu.pack_format<interleaved>} : vector<32xbf16> -> vector<16xf32>
        %add3A_564 = arith.addf %add3A_552, %unpack3A_562 : vector<16xf32>
        %add3A_565 = arith.addf %add3A_564, %unpack3A_563 : vector<16xf32>
        %get3A_566 = arith.index_cast %add3A_524 : i32 to index
        %get3A_567 = arith.constant 48 : index
        %get3A_568 = tpu.vector_load %arg23[%get3A_566, %get3A_567] {strides = array<i32>} : memref<80x64xi32, #tpu.memory_space<vmem>>, vector<16xi32>,
        %bitcast3A_569 = vector.bitcast %get3A_568 : vector<16xi32> to vector<32xbf16>
        %get3A_570 = arith.index_cast %add3A_524 : i32 to index
        %get3A_571 = arith.constant 48 : index
        %get3A_572 = tpu.vector_load %arg24[%get3A_570, %get3A_571] {strides = array<i32>} : memref<80x64xi32, #tpu.memory_space<vmem>>, vector<16xi32>,
        %bitcast3A_573 = vector.bitcast %get3A_572 : vector<16xi32> to vector<32xbf16>
        %mul3A_574 = arith.mulf %bitcast3A_569, %bitcast3A_573 : vector<32xbf16>
        %unpack3A_575 = tpu.unpack_subelements %mul3A_574, 0 {pack_format = #tpu.pack_format<interleaved>} : vector<32xbf16> -> vector<16xf32>
        %unpack3A_576 = tpu.unpack_subelements %mul3A_574, 1 {pack_format = #tpu.pack_format<interleaved>} : vector<32xbf16> -> vector<16xf32>
        %add3A_577 = arith.addf %add3A_565, %unpack3A_575 : vector<16xf32>
        %add3A_578 = arith.addf %add3A_577, %unpack3A_576 : vector<16xf32>
        %reduce_sum3A_579 = arith.constant true
        %reduce_sum3A_580 = vector.broadcast %reduce_sum3A_579 : i1 to vector<16xi1>
        %reduce_sum3A_581 = tpu.scan <sum>, %add3A_578 masked %reduce_sum3A_580 : vector<16xf32>, vector<16xi1> -> vector<16xf32>
        %reduce_sum3A_582 = vector.extract %reduce_sum3A_581[15] : f32 from vector<16xf32>
        %eq3A_583 = arith.constant 4 : i32
        %eq3A_584 = vector.broadcast %eq3A_583 : i32 to vector<16xi32>
        %eq3A_585 = arith.cmpi eq, %iota3A, %eq3A_584 : vector<16xi32>
        %broadcast_in_dim3A_586 = vector.broadcast %reduce_sum3A_582 : f32 to vector<16xf32>
        %select_n3A_587 = arith.select %eq3A_585, %broadcast_in_dim3A_586, %select_n3A_520 : vector<16xi1>, vector<16xf32>
        %mul3A_588 = arith.constant 16 : i32
        %mul3A_589 = arith.muli %scan3A_254, %mul3A_588 : i32
        %add3A_590 = arith.constant 5 : i32
        %add3A_591 = arith.addi %mul3A_589, %add3A_590 : i32
        %broadcast_in_dim3A_592 = arith.constant 0.000000e+00 : f32
        %broadcast_in_dim3A_593 = vector.broadcast %broadcast_in_dim3A_592 : f32 to vector<16xf32>
        %get3A_594 = arith.index_cast %add3A_591 : i32 to index
        %get3A_595 = arith.constant 0 : index
        %get3A_596 = tpu.vector_load %arg23[%get3A_594, %get3A_595] {strides = array<i32>} : memref<80x64xi32, #tpu.memory_space<vmem>>, vector<16xi32>,
        %bitcast3A_597 = vector.bitcast %get3A_596 : vector<16xi32> to vector<32xbf16>
        %get3A_598 = arith.index_cast %add3A_591 : i32 to index
        %get3A_599 = arith.constant 0 : index
        %get3A_600 = tpu.vector_load %arg24[%get3A_598, %get3A_599] {strides = array<i32>} : memref<80x64xi32, #tpu.memory_space<vmem>>, vector<16xi32>,
        %bitcast3A_601 = vector.bitcast %get3A_600 : vector<16xi32> to vector<32xbf16>
        %mul3A_602 = arith.mulf %bitcast3A_597, %bitcast3A_601 : vector<32xbf16>
        %unpack3A_603 = tpu.unpack_subelements %mul3A_602, 0 {pack_format = #tpu.pack_format<interleaved>} : vector<32xbf16> -> vector<16xf32>
        %unpack3A_604 = tpu.unpack_subelements %mul3A_602, 1 {pack_format = #tpu.pack_format<interleaved>} : vector<32xbf16> -> vector<16xf32>
        %add3A_605 = arith.addf %broadcast_in_dim3A_593, %unpack3A_603 : vector<16xf32>
        %add3A_606 = arith.addf %add3A_605, %unpack3A_604 : vector<16xf32>
        %get3A_607 = arith.index_cast %add3A_591 : i32 to index
        %get3A_608 = arith.constant 16 : index
        %get3A_609 = tpu.vector_load %arg23[%get3A_607, %get3A_608] {strides = array<i32>} : memref<80x64xi32, #tpu.memory_space<vmem>>, vector<16xi32>,
        %bitcast3A_610 = vector.bitcast %get3A_609 : vector<16xi32> to vector<32xbf16>
        %get3A_611 = arith.index_cast %add3A_591 : i32 to index
        %get3A_612 = arith.constant 16 : index
        %get3A_613 = tpu.vector_load %arg24[%get3A_611, %get3A_612] {strides = array<i32>} : memref<80x64xi32, #tpu.memory_space<vmem>>, vector<16xi32>,
        %bitcast3A_614 = vector.bitcast %get3A_613 : vector<16xi32> to vector<32xbf16>
        %mul3A_615 = arith.mulf %bitcast3A_610, %bitcast3A_614 : vector<32xbf16>
        %unpack3A_616 = tpu.unpack_subelements %mul3A_615, 0 {pack_format = #tpu.pack_format<interleaved>} : vector<32xbf16> -> vector<16xf32>
        %unpack3A_617 = tpu.unpack_subelements %mul3A_615, 1 {pack_format = #tpu.pack_format<interleaved>} : vector<32xbf16> -> vector<16xf32>
        %add3A_618 = arith.addf %add3A_606, %unpack3A_616 : vector<16xf32>
        %add3A_619 = arith.addf %add3A_618, %unpack3A_617 : vector<16xf32>
        %get3A_620 = arith.index_cast %add3A_591 : i32 to index
        %get3A_621 = arith.constant 32 : index
        %get3A_622 = tpu.vector_load %arg23[%get3A_620, %get3A_621] {strides = array<i32>} : memref<80x64xi32, #tpu.memory_space<vmem>>, vector<16xi32>,
        %bitcast3A_623 = vector.bitcast %get3A_622 : vector<16xi32> to vector<32xbf16>
        %get3A_624 = arith.index_cast %add3A_591 : i32 to index
        %get3A_625 = arith.constant 32 : index
        %get3A_626 = tpu.vector_load %arg24[%get3A_624, %get3A_625] {strides = array<i32>} : memref<80x64xi32, #tpu.memory_space<vmem>>, vector<16xi32>,
        %bitcast3A_627 = vector.bitcast %get3A_626 : vector<16xi32> to vector<32xbf16>
        %mul3A_628 = arith.mulf %bitcast3A_623, %bitcast3A_627 : vector<32xbf16>
        %unpack3A_629 = tpu.unpack_subelements %mul3A_628, 0 {pack_format = #tpu.pack_format<interleaved>} : vector<32xbf16> -> vector<16xf32>
        %unpack3A_630 = tpu.unpack_subelements %mul3A_628, 1 {pack_format = #tpu.pack_format<interleaved>} : vector<32xbf16> -> vector<16xf32>
        %add3A_631 = arith.addf %add3A_619, %unpack3A_629 : vector<16xf32>
        %add3A_632 = arith.addf %add3A_631, %unpack3A_630 : vector<16xf32>
        %get3A_633 = arith.index_cast %add3A_591 : i32 to index
        %get3A_634 = arith.constant 48 : index
        %get3A_635 = tpu.vector_load %arg23[%get3A_633, %get3A_634] {strides = array<i32>} : memref<80x64xi32, #tpu.memory_space<vmem>>, vector<16xi32>,
        %bitcast3A_636 = vector.bitcast %get3A_635 : vector<16xi32> to vector<32xbf16>
        %get3A_637 = arith.index_cast %add3A_591 : i32 to index
        %get3A_638 = arith.constant 48 : index
        %get3A_639 = tpu.vector_load %arg24[%get3A_637, %get3A_638] {strides = array<i32>} : memref<80x64xi32, #tpu.memory_space<vmem>>, vector<16xi32>,
        %bitcast3A_640 = vector.bitcast %get3A_639 : vector<16xi32> to vector<32xbf16>
        %mul3A_641 = arith.mulf %bitcast3A_636, %bitcast3A_640 : vector<32xbf16>
        %unpack3A_642 = tpu.unpack_subelements %mul3A_641, 0 {pack_format = #tpu.pack_format<interleaved>} : vector<32xbf16> -> vector<16xf32>
        %unpack3A_643 = tpu.unpack_subelements %mul3A_641, 1 {pack_format = #tpu.pack_format<interleaved>} : vector<32xbf16> -> vector<16xf32>
        %add3A_644 = arith.addf %add3A_632, %unpack3A_642 : vector<16xf32>
        %add3A_645 = arith.addf %add3A_644, %unpack3A_643 : vector<16xf32>
        %reduce_sum3A_646 = arith.constant true
        %reduce_sum3A_647 = vector.broadcast %reduce_sum3A_646 : i1 to vector<16xi1>
        %reduce_sum3A_648 = tpu.scan <sum>, %add3A_645 masked %reduce_sum3A_647 : vector<16xf32>, vector<16xi1> -> vector<16xf32>
        %reduce_sum3A_649 = vector.extract %reduce_sum3A_648[15] : f32 from vector<16xf32>
        %eq3A_650 = arith.constant 5 : i32
        %eq3A_651 = vector.broadcast %eq3A_650 : i32 to vector<16xi32>
        %eq3A_652 = arith.cmpi eq, %iota3A, %eq3A_651 : vector<16xi32>
        %broadcast_in_dim3A_653 = vector.broadcast %reduce_sum3A_649 : f32 to vector<16xf32>
        %select_n3A_654 = arith.select %eq3A_652, %broadcast_in_dim3A_653, %select_n3A_587 : vector<16xi1>, vector<16xf32>
        %mul3A_655 = arith.constant 16 : i32
        %mul3A_656 = arith.muli %scan3A_254, %mul3A_655 : i32
        %add3A_657 = arith.constant 6 : i32
        %add3A_658 = arith.addi %mul3A_656, %add3A_657 : i32
        %broadcast_in_dim3A_659 = arith.constant 0.000000e+00 : f32
        %broadcast_in_dim3A_660 = vector.broadcast %broadcast_in_dim3A_659 : f32 to vector<16xf32>
        %get3A_661 = arith.index_cast %add3A_658 : i32 to index
        %get3A_662 = arith.constant 0 : index
        %get3A_663 = tpu.vector_load %arg23[%get3A_661, %get3A_662] {strides = array<i32>} : memref<80x64xi32, #tpu.memory_space<vmem>>, vector<16xi32>,
        %bitcast3A_664 = vector.bitcast %get3A_663 : vector<16xi32> to vector<32xbf16>
        %get3A_665 = arith.index_cast %add3A_658 : i32 to index
        %get3A_666 = arith.constant 0 : index
        %get3A_667 = tpu.vector_load %arg24[%get3A_665, %get3A_666] {strides = array<i32>} : memref<80x64xi32, #tpu.memory_space<vmem>>, vector<16xi32>,
        %bitcast3A_668 = vector.bitcast %get3A_667 : vector<16xi32> to vector<32xbf16>
        %mul3A_669 = arith.mulf %bitcast3A_664, %bitcast3A_668 : vector<32xbf16>
        %unpack3A_670 = tpu.unpack_subelements %mul3A_669, 0 {pack_format = #tpu.pack_format<interleaved>} : vector<32xbf16> -> vector<16xf32>
        %unpack3A_671 = tpu.unpack_subelements %mul3A_669, 1 {pack_format = #tpu.pack_format<interleaved>} : vector<32xbf16> -> vector<16xf32>
        %add3A_672 = arith.addf %broadcast_in_dim3A_660, %unpack3A_670 : vector<16xf32>
        %add3A_673 = arith.addf %add3A_672, %unpack3A_671 : vector<16xf32>
        %get3A_674 = arith.index_cast %add3A_658 : i32 to index
        %get3A_675 = arith.constant 16 : index
        %get3A_676 = tpu.vector_load %arg23[%get3A_674, %get3A_675] {strides = array<i32>} : memref<80x64xi32, #tpu.memory_space<vmem>>, vector<16xi32>,
        %bitcast3A_677 = vector.bitcast %get3A_676 : vector<16xi32> to vector<32xbf16>
        %get3A_678 = arith.index_cast %add3A_658 : i32 to index
        %get3A_679 = arith.constant 16 : index
        %get3A_680 = tpu.vector_load %arg24[%get3A_678, %get3A_679] {strides = array<i32>} : memref<80x64xi32, #tpu.memory_space<vmem>>, vector<16xi32>,
        %bitcast3A_681 = vector.bitcast %get3A_680 : vector<16xi32> to vector<32xbf16>
        %mul3A_682 = arith.mulf %bitcast3A_677, %bitcast3A_681 : vector<32xbf16>
        %unpack3A_683 = tpu.unpack_subelements %mul3A_682, 0 {pack_format = #tpu.pack_format<interleaved>} : vector<32xbf16> -> vector<16xf32>
        %unpack3A_684 = tpu.unpack_subelements %mul3A_682, 1 {pack_format = #tpu.pack_format<interleaved>} : vector<32xbf16> -> vector<16xf32>
        %add3A_685 = arith.addf %add3A_673, %unpack3A_683 : vector<16xf32>
        %add3A_686 = arith.addf %add3A_685, %unpack3A_684 : vector<16xf32>
        %get3A_687 = arith.index_cast %add3A_658 : i32 to index
        %get3A_688 = arith.constant 32 : index
        %get3A_689 = tpu.vector_load %arg23[%get3A_687, %get3A_688] {strides = array<i32>} : memref<80x64xi32, #tpu.memory_space<vmem>>, vector<16xi32>,
        %bitcast3A_690 = vector.bitcast %get3A_689 : vector<16xi32> to vector<32xbf16>
        %get3A_691 = arith.index_cast %add3A_658 : i32 to index
        %get3A_692 = arith.constant 32 : index
        %get3A_693 = tpu.vector_load %arg24[%get3A_691, %get3A_692] {strides = array<i32>} : memref<80x64xi32, #tpu.memory_space<vmem>>, vector<16xi32>,
        %bitcast3A_694 = vector.bitcast %get3A_693 : vector<16xi32> to vector<32xbf16>
        %mul3A_695 = arith.mulf %bitcast3A_690, %bitcast3A_694 : vector<32xbf16>
        %unpack3A_696 = tpu.unpack_subelements %mul3A_695, 0 {pack_format = #tpu.pack_format<interleaved>} : vector<32xbf16> -> vector<16xf32>
        %unpack3A_697 = tpu.unpack_subelements %mul3A_695, 1 {pack_format = #tpu.pack_format<interleaved>} : vector<32xbf16> -> vector<16xf32>
        %add3A_698 = arith.addf %add3A_686, %unpack3A_696 : vector<16xf32>
        %add3A_699 = arith.addf %add3A_698, %unpack3A_697 : vector<16xf32>
        %get3A_700 = arith.index_cast %add3A_658 : i32 to index
        %get3A_701 = arith.constant 48 : index
        %get3A_702 = tpu.vector_load %arg23[%get3A_700, %get3A_701] {strides = array<i32>} : memref<80x64xi32, #tpu.memory_space<vmem>>, vector<16xi32>,
        %bitcast3A_703 = vector.bitcast %get3A_702 : vector<16xi32> to vector<32xbf16>
        %get3A_704 = arith.index_cast %add3A_658 : i32 to index
        %get3A_705 = arith.constant 48 : index
        %get3A_706 = tpu.vector_load %arg24[%get3A_704, %get3A_705] {strides = array<i32>} : memref<80x64xi32, #tpu.memory_space<vmem>>, vector<16xi32>,
        %bitcast3A_707 = vector.bitcast %get3A_706 : vector<16xi32> to vector<32xbf16>
        %mul3A_708 = arith.mulf %bitcast3A_703, %bitcast3A_707 : vector<32xbf16>
        %unpack3A_709 = tpu.unpack_subelements %mul3A_708, 0 {pack_format = #tpu.pack_format<interleaved>} : vector<32xbf16> -> vector<16xf32>
        %unpack3A_710 = tpu.unpack_subelements %mul3A_708, 1 {pack_format = #tpu.pack_format<interleaved>} : vector<32xbf16> -> vector<16xf32>
        %add3A_711 = arith.addf %add3A_699, %unpack3A_709 : vector<16xf32>
        %add3A_712 = arith.addf %add3A_711, %unpack3A_710 : vector<16xf32>
        %reduce_sum3A_713 = arith.constant true
        %reduce_sum3A_714 = vector.broadcast %reduce_sum3A_713 : i1 to vector<16xi1>
        %reduce_sum3A_715 = tpu.scan <sum>, %add3A_712 masked %reduce_sum3A_714 : vector<16xf32>, vector<16xi1> -> vector<16xf32>
        %reduce_sum3A_716 = vector.extract %reduce_sum3A_715[15] : f32 from vector<16xf32>
        %eq3A_717 = arith.constant 6 : i32
        %eq3A_718 = vector.broadcast %eq3A_717 : i32 to vector<16xi32>
        %eq3A_719 = arith.cmpi eq, %iota3A, %eq3A_718 : vector<16xi32>
        %broadcast_in_dim3A_720 = vector.broadcast %reduce_sum3A_716 : f32 to vector<16xf32>
        %select_n3A_721 = arith.select %eq3A_719, %broadcast_in_dim3A_720, %select_n3A_654 : vector<16xi1>, vector<16xf32>
        %mul3A_722 = arith.constant 16 : i32
        %mul3A_723 = arith.muli %scan3A_254, %mul3A_722 : i32
        %add3A_724 = arith.constant 7 : i32
        %add3A_725 = arith.addi %mul3A_723, %add3A_724 : i32
        %broadcast_in_dim3A_726 = arith.constant 0.000000e+00 : f32
        %broadcast_in_dim3A_727 = vector.broadcast %broadcast_in_dim3A_726 : f32 to vector<16xf32>
        %get3A_728 = arith.index_cast %add3A_725 : i32 to index
        %get3A_729 = arith.constant 0 : index
        %get3A_730 = tpu.vector_load %arg23[%get3A_728, %get3A_729] {strides = array<i32>} : memref<80x64xi32, #tpu.memory_space<vmem>>, vector<16xi32>,
        %bitcast3A_731 = vector.bitcast %get3A_730 : vector<16xi32> to vector<32xbf16>
        %get3A_732 = arith.index_cast %add3A_725 : i32 to index
        %get3A_733 = arith.constant 0 : index
        %get3A_734 = tpu.vector_load %arg24[%get3A_732, %get3A_733] {strides = array<i32>} : memref<80x64xi32, #tpu.memory_space<vmem>>, vector<16xi32>,
        %bitcast3A_735 = vector.bitcast %get3A_734 : vector<16xi32> to vector<32xbf16>
        %mul3A_736 = arith.mulf %bitcast3A_731, %bitcast3A_735 : vector<32xbf16>
        %unpack3A_737 = tpu.unpack_subelements %mul3A_736, 0 {pack_format = #tpu.pack_format<interleaved>} : vector<32xbf16> -> vector<16xf32>
        %unpack3A_738 = tpu.unpack_subelements %mul3A_736, 1 {pack_format = #tpu.pack_format<interleaved>} : vector<32xbf16> -> vector<16xf32>
        %add3A_739 = arith.addf %broadcast_in_dim3A_727, %unpack3A_737 : vector<16xf32>
        %add3A_740 = arith.addf %add3A_739, %unpack3A_738 : vector<16xf32>
        %get3A_741 = arith.index_cast %add3A_725 : i32 to index
        %get3A_742 = arith.constant 16 : index
        %get3A_743 = tpu.vector_load %arg23[%get3A_741, %get3A_742] {strides = array<i32>} : memref<80x64xi32, #tpu.memory_space<vmem>>, vector<16xi32>,
        %bitcast3A_744 = vector.bitcast %get3A_743 : vector<16xi32> to vector<32xbf16>
        %get3A_745 = arith.index_cast %add3A_725 : i32 to index
        %get3A_746 = arith.constant 16 : index
        %get3A_747 = tpu.vector_load %arg24[%get3A_745, %get3A_746] {strides = array<i32>} : memref<80x64xi32, #tpu.memory_space<vmem>>, vector<16xi32>,
        %bitcast3A_748 = vector.bitcast %get3A_747 : vector<16xi32> to vector<32xbf16>
        %mul3A_749 = arith.mulf %bitcast3A_744, %bitcast3A_748 : vector<32xbf16>
        %unpack3A_750 = tpu.unpack_subelements %mul3A_749, 0 {pack_format = #tpu.pack_format<interleaved>} : vector<32xbf16> -> vector<16xf32>
        %unpack3A_751 = tpu.unpack_subelements %mul3A_749, 1 {pack_format = #tpu.pack_format<interleaved>} : vector<32xbf16> -> vector<16xf32>
        %add3A_752 = arith.addf %add3A_740, %unpack3A_750 : vector<16xf32>
        %add3A_753 = arith.addf %add3A_752, %unpack3A_751 : vector<16xf32>
        %get3A_754 = arith.index_cast %add3A_725 : i32 to index
        %get3A_755 = arith.constant 32 : index
        %get3A_756 = tpu.vector_load %arg23[%get3A_754, %get3A_755] {strides = array<i32>} : memref<80x64xi32, #tpu.memory_space<vmem>>, vector<16xi32>,
        %bitcast3A_757 = vector.bitcast %get3A_756 : vector<16xi32> to vector<32xbf16>
        %get3A_758 = arith.index_cast %add3A_725 : i32 to index
        %get3A_759 = arith.constant 32 : index
        %get3A_760 = tpu.vector_load %arg24[%get3A_758, %get3A_759] {strides = array<i32>} : memref<80x64xi32, #tpu.memory_space<vmem>>, vector<16xi32>,
        %bitcast3A_761 = vector.bitcast %get3A_760 : vector<16xi32> to vector<32xbf16>
        %mul3A_762 = arith.mulf %bitcast3A_757, %bitcast3A_761 : vector<32xbf16>
        %unpack3A_763 = tpu.unpack_subelements %mul3A_762, 0 {pack_format = #tpu.pack_format<interleaved>} : vector<32xbf16> -> vector<16xf32>
        %unpack3A_764 = tpu.unpack_subelements %mul3A_762, 1 {pack_format = #tpu.pack_format<interleaved>} : vector<32xbf16> -> vector<16xf32>
        %add3A_765 = arith.addf %add3A_753, %unpack3A_763 : vector<16xf32>
        %add3A_766 = arith.addf %add3A_765, %unpack3A_764 : vector<16xf32>
        %get3A_767 = arith.index_cast %add3A_725 : i32 to index
        %get3A_768 = arith.constant 48 : index
        %get3A_769 = tpu.vector_load %arg23[%get3A_767, %get3A_768] {strides = array<i32>} : memref<80x64xi32, #tpu.memory_space<vmem>>, vector<16xi32>,
        %bitcast3A_770 = vector.bitcast %get3A_769 : vector<16xi32> to vector<32xbf16>
        %get3A_771 = arith.index_cast %add3A_725 : i32 to index
        %get3A_772 = arith.constant 48 : index
        %get3A_773 = tpu.vector_load %arg24[%get3A_771, %get3A_772] {strides = array<i32>} : memref<80x64xi32, #tpu.memory_space<vmem>>, vector<16xi32>,
        %bitcast3A_774 = vector.bitcast %get3A_773 : vector<16xi32> to vector<32xbf16>
        %mul3A_775 = arith.mulf %bitcast3A_770, %bitcast3A_774 : vector<32xbf16>
        %unpack3A_776 = tpu.unpack_subelements %mul3A_775, 0 {pack_format = #tpu.pack_format<interleaved>} : vector<32xbf16> -> vector<16xf32>
        %unpack3A_777 = tpu.unpack_subelements %mul3A_775, 1 {pack_format = #tpu.pack_format<interleaved>} : vector<32xbf16> -> vector<16xf32>
        %add3A_778 = arith.addf %add3A_766, %unpack3A_776 : vector<16xf32>
        %add3A_779 = arith.addf %add3A_778, %unpack3A_777 : vector<16xf32>
        %reduce_sum3A_780 = arith.constant true
        %reduce_sum3A_781 = vector.broadcast %reduce_sum3A_780 : i1 to vector<16xi1>
        %reduce_sum3A_782 = tpu.scan <sum>, %add3A_779 masked %reduce_sum3A_781 : vector<16xf32>, vector<16xi1> -> vector<16xf32>
        %reduce_sum3A_783 = vector.extract %reduce_sum3A_782[15] : f32 from vector<16xf32>
        %eq3A_784 = arith.constant 7 : i32
        %eq3A_785 = vector.broadcast %eq3A_784 : i32 to vector<16xi32>
        %eq3A_786 = arith.cmpi eq, %iota3A, %eq3A_785 : vector<16xi32>
        %broadcast_in_dim3A_787 = vector.broadcast %reduce_sum3A_783 : f32 to vector<16xf32>
        %select_n3A_788 = arith.select %eq3A_786, %broadcast_in_dim3A_787, %select_n3A_721 : vector<16xi1>, vector<16xf32>
        %mul3A_789 = arith.constant 16 : i32
        %mul3A_790 = arith.muli %scan3A_254, %mul3A_789 : i32
        %add3A_791 = arith.constant 8 : i32
        %add3A_792 = arith.addi %mul3A_790, %add3A_791 : i32
        %broadcast_in_dim3A_793 = arith.constant 0.000000e+00 : f32
        %broadcast_in_dim3A_794 = vector.broadcast %broadcast_in_dim3A_793 : f32 to vector<16xf32>
        %get3A_795 = arith.index_cast %add3A_792 : i32 to index
        %get3A_796 = arith.constant 0 : index
        %get3A_797 = tpu.vector_load %arg23[%get3A_795, %get3A_796] {strides = array<i32>} : memref<80x64xi32, #tpu.memory_space<vmem>>, vector<16xi32>,
        %bitcast3A_798 = vector.bitcast %get3A_797 : vector<16xi32> to vector<32xbf16>
        %get3A_799 = arith.index_cast %add3A_792 : i32 to index
        %get3A_800 = arith.constant 0 : index
        %get3A_801 = tpu.vector_load %arg24[%get3A_799, %get3A_800] {strides = array<i32>} : memref<80x64xi32, #tpu.memory_space<vmem>>, vector<16xi32>,
        %bitcast3A_802 = vector.bitcast %get3A_801 : vector<16xi32> to vector<32xbf16>
        %mul3A_803 = arith.mulf %bitcast3A_798, %bitcast3A_802 : vector<32xbf16>
        %unpack3A_804 = tpu.unpack_subelements %mul3A_803, 0 {pack_format = #tpu.pack_format<interleaved>} : vector<32xbf16> -> vector<16xf32>
        %unpack3A_805 = tpu.unpack_subelements %mul3A_803, 1 {pack_format = #tpu.pack_format<interleaved>} : vector<32xbf16> -> vector<16xf32>
        %add3A_806 = arith.addf %broadcast_in_dim3A_794, %unpack3A_804 : vector<16xf32>
        %add3A_807 = arith.addf %add3A_806, %unpack3A_805 : vector<16xf32>
        %get3A_808 = arith.index_cast %add3A_792 : i32 to index
        %get3A_809 = arith.constant 16 : index
        %get3A_810 = tpu.vector_load %arg23[%get3A_808, %get3A_809] {strides = array<i32>} : memref<80x64xi32, #tpu.memory_space<vmem>>, vector<16xi32>,
        %bitcast3A_811 = vector.bitcast %get3A_810 : vector<16xi32> to vector<32xbf16>
        %get3A_812 = arith.index_cast %add3A_792 : i32 to index
        %get3A_813 = arith.constant 16 : index
        %get3A_814 = tpu.vector_load %arg24[%get3A_812, %get3A_813] {strides = array<i32>} : memref<80x64xi32, #tpu.memory_space<vmem>>, vector<16xi32>,
        %bitcast3A_815 = vector.bitcast %get3A_814 : vector<16xi32> to vector<32xbf16>
        %mul3A_816 = arith.mulf %bitcast3A_811, %bitcast3A_815 : vector<32xbf16>
        %unpack3A_817 = tpu.unpack_subelements %mul3A_816, 0 {pack_format = #tpu.pack_format<interleaved>} : vector<32xbf16> -> vector<16xf32>
        %unpack3A_818 = tpu.unpack_subelements %mul3A_816, 1 {pack_format = #tpu.pack_format<interleaved>} : vector<32xbf16> -> vector<16xf32>
        %add3A_819 = arith.addf %add3A_807, %unpack3A_817 : vector<16xf32>
        %add3A_820 = arith.addf %add3A_819, %unpack3A_818 : vector<16xf32>
        %get3A_821 = arith.index_cast %add3A_792 : i32 to index
        %get3A_822 = arith.constant 32 : index
        %get3A_823 = tpu.vector_load %arg23[%get3A_821, %get3A_822] {strides = array<i32>} : memref<80x64xi32, #tpu.memory_space<vmem>>, vector<16xi32>,
        %bitcast3A_824 = vector.bitcast %get3A_823 : vector<16xi32> to vector<32xbf16>
        %get3A_825 = arith.index_cast %add3A_792 : i32 to index
        %get3A_826 = arith.constant 32 : index
        %get3A_827 = tpu.vector_load %arg24[%get3A_825, %get3A_826] {strides = array<i32>} : memref<80x64xi32, #tpu.memory_space<vmem>>, vector<16xi32>,
        %bitcast3A_828 = vector.bitcast %get3A_827 : vector<16xi32> to vector<32xbf16>
        %mul3A_829 = arith.mulf %bitcast3A_824, %bitcast3A_828 : vector<32xbf16>
        %unpack3A_830 = tpu.unpack_subelements %mul3A_829, 0 {pack_format = #tpu.pack_format<interleaved>} : vector<32xbf16> -> vector<16xf32>
        %unpack3A_831 = tpu.unpack_subelements %mul3A_829, 1 {pack_format = #tpu.pack_format<interleaved>} : vector<32xbf16> -> vector<16xf32>
        %add3A_832 = arith.addf %add3A_820, %unpack3A_830 : vector<16xf32>
        %add3A_833 = arith.addf %add3A_832, %unpack3A_831 : vector<16xf32>
        %get3A_834 = arith.index_cast %add3A_792 : i32 to index
        %get3A_835 = arith.constant 48 : index
        %get3A_836 = tpu.vector_load %arg23[%get3A_834, %get3A_835] {strides = array<i32>} : memref<80x64xi32, #tpu.memory_space<vmem>>, vector<16xi32>,
        %bitcast3A_837 = vector.bitcast %get3A_836 : vector<16xi32> to vector<32xbf16>
        %get3A_838 = arith.index_cast %add3A_792 : i32 to index
        %get3A_839 = arith.constant 48 : index
        %get3A_840 = tpu.vector_load %arg24[%get3A_838, %get3A_839] {strides = array<i32>} : memref<80x64xi32, #tpu.memory_space<vmem>>, vector<16xi32>,
        %bitcast3A_841 = vector.bitcast %get3A_840 : vector<16xi32> to vector<32xbf16>
        %mul3A_842 = arith.mulf %bitcast3A_837, %bitcast3A_841 : vector<32xbf16>
        %unpack3A_843 = tpu.unpack_subelements %mul3A_842, 0 {pack_format = #tpu.pack_format<interleaved>} : vector<32xbf16> -> vector<16xf32>
        %unpack3A_844 = tpu.unpack_subelements %mul3A_842, 1 {pack_format = #tpu.pack_format<interleaved>} : vector<32xbf16> -> vector<16xf32>
        %add3A_845 = arith.addf %add3A_833, %unpack3A_843 : vector<16xf32>
        %add3A_846 = arith.addf %add3A_845, %unpack3A_844 : vector<16xf32>
        %reduce_sum3A_847 = arith.constant true
        %reduce_sum3A_848 = vector.broadcast %reduce_sum3A_847 : i1 to vector<16xi1>
        %reduce_sum3A_849 = tpu.scan <sum>, %add3A_846 masked %reduce_sum3A_848 : vector<16xf32>, vector<16xi1> -> vector<16xf32>
        %reduce_sum3A_850 = vector.extract %reduce_sum3A_849[15] : f32 from vector<16xf32>
        %eq3A_851 = arith.constant 8 : i32
        %eq3A_852 = vector.broadcast %eq3A_851 : i32 to vector<16xi32>
        %eq3A_853 = arith.cmpi eq, %iota3A, %eq3A_852 : vector<16xi32>
        %broadcast_in_dim3A_854 = vector.broadcast %reduce_sum3A_850 : f32 to vector<16xf32>
        %select_n3A_855 = arith.select %eq3A_853, %broadcast_in_dim3A_854, %select_n3A_788 : vector<16xi1>, vector<16xf32>
        %mul3A_856 = arith.constant 16 : i32
        %mul3A_857 = arith.muli %scan3A_254, %mul3A_856 : i32
        %add3A_858 = arith.constant 9 : i32
        %add3A_859 = arith.addi %mul3A_857, %add3A_858 : i32
        %broadcast_in_dim3A_860 = arith.constant 0.000000e+00 : f32
        %broadcast_in_dim3A_861 = vector.broadcast %broadcast_in_dim3A_860 : f32 to vector<16xf32>
        %get3A_862 = arith.index_cast %add3A_859 : i32 to index
        %get3A_863 = arith.constant 0 : index
        %get3A_864 = tpu.vector_load %arg23[%get3A_862, %get3A_863] {strides = array<i32>} : memref<80x64xi32, #tpu.memory_space<vmem>>, vector<16xi32>,
        %bitcast3A_865 = vector.bitcast %get3A_864 : vector<16xi32> to vector<32xbf16>
        %get3A_866 = arith.index_cast %add3A_859 : i32 to index
        %get3A_867 = arith.constant 0 : index
        %get3A_868 = tpu.vector_load %arg24[%get3A_866, %get3A_867] {strides = array<i32>} : memref<80x64xi32, #tpu.memory_space<vmem>>, vector<16xi32>,
        %bitcast3A_869 = vector.bitcast %get3A_868 : vector<16xi32> to vector<32xbf16>
        %mul3A_870 = arith.mulf %bitcast3A_865, %bitcast3A_869 : vector<32xbf16>
        %unpack3A_871 = tpu.unpack_subelements %mul3A_870, 0 {pack_format = #tpu.pack_format<interleaved>} : vector<32xbf16> -> vector<16xf32>
        %unpack3A_872 = tpu.unpack_subelements %mul3A_870, 1 {pack_format = #tpu.pack_format<interleaved>} : vector<32xbf16> -> vector<16xf32>
        %add3A_873 = arith.addf %broadcast_in_dim3A_861, %unpack3A_871 : vector<16xf32>
        %add3A_874 = arith.addf %add3A_873, %unpack3A_872 : vector<16xf32>
        %get3A_875 = arith.index_cast %add3A_859 : i32 to index
        %get3A_876 = arith.constant 16 : index
        %get3A_877 = tpu.vector_load %arg23[%get3A_875, %get3A_876] {strides = array<i32>} : memref<80x64xi32, #tpu.memory_space<vmem>>, vector<16xi32>,
        %bitcast3A_878 = vector.bitcast %get3A_877 : vector<16xi32> to vector<32xbf16>
        %get3A_879 = arith.index_cast %add3A_859 : i32 to index
        %get3A_880 = arith.constant 16 : index
        %get3A_881 = tpu.vector_load %arg24[%get3A_879, %get3A_880] {strides = array<i32>} : memref<80x64xi32, #tpu.memory_space<vmem>>, vector<16xi32>,
        %bitcast3A_882 = vector.bitcast %get3A_881 : vector<16xi32> to vector<32xbf16>
        %mul3A_883 = arith.mulf %bitcast3A_878, %bitcast3A_882 : vector<32xbf16>
        %unpack3A_884 = tpu.unpack_subelements %mul3A_883, 0 {pack_format = #tpu.pack_format<interleaved>} : vector<32xbf16> -> vector<16xf32>
        %unpack3A_885 = tpu.unpack_subelements %mul3A_883, 1 {pack_format = #tpu.pack_format<interleaved>} : vector<32xbf16> -> vector<16xf32>
        %add3A_886 = arith.addf %add3A_874, %unpack3A_884 : vector<16xf32>
        %add3A_887 = arith.addf %add3A_886, %unpack3A_885 : vector<16xf32>
        %get3A_888 = arith.index_cast %add3A_859 : i32 to index
        %get3A_889 = arith.constant 32 : index
        %get3A_890 = tpu.vector_load %arg23[%get3A_888, %get3A_889] {strides = array<i32>} : memref<80x64xi32, #tpu.memory_space<vmem>>, vector<16xi32>,
        %bitcast3A_891 = vector.bitcast %get3A_890 : vector<16xi32> to vector<32xbf16>
        %get3A_892 = arith.index_cast %add3A_859 : i32 to index
        %get3A_893 = arith.constant 32 : index
        %get3A_894 = tpu.vector_load %arg24[%get3A_892, %get3A_893] {strides = array<i32>} : memref<80x64xi32, #tpu.memory_space<vmem>>, vector<16xi32>,
        %bitcast3A_895 = vector.bitcast %get3A_894 : vector<16xi32> to vector<32xbf16>
        %mul3A_896 = arith.mulf %bitcast3A_891, %bitcast3A_895 : vector<32xbf16>
        %unpack3A_897 = tpu.unpack_subelements %mul3A_896, 0 {pack_format = #tpu.pack_format<interleaved>} : vector<32xbf16> -> vector<16xf32>
        %unpack3A_898 = tpu.unpack_subelements %mul3A_896, 1 {pack_format = #tpu.pack_format<interleaved>} : vector<32xbf16> -> vector<16xf32>
        %add3A_899 = arith.addf %add3A_887, %unpack3A_897 : vector<16xf32>
        %add3A_900 = arith.addf %add3A_899, %unpack3A_898 : vector<16xf32>
        %get3A_901 = arith.index_cast %add3A_859 : i32 to index
        %get3A_902 = arith.constant 48 : index
        %get3A_903 = tpu.vector_load %arg23[%get3A_901, %get3A_902] {strides = array<i32>} : memref<80x64xi32, #tpu.memory_space<vmem>>, vector<16xi32>,
        %bitcast3A_904 = vector.bitcast %get3A_903 : vector<16xi32> to vector<32xbf16>
        %get3A_905 = arith.index_cast %add3A_859 : i32 to index
        %get3A_906 = arith.constant 48 : index
        %get3A_907 = tpu.vector_load %arg24[%get3A_905, %get3A_906] {strides = array<i32>} : memref<80x64xi32, #tpu.memory_space<vmem>>, vector<16xi32>,
        %bitcast3A_908 = vector.bitcast %get3A_907 : vector<16xi32> to vector<32xbf16>
        %mul3A_909 = arith.mulf %bitcast3A_904, %bitcast3A_908 : vector<32xbf16>
        %unpack3A_910 = tpu.unpack_subelements %mul3A_909, 0 {pack_format = #tpu.pack_format<interleaved>} : vector<32xbf16> -> vector<16xf32>
        %unpack3A_911 = tpu.unpack_subelements %mul3A_909, 1 {pack_format = #tpu.pack_format<interleaved>} : vector<32xbf16> -> vector<16xf32>
        %add3A_912 = arith.addf %add3A_900, %unpack3A_910 : vector<16xf32>
        %add3A_913 = arith.addf %add3A_912, %unpack3A_911 : vector<16xf32>
        %reduce_sum3A_914 = arith.constant true
        %reduce_sum3A_915 = vector.broadcast %reduce_sum3A_914 : i1 to vector<16xi1>
        %reduce_sum3A_916 = tpu.scan <sum>, %add3A_913 masked %reduce_sum3A_915 : vector<16xf32>, vector<16xi1> -> vector<16xf32>
        %reduce_sum3A_917 = vector.extract %reduce_sum3A_916[15] : f32 from vector<16xf32>
        %eq3A_918 = arith.constant 9 : i32
        %eq3A_919 = vector.broadcast %eq3A_918 : i32 to vector<16xi32>
        %eq3A_920 = arith.cmpi eq, %iota3A, %eq3A_919 : vector<16xi32>
        %broadcast_in_dim3A_921 = vector.broadcast %reduce_sum3A_917 : f32 to vector<16xf32>
        %select_n3A_922 = arith.select %eq3A_920, %broadcast_in_dim3A_921, %select_n3A_855 : vector<16xi1>, vector<16xf32>
        %mul3A_923 = arith.constant 16 : i32
        %mul3A_924 = arith.muli %scan3A_254, %mul3A_923 : i32
        %add3A_925 = arith.constant 10 : i32
        %add3A_926 = arith.addi %mul3A_924, %add3A_925 : i32
        %broadcast_in_dim3A_927 = arith.constant 0.000000e+00 : f32
        %broadcast_in_dim3A_928 = vector.broadcast %broadcast_in_dim3A_927 : f32 to vector<16xf32>
        %get3A_929 = arith.index_cast %add3A_926 : i32 to index
        %get3A_930 = arith.constant 0 : index
        %get3A_931 = tpu.vector_load %arg23[%get3A_929, %get3A_930] {strides = array<i32>} : memref<80x64xi32, #tpu.memory_space<vmem>>, vector<16xi32>,
        %bitcast3A_932 = vector.bitcast %get3A_931 : vector<16xi32> to vector<32xbf16>
        %get3A_933 = arith.index_cast %add3A_926 : i32 to index
        %get3A_934 = arith.constant 0 : index
        %get3A_935 = tpu.vector_load %arg24[%get3A_933, %get3A_934] {strides = array<i32>} : memref<80x64xi32, #tpu.memory_space<vmem>>, vector<16xi32>,
        %bitcast3A_936 = vector.bitcast %get3A_935 : vector<16xi32> to vector<32xbf16>
        %mul3A_937 = arith.mulf %bitcast3A_932, %bitcast3A_936 : vector<32xbf16>
        %unpack3A_938 = tpu.unpack_subelements %mul3A_937, 0 {pack_format = #tpu.pack_format<interleaved>} : vector<32xbf16> -> vector<16xf32>
        %unpack3A_939 = tpu.unpack_subelements %mul3A_937, 1 {pack_format = #tpu.pack_format<interleaved>} : vector<32xbf16> -> vector<16xf32>
        %add3A_940 = arith.addf %broadcast_in_dim3A_928, %unpack3A_938 : vector<16xf32>
        %add3A_941 = arith.addf %add3A_940, %unpack3A_939 : vector<16xf32>
        %get3A_942 = arith.index_cast %add3A_926 : i32 to index
        %get3A_943 = arith.constant 16 : index
        %get3A_944 = tpu.vector_load %arg23[%get3A_942, %get3A_943] {strides = array<i32>} : memref<80x64xi32, #tpu.memory_space<vmem>>, vector<16xi32>,
        %bitcast3A_945 = vector.bitcast %get3A_944 : vector<16xi32> to vector<32xbf16>
        %get3A_946 = arith.index_cast %add3A_926 : i32 to index
        %get3A_947 = arith.constant 16 : index
        %get3A_948 = tpu.vector_load %arg24[%get3A_946, %get3A_947] {strides = array<i32>} : memref<80x64xi32, #tpu.memory_space<vmem>>, vector<16xi32>,
        %bitcast3A_949 = vector.bitcast %get3A_948 : vector<16xi32> to vector<32xbf16>
        %mul3A_950 = arith.mulf %bitcast3A_945, %bitcast3A_949 : vector<32xbf16>
        %unpack3A_951 = tpu.unpack_subelements %mul3A_950, 0 {pack_format = #tpu.pack_format<interleaved>} : vector<32xbf16> -> vector<16xf32>
        %unpack3A_952 = tpu.unpack_subelements %mul3A_950, 1 {pack_format = #tpu.pack_format<interleaved>} : vector<32xbf16> -> vector<16xf32>
        %add3A_953 = arith.addf %add3A_941, %unpack3A_951 : vector<16xf32>
        %add3A_954 = arith.addf %add3A_953, %unpack3A_952 : vector<16xf32>
        %get3A_955 = arith.index_cast %add3A_926 : i32 to index
        %get3A_956 = arith.constant 32 : index
        %get3A_957 = tpu.vector_load %arg23[%get3A_955, %get3A_956] {strides = array<i32>} : memref<80x64xi32, #tpu.memory_space<vmem>>, vector<16xi32>,
        %bitcast3A_958 = vector.bitcast %get3A_957 : vector<16xi32> to vector<32xbf16>
        %get3A_959 = arith.index_cast %add3A_926 : i32 to index
        %get3A_960 = arith.constant 32 : index
        %get3A_961 = tpu.vector_load %arg24[%get3A_959, %get3A_960] {strides = array<i32>} : memref<80x64xi32, #tpu.memory_space<vmem>>, vector<16xi32>,
        %bitcast3A_962 = vector.bitcast %get3A_961 : vector<16xi32> to vector<32xbf16>
        %mul3A_963 = arith.mulf %bitcast3A_958, %bitcast3A_962 : vector<32xbf16>
        %unpack3A_964 = tpu.unpack_subelements %mul3A_963, 0 {pack_format = #tpu.pack_format<interleaved>} : vector<32xbf16> -> vector<16xf32>
        %unpack3A_965 = tpu.unpack_subelements %mul3A_963, 1 {pack_format = #tpu.pack_format<interleaved>} : vector<32xbf16> -> vector<16xf32>
        %add3A_966 = arith.addf %add3A_954, %unpack3A_964 : vector<16xf32>
        %add3A_967 = arith.addf %add3A_966, %unpack3A_965 : vector<16xf32>
        %get3A_968 = arith.index_cast %add3A_926 : i32 to index
        %get3A_969 = arith.constant 48 : index
        %get3A_970 = tpu.vector_load %arg23[%get3A_968, %get3A_969] {strides = array<i32>} : memref<80x64xi32, #tpu.memory_space<vmem>>, vector<16xi32>,
        %bitcast3A_971 = vector.bitcast %get3A_970 : vector<16xi32> to vector<32xbf16>
        %get3A_972 = arith.index_cast %add3A_926 : i32 to index
        %get3A_973 = arith.constant 48 : index
        %get3A_974 = tpu.vector_load %arg24[%get3A_972, %get3A_973] {strides = array<i32>} : memref<80x64xi32, #tpu.memory_space<vmem>>, vector<16xi32>,
        %bitcast3A_975 = vector.bitcast %get3A_974 : vector<16xi32> to vector<32xbf16>
        %mul3A_976 = arith.mulf %bitcast3A_971, %bitcast3A_975 : vector<32xbf16>
        %unpack3A_977 = tpu.unpack_subelements %mul3A_976, 0 {pack_format = #tpu.pack_format<interleaved>} : vector<32xbf16> -> vector<16xf32>
        %unpack3A_978 = tpu.unpack_subelements %mul3A_976, 1 {pack_format = #tpu.pack_format<interleaved>} : vector<32xbf16> -> vector<16xf32>
        %add3A_979 = arith.addf %add3A_967, %unpack3A_977 : vector<16xf32>
        %add3A_980 = arith.addf %add3A_979, %unpack3A_978 : vector<16xf32>
        %reduce_sum3A_981 = arith.constant true
        %reduce_sum3A_982 = vector.broadcast %reduce_sum3A_981 : i1 to vector<16xi1>
        %reduce_sum3A_983 = tpu.scan <sum>, %add3A_980 masked %reduce_sum3A_982 : vector<16xf32>, vector<16xi1> -> vector<16xf32>
        %reduce_sum3A_984 = vector.extract %reduce_sum3A_983[15] : f32 from vector<16xf32>
        %eq3A_985 = arith.constant 10 : i32
        %eq3A_986 = vector.broadcast %eq3A_985 : i32 to vector<16xi32>
        %eq3A_987 = arith.cmpi eq, %iota3A, %eq3A_986 : vector<16xi32>
        %broadcast_in_dim3A_988 = vector.broadcast %reduce_sum3A_984 : f32 to vector<16xf32>
        %select_n3A_989 = arith.select %eq3A_987, %broadcast_in_dim3A_988, %select_n3A_922 : vector<16xi1>, vector<16xf32>
        %mul3A_990 = arith.constant 16 : i32
        %mul3A_991 = arith.muli %scan3A_254, %mul3A_990 : i32
        %add3A_992 = arith.constant 11 : i32
        %add3A_993 = arith.addi %mul3A_991, %add3A_992 : i32
        %broadcast_in_dim3A_994 = arith.constant 0.000000e+00 : f32
        %broadcast_in_dim3A_995 = vector.broadcast %broadcast_in_dim3A_994 : f32 to vector<16xf32>
        %get3A_996 = arith.index_cast %add3A_993 : i32 to index
        %get3A_997 = arith.constant 0 : index
        %get3A_998 = tpu.vector_load %arg23[%get3A_996, %get3A_997] {strides = array<i32>} : memref<80x64xi32, #tpu.memory_space<vmem>>, vector<16xi32>,
        %bitcast3A_999 = vector.bitcast %get3A_998 : vector<16xi32> to vector<32xbf16>
        %get3A_1000 = arith.index_cast %add3A_993 : i32 to index
        %get3A_1001 = arith.constant 0 : index
        %get3A_1002 = tpu.vector_load %arg24[%get3A_1000, %get3A_1001] {strides = array<i32>} : memref<80x64xi32, #tpu.memory_space<vmem>>, vector<16xi32>,
        %bitcast3A_1003 = vector.bitcast %get3A_1002 : vector<16xi32> to vector<32xbf16>
        %mul3A_1004 = arith.mulf %bitcast3A_999, %bitcast3A_1003 : vector<32xbf16>
        %unpack3A_1005 = tpu.unpack_subelements %mul3A_1004, 0 {pack_format = #tpu.pack_format<interleaved>} : vector<32xbf16> -> vector<16xf32>
        %unpack3A_1006 = tpu.unpack_subelements %mul3A_1004, 1 {pack_format = #tpu.pack_format<interleaved>} : vector<32xbf16> -> vector<16xf32>
        %add3A_1007 = arith.addf %broadcast_in_dim3A_995, %unpack3A_1005 : vector<16xf32>
        %add3A_1008 = arith.addf %add3A_1007, %unpack3A_1006 : vector<16xf32>
        %get3A_1009 = arith.index_cast %add3A_993 : i32 to index
        %get3A_1010 = arith.constant 16 : index
        %get3A_1011 = tpu.vector_load %arg23[%get3A_1009, %get3A_1010] {strides = array<i32>} : memref<80x64xi32, #tpu.memory_space<vmem>>, vector<16xi32>,
        %bitcast3A_1012 = vector.bitcast %get3A_1011 : vector<16xi32> to vector<32xbf16>
        %get3A_1013 = arith.index_cast %add3A_993 : i32 to index
        %get3A_1014 = arith.constant 16 : index
        %get3A_1015 = tpu.vector_load %arg24[%get3A_1013, %get3A_1014] {strides = array<i32>} : memref<80x64xi32, #tpu.memory_space<vmem>>, vector<16xi32>,
        %bitcast3A_1016 = vector.bitcast %get3A_1015 : vector<16xi32> to vector<32xbf16>
        %mul3A_1017 = arith.mulf %bitcast3A_1012, %bitcast3A_1016 : vector<32xbf16>
        %unpack3A_1018 = tpu.unpack_subelements %mul3A_1017, 0 {pack_format = #tpu.pack_format<interleaved>} : vector<32xbf16> -> vector<16xf32>
        %unpack3A_1019 = tpu.unpack_subelements %mul3A_1017, 1 {pack_format = #tpu.pack_format<interleaved>} : vector<32xbf16> -> vector<16xf32>
        %add3A_1020 = arith.addf %add3A_1008, %unpack3A_1018 : vector<16xf32>
        %add3A_1021 = arith.addf %add3A_1020, %unpack3A_1019 : vector<16xf32>
        %get3A_1022 = arith.index_cast %add3A_993 : i32 to index
        %get3A_1023 = arith.constant 32 : index
        %get3A_1024 = tpu.vector_load %arg23[%get3A_1022, %get3A_1023] {strides = array<i32>} : memref<80x64xi32, #tpu.memory_space<vmem>>, vector<16xi32>,
        %bitcast3A_1025 = vector.bitcast %get3A_1024 : vector<16xi32> to vector<32xbf16>
        %get3A_1026 = arith.index_cast %add3A_993 : i32 to index
        %get3A_1027 = arith.constant 32 : index
        %get3A_1028 = tpu.vector_load %arg24[%get3A_1026, %get3A_1027] {strides = array<i32>} : memref<80x64xi32, #tpu.memory_space<vmem>>, vector<16xi32>,
        %bitcast3A_1029 = vector.bitcast %get3A_1028 : vector<16xi32> to vector<32xbf16>
        %mul3A_1030 = arith.mulf %bitcast3A_1025, %bitcast3A_1029 : vector<32xbf16>
        %unpack3A_1031 = tpu.unpack_subelements %mul3A_1030, 0 {pack_format = #tpu.pack_format<interleaved>} : vector<32xbf16> -> vector<16xf32>
        %unpack3A_1032 = tpu.unpack_subelements %mul3A_1030, 1 {pack_format = #tpu.pack_format<interleaved>} : vector<32xbf16> -> vector<16xf32>
        %add3A_1033 = arith.addf %add3A_1021, %unpack3A_1031 : vector<16xf32>
        %add3A_1034 = arith.addf %add3A_1033, %unpack3A_1032 : vector<16xf32>
        %get3A_1035 = arith.index_cast %add3A_993 : i32 to index
        %get3A_1036 = arith.constant 48 : index
        %get3A_1037 = tpu.vector_load %arg23[%get3A_1035, %get3A_1036] {strides = array<i32>} : memref<80x64xi32, #tpu.memory_space<vmem>>, vector<16xi32>,
        %bitcast3A_1038 = vector.bitcast %get3A_1037 : vector<16xi32> to vector<32xbf16>
        %get3A_1039 = arith.index_cast %add3A_993 : i32 to index
        %get3A_1040 = arith.constant 48 : index
        %get3A_1041 = tpu.vector_load %arg24[%get3A_1039, %get3A_1040] {strides = array<i32>} : memref<80x64xi32, #tpu.memory_space<vmem>>, vector<16xi32>,
        %bitcast3A_1042 = vector.bitcast %get3A_1041 : vector<16xi32> to vector<32xbf16>
        %mul3A_1043 = arith.mulf %bitcast3A_1038, %bitcast3A_1042 : vector<32xbf16>
        %unpack3A_1044 = tpu.unpack_subelements %mul3A_1043, 0 {pack_format = #tpu.pack_format<interleaved>} : vector<32xbf16> -> vector<16xf32>
        %unpack3A_1045 = tpu.unpack_subelements %mul3A_1043, 1 {pack_format = #tpu.pack_format<interleaved>} : vector<32xbf16> -> vector<16xf32>
        %add3A_1046 = arith.addf %add3A_1034, %unpack3A_1044 : vector<16xf32>
        %add3A_1047 = arith.addf %add3A_1046, %unpack3A_1045 : vector<16xf32>
        %reduce_sum3A_1048 = arith.constant true
        %reduce_sum3A_1049 = vector.broadcast %reduce_sum3A_1048 : i1 to vector<16xi1>
        %reduce_sum3A_1050 = tpu.scan <sum>, %add3A_1047 masked %reduce_sum3A_1049 : vector<16xf32>, vector<16xi1> -> vector<16xf32>
        %reduce_sum3A_1051 = vector.extract %reduce_sum3A_1050[15] : f32 from vector<16xf32>
        %eq3A_1052 = arith.constant 11 : i32
        %eq3A_1053 = vector.broadcast %eq3A_1052 : i32 to vector<16xi32>
        %eq3A_1054 = arith.cmpi eq, %iota3A, %eq3A_1053 : vector<16xi32>
        %broadcast_in_dim3A_1055 = vector.broadcast %reduce_sum3A_1051 : f32 to vector<16xf32>
        %select_n3A_1056 = arith.select %eq3A_1054, %broadcast_in_dim3A_1055, %select_n3A_989 : vector<16xi1>, vector<16xf32>
        %mul3A_1057 = arith.constant 16 : i32
        %mul3A_1058 = arith.muli %scan3A_254, %mul3A_1057 : i32
        %add3A_1059 = arith.constant 12 : i32
        %add3A_1060 = arith.addi %mul3A_1058, %add3A_1059 : i32
        %broadcast_in_dim3A_1061 = arith.constant 0.000000e+00 : f32
        %broadcast_in_dim3A_1062 = vector.broadcast %broadcast_in_dim3A_1061 : f32 to vector<16xf32>
        %get3A_1063 = arith.index_cast %add3A_1060 : i32 to index
        %get3A_1064 = arith.constant 0 : index
        %get3A_1065 = tpu.vector_load %arg23[%get3A_1063, %get3A_1064] {strides = array<i32>} : memref<80x64xi32, #tpu.memory_space<vmem>>, vector<16xi32>,
        %bitcast3A_1066 = vector.bitcast %get3A_1065 : vector<16xi32> to vector<32xbf16>
        %get3A_1067 = arith.index_cast %add3A_1060 : i32 to index
        %get3A_1068 = arith.constant 0 : index
        %get3A_1069 = tpu.vector_load %arg24[%get3A_1067, %get3A_1068] {strides = array<i32>} : memref<80x64xi32, #tpu.memory_space<vmem>>, vector<16xi32>,
        %bitcast3A_1070 = vector.bitcast %get3A_1069 : vector<16xi32> to vector<32xbf16>
        %mul3A_1071 = arith.mulf %bitcast3A_1066, %bitcast3A_1070 : vector<32xbf16>
        %unpack3A_1072 = tpu.unpack_subelements %mul3A_1071, 0 {pack_format = #tpu.pack_format<interleaved>} : vector<32xbf16> -> vector<16xf32>
        %unpack3A_1073 = tpu.unpack_subelements %mul3A_1071, 1 {pack_format = #tpu.pack_format<interleaved>} : vector<32xbf16> -> vector<16xf32>
        %add3A_1074 = arith.addf %broadcast_in_dim3A_1062, %unpack3A_1072 : vector<16xf32>
        %add3A_1075 = arith.addf %add3A_1074, %unpack3A_1073 : vector<16xf32>
        %get3A_1076 = arith.index_cast %add3A_1060 : i32 to index
        %get3A_1077 = arith.constant 16 : index
        %get3A_1078 = tpu.vector_load %arg23[%get3A_1076, %get3A_1077] {strides = array<i32>} : memref<80x64xi32, #tpu.memory_space<vmem>>, vector<16xi32>,
        %bitcast3A_1079 = vector.bitcast %get3A_1078 : vector<16xi32> to vector<32xbf16>
        %get3A_1080 = arith.index_cast %add3A_1060 : i32 to index
        %get3A_1081 = arith.constant 16 : index
        %get3A_1082 = tpu.vector_load %arg24[%get3A_1080, %get3A_1081] {strides = array<i32>} : memref<80x64xi32, #tpu.memory_space<vmem>>, vector<16xi32>,
        %bitcast3A_1083 = vector.bitcast %get3A_1082 : vector<16xi32> to vector<32xbf16>
        %mul3A_1084 = arith.mulf %bitcast3A_1079, %bitcast3A_1083 : vector<32xbf16>
        %unpack3A_1085 = tpu.unpack_subelements %mul3A_1084, 0 {pack_format = #tpu.pack_format<interleaved>} : vector<32xbf16> -> vector<16xf32>
        %unpack3A_1086 = tpu.unpack_subelements %mul3A_1084, 1 {pack_format = #tpu.pack_format<interleaved>} : vector<32xbf16> -> vector<16xf32>
        %add3A_1087 = arith.addf %add3A_1075, %unpack3A_1085 : vector<16xf32>
        %add3A_1088 = arith.addf %add3A_1087, %unpack3A_1086 : vector<16xf32>
        %get3A_1089 = arith.index_cast %add3A_1060 : i32 to index
        %get3A_1090 = arith.constant 32 : index
        %get3A_1091 = tpu.vector_load %arg23[%get3A_1089, %get3A_1090] {strides = array<i32>} : memref<80x64xi32, #tpu.memory_space<vmem>>, vector<16xi32>,
        %bitcast3A_1092 = vector.bitcast %get3A_1091 : vector<16xi32> to vector<32xbf16>
        %get3A_1093 = arith.index_cast %add3A_1060 : i32 to index
        %get3A_1094 = arith.constant 32 : index
        %get3A_1095 = tpu.vector_load %arg24[%get3A_1093, %get3A_1094] {strides = array<i32>} : memref<80x64xi32, #tpu.memory_space<vmem>>, vector<16xi32>,
        %bitcast3A_1096 = vector.bitcast %get3A_1095 : vector<16xi32> to vector<32xbf16>
        %mul3A_1097 = arith.mulf %bitcast3A_1092, %bitcast3A_1096 : vector<32xbf16>
        %unpack3A_1098 = tpu.unpack_subelements %mul3A_1097, 0 {pack_format = #tpu.pack_format<interleaved>} : vector<32xbf16> -> vector<16xf32>
        %unpack3A_1099 = tpu.unpack_subelements %mul3A_1097, 1 {pack_format = #tpu.pack_format<interleaved>} : vector<32xbf16> -> vector<16xf32>
        %add3A_1100 = arith.addf %add3A_1088, %unpack3A_1098 : vector<16xf32>
        %add3A_1101 = arith.addf %add3A_1100, %unpack3A_1099 : vector<16xf32>
        %get3A_1102 = arith.index_cast %add3A_1060 : i32 to index
        %get3A_1103 = arith.constant 48 : index
        %get3A_1104 = tpu.vector_load %arg23[%get3A_1102, %get3A_1103] {strides = array<i32>} : memref<80x64xi32, #tpu.memory_space<vmem>>, vector<16xi32>,
        %bitcast3A_1105 = vector.bitcast %get3A_1104 : vector<16xi32> to vector<32xbf16>
        %get3A_1106 = arith.index_cast %add3A_1060 : i32 to index
        %get3A_1107 = arith.constant 48 : index
        %get3A_1108 = tpu.vector_load %arg24[%get3A_1106, %get3A_1107] {strides = array<i32>} : memref<80x64xi32, #tpu.memory_space<vmem>>, vector<16xi32>,
        %bitcast3A_1109 = vector.bitcast %get3A_1108 : vector<16xi32> to vector<32xbf16>
        %mul3A_1110 = arith.mulf %bitcast3A_1105, %bitcast3A_1109 : vector<32xbf16>
        %unpack3A_1111 = tpu.unpack_subelements %mul3A_1110, 0 {pack_format = #tpu.pack_format<interleaved>} : vector<32xbf16> -> vector<16xf32>
        %unpack3A_1112 = tpu.unpack_subelements %mul3A_1110, 1 {pack_format = #tpu.pack_format<interleaved>} : vector<32xbf16> -> vector<16xf32>
        %add3A_1113 = arith.addf %add3A_1101, %unpack3A_1111 : vector<16xf32>
        %add3A_1114 = arith.addf %add3A_1113, %unpack3A_1112 : vector<16xf32>
        %reduce_sum3A_1115 = arith.constant true
        %reduce_sum3A_1116 = vector.broadcast %reduce_sum3A_1115 : i1 to vector<16xi1>
        %reduce_sum3A_1117 = tpu.scan <sum>, %add3A_1114 masked %reduce_sum3A_1116 : vector<16xf32>, vector<16xi1> -> vector<16xf32>
        %reduce_sum3A_1118 = vector.extract %reduce_sum3A_1117[15] : f32 from vector<16xf32>
        %eq3A_1119 = arith.constant 12 : i32
        %eq3A_1120 = vector.broadcast %eq3A_1119 : i32 to vector<16xi32>
        %eq3A_1121 = arith.cmpi eq, %iota3A, %eq3A_1120 : vector<16xi32>
        %broadcast_in_dim3A_1122 = vector.broadcast %reduce_sum3A_1118 : f32 to vector<16xf32>
        %select_n3A_1123 = arith.select %eq3A_1121, %broadcast_in_dim3A_1122, %select_n3A_1056 : vector<16xi1>, vector<16xf32>
        %mul3A_1124 = arith.constant 16 : i32
        %mul3A_1125 = arith.muli %scan3A_254, %mul3A_1124 : i32
        %add3A_1126 = arith.constant 13 : i32
        %add3A_1127 = arith.addi %mul3A_1125, %add3A_1126 : i32
        %broadcast_in_dim3A_1128 = arith.constant 0.000000e+00 : f32
        %broadcast_in_dim3A_1129 = vector.broadcast %broadcast_in_dim3A_1128 : f32 to vector<16xf32>
        %get3A_1130 = arith.index_cast %add3A_1127 : i32 to index
        %get3A_1131 = arith.constant 0 : index
        %get3A_1132 = tpu.vector_load %arg23[%get3A_1130, %get3A_1131] {strides = array<i32>} : memref<80x64xi32, #tpu.memory_space<vmem>>, vector<16xi32>,
        %bitcast3A_1133 = vector.bitcast %get3A_1132 : vector<16xi32> to vector<32xbf16>
        %get3A_1134 = arith.index_cast %add3A_1127 : i32 to index
        %get3A_1135 = arith.constant 0 : index
        %get3A_1136 = tpu.vector_load %arg24[%get3A_1134, %get3A_1135] {strides = array<i32>} : memref<80x64xi32, #tpu.memory_space<vmem>>, vector<16xi32>,
        %bitcast3A_1137 = vector.bitcast %get3A_1136 : vector<16xi32> to vector<32xbf16>
        %mul3A_1138 = arith.mulf %bitcast3A_1133, %bitcast3A_1137 : vector<32xbf16>
        %unpack3A_1139 = tpu.unpack_subelements %mul3A_1138, 0 {pack_format = #tpu.pack_format<interleaved>} : vector<32xbf16> -> vector<16xf32>
        %unpack3A_1140 = tpu.unpack_subelements %mul3A_1138, 1 {pack_format = #tpu.pack_format<interleaved>} : vector<32xbf16> -> vector<16xf32>
        %add3A_1141 = arith.addf %broadcast_in_dim3A_1129, %unpack3A_1139 : vector<16xf32>
        %add3A_1142 = arith.addf %add3A_1141, %unpack3A_1140 : vector<16xf32>
        %get3A_1143 = arith.index_cast %add3A_1127 : i32 to index
        %get3A_1144 = arith.constant 16 : index
        %get3A_1145 = tpu.vector_load %arg23[%get3A_1143, %get3A_1144] {strides = array<i32>} : memref<80x64xi32, #tpu.memory_space<vmem>>, vector<16xi32>,
        %bitcast3A_1146 = vector.bitcast %get3A_1145 : vector<16xi32> to vector<32xbf16>
        %get3A_1147 = arith.index_cast %add3A_1127 : i32 to index
        %get3A_1148 = arith.constant 16 : index
        %get3A_1149 = tpu.vector_load %arg24[%get3A_1147, %get3A_1148] {strides = array<i32>} : memref<80x64xi32, #tpu.memory_space<vmem>>, vector<16xi32>,
        %bitcast3A_1150 = vector.bitcast %get3A_1149 : vector<16xi32> to vector<32xbf16>
        %mul3A_1151 = arith.mulf %bitcast3A_1146, %bitcast3A_1150 : vector<32xbf16>
        %unpack3A_1152 = tpu.unpack_subelements %mul3A_1151, 0 {pack_format = #tpu.pack_format<interleaved>} : vector<32xbf16> -> vector<16xf32>
        %unpack3A_1153 = tpu.unpack_subelements %mul3A_1151, 1 {pack_format = #tpu.pack_format<interleaved>} : vector<32xbf16> -> vector<16xf32>
        %add3A_1154 = arith.addf %add3A_1142, %unpack3A_1152 : vector<16xf32>
        %add3A_1155 = arith.addf %add3A_1154, %unpack3A_1153 : vector<16xf32>
        %get3A_1156 = arith.index_cast %add3A_1127 : i32 to index
        %get3A_1157 = arith.constant 32 : index
        %get3A_1158 = tpu.vector_load %arg23[%get3A_1156, %get3A_1157] {strides = array<i32>} : memref<80x64xi32, #tpu.memory_space<vmem>>, vector<16xi32>,
        %bitcast3A_1159 = vector.bitcast %get3A_1158 : vector<16xi32> to vector<32xbf16>
        %get3A_1160 = arith.index_cast %add3A_1127 : i32 to index
        %get3A_1161 = arith.constant 32 : index
        %get3A_1162 = tpu.vector_load %arg24[%get3A_1160, %get3A_1161] {strides = array<i32>} : memref<80x64xi32, #tpu.memory_space<vmem>>, vector<16xi32>,
        %bitcast3A_1163 = vector.bitcast %get3A_1162 : vector<16xi32> to vector<32xbf16>
        %mul3A_1164 = arith.mulf %bitcast3A_1159, %bitcast3A_1163 : vector<32xbf16>
        %unpack3A_1165 = tpu.unpack_subelements %mul3A_1164, 0 {pack_format = #tpu.pack_format<interleaved>} : vector<32xbf16> -> vector<16xf32>
        %unpack3A_1166 = tpu.unpack_subelements %mul3A_1164, 1 {pack_format = #tpu.pack_format<interleaved>} : vector<32xbf16> -> vector<16xf32>
        %add3A_1167 = arith.addf %add3A_1155, %unpack3A_1165 : vector<16xf32>
        %add3A_1168 = arith.addf %add3A_1167, %unpack3A_1166 : vector<16xf32>
        %get3A_1169 = arith.index_cast %add3A_1127 : i32 to index
        %get3A_1170 = arith.constant 48 : index
        %get3A_1171 = tpu.vector_load %arg23[%get3A_1169, %get3A_1170] {strides = array<i32>} : memref<80x64xi32, #tpu.memory_space<vmem>>, vector<16xi32>,
        %bitcast3A_1172 = vector.bitcast %get3A_1171 : vector<16xi32> to vector<32xbf16>
        %get3A_1173 = arith.index_cast %add3A_1127 : i32 to index
        %get3A_1174 = arith.constant 48 : index
        %get3A_1175 = tpu.vector_load %arg24[%get3A_1173, %get3A_1174] {strides = array<i32>} : memref<80x64xi32, #tpu.memory_space<vmem>>, vector<16xi32>,
        %bitcast3A_1176 = vector.bitcast %get3A_1175 : vector<16xi32> to vector<32xbf16>
        %mul3A_1177 = arith.mulf %bitcast3A_1172, %bitcast3A_1176 : vector<32xbf16>
        %unpack3A_1178 = tpu.unpack_subelements %mul3A_1177, 0 {pack_format = #tpu.pack_format<interleaved>} : vector<32xbf16> -> vector<16xf32>
        %unpack3A_1179 = tpu.unpack_subelements %mul3A_1177, 1 {pack_format = #tpu.pack_format<interleaved>} : vector<32xbf16> -> vector<16xf32>
        %add3A_1180 = arith.addf %add3A_1168, %unpack3A_1178 : vector<16xf32>
        %add3A_1181 = arith.addf %add3A_1180, %unpack3A_1179 : vector<16xf32>
        %reduce_sum3A_1182 = arith.constant true
        %reduce_sum3A_1183 = vector.broadcast %reduce_sum3A_1182 : i1 to vector<16xi1>
        %reduce_sum3A_1184 = tpu.scan <sum>, %add3A_1181 masked %reduce_sum3A_1183 : vector<16xf32>, vector<16xi1> -> vector<16xf32>
        %reduce_sum3A_1185 = vector.extract %reduce_sum3A_1184[15] : f32 from vector<16xf32>
        %eq3A_1186 = arith.constant 13 : i32
        %eq3A_1187 = vector.broadcast %eq3A_1186 : i32 to vector<16xi32>
        %eq3A_1188 = arith.cmpi eq, %iota3A, %eq3A_1187 : vector<16xi32>
        %broadcast_in_dim3A_1189 = vector.broadcast %reduce_sum3A_1185 : f32 to vector<16xf32>
        %select_n3A_1190 = arith.select %eq3A_1188, %broadcast_in_dim3A_1189, %select_n3A_1123 : vector<16xi1>, vector<16xf32>
        %mul3A_1191 = arith.constant 16 : i32
        %mul3A_1192 = arith.muli %scan3A_254, %mul3A_1191 : i32
        %add3A_1193 = arith.constant 14 : i32
        %add3A_1194 = arith.addi %mul3A_1192, %add3A_1193 : i32
        %broadcast_in_dim3A_1195 = arith.constant 0.000000e+00 : f32
        %broadcast_in_dim3A_1196 = vector.broadcast %broadcast_in_dim3A_1195 : f32 to vector<16xf32>
        %get3A_1197 = arith.index_cast %add3A_1194 : i32 to index
        %get3A_1198 = arith.constant 0 : index
        %get3A_1199 = tpu.vector_load %arg23[%get3A_1197, %get3A_1198] {strides = array<i32>} : memref<80x64xi32, #tpu.memory_space<vmem>>, vector<16xi32>,
        %bitcast3A_1200 = vector.bitcast %get3A_1199 : vector<16xi32> to vector<32xbf16>
        %get3A_1201 = arith.index_cast %add3A_1194 : i32 to index
        %get3A_1202 = arith.constant 0 : index
        %get3A_1203 = tpu.vector_load %arg24[%get3A_1201, %get3A_1202] {strides = array<i32>} : memref<80x64xi32, #tpu.memory_space<vmem>>, vector<16xi32>,
        %bitcast3A_1204 = vector.bitcast %get3A_1203 : vector<16xi32> to vector<32xbf16>
        %mul3A_1205 = arith.mulf %bitcast3A_1200, %bitcast3A_1204 : vector<32xbf16>
        %unpack3A_1206 = tpu.unpack_subelements %mul3A_1205, 0 {pack_format = #tpu.pack_format<interleaved>} : vector<32xbf16> -> vector<16xf32>
        %unpack3A_1207 = tpu.unpack_subelements %mul3A_1205, 1 {pack_format = #tpu.pack_format<interleaved>} : vector<32xbf16> -> vector<16xf32>
        %add3A_1208 = arith.addf %broadcast_in_dim3A_1196, %unpack3A_1206 : vector<16xf32>
        %add3A_1209 = arith.addf %add3A_1208, %unpack3A_1207 : vector<16xf32>
        %get3A_1210 = arith.index_cast %add3A_1194 : i32 to index
        %get3A_1211 = arith.constant 16 : index
        %get3A_1212 = tpu.vector_load %arg23[%get3A_1210, %get3A_1211] {strides = array<i32>} : memref<80x64xi32, #tpu.memory_space<vmem>>, vector<16xi32>,
        %bitcast3A_1213 = vector.bitcast %get3A_1212 : vector<16xi32> to vector<32xbf16>
        %get3A_1214 = arith.index_cast %add3A_1194 : i32 to index
        %get3A_1215 = arith.constant 16 : index
        %get3A_1216 = tpu.vector_load %arg24[%get3A_1214, %get3A_1215] {strides = array<i32>} : memref<80x64xi32, #tpu.memory_space<vmem>>, vector<16xi32>,
        %bitcast3A_1217 = vector.bitcast %get3A_1216 : vector<16xi32> to vector<32xbf16>
        %mul3A_1218 = arith.mulf %bitcast3A_1213, %bitcast3A_1217 : vector<32xbf16>
        %unpack3A_1219 = tpu.unpack_subelements %mul3A_1218, 0 {pack_format = #tpu.pack_format<interleaved>} : vector<32xbf16> -> vector<16xf32>
        %unpack3A_1220 = tpu.unpack_subelements %mul3A_1218, 1 {pack_format = #tpu.pack_format<interleaved>} : vector<32xbf16> -> vector<16xf32>
        %add3A_1221 = arith.addf %add3A_1209, %unpack3A_1219 : vector<16xf32>
        %add3A_1222 = arith.addf %add3A_1221, %unpack3A_1220 : vector<16xf32>
        %get3A_1223 = arith.index_cast %add3A_1194 : i32 to index
        %get3A_1224 = arith.constant 32 : index
        %get3A_1225 = tpu.vector_load %arg23[%get3A_1223, %get3A_1224] {strides = array<i32>} : memref<80x64xi32, #tpu.memory_space<vmem>>, vector<16xi32>,
        %bitcast3A_1226 = vector.bitcast %get3A_1225 : vector<16xi32> to vector<32xbf16>
        %get3A_1227 = arith.index_cast %add3A_1194 : i32 to index
        %get3A_1228 = arith.constant 32 : index
        %get3A_1229 = tpu.vector_load %arg24[%get3A_1227, %get3A_1228] {strides = array<i32>} : memref<80x64xi32, #tpu.memory_space<vmem>>, vector<16xi32>,
        %bitcast3A_1230 = vector.bitcast %get3A_1229 : vector<16xi32> to vector<32xbf16>
        %mul3A_1231 = arith.mulf %bitcast3A_1226, %bitcast3A_1230 : vector<32xbf16>
        %unpack3A_1232 = tpu.unpack_subelements %mul3A_1231, 0 {pack_format = #tpu.pack_format<interleaved>} : vector<32xbf16> -> vector<16xf32>
        %unpack3A_1233 = tpu.unpack_subelements %mul3A_1231, 1 {pack_format = #tpu.pack_format<interleaved>} : vector<32xbf16> -> vector<16xf32>
        %add3A_1234 = arith.addf %add3A_1222, %unpack3A_1232 : vector<16xf32>
        %add3A_1235 = arith.addf %add3A_1234, %unpack3A_1233 : vector<16xf32>
        %get3A_1236 = arith.index_cast %add3A_1194 : i32 to index
        %get3A_1237 = arith.constant 48 : index
        %get3A_1238 = tpu.vector_load %arg23[%get3A_1236, %get3A_1237] {strides = array<i32>} : memref<80x64xi32, #tpu.memory_space<vmem>>, vector<16xi32>,
        %bitcast3A_1239 = vector.bitcast %get3A_1238 : vector<16xi32> to vector<32xbf16>
        %get3A_1240 = arith.index_cast %add3A_1194 : i32 to index
        %get3A_1241 = arith.constant 48 : index
        %get3A_1242 = tpu.vector_load %arg24[%get3A_1240, %get3A_1241] {strides = array<i32>} : memref<80x64xi32, #tpu.memory_space<vmem>>, vector<16xi32>,
        %bitcast3A_1243 = vector.bitcast %get3A_1242 : vector<16xi32> to vector<32xbf16>
        %mul3A_1244 = arith.mulf %bitcast3A_1239, %bitcast3A_1243 : vector<32xbf16>
        %unpack3A_1245 = tpu.unpack_subelements %mul3A_1244, 0 {pack_format = #tpu.pack_format<interleaved>} : vector<32xbf16> -> vector<16xf32>
        %unpack3A_1246 = tpu.unpack_subelements %mul3A_1244, 1 {pack_format = #tpu.pack_format<interleaved>} : vector<32xbf16> -> vector<16xf32>
        %add3A_1247 = arith.addf %add3A_1235, %unpack3A_1245 : vector<16xf32>
        %add3A_1248 = arith.addf %add3A_1247, %unpack3A_1246 : vector<16xf32>
        %reduce_sum3A_1249 = arith.constant true
        %reduce_sum3A_1250 = vector.broadcast %reduce_sum3A_1249 : i1 to vector<16xi1>
        %reduce_sum3A_1251 = tpu.scan <sum>, %add3A_1248 masked %reduce_sum3A_1250 : vector<16xf32>, vector<16xi1> -> vector<16xf32>
        %reduce_sum3A_1252 = vector.extract %reduce_sum3A_1251[15] : f32 from vector<16xf32>
        %eq3A_1253 = arith.constant 14 : i32
        %eq3A_1254 = vector.broadcast %eq3A_1253 : i32 to vector<16xi32>
        %eq3A_1255 = arith.cmpi eq, %iota3A, %eq3A_1254 : vector<16xi32>
        %broadcast_in_dim3A_1256 = vector.broadcast %reduce_sum3A_1252 : f32 to vector<16xf32>
        %select_n3A_1257 = arith.select %eq3A_1255, %broadcast_in_dim3A_1256, %select_n3A_1190 : vector<16xi1>, vector<16xf32>
        %mul3A_1258 = arith.constant 16 : i32
        %mul3A_1259 = arith.muli %scan3A_254, %mul3A_1258 : i32
        %add3A_1260 = arith.constant 15 : i32
        %add3A_1261 = arith.addi %mul3A_1259, %add3A_1260 : i32
        %broadcast_in_dim3A_1262 = arith.constant 0.000000e+00 : f32
        %broadcast_in_dim3A_1263 = vector.broadcast %broadcast_in_dim3A_1262 : f32 to vector<16xf32>
        %get3A_1264 = arith.index_cast %add3A_1261 : i32 to index
        %get3A_1265 = arith.constant 0 : index
        %get3A_1266 = tpu.vector_load %arg23[%get3A_1264, %get3A_1265] {strides = array<i32>} : memref<80x64xi32, #tpu.memory_space<vmem>>, vector<16xi32>,
        %bitcast3A_1267 = vector.bitcast %get3A_1266 : vector<16xi32> to vector<32xbf16>
        %get3A_1268 = arith.index_cast %add3A_1261 : i32 to index
        %get3A_1269 = arith.constant 0 : index
        %get3A_1270 = tpu.vector_load %arg24[%get3A_1268, %get3A_1269] {strides = array<i32>} : memref<80x64xi32, #tpu.memory_space<vmem>>, vector<16xi32>,
        %bitcast3A_1271 = vector.bitcast %get3A_1270 : vector<16xi32> to vector<32xbf16>
        %mul3A_1272 = arith.mulf %bitcast3A_1267, %bitcast3A_1271 : vector<32xbf16>
        %unpack3A_1273 = tpu.unpack_subelements %mul3A_1272, 0 {pack_format = #tpu.pack_format<interleaved>} : vector<32xbf16> -> vector<16xf32>
        %unpack3A_1274 = tpu.unpack_subelements %mul3A_1272, 1 {pack_format = #tpu.pack_format<interleaved>} : vector<32xbf16> -> vector<16xf32>
        %add3A_1275 = arith.addf %broadcast_in_dim3A_1263, %unpack3A_1273 : vector<16xf32>
        %add3A_1276 = arith.addf %add3A_1275, %unpack3A_1274 : vector<16xf32>
        %get3A_1277 = arith.index_cast %add3A_1261 : i32 to index
        %get3A_1278 = arith.constant 16 : index
        %get3A_1279 = tpu.vector_load %arg23[%get3A_1277, %get3A_1278] {strides = array<i32>} : memref<80x64xi32, #tpu.memory_space<vmem>>, vector<16xi32>,
        %bitcast3A_1280 = vector.bitcast %get3A_1279 : vector<16xi32> to vector<32xbf16>
        %get3A_1281 = arith.index_cast %add3A_1261 : i32 to index
        %get3A_1282 = arith.constant 16 : index
        %get3A_1283 = tpu.vector_load %arg24[%get3A_1281, %get3A_1282] {strides = array<i32>} : memref<80x64xi32, #tpu.memory_space<vmem>>, vector<16xi32>,
        %bitcast3A_1284 = vector.bitcast %get3A_1283 : vector<16xi32> to vector<32xbf16>
        %mul3A_1285 = arith.mulf %bitcast3A_1280, %bitcast3A_1284 : vector<32xbf16>
        %unpack3A_1286 = tpu.unpack_subelements %mul3A_1285, 0 {pack_format = #tpu.pack_format<interleaved>} : vector<32xbf16> -> vector<16xf32>
        %unpack3A_1287 = tpu.unpack_subelements %mul3A_1285, 1 {pack_format = #tpu.pack_format<interleaved>} : vector<32xbf16> -> vector<16xf32>
        %add3A_1288 = arith.addf %add3A_1276, %unpack3A_1286 : vector<16xf32>
        %add3A_1289 = arith.addf %add3A_1288, %unpack3A_1287 : vector<16xf32>
        %get3A_1290 = arith.index_cast %add3A_1261 : i32 to index
        %get3A_1291 = arith.constant 32 : index
        %get3A_1292 = tpu.vector_load %arg23[%get3A_1290, %get3A_1291] {strides = array<i32>} : memref<80x64xi32, #tpu.memory_space<vmem>>, vector<16xi32>,
        %bitcast3A_1293 = vector.bitcast %get3A_1292 : vector<16xi32> to vector<32xbf16>
        %get3A_1294 = arith.index_cast %add3A_1261 : i32 to index
        %get3A_1295 = arith.constant 32 : index
        %get3A_1296 = tpu.vector_load %arg24[%get3A_1294, %get3A_1295] {strides = array<i32>} : memref<80x64xi32, #tpu.memory_space<vmem>>, vector<16xi32>,
        %bitcast3A_1297 = vector.bitcast %get3A_1296 : vector<16xi32> to vector<32xbf16>
        %mul3A_1298 = arith.mulf %bitcast3A_1293, %bitcast3A_1297 : vector<32xbf16>
        %unpack3A_1299 = tpu.unpack_subelements %mul3A_1298, 0 {pack_format = #tpu.pack_format<interleaved>} : vector<32xbf16> -> vector<16xf32>
        %unpack3A_1300 = tpu.unpack_subelements %mul3A_1298, 1 {pack_format = #tpu.pack_format<interleaved>} : vector<32xbf16> -> vector<16xf32>
        %add3A_1301 = arith.addf %add3A_1289, %unpack3A_1299 : vector<16xf32>
        %add3A_1302 = arith.addf %add3A_1301, %unpack3A_1300 : vector<16xf32>
        %get3A_1303 = arith.index_cast %add3A_1261 : i32 to index
        %get3A_1304 = arith.constant 48 : index
        %get3A_1305 = tpu.vector_load %arg23[%get3A_1303, %get3A_1304] {strides = array<i32>} : memref<80x64xi32, #tpu.memory_space<vmem>>, vector<16xi32>,
        %bitcast3A_1306 = vector.bitcast %get3A_1305 : vector<16xi32> to vector<32xbf16>
        %get3A_1307 = arith.index_cast %add3A_1261 : i32 to index
        %get3A_1308 = arith.constant 48 : index
        %get3A_1309 = tpu.vector_load %arg24[%get3A_1307, %get3A_1308] {strides = array<i32>} : memref<80x64xi32, #tpu.memory_space<vmem>>, vector<16xi32>,
        %bitcast3A_1310 = vector.bitcast %get3A_1309 : vector<16xi32> to vector<32xbf16>
        %mul3A_1311 = arith.mulf %bitcast3A_1306, %bitcast3A_1310 : vector<32xbf16>
        %unpack3A_1312 = tpu.unpack_subelements %mul3A_1311, 0 {pack_format = #tpu.pack_format<interleaved>} : vector<32xbf16> -> vector<16xf32>
        %unpack3A_1313 = tpu.unpack_subelements %mul3A_1311, 1 {pack_format = #tpu.pack_format<interleaved>} : vector<32xbf16> -> vector<16xf32>
        %add3A_1314 = arith.addf %add3A_1302, %unpack3A_1312 : vector<16xf32>
        %add3A_1315 = arith.addf %add3A_1314, %unpack3A_1313 : vector<16xf32>
        %reduce_sum3A_1316 = arith.constant true
        %reduce_sum3A_1317 = vector.broadcast %reduce_sum3A_1316 : i1 to vector<16xi1>
        %reduce_sum3A_1318 = tpu.scan <sum>, %add3A_1315 masked %reduce_sum3A_1317 : vector<16xf32>, vector<16xi1> -> vector<16xf32>
        %reduce_sum3A_1319 = vector.extract %reduce_sum3A_1318[15] : f32 from vector<16xf32>
        %eq3A_1320 = arith.constant 15 : i32
        %eq3A_1321 = vector.broadcast %eq3A_1320 : i32 to vector<16xi32>
        %eq3A_1322 = arith.cmpi eq, %iota3A, %eq3A_1321 : vector<16xi32>
        %broadcast_in_dim3A_1323 = vector.broadcast %reduce_sum3A_1319 : f32 to vector<16xf32>
        %select_n3A_1324 = arith.select %eq3A_1322, %broadcast_in_dim3A_1323, %select_n3A_1257 : vector<16xi1>, vector<16xf32>
        %mul3A_1325 = arith.constant 16 : i32
        %mul3A_1326 = arith.muli %scan3A_254, %mul3A_1325 : i32
        %get3A_1327 = arith.index_cast %mul3A_1326 : i32 to index
        %get3A_1328 = tpu.vector_load %arg17[%get3A_1327] {strides = array<i32>} : memref<80xi32, #tpu.memory_space<vmem>>, vector<16xi32>,
        %masked_sort3A = arith.constant dense<true> : vector<16xi1>
        %masked_sort3A_1329 = arith.constant -2147483648 : i32
        %masked_sort3A_1330 = vector.broadcast %masked_sort3A_1329 : i32 to vector<16xi32>
        %masked_sort3A_1331 = arith.xori %get3A_1328, %masked_sort3A_1330 : vector<16xi32>
        %masked_sort3A_1332, %masked_sort3A_1333, %masked_sort3A_1334 = tpu.sort %masked_sort3A_1331, %select_n3A_1324 masked %masked_sort3A : (vector<16xi32>, vector<16xf32>, vector<16xi1>) -> (vector<16xi1>, vector<16xi32>, vector<16xf32>)
        %masked_sort3A_1335 = arith.xori %masked_sort3A_1333, %masked_sort3A_1330 : vector<16xi32>
        %swap3A_1336 = arith.constant 0 : index
        %swap3A_1337 = tpu.vector_load %arg27[%swap3A_1336] {strides = array<i32>} : memref<16xi32, #tpu.memory_space<vmem>>, vector<16xi32>,
        tpu.vector_store %arg27[%swap3A_1336], %masked_sort3A_1335 {strides = array<i32>} : memref<16xi32, #tpu.memory_space<vmem>>, vector<16xi32>,
        %sub3A = arith.constant 1 : i32
        %sub3A_1338 = vector.broadcast %sub3A : i32 to vector<16xi32>
        %sub3A_1339 = arith.subi %iota3A, %sub3A_1338 : vector<16xi32>
        %max3A = arith.constant 0 : i32
        %max3A_1340 = vector.broadcast %max3A : i32 to vector<16xi32>
        %max3A_1341 = arith.maxsi %sub3A_1339, %max3A_1340 : vector<16xi32>
        %gather3A_1342 = tpu.vector_load_idx %arg27[%max3A_1341] : memref<16xi32, #tpu.memory_space<vmem>>[vector<16xi32>], vector<16xi32>,
        %eq3A_1343 = arith.constant 0 : i32
        %eq3A_1344 = vector.broadcast %eq3A_1343 : i32 to vector<16xi32>
        %eq3A_1345 = arith.cmpi eq, %iota3A, %eq3A_1344 : vector<16xi32>
        %ne3A = arith.cmpi ne, %masked_sort3A_1335, %gather3A_1342 : vector<16xi32>
        %or3A = arith.ori %eq3A_1345, %ne3A : vector<16xi1>
        %jit3A = arith.constant 0 : i32
        %broadcast_in_dim3A_1346 = vector.broadcast %jit3A : i32 to vector<16xi32>
        %select_n3A_1347 = arith.select %or3A, %iota3A, %broadcast_in_dim3A_1346 : vector<16xi1>, vector<16xi32>
        %broadcast_in_dim3A_1348 = arith.constant true
        %broadcast_in_dim3A_1349 = vector.broadcast %broadcast_in_dim3A_1348 : i1 to vector<16xi1>
        %masked_cummax3A = arith.constant -2147483648 : i32
        %masked_cummax3A_1350 = vector.broadcast %masked_cummax3A : i32 to vector<16xi32>
        %masked_cummax3A_1351 = arith.xori %select_n3A_1347, %masked_cummax3A_1350 : vector<16xi32>
        %masked_cummax3A_1352 = tpu.scan <max>, %masked_cummax3A_1351 masked %broadcast_in_dim3A_1349 : vector<16xi32>, vector<16xi1> -> vector<16xi32>
        %masked_cummax3A_1353 = arith.xori %masked_cummax3A_1352, %masked_cummax3A_1350 : vector<16xi32>
        %broadcast_in_dim3A_1354 = arith.constant true
        %broadcast_in_dim3A_1355 = vector.broadcast %broadcast_in_dim3A_1354 : i1 to vector<16xi1>
        %masked_cumsum3A = tpu.scan <sum>, %masked_sort3A_1334 masked %broadcast_in_dim3A_1355 : vector<16xf32>, vector<16xi1> -> vector<16xf32>
        %swap3A_1356 = arith.constant 0 : index
        %swap3A_1357 = tpu.vector_load %arg28[%swap3A_1356] {strides = array<i32>} : memref<16xf32, #tpu.memory_space<vmem>>, vector<16xf32>,
        tpu.vector_store %arg28[%swap3A_1356], %masked_cumsum3A {strides = array<i32>} : memref<16xf32, #tpu.memory_space<vmem>>, vector<16xf32>,
        %sub3A_1358 = arith.constant 1 : i32
        %sub3A_1359 = vector.broadcast %sub3A_1358 : i32 to vector<16xi32>
        %sub3A_1360 = arith.subi %masked_cummax3A_1353, %sub3A_1359 : vector<16xi32>
        %max3A_1361 = arith.constant 0 : i32
        %max3A_1362 = vector.broadcast %max3A_1361 : i32 to vector<16xi32>
        %max3A_1363 = arith.maxsi %sub3A_1360, %max3A_1362 : vector<16xi32>
        %gather3A_1364 = tpu.vector_load_idx %arg28[%max3A_1363] : memref<16xf32, #tpu.memory_space<vmem>>[vector<16xi32>], vector<16xf32>,
        %gt3A_1365 = arith.constant 0 : i32
        %gt3A_1366 = vector.broadcast %gt3A_1365 : i32 to vector<16xi32>
        %gt3A_1367 = arith.cmpi sgt, %masked_cummax3A_1353, %gt3A_1366 : vector<16xi32>
        %jit3A_1368 = arith.constant 0.000000e+00 : f32
        %broadcast_in_dim3A_1369 = vector.broadcast %jit3A_1368 : f32 to vector<16xf32>
        %select_n3A_1370 = arith.select %gt3A_1367, %gather3A_1364, %broadcast_in_dim3A_1369 : vector<16xi1>, vector<16xf32>
        %sub3A_1371 = arith.subf %masked_cumsum3A, %select_n3A_1370 : vector<16xf32>
        %sub3A_1372 = arith.subi %iota3A, %masked_cummax3A_1353 : vector<16xi32>
        %add3A_1373 = arith.constant 1 : i32
        %add3A_1374 = vector.broadcast %add3A_1373 : i32 to vector<16xi32>
        %add3A_1375 = arith.addi %sub3A_1372, %add3A_1374 : vector<16xi32>
        %convert_element_type3A_1376 = arith.sitofp %add3A_1375 : vector<16xi32> to vector<16xf32>
        %add3A_1377 = arith.constant 1 : i32
        %add3A_1378 = vector.broadcast %add3A_1377 : i32 to vector<16xi32>
        %add3A_1379 = arith.addi %iota3A, %add3A_1378 : vector<16xi32>
        %min3A_1380 = arith.constant 15 : i32
        %min3A_1381 = vector.broadcast %min3A_1380 : i32 to vector<16xi32>
        %min3A_1382 = arith.minsi %add3A_1379, %min3A_1381 : vector<16xi32>
        %gather3A_1383 = tpu.vector_load_idx %arg27[%min3A_1382] : memref<16xi32, #tpu.memory_space<vmem>>[vector<16xi32>], vector<16xi32>,
        %eq3A_1384 = arith.constant 15 : i32
        %eq3A_1385 = vector.broadcast %eq3A_1384 : i32 to vector<16xi32>
        %eq3A_1386 = arith.cmpi eq, %iota3A, %eq3A_1385 : vector<16xi32>
        %ne3A_1387 = arith.cmpi ne, %masked_sort3A_1335, %gather3A_1383 : vector<16xi32>
        %or3A_1388 = arith.ori %eq3A_1386, %ne3A_1387 : vector<16xi1>
        %gather3A_1389 = tpu.vector_load_idx %arg11[%masked_sort3A_1335] : memref<10240xf32, #tpu.memory_space<vmem>>[vector<16xi32>], vector<16xf32>,
        %add3A_1390 = arith.addf %gather3A_1389, %sub3A_1371 : vector<16xf32>
        tpu.vector_store_idx %arg11[%masked_sort3A_1335], %add3A_1390 masked %or3A_1388 : memref<10240xf32, #tpu.memory_space<vmem>>[vector<16xi32>], vector<16xf32>, vector<16xi1>
        %gather3A_1391 = tpu.vector_load_idx %arg12[%masked_sort3A_1335] : memref<10240xf32, #tpu.memory_space<vmem>>[vector<16xi32>], vector<16xf32>,
        %add3A_1392 = arith.addf %gather3A_1391, %convert_element_type3A_1376 : vector<16xf32>
        tpu.vector_store_idx %arg12[%masked_sort3A_1335], %add3A_1392 masked %or3A_1388 : memref<10240xf32, #tpu.memory_space<vmem>>[vector<16xi32>], vector<16xf32>, vector<16xi1>
        %scan3A_1393 = arith.constant 0 : i32
        scf.yield %scan3A_1393 : i32
      }
      %scan3A_253 = arith.constant 5 : i32
    }
    %scan3A_21 = arith.constant 125 : i32
    %dma_wait3A = arith.constant 0 : i32
    %dma_wait3A_22 = arith.constant 0 : i32
    %dma_wait3A_23 = tpu.memref_slice %arg2[%dma_wait3A, %dma_wait3A_22] : memref<10000x64xi32, #tpu.memory_space<hbm>> -> memref<10000x64xi32, #tpu.memory_space<hbm>>
    tpu.wait_indirect_dma semaphore(%arg34 : memref<!tpu.dma_semaphore, #tpu.memory_space<semaphore_mem>>) src(%dma_wait3A_23 : memref<10000x64xi32, #tpu.memory_space<hbm>>) dst(%arg25 : memref<80x64xi32, #tpu.memory_space<vmem>>)
    %dma_wait3A_24 = arith.constant 0 : i32
    %dma_wait3A_25 = arith.constant 0 : i32
    %dma_wait3A_26 = tpu.memref_slice %arg2[%dma_wait3A_24, %dma_wait3A_25] : memref<10000x64xi32, #tpu.memory_space<hbm>> -> memref<10000x64xi32, #tpu.memory_space<hbm>>
    tpu.wait_indirect_dma semaphore(%arg35 : memref<!tpu.dma_semaphore, #tpu.memory_space<semaphore_mem>>) src(%dma_wait3A_26 : memref<10000x64xi32, #tpu.memory_space<hbm>>) dst(%arg26 : memref<80x64xi32, #tpu.memory_space<vmem>>)
    %scan3A_27 = arith.constant 0 : i32
    %scan3A_28 = arith.constant 0 : i32
    %scan3A_29 = arith.constant 5 : i32
    %scan3A_30 = arith.addi %scan3A_28, %scan3A_29 : i32
    %scan3A_31 = arith.constant 1 : i32
    %scan3A_32 = scf.for %scan3A_40 = %scan3A_28 to %scan3A_30 step %scan3A_31 iter_args(%scan3A_41 = %scan3A_27) -> (i32)  : i32 {
      %broadcast_in_dim3A_42 = arith.constant 0.000000e+00 : f32
      %broadcast_in_dim3A_43 = vector.broadcast %broadcast_in_dim3A_42 : f32 to vector<16xf32>
      %mul3A_44 = arith.constant 16 : i32
      %mul3A_45 = arith.muli %scan3A_40, %mul3A_44 : i32
      %add3A_46 = arith.constant 0 : i32
      %add3A_47 = arith.addi %mul3A_45, %add3A_46 : i32
      %broadcast_in_dim3A_48 = arith.constant 0.000000e+00 : f32
      %broadcast_in_dim3A_49 = vector.broadcast %broadcast_in_dim3A_48 : f32 to vector<16xf32>
      %get3A = arith.index_cast %add3A_47 : i32 to index
      %get3A_50 = arith.constant 0 : index
      %get3A_51 = tpu.vector_load %arg25[%get3A, %get3A_50] {strides = array<i32>} : memref<80x64xi32, #tpu.memory_space<vmem>>, vector<16xi32>,
      %bitcast3A = vector.bitcast %get3A_51 : vector<16xi32> to vector<32xbf16>
      %get3A_52 = arith.index_cast %add3A_47 : i32 to index
      %get3A_53 = arith.constant 0 : index
      %get3A_54 = tpu.vector_load %arg26[%get3A_52, %get3A_53] {strides = array<i32>} : memref<80x64xi32, #tpu.memory_space<vmem>>, vector<16xi32>,
      %bitcast3A_55 = vector.bitcast %get3A_54 : vector<16xi32> to vector<32xbf16>
      %mul3A_56 = arith.mulf %bitcast3A, %bitcast3A_55 : vector<32xbf16>
      %unpack3A = tpu.unpack_subelements %mul3A_56, 0 {pack_format = #tpu.pack_format<interleaved>} : vector<32xbf16> -> vector<16xf32>
      %unpack3A_57 = tpu.unpack_subelements %mul3A_56, 1 {pack_format = #tpu.pack_format<interleaved>} : vector<32xbf16> -> vector<16xf32>
      %add3A_58 = arith.addf %broadcast_in_dim3A_49, %unpack3A : vector<16xf32>
      %add3A_59 = arith.addf %add3A_58, %unpack3A_57 : vector<16xf32>
      %get3A_60 = arith.index_cast %add3A_47 : i32 to index
      %get3A_61 = arith.constant 16 : index
      %get3A_62 = tpu.vector_load %arg25[%get3A_60, %get3A_61] {strides = array<i32>} : memref<80x64xi32, #tpu.memory_space<vmem>>, vector<16xi32>,
      %bitcast3A_63 = vector.bitcast %get3A_62 : vector<16xi32> to vector<32xbf16>
      %get3A_64 = arith.index_cast %add3A_47 : i32 to index
      %get3A_65 = arith.constant 16 : index
      %get3A_66 = tpu.vector_load %arg26[%get3A_64, %get3A_65] {strides = array<i32>} : memref<80x64xi32, #tpu.memory_space<vmem>>, vector<16xi32>,
      %bitcast3A_67 = vector.bitcast %get3A_66 : vector<16xi32> to vector<32xbf16>
      %mul3A_68 = arith.mulf %bitcast3A_63, %bitcast3A_67 : vector<32xbf16>
      %unpack3A_69 = tpu.unpack_subelements %mul3A_68, 0 {pack_format = #tpu.pack_format<interleaved>} : vector<32xbf16> -> vector<16xf32>
      %unpack3A_70 = tpu.unpack_subelements %mul3A_68, 1 {pack_format = #tpu.pack_format<interleaved>} : vector<32xbf16> -> vector<16xf32>
      %add3A_71 = arith.addf %add3A_59, %unpack3A_69 : vector<16xf32>
      %add3A_72 = arith.addf %add3A_71, %unpack3A_70 : vector<16xf32>
      %get3A_73 = arith.index_cast %add3A_47 : i32 to index
      %get3A_74 = arith.constant 32 : index
      %get3A_75 = tpu.vector_load %arg25[%get3A_73, %get3A_74] {strides = array<i32>} : memref<80x64xi32, #tpu.memory_space<vmem>>, vector<16xi32>,
      %bitcast3A_76 = vector.bitcast %get3A_75 : vector<16xi32> to vector<32xbf16>
      %get3A_77 = arith.index_cast %add3A_47 : i32 to index
      %get3A_78 = arith.constant 32 : index
      %get3A_79 = tpu.vector_load %arg26[%get3A_77, %get3A_78] {strides = array<i32>} : memref<80x64xi32, #tpu.memory_space<vmem>>, vector<16xi32>,
      %bitcast3A_80 = vector.bitcast %get3A_79 : vector<16xi32> to vector<32xbf16>
      %mul3A_81 = arith.mulf %bitcast3A_76, %bitcast3A_80 : vector<32xbf16>
      %unpack3A_82 = tpu.unpack_subelements %mul3A_81, 0 {pack_format = #tpu.pack_format<interleaved>} : vector<32xbf16> -> vector<16xf32>
      %unpack3A_83 = tpu.unpack_subelements %mul3A_81, 1 {pack_format = #tpu.pack_format<interleaved>} : vector<32xbf16> -> vector<16xf32>
      %add3A_84 = arith.addf %add3A_72, %unpack3A_82 : vector<16xf32>
      %add3A_85 = arith.addf %add3A_84, %unpack3A_83 : vector<16xf32>
      %get3A_86 = arith.index_cast %add3A_47 : i32 to index
      %get3A_87 = arith.constant 48 : index
      %get3A_88 = tpu.vector_load %arg25[%get3A_86, %get3A_87] {strides = array<i32>} : memref<80x64xi32, #tpu.memory_space<vmem>>, vector<16xi32>,
      %bitcast3A_89 = vector.bitcast %get3A_88 : vector<16xi32> to vector<32xbf16>
      %get3A_90 = arith.index_cast %add3A_47 : i32 to index
      %get3A_91 = arith.constant 48 : index
      %get3A_92 = tpu.vector_load %arg26[%get3A_90, %get3A_91] {strides = array<i32>} : memref<80x64xi32, #tpu.memory_space<vmem>>, vector<16xi32>,
      %bitcast3A_93 = vector.bitcast %get3A_92 : vector<16xi32> to vector<32xbf16>
      %mul3A_94 = arith.mulf %bitcast3A_89, %bitcast3A_93 : vector<32xbf16>
      %unpack3A_95 = tpu.unpack_subelements %mul3A_94, 0 {pack_format = #tpu.pack_format<interleaved>} : vector<32xbf16> -> vector<16xf32>
      %unpack3A_96 = tpu.unpack_subelements %mul3A_94, 1 {pack_format = #tpu.pack_format<interleaved>} : vector<32xbf16> -> vector<16xf32>
      %add3A_97 = arith.addf %add3A_85, %unpack3A_95 : vector<16xf32>
      %add3A_98 = arith.addf %add3A_97, %unpack3A_96 : vector<16xf32>
      %reduce_sum3A = arith.constant true
      %reduce_sum3A_99 = vector.broadcast %reduce_sum3A : i1 to vector<16xi1>
      %reduce_sum3A_100 = tpu.scan <sum>, %add3A_98 masked %reduce_sum3A_99 : vector<16xf32>, vector<16xi1> -> vector<16xf32>
      %reduce_sum3A_101 = vector.extract %reduce_sum3A_100[15] : f32 from vector<16xf32>
      %eq3A = arith.constant 0 : i32
      %eq3A_102 = vector.broadcast %eq3A : i32 to vector<16xi32>
      %eq3A_103 = arith.cmpi eq, %iota3A, %eq3A_102 : vector<16xi32>
      %broadcast_in_dim3A_104 = vector.broadcast %reduce_sum3A_101 : f32 to vector<16xf32>
      %select_n3A = arith.select %eq3A_103, %broadcast_in_dim3A_104, %broadcast_in_dim3A_43 : vector<16xi1>, vector<16xf32>
      %mul3A_105 = arith.constant 16 : i32
      %mul3A_106 = arith.muli %scan3A_40, %mul3A_105 : i32
      %add3A_107 = arith.constant 1 : i32
      %add3A_108 = arith.addi %mul3A_106, %add3A_107 : i32
      %broadcast_in_dim3A_109 = arith.constant 0.000000e+00 : f32
      %broadcast_in_dim3A_110 = vector.broadcast %broadcast_in_dim3A_109 : f32 to vector<16xf32>
      %get3A_111 = arith.index_cast %add3A_108 : i32 to index
      %get3A_112 = arith.constant 0 : index
      %get3A_113 = tpu.vector_load %arg25[%get3A_111, %get3A_112] {strides = array<i32>} : memref<80x64xi32, #tpu.memory_space<vmem>>, vector<16xi32>,
      %bitcast3A_114 = vector.bitcast %get3A_113 : vector<16xi32> to vector<32xbf16>
      %get3A_115 = arith.index_cast %add3A_108 : i32 to index
      %get3A_116 = arith.constant 0 : index
      %get3A_117 = tpu.vector_load %arg26[%get3A_115, %get3A_116] {strides = array<i32>} : memref<80x64xi32, #tpu.memory_space<vmem>>, vector<16xi32>,
      %bitcast3A_118 = vector.bitcast %get3A_117 : vector<16xi32> to vector<32xbf16>
      %mul3A_119 = arith.mulf %bitcast3A_114, %bitcast3A_118 : vector<32xbf16>
      %unpack3A_120 = tpu.unpack_subelements %mul3A_119, 0 {pack_format = #tpu.pack_format<interleaved>} : vector<32xbf16> -> vector<16xf32>
      %unpack3A_121 = tpu.unpack_subelements %mul3A_119, 1 {pack_format = #tpu.pack_format<interleaved>} : vector<32xbf16> -> vector<16xf32>
      %add3A_122 = arith.addf %broadcast_in_dim3A_110, %unpack3A_120 : vector<16xf32>
      %add3A_123 = arith.addf %add3A_122, %unpack3A_121 : vector<16xf32>
      %get3A_124 = arith.index_cast %add3A_108 : i32 to index
      %get3A_125 = arith.constant 16 : index
      %get3A_126 = tpu.vector_load %arg25[%get3A_124, %get3A_125] {strides = array<i32>} : memref<80x64xi32, #tpu.memory_space<vmem>>, vector<16xi32>,
      %bitcast3A_127 = vector.bitcast %get3A_126 : vector<16xi32> to vector<32xbf16>
      %get3A_128 = arith.index_cast %add3A_108 : i32 to index
      %get3A_129 = arith.constant 16 : index
      %get3A_130 = tpu.vector_load %arg26[%get3A_128, %get3A_129] {strides = array<i32>} : memref<80x64xi32, #tpu.memory_space<vmem>>, vector<16xi32>,
      %bitcast3A_131 = vector.bitcast %get3A_130 : vector<16xi32> to vector<32xbf16>
      %mul3A_132 = arith.mulf %bitcast3A_127, %bitcast3A_131 : vector<32xbf16>
      %unpack3A_133 = tpu.unpack_subelements %mul3A_132, 0 {pack_format = #tpu.pack_format<interleaved>} : vector<32xbf16> -> vector<16xf32>
      %unpack3A_134 = tpu.unpack_subelements %mul3A_132, 1 {pack_format = #tpu.pack_format<interleaved>} : vector<32xbf16> -> vector<16xf32>
      %add3A_135 = arith.addf %add3A_123, %unpack3A_133 : vector<16xf32>
      %add3A_136 = arith.addf %add3A_135, %unpack3A_134 : vector<16xf32>
      %get3A_137 = arith.index_cast %add3A_108 : i32 to index
      %get3A_138 = arith.constant 32 : index
      %get3A_139 = tpu.vector_load %arg25[%get3A_137, %get3A_138] {strides = array<i32>} : memref<80x64xi32, #tpu.memory_space<vmem>>, vector<16xi32>,
      %bitcast3A_140 = vector.bitcast %get3A_139 : vector<16xi32> to vector<32xbf16>
      %get3A_141 = arith.index_cast %add3A_108 : i32 to index
      %get3A_142 = arith.constant 32 : index
      %get3A_143 = tpu.vector_load %arg26[%get3A_141, %get3A_142] {strides = array<i32>} : memref<80x64xi32, #tpu.memory_space<vmem>>, vector<16xi32>,
      %bitcast3A_144 = vector.bitcast %get3A_143 : vector<16xi32> to vector<32xbf16>
      %mul3A_145 = arith.mulf %bitcast3A_140, %bitcast3A_144 : vector<32xbf16>
      %unpack3A_146 = tpu.unpack_subelements %mul3A_145, 0 {pack_format = #tpu.pack_format<interleaved>} : vector<32xbf16> -> vector<16xf32>
      %unpack3A_147 = tpu.unpack_subelements %mul3A_145, 1 {pack_format = #tpu.pack_format<interleaved>} : vector<32xbf16> -> vector<16xf32>
      %add3A_148 = arith.addf %add3A_136, %unpack3A_146 : vector<16xf32>
      %add3A_149 = arith.addf %add3A_148, %unpack3A_147 : vector<16xf32>
      %get3A_150 = arith.index_cast %add3A_108 : i32 to index
      %get3A_151 = arith.constant 48 : index
      %get3A_152 = tpu.vector_load %arg25[%get3A_150, %get3A_151] {strides = array<i32>} : memref<80x64xi32, #tpu.memory_space<vmem>>, vector<16xi32>,
      %bitcast3A_153 = vector.bitcast %get3A_152 : vector<16xi32> to vector<32xbf16>
      %get3A_154 = arith.index_cast %add3A_108 : i32 to index
      %get3A_155 = arith.constant 48 : index
      %get3A_156 = tpu.vector_load %arg26[%get3A_154, %get3A_155] {strides = array<i32>} : memref<80x64xi32, #tpu.memory_space<vmem>>, vector<16xi32>,
      %bitcast3A_157 = vector.bitcast %get3A_156 : vector<16xi32> to vector<32xbf16>
      %mul3A_158 = arith.mulf %bitcast3A_153, %bitcast3A_157 : vector<32xbf16>
      %unpack3A_159 = tpu.unpack_subelements %mul3A_158, 0 {pack_format = #tpu.pack_format<interleaved>} : vector<32xbf16> -> vector<16xf32>
      %unpack3A_160 = tpu.unpack_subelements %mul3A_158, 1 {pack_format = #tpu.pack_format<interleaved>} : vector<32xbf16> -> vector<16xf32>
      %add3A_161 = arith.addf %add3A_149, %unpack3A_159 : vector<16xf32>
      %add3A_162 = arith.addf %add3A_161, %unpack3A_160 : vector<16xf32>
      %reduce_sum3A_163 = arith.constant true
      %reduce_sum3A_164 = vector.broadcast %reduce_sum3A_163 : i1 to vector<16xi1>
      %reduce_sum3A_165 = tpu.scan <sum>, %add3A_162 masked %reduce_sum3A_164 : vector<16xf32>, vector<16xi1> -> vector<16xf32>
      %reduce_sum3A_166 = vector.extract %reduce_sum3A_165[15] : f32 from vector<16xf32>
      %eq3A_167 = arith.constant 1 : i32
      %eq3A_168 = vector.broadcast %eq3A_167 : i32 to vector<16xi32>
      %eq3A_169 = arith.cmpi eq, %iota3A, %eq3A_168 : vector<16xi32>
      %broadcast_in_dim3A_170 = vector.broadcast %reduce_sum3A_166 : f32 to vector<16xf32>
      %select_n3A_171 = arith.select %eq3A_169, %broadcast_in_dim3A_170, %select_n3A : vector<16xi1>, vector<16xf32>
      %mul3A_172 = arith.constant 16 : i32
      %mul3A_173 = arith.muli %scan3A_40, %mul3A_172 : i32
      %add3A_174 = arith.constant 2 : i32
      %add3A_175 = arith.addi %mul3A_173, %add3A_174 : i32
      %broadcast_in_dim3A_176 = arith.constant 0.000000e+00 : f32
      %broadcast_in_dim3A_177 = vector.broadcast %broadcast_in_dim3A_176 : f32 to vector<16xf32>
      %get3A_178 = arith.index_cast %add3A_175 : i32 to index
      %get3A_179 = arith.constant 0 : index
      %get3A_180 = tpu.vector_load %arg25[%get3A_178, %get3A_179] {strides = array<i32>} : memref<80x64xi32, #tpu.memory_space<vmem>>, vector<16xi32>,
      %bitcast3A_181 = vector.bitcast %get3A_180 : vector<16xi32> to vector<32xbf16>
      %get3A_182 = arith.index_cast %add3A_175 : i32 to index
      %get3A_183 = arith.constant 0 : index
      %get3A_184 = tpu.vector_load %arg26[%get3A_182, %get3A_183] {strides = array<i32>} : memref<80x64xi32, #tpu.memory_space<vmem>>, vector<16xi32>,
      %bitcast3A_185 = vector.bitcast %get3A_184 : vector<16xi32> to vector<32xbf16>
      %mul3A_186 = arith.mulf %bitcast3A_181, %bitcast3A_185 : vector<32xbf16>
      %unpack3A_187 = tpu.unpack_subelements %mul3A_186, 0 {pack_format = #tpu.pack_format<interleaved>} : vector<32xbf16> -> vector<16xf32>
      %unpack3A_188 = tpu.unpack_subelements %mul3A_186, 1 {pack_format = #tpu.pack_format<interleaved>} : vector<32xbf16> -> vector<16xf32>
      %add3A_189 = arith.addf %broadcast_in_dim3A_177, %unpack3A_187 : vector<16xf32>
      %add3A_190 = arith.addf %add3A_189, %unpack3A_188 : vector<16xf32>
      %get3A_191 = arith.index_cast %add3A_175 : i32 to index
      %get3A_192 = arith.constant 16 : index
      %get3A_193 = tpu.vector_load %arg25[%get3A_191, %get3A_192] {strides = array<i32>} : memref<80x64xi32, #tpu.memory_space<vmem>>, vector<16xi32>,
      %bitcast3A_194 = vector.bitcast %get3A_193 : vector<16xi32> to vector<32xbf16>
      %get3A_195 = arith.index_cast %add3A_175 : i32 to index
      %get3A_196 = arith.constant 16 : index
      %get3A_197 = tpu.vector_load %arg26[%get3A_195, %get3A_196] {strides = array<i32>} : memref<80x64xi32, #tpu.memory_space<vmem>>, vector<16xi32>,
      %bitcast3A_198 = vector.bitcast %get3A_197 : vector<16xi32> to vector<32xbf16>
      %mul3A_199 = arith.mulf %bitcast3A_194, %bitcast3A_198 : vector<32xbf16>
      %unpack3A_200 = tpu.unpack_subelements %mul3A_199, 0 {pack_format = #tpu.pack_format<interleaved>} : vector<32xbf16> -> vector<16xf32>
      %unpack3A_201 = tpu.unpack_subelements %mul3A_199, 1 {pack_format = #tpu.pack_format<interleaved>} : vector<32xbf16> -> vector<16xf32>
      %add3A_202 = arith.addf %add3A_190, %unpack3A_200 : vector<16xf32>
      %add3A_203 = arith.addf %add3A_202, %unpack3A_201 : vector<16xf32>
      %get3A_204 = arith.index_cast %add3A_175 : i32 to index
      %get3A_205 = arith.constant 32 : index
      %get3A_206 = tpu.vector_load %arg25[%get3A_204, %get3A_205] {strides = array<i32>} : memref<80x64xi32, #tpu.memory_space<vmem>>, vector<16xi32>,
      %bitcast3A_207 = vector.bitcast %get3A_206 : vector<16xi32> to vector<32xbf16>
      %get3A_208 = arith.index_cast %add3A_175 : i32 to index
      %get3A_209 = arith.constant 32 : index
      %get3A_210 = tpu.vector_load %arg26[%get3A_208, %get3A_209] {strides = array<i32>} : memref<80x64xi32, #tpu.memory_space<vmem>>, vector<16xi32>,
      %bitcast3A_211 = vector.bitcast %get3A_210 : vector<16xi32> to vector<32xbf16>
      %mul3A_212 = arith.mulf %bitcast3A_207, %bitcast3A_211 : vector<32xbf16>
      %unpack3A_213 = tpu.unpack_subelements %mul3A_212, 0 {pack_format = #tpu.pack_format<interleaved>} : vector<32xbf16> -> vector<16xf32>
      %unpack3A_214 = tpu.unpack_subelements %mul3A_212, 1 {pack_format = #tpu.pack_format<interleaved>} : vector<32xbf16> -> vector<16xf32>
      %add3A_215 = arith.addf %add3A_203, %unpack3A_213 : vector<16xf32>
      %add3A_216 = arith.addf %add3A_215, %unpack3A_214 : vector<16xf32>
      %get3A_217 = arith.index_cast %add3A_175 : i32 to index
      %get3A_218 = arith.constant 48 : index
      %get3A_219 = tpu.vector_load %arg25[%get3A_217, %get3A_218] {strides = array<i32>} : memref<80x64xi32, #tpu.memory_space<vmem>>, vector<16xi32>,
      %bitcast3A_220 = vector.bitcast %get3A_219 : vector<16xi32> to vector<32xbf16>
      %get3A_221 = arith.index_cast %add3A_175 : i32 to index
      %get3A_222 = arith.constant 48 : index
      %get3A_223 = tpu.vector_load %arg26[%get3A_221, %get3A_222] {strides = array<i32>} : memref<80x64xi32, #tpu.memory_space<vmem>>, vector<16xi32>,
      %bitcast3A_224 = vector.bitcast %get3A_223 : vector<16xi32> to vector<32xbf16>
      %mul3A_225 = arith.mulf %bitcast3A_220, %bitcast3A_224 : vector<32xbf16>
      %unpack3A_226 = tpu.unpack_subelements %mul3A_225, 0 {pack_format = #tpu.pack_format<interleaved>} : vector<32xbf16> -> vector<16xf32>
      %unpack3A_227 = tpu.unpack_subelements %mul3A_225, 1 {pack_format = #tpu.pack_format<interleaved>} : vector<32xbf16> -> vector<16xf32>
      %add3A_228 = arith.addf %add3A_216, %unpack3A_226 : vector<16xf32>
      %add3A_229 = arith.addf %add3A_228, %unpack3A_227 : vector<16xf32>
      %reduce_sum3A_230 = arith.constant true
      %reduce_sum3A_231 = vector.broadcast %reduce_sum3A_230 : i1 to vector<16xi1>
      %reduce_sum3A_232 = tpu.scan <sum>, %add3A_229 masked %reduce_sum3A_231 : vector<16xf32>, vector<16xi1> -> vector<16xf32>
      %reduce_sum3A_233 = vector.extract %reduce_sum3A_232[15] : f32 from vector<16xf32>
      %eq3A_234 = arith.constant 2 : i32
      %eq3A_235 = vector.broadcast %eq3A_234 : i32 to vector<16xi32>
      %eq3A_236 = arith.cmpi eq, %iota3A, %eq3A_235 : vector<16xi32>
      %broadcast_in_dim3A_237 = vector.broadcast %reduce_sum3A_233 : f32 to vector<16xf32>
      %select_n3A_238 = arith.select %eq3A_236, %broadcast_in_dim3A_237, %select_n3A_171 : vector<16xi1>, vector<16xf32>
      %mul3A_239 = arith.constant 16 : i32
      %mul3A_240 = arith.muli %scan3A_40, %mul3A_239 : i32
      %add3A_241 = arith.constant 3 : i32
      %add3A_242 = arith.addi %mul3A_240, %add3A_241 : i32
      %broadcast_in_dim3A_243 = arith.constant 0.000000e+00 : f32
      %broadcast_in_dim3A_244 = vector.broadcast %broadcast_in_dim3A_243 : f32 to vector<16xf32>
      %get3A_245 = arith.index_cast %add3A_242 : i32 to index
      %get3A_246 = arith.constant 0 : index
      %get3A_247 = tpu.vector_load %arg25[%get3A_245, %get3A_246] {strides = array<i32>} : memref<80x64xi32, #tpu.memory_space<vmem>>, vector<16xi32>,
      %bitcast3A_248 = vector.bitcast %get3A_247 : vector<16xi32> to vector<32xbf16>
      %get3A_249 = arith.index_cast %add3A_242 : i32 to index
      %get3A_250 = arith.constant 0 : index
      %get3A_251 = tpu.vector_load %arg26[%get3A_249, %get3A_250] {strides = array<i32>} : memref<80x64xi32, #tpu.memory_space<vmem>>, vector<16xi32>,
      %bitcast3A_252 = vector.bitcast %get3A_251 : vector<16xi32> to vector<32xbf16>
      %mul3A_253 = arith.mulf %bitcast3A_248, %bitcast3A_252 : vector<32xbf16>
      %unpack3A_254 = tpu.unpack_subelements %mul3A_253, 0 {pack_format = #tpu.pack_format<interleaved>} : vector<32xbf16> -> vector<16xf32>
      %unpack3A_255 = tpu.unpack_subelements %mul3A_253, 1 {pack_format = #tpu.pack_format<interleaved>} : vector<32xbf16> -> vector<16xf32>
      %add3A_256 = arith.addf %broadcast_in_dim3A_244, %unpack3A_254 : vector<16xf32>
      %add3A_257 = arith.addf %add3A_256, %unpack3A_255 : vector<16xf32>
      %get3A_258 = arith.index_cast %add3A_242 : i32 to index
      %get3A_259 = arith.constant 16 : index
      %get3A_260 = tpu.vector_load %arg25[%get3A_258, %get3A_259] {strides = array<i32>} : memref<80x64xi32, #tpu.memory_space<vmem>>, vector<16xi32>,
      %bitcast3A_261 = vector.bitcast %get3A_260 : vector<16xi32> to vector<32xbf16>
      %get3A_262 = arith.index_cast %add3A_242 : i32 to index
      %get3A_263 = arith.constant 16 : index
      %get3A_264 = tpu.vector_load %arg26[%get3A_262, %get3A_263] {strides = array<i32>} : memref<80x64xi32, #tpu.memory_space<vmem>>, vector<16xi32>,
      %bitcast3A_265 = vector.bitcast %get3A_264 : vector<16xi32> to vector<32xbf16>
      %mul3A_266 = arith.mulf %bitcast3A_261, %bitcast3A_265 : vector<32xbf16>
      %unpack3A_267 = tpu.unpack_subelements %mul3A_266, 0 {pack_format = #tpu.pack_format<interleaved>} : vector<32xbf16> -> vector<16xf32>
      %unpack3A_268 = tpu.unpack_subelements %mul3A_266, 1 {pack_format = #tpu.pack_format<interleaved>} : vector<32xbf16> -> vector<16xf32>
      %add3A_269 = arith.addf %add3A_257, %unpack3A_267 : vector<16xf32>
      %add3A_270 = arith.addf %add3A_269, %unpack3A_268 : vector<16xf32>
      %get3A_271 = arith.index_cast %add3A_242 : i32 to index
      %get3A_272 = arith.constant 32 : index
      %get3A_273 = tpu.vector_load %arg25[%get3A_271, %get3A_272] {strides = array<i32>} : memref<80x64xi32, #tpu.memory_space<vmem>>, vector<16xi32>,
      %bitcast3A_274 = vector.bitcast %get3A_273 : vector<16xi32> to vector<32xbf16>
      %get3A_275 = arith.index_cast %add3A_242 : i32 to index
      %get3A_276 = arith.constant 32 : index
      %get3A_277 = tpu.vector_load %arg26[%get3A_275, %get3A_276] {strides = array<i32>} : memref<80x64xi32, #tpu.memory_space<vmem>>, vector<16xi32>,
      %bitcast3A_278 = vector.bitcast %get3A_277 : vector<16xi32> to vector<32xbf16>
      %mul3A_279 = arith.mulf %bitcast3A_274, %bitcast3A_278 : vector<32xbf16>
      %unpack3A_280 = tpu.unpack_subelements %mul3A_279, 0 {pack_format = #tpu.pack_format<interleaved>} : vector<32xbf16> -> vector<16xf32>
      %unpack3A_281 = tpu.unpack_subelements %mul3A_279, 1 {pack_format = #tpu.pack_format<interleaved>} : vector<32xbf16> -> vector<16xf32>
      %add3A_282 = arith.addf %add3A_270, %unpack3A_280 : vector<16xf32>
      %add3A_283 = arith.addf %add3A_282, %unpack3A_281 : vector<16xf32>
      %get3A_284 = arith.index_cast %add3A_242 : i32 to index
      %get3A_285 = arith.constant 48 : index
      %get3A_286 = tpu.vector_load %arg25[%get3A_284, %get3A_285] {strides = array<i32>} : memref<80x64xi32, #tpu.memory_space<vmem>>, vector<16xi32>,
      %bitcast3A_287 = vector.bitcast %get3A_286 : vector<16xi32> to vector<32xbf16>
      %get3A_288 = arith.index_cast %add3A_242 : i32 to index
      %get3A_289 = arith.constant 48 : index
      %get3A_290 = tpu.vector_load %arg26[%get3A_288, %get3A_289] {strides = array<i32>} : memref<80x64xi32, #tpu.memory_space<vmem>>, vector<16xi32>,
      %bitcast3A_291 = vector.bitcast %get3A_290 : vector<16xi32> to vector<32xbf16>
      %mul3A_292 = arith.mulf %bitcast3A_287, %bitcast3A_291 : vector<32xbf16>
      %unpack3A_293 = tpu.unpack_subelements %mul3A_292, 0 {pack_format = #tpu.pack_format<interleaved>} : vector<32xbf16> -> vector<16xf32>
      %unpack3A_294 = tpu.unpack_subelements %mul3A_292, 1 {pack_format = #tpu.pack_format<interleaved>} : vector<32xbf16> -> vector<16xf32>
      %add3A_295 = arith.addf %add3A_283, %unpack3A_293 : vector<16xf32>
      %add3A_296 = arith.addf %add3A_295, %unpack3A_294 : vector<16xf32>
      %reduce_sum3A_297 = arith.constant true
      %reduce_sum3A_298 = vector.broadcast %reduce_sum3A_297 : i1 to vector<16xi1>
      %reduce_sum3A_299 = tpu.scan <sum>, %add3A_296 masked %reduce_sum3A_298 : vector<16xf32>, vector<16xi1> -> vector<16xf32>
      %reduce_sum3A_300 = vector.extract %reduce_sum3A_299[15] : f32 from vector<16xf32>
      %eq3A_301 = arith.constant 3 : i32
      %eq3A_302 = vector.broadcast %eq3A_301 : i32 to vector<16xi32>
      %eq3A_303 = arith.cmpi eq, %iota3A, %eq3A_302 : vector<16xi32>
      %broadcast_in_dim3A_304 = vector.broadcast %reduce_sum3A_300 : f32 to vector<16xf32>
      %select_n3A_305 = arith.select %eq3A_303, %broadcast_in_dim3A_304, %select_n3A_238 : vector<16xi1>, vector<16xf32>
      %mul3A_306 = arith.constant 16 : i32
      %mul3A_307 = arith.muli %scan3A_40, %mul3A_306 : i32
      %add3A_308 = arith.constant 4 : i32
      %add3A_309 = arith.addi %mul3A_307, %add3A_308 : i32
      %broadcast_in_dim3A_310 = arith.constant 0.000000e+00 : f32
      %broadcast_in_dim3A_311 = vector.broadcast %broadcast_in_dim3A_310 : f32 to vector<16xf32>
      %get3A_312 = arith.index_cast %add3A_309 : i32 to index
      %get3A_313 = arith.constant 0 : index
      %get3A_314 = tpu.vector_load %arg25[%get3A_312, %get3A_313] {strides = array<i32>} : memref<80x64xi32, #tpu.memory_space<vmem>>, vector<16xi32>,
      %bitcast3A_315 = vector.bitcast %get3A_314 : vector<16xi32> to vector<32xbf16>
      %get3A_316 = arith.index_cast %add3A_309 : i32 to index
      %get3A_317 = arith.constant 0 : index
      %get3A_318 = tpu.vector_load %arg26[%get3A_316, %get3A_317] {strides = array<i32>} : memref<80x64xi32, #tpu.memory_space<vmem>>, vector<16xi32>,
      %bitcast3A_319 = vector.bitcast %get3A_318 : vector<16xi32> to vector<32xbf16>
      %mul3A_320 = arith.mulf %bitcast3A_315, %bitcast3A_319 : vector<32xbf16>
      %unpack3A_321 = tpu.unpack_subelements %mul3A_320, 0 {pack_format = #tpu.pack_format<interleaved>} : vector<32xbf16> -> vector<16xf32>
      %unpack3A_322 = tpu.unpack_subelements %mul3A_320, 1 {pack_format = #tpu.pack_format<interleaved>} : vector<32xbf16> -> vector<16xf32>
      %add3A_323 = arith.addf %broadcast_in_dim3A_311, %unpack3A_321 : vector<16xf32>
      %add3A_324 = arith.addf %add3A_323, %unpack3A_322 : vector<16xf32>
      %get3A_325 = arith.index_cast %add3A_309 : i32 to index
      %get3A_326 = arith.constant 16 : index
      %get3A_327 = tpu.vector_load %arg25[%get3A_325, %get3A_326] {strides = array<i32>} : memref<80x64xi32, #tpu.memory_space<vmem>>, vector<16xi32>,
      %bitcast3A_328 = vector.bitcast %get3A_327 : vector<16xi32> to vector<32xbf16>
      %get3A_329 = arith.index_cast %add3A_309 : i32 to index
      %get3A_330 = arith.constant 16 : index
      %get3A_331 = tpu.vector_load %arg26[%get3A_329, %get3A_330] {strides = array<i32>} : memref<80x64xi32, #tpu.memory_space<vmem>>, vector<16xi32>,
      %bitcast3A_332 = vector.bitcast %get3A_331 : vector<16xi32> to vector<32xbf16>
      %mul3A_333 = arith.mulf %bitcast3A_328, %bitcast3A_332 : vector<32xbf16>
      %unpack3A_334 = tpu.unpack_subelements %mul3A_333, 0 {pack_format = #tpu.pack_format<interleaved>} : vector<32xbf16> -> vector<16xf32>
      %unpack3A_335 = tpu.unpack_subelements %mul3A_333, 1 {pack_format = #tpu.pack_format<interleaved>} : vector<32xbf16> -> vector<16xf32>
      %add3A_336 = arith.addf %add3A_324, %unpack3A_334 : vector<16xf32>
      %add3A_337 = arith.addf %add3A_336, %unpack3A_335 : vector<16xf32>
      %get3A_338 = arith.index_cast %add3A_309 : i32 to index
      %get3A_339 = arith.constant 32 : index
      %get3A_340 = tpu.vector_load %arg25[%get3A_338, %get3A_339] {strides = array<i32>} : memref<80x64xi32, #tpu.memory_space<vmem>>, vector<16xi32>,
      %bitcast3A_341 = vector.bitcast %get3A_340 : vector<16xi32> to vector<32xbf16>
      %get3A_342 = arith.index_cast %add3A_309 : i32 to index
      %get3A_343 = arith.constant 32 : index
      %get3A_344 = tpu.vector_load %arg26[%get3A_342, %get3A_343] {strides = array<i32>} : memref<80x64xi32, #tpu.memory_space<vmem>>, vector<16xi32>,
      %bitcast3A_345 = vector.bitcast %get3A_344 : vector<16xi32> to vector<32xbf16>
      %mul3A_346 = arith.mulf %bitcast3A_341, %bitcast3A_345 : vector<32xbf16>
      %unpack3A_347 = tpu.unpack_subelements %mul3A_346, 0 {pack_format = #tpu.pack_format<interleaved>} : vector<32xbf16> -> vector<16xf32>
      %unpack3A_348 = tpu.unpack_subelements %mul3A_346, 1 {pack_format = #tpu.pack_format<interleaved>} : vector<32xbf16> -> vector<16xf32>
      %add3A_349 = arith.addf %add3A_337, %unpack3A_347 : vector<16xf32>
      %add3A_350 = arith.addf %add3A_349, %unpack3A_348 : vector<16xf32>
      %get3A_351 = arith.index_cast %add3A_309 : i32 to index
      %get3A_352 = arith.constant 48 : index
      %get3A_353 = tpu.vector_load %arg25[%get3A_351, %get3A_352] {strides = array<i32>} : memref<80x64xi32, #tpu.memory_space<vmem>>, vector<16xi32>,
      %bitcast3A_354 = vector.bitcast %get3A_353 : vector<16xi32> to vector<32xbf16>
      %get3A_355 = arith.index_cast %add3A_309 : i32 to index
      %get3A_356 = arith.constant 48 : index
      %get3A_357 = tpu.vector_load %arg26[%get3A_355, %get3A_356] {strides = array<i32>} : memref<80x64xi32, #tpu.memory_space<vmem>>, vector<16xi32>,
      %bitcast3A_358 = vector.bitcast %get3A_357 : vector<16xi32> to vector<32xbf16>
      %mul3A_359 = arith.mulf %bitcast3A_354, %bitcast3A_358 : vector<32xbf16>
      %unpack3A_360 = tpu.unpack_subelements %mul3A_359, 0 {pack_format = #tpu.pack_format<interleaved>} : vector<32xbf16> -> vector<16xf32>
      %unpack3A_361 = tpu.unpack_subelements %mul3A_359, 1 {pack_format = #tpu.pack_format<interleaved>} : vector<32xbf16> -> vector<16xf32>
      %add3A_362 = arith.addf %add3A_350, %unpack3A_360 : vector<16xf32>
      %add3A_363 = arith.addf %add3A_362, %unpack3A_361 : vector<16xf32>
      %reduce_sum3A_364 = arith.constant true
      %reduce_sum3A_365 = vector.broadcast %reduce_sum3A_364 : i1 to vector<16xi1>
      %reduce_sum3A_366 = tpu.scan <sum>, %add3A_363 masked %reduce_sum3A_365 : vector<16xf32>, vector<16xi1> -> vector<16xf32>
      %reduce_sum3A_367 = vector.extract %reduce_sum3A_366[15] : f32 from vector<16xf32>
      %eq3A_368 = arith.constant 4 : i32
      %eq3A_369 = vector.broadcast %eq3A_368 : i32 to vector<16xi32>
      %eq3A_370 = arith.cmpi eq, %iota3A, %eq3A_369 : vector<16xi32>
      %broadcast_in_dim3A_371 = vector.broadcast %reduce_sum3A_367 : f32 to vector<16xf32>
      %select_n3A_372 = arith.select %eq3A_370, %broadcast_in_dim3A_371, %select_n3A_305 : vector<16xi1>, vector<16xf32>
      %mul3A_373 = arith.constant 16 : i32
      %mul3A_374 = arith.muli %scan3A_40, %mul3A_373 : i32
      %add3A_375 = arith.constant 5 : i32
      %add3A_376 = arith.addi %mul3A_374, %add3A_375 : i32
      %broadcast_in_dim3A_377 = arith.constant 0.000000e+00 : f32
      %broadcast_in_dim3A_378 = vector.broadcast %broadcast_in_dim3A_377 : f32 to vector<16xf32>
      %get3A_379 = arith.index_cast %add3A_376 : i32 to index
      %get3A_380 = arith.constant 0 : index
      %get3A_381 = tpu.vector_load %arg25[%get3A_379, %get3A_380] {strides = array<i32>} : memref<80x64xi32, #tpu.memory_space<vmem>>, vector<16xi32>,
      %bitcast3A_382 = vector.bitcast %get3A_381 : vector<16xi32> to vector<32xbf16>
      %get3A_383 = arith.index_cast %add3A_376 : i32 to index
      %get3A_384 = arith.constant 0 : index
      %get3A_385 = tpu.vector_load %arg26[%get3A_383, %get3A_384] {strides = array<i32>} : memref<80x64xi32, #tpu.memory_space<vmem>>, vector<16xi32>,
      %bitcast3A_386 = vector.bitcast %get3A_385 : vector<16xi32> to vector<32xbf16>
      %mul3A_387 = arith.mulf %bitcast3A_382, %bitcast3A_386 : vector<32xbf16>
      %unpack3A_388 = tpu.unpack_subelements %mul3A_387, 0 {pack_format = #tpu.pack_format<interleaved>} : vector<32xbf16> -> vector<16xf32>
      %unpack3A_389 = tpu.unpack_subelements %mul3A_387, 1 {pack_format = #tpu.pack_format<interleaved>} : vector<32xbf16> -> vector<16xf32>
      %add3A_390 = arith.addf %broadcast_in_dim3A_378, %unpack3A_388 : vector<16xf32>
      %add3A_391 = arith.addf %add3A_390, %unpack3A_389 : vector<16xf32>
      %get3A_392 = arith.index_cast %add3A_376 : i32 to index
      %get3A_393 = arith.constant 16 : index
      %get3A_394 = tpu.vector_load %arg25[%get3A_392, %get3A_393] {strides = array<i32>} : memref<80x64xi32, #tpu.memory_space<vmem>>, vector<16xi32>,
      %bitcast3A_395 = vector.bitcast %get3A_394 : vector<16xi32> to vector<32xbf16>
      %get3A_396 = arith.index_cast %add3A_376 : i32 to index
      %get3A_397 = arith.constant 16 : index
      %get3A_398 = tpu.vector_load %arg26[%get3A_396, %get3A_397] {strides = array<i32>} : memref<80x64xi32, #tpu.memory_space<vmem>>, vector<16xi32>,
      %bitcast3A_399 = vector.bitcast %get3A_398 : vector<16xi32> to vector<32xbf16>
      %mul3A_400 = arith.mulf %bitcast3A_395, %bitcast3A_399 : vector<32xbf16>
      %unpack3A_401 = tpu.unpack_subelements %mul3A_400, 0 {pack_format = #tpu.pack_format<interleaved>} : vector<32xbf16> -> vector<16xf32>
      %unpack3A_402 = tpu.unpack_subelements %mul3A_400, 1 {pack_format = #tpu.pack_format<interleaved>} : vector<32xbf16> -> vector<16xf32>
      %add3A_403 = arith.addf %add3A_391, %unpack3A_401 : vector<16xf32>
      %add3A_404 = arith.addf %add3A_403, %unpack3A_402 : vector<16xf32>
      %get3A_405 = arith.index_cast %add3A_376 : i32 to index
      %get3A_406 = arith.constant 32 : index
      %get3A_407 = tpu.vector_load %arg25[%get3A_405, %get3A_406] {strides = array<i32>} : memref<80x64xi32, #tpu.memory_space<vmem>>, vector<16xi32>,
      %bitcast3A_408 = vector.bitcast %get3A_407 : vector<16xi32> to vector<32xbf16>
      %get3A_409 = arith.index_cast %add3A_376 : i32 to index
      %get3A_410 = arith.constant 32 : index
      %get3A_411 = tpu.vector_load %arg26[%get3A_409, %get3A_410] {strides = array<i32>} : memref<80x64xi32, #tpu.memory_space<vmem>>, vector<16xi32>,
      %bitcast3A_412 = vector.bitcast %get3A_411 : vector<16xi32> to vector<32xbf16>
      %mul3A_413 = arith.mulf %bitcast3A_408, %bitcast3A_412 : vector<32xbf16>
      %unpack3A_414 = tpu.unpack_subelements %mul3A_413, 0 {pack_format = #tpu.pack_format<interleaved>} : vector<32xbf16> -> vector<16xf32>
      %unpack3A_415 = tpu.unpack_subelements %mul3A_413, 1 {pack_format = #tpu.pack_format<interleaved>} : vector<32xbf16> -> vector<16xf32>
      %add3A_416 = arith.addf %add3A_404, %unpack3A_414 : vector<16xf32>
      %add3A_417 = arith.addf %add3A_416, %unpack3A_415 : vector<16xf32>
      %get3A_418 = arith.index_cast %add3A_376 : i32 to index
      %get3A_419 = arith.constant 48 : index
      %get3A_420 = tpu.vector_load %arg25[%get3A_418, %get3A_419] {strides = array<i32>} : memref<80x64xi32, #tpu.memory_space<vmem>>, vector<16xi32>,
      %bitcast3A_421 = vector.bitcast %get3A_420 : vector<16xi32> to vector<32xbf16>
      %get3A_422 = arith.index_cast %add3A_376 : i32 to index
      %get3A_423 = arith.constant 48 : index
      %get3A_424 = tpu.vector_load %arg26[%get3A_422, %get3A_423] {strides = array<i32>} : memref<80x64xi32, #tpu.memory_space<vmem>>, vector<16xi32>,
      %bitcast3A_425 = vector.bitcast %get3A_424 : vector<16xi32> to vector<32xbf16>
      %mul3A_426 = arith.mulf %bitcast3A_421, %bitcast3A_425 : vector<32xbf16>
      %unpack3A_427 = tpu.unpack_subelements %mul3A_426, 0 {pack_format = #tpu.pack_format<interleaved>} : vector<32xbf16> -> vector<16xf32>
      %unpack3A_428 = tpu.unpack_subelements %mul3A_426, 1 {pack_format = #tpu.pack_format<interleaved>} : vector<32xbf16> -> vector<16xf32>
      %add3A_429 = arith.addf %add3A_417, %unpack3A_427 : vector<16xf32>
      %add3A_430 = arith.addf %add3A_429, %unpack3A_428 : vector<16xf32>
      %reduce_sum3A_431 = arith.constant true
      %reduce_sum3A_432 = vector.broadcast %reduce_sum3A_431 : i1 to vector<16xi1>
      %reduce_sum3A_433 = tpu.scan <sum>, %add3A_430 masked %reduce_sum3A_432 : vector<16xf32>, vector<16xi1> -> vector<16xf32>
      %reduce_sum3A_434 = vector.extract %reduce_sum3A_433[15] : f32 from vector<16xf32>
      %eq3A_435 = arith.constant 5 : i32
      %eq3A_436 = vector.broadcast %eq3A_435 : i32 to vector<16xi32>
      %eq3A_437 = arith.cmpi eq, %iota3A, %eq3A_436 : vector<16xi32>
      %broadcast_in_dim3A_438 = vector.broadcast %reduce_sum3A_434 : f32 to vector<16xf32>
      %select_n3A_439 = arith.select %eq3A_437, %broadcast_in_dim3A_438, %select_n3A_372 : vector<16xi1>, vector<16xf32>
      %mul3A_440 = arith.constant 16 : i32
      %mul3A_441 = arith.muli %scan3A_40, %mul3A_440 : i32
      %add3A_442 = arith.constant 6 : i32
      %add3A_443 = arith.addi %mul3A_441, %add3A_442 : i32
      %broadcast_in_dim3A_444 = arith.constant 0.000000e+00 : f32
      %broadcast_in_dim3A_445 = vector.broadcast %broadcast_in_dim3A_444 : f32 to vector<16xf32>
      %get3A_446 = arith.index_cast %add3A_443 : i32 to index
      %get3A_447 = arith.constant 0 : index
      %get3A_448 = tpu.vector_load %arg25[%get3A_446, %get3A_447] {strides = array<i32>} : memref<80x64xi32, #tpu.memory_space<vmem>>, vector<16xi32>,
      %bitcast3A_449 = vector.bitcast %get3A_448 : vector<16xi32> to vector<32xbf16>
      %get3A_450 = arith.index_cast %add3A_443 : i32 to index
      %get3A_451 = arith.constant 0 : index
      %get3A_452 = tpu.vector_load %arg26[%get3A_450, %get3A_451] {strides = array<i32>} : memref<80x64xi32, #tpu.memory_space<vmem>>, vector<16xi32>,
      %bitcast3A_453 = vector.bitcast %get3A_452 : vector<16xi32> to vector<32xbf16>
      %mul3A_454 = arith.mulf %bitcast3A_449, %bitcast3A_453 : vector<32xbf16>
      %unpack3A_455 = tpu.unpack_subelements %mul3A_454, 0 {pack_format = #tpu.pack_format<interleaved>} : vector<32xbf16> -> vector<16xf32>
      %unpack3A_456 = tpu.unpack_subelements %mul3A_454, 1 {pack_format = #tpu.pack_format<interleaved>} : vector<32xbf16> -> vector<16xf32>
      %add3A_457 = arith.addf %broadcast_in_dim3A_445, %unpack3A_455 : vector<16xf32>
      %add3A_458 = arith.addf %add3A_457, %unpack3A_456 : vector<16xf32>
      %get3A_459 = arith.index_cast %add3A_443 : i32 to index
      %get3A_460 = arith.constant 16 : index
      %get3A_461 = tpu.vector_load %arg25[%get3A_459, %get3A_460] {strides = array<i32>} : memref<80x64xi32, #tpu.memory_space<vmem>>, vector<16xi32>,
      %bitcast3A_462 = vector.bitcast %get3A_461 : vector<16xi32> to vector<32xbf16>
      %get3A_463 = arith.index_cast %add3A_443 : i32 to index
      %get3A_464 = arith.constant 16 : index
      %get3A_465 = tpu.vector_load %arg26[%get3A_463, %get3A_464] {strides = array<i32>} : memref<80x64xi32, #tpu.memory_space<vmem>>, vector<16xi32>,
      %bitcast3A_466 = vector.bitcast %get3A_465 : vector<16xi32> to vector<32xbf16>
      %mul3A_467 = arith.mulf %bitcast3A_462, %bitcast3A_466 : vector<32xbf16>
      %unpack3A_468 = tpu.unpack_subelements %mul3A_467, 0 {pack_format = #tpu.pack_format<interleaved>} : vector<32xbf16> -> vector<16xf32>
      %unpack3A_469 = tpu.unpack_subelements %mul3A_467, 1 {pack_format = #tpu.pack_format<interleaved>} : vector<32xbf16> -> vector<16xf32>
      %add3A_470 = arith.addf %add3A_458, %unpack3A_468 : vector<16xf32>
      %add3A_471 = arith.addf %add3A_470, %unpack3A_469 : vector<16xf32>
      %get3A_472 = arith.index_cast %add3A_443 : i32 to index
      %get3A_473 = arith.constant 32 : index
      %get3A_474 = tpu.vector_load %arg25[%get3A_472, %get3A_473] {strides = array<i32>} : memref<80x64xi32, #tpu.memory_space<vmem>>, vector<16xi32>,
      %bitcast3A_475 = vector.bitcast %get3A_474 : vector<16xi32> to vector<32xbf16>
      %get3A_476 = arith.index_cast %add3A_443 : i32 to index
      %get3A_477 = arith.constant 32 : index
      %get3A_478 = tpu.vector_load %arg26[%get3A_476, %get3A_477] {strides = array<i32>} : memref<80x64xi32, #tpu.memory_space<vmem>>, vector<16xi32>,
      %bitcast3A_479 = vector.bitcast %get3A_478 : vector<16xi32> to vector<32xbf16>
      %mul3A_480 = arith.mulf %bitcast3A_475, %bitcast3A_479 : vector<32xbf16>
      %unpack3A_481 = tpu.unpack_subelements %mul3A_480, 0 {pack_format = #tpu.pack_format<interleaved>} : vector<32xbf16> -> vector<16xf32>
      %unpack3A_482 = tpu.unpack_subelements %mul3A_480, 1 {pack_format = #tpu.pack_format<interleaved>} : vector<32xbf16> -> vector<16xf32>
      %add3A_483 = arith.addf %add3A_471, %unpack3A_481 : vector<16xf32>
      %add3A_484 = arith.addf %add3A_483, %unpack3A_482 : vector<16xf32>
      %get3A_485 = arith.index_cast %add3A_443 : i32 to index
      %get3A_486 = arith.constant 48 : index
      %get3A_487 = tpu.vector_load %arg25[%get3A_485, %get3A_486] {strides = array<i32>} : memref<80x64xi32, #tpu.memory_space<vmem>>, vector<16xi32>,
      %bitcast3A_488 = vector.bitcast %get3A_487 : vector<16xi32> to vector<32xbf16>
      %get3A_489 = arith.index_cast %add3A_443 : i32 to index
      %get3A_490 = arith.constant 48 : index
      %get3A_491 = tpu.vector_load %arg26[%get3A_489, %get3A_490] {strides = array<i32>} : memref<80x64xi32, #tpu.memory_space<vmem>>, vector<16xi32>,
      %bitcast3A_492 = vector.bitcast %get3A_491 : vector<16xi32> to vector<32xbf16>
      %mul3A_493 = arith.mulf %bitcast3A_488, %bitcast3A_492 : vector<32xbf16>
      %unpack3A_494 = tpu.unpack_subelements %mul3A_493, 0 {pack_format = #tpu.pack_format<interleaved>} : vector<32xbf16> -> vector<16xf32>
      %unpack3A_495 = tpu.unpack_subelements %mul3A_493, 1 {pack_format = #tpu.pack_format<interleaved>} : vector<32xbf16> -> vector<16xf32>
      %add3A_496 = arith.addf %add3A_484, %unpack3A_494 : vector<16xf32>
      %add3A_497 = arith.addf %add3A_496, %unpack3A_495 : vector<16xf32>
      %reduce_sum3A_498 = arith.constant true
      %reduce_sum3A_499 = vector.broadcast %reduce_sum3A_498 : i1 to vector<16xi1>
      %reduce_sum3A_500 = tpu.scan <sum>, %add3A_497 masked %reduce_sum3A_499 : vector<16xf32>, vector<16xi1> -> vector<16xf32>
      %reduce_sum3A_501 = vector.extract %reduce_sum3A_500[15] : f32 from vector<16xf32>
      %eq3A_502 = arith.constant 6 : i32
      %eq3A_503 = vector.broadcast %eq3A_502 : i32 to vector<16xi32>
      %eq3A_504 = arith.cmpi eq, %iota3A, %eq3A_503 : vector<16xi32>
      %broadcast_in_dim3A_505 = vector.broadcast %reduce_sum3A_501 : f32 to vector<16xf32>
      %select_n3A_506 = arith.select %eq3A_504, %broadcast_in_dim3A_505, %select_n3A_439 : vector<16xi1>, vector<16xf32>
      %mul3A_507 = arith.constant 16 : i32
      %mul3A_508 = arith.muli %scan3A_40, %mul3A_507 : i32
      %add3A_509 = arith.constant 7 : i32
      %add3A_510 = arith.addi %mul3A_508, %add3A_509 : i32
      %broadcast_in_dim3A_511 = arith.constant 0.000000e+00 : f32
      %broadcast_in_dim3A_512 = vector.broadcast %broadcast_in_dim3A_511 : f32 to vector<16xf32>
      %get3A_513 = arith.index_cast %add3A_510 : i32 to index
      %get3A_514 = arith.constant 0 : index
      %get3A_515 = tpu.vector_load %arg25[%get3A_513, %get3A_514] {strides = array<i32>} : memref<80x64xi32, #tpu.memory_space<vmem>>, vector<16xi32>,
      %bitcast3A_516 = vector.bitcast %get3A_515 : vector<16xi32> to vector<32xbf16>
      %get3A_517 = arith.index_cast %add3A_510 : i32 to index
      %get3A_518 = arith.constant 0 : index
      %get3A_519 = tpu.vector_load %arg26[%get3A_517, %get3A_518] {strides = array<i32>} : memref<80x64xi32, #tpu.memory_space<vmem>>, vector<16xi32>,
      %bitcast3A_520 = vector.bitcast %get3A_519 : vector<16xi32> to vector<32xbf16>
      %mul3A_521 = arith.mulf %bitcast3A_516, %bitcast3A_520 : vector<32xbf16>
      %unpack3A_522 = tpu.unpack_subelements %mul3A_521, 0 {pack_format = #tpu.pack_format<interleaved>} : vector<32xbf16> -> vector<16xf32>
      %unpack3A_523 = tpu.unpack_subelements %mul3A_521, 1 {pack_format = #tpu.pack_format<interleaved>} : vector<32xbf16> -> vector<16xf32>
      %add3A_524 = arith.addf %broadcast_in_dim3A_512, %unpack3A_522 : vector<16xf32>
      %add3A_525 = arith.addf %add3A_524, %unpack3A_523 : vector<16xf32>
      %get3A_526 = arith.index_cast %add3A_510 : i32 to index
      %get3A_527 = arith.constant 16 : index
      %get3A_528 = tpu.vector_load %arg25[%get3A_526, %get3A_527] {strides = array<i32>} : memref<80x64xi32, #tpu.memory_space<vmem>>, vector<16xi32>,
      %bitcast3A_529 = vector.bitcast %get3A_528 : vector<16xi32> to vector<32xbf16>
      %get3A_530 = arith.index_cast %add3A_510 : i32 to index
      %get3A_531 = arith.constant 16 : index
      %get3A_532 = tpu.vector_load %arg26[%get3A_530, %get3A_531] {strides = array<i32>} : memref<80x64xi32, #tpu.memory_space<vmem>>, vector<16xi32>,
      %bitcast3A_533 = vector.bitcast %get3A_532 : vector<16xi32> to vector<32xbf16>
      %mul3A_534 = arith.mulf %bitcast3A_529, %bitcast3A_533 : vector<32xbf16>
      %unpack3A_535 = tpu.unpack_subelements %mul3A_534, 0 {pack_format = #tpu.pack_format<interleaved>} : vector<32xbf16> -> vector<16xf32>
      %unpack3A_536 = tpu.unpack_subelements %mul3A_534, 1 {pack_format = #tpu.pack_format<interleaved>} : vector<32xbf16> -> vector<16xf32>
      %add3A_537 = arith.addf %add3A_525, %unpack3A_535 : vector<16xf32>
      %add3A_538 = arith.addf %add3A_537, %unpack3A_536 : vector<16xf32>
      %get3A_539 = arith.index_cast %add3A_510 : i32 to index
      %get3A_540 = arith.constant 32 : index
      %get3A_541 = tpu.vector_load %arg25[%get3A_539, %get3A_540] {strides = array<i32>} : memref<80x64xi32, #tpu.memory_space<vmem>>, vector<16xi32>,
      %bitcast3A_542 = vector.bitcast %get3A_541 : vector<16xi32> to vector<32xbf16>
      %get3A_543 = arith.index_cast %add3A_510 : i32 to index
      %get3A_544 = arith.constant 32 : index
      %get3A_545 = tpu.vector_load %arg26[%get3A_543, %get3A_544] {strides = array<i32>} : memref<80x64xi32, #tpu.memory_space<vmem>>, vector<16xi32>,
      %bitcast3A_546 = vector.bitcast %get3A_545 : vector<16xi32> to vector<32xbf16>
      %mul3A_547 = arith.mulf %bitcast3A_542, %bitcast3A_546 : vector<32xbf16>
      %unpack3A_548 = tpu.unpack_subelements %mul3A_547, 0 {pack_format = #tpu.pack_format<interleaved>} : vector<32xbf16> -> vector<16xf32>
      %unpack3A_549 = tpu.unpack_subelements %mul3A_547, 1 {pack_format = #tpu.pack_format<interleaved>} : vector<32xbf16> -> vector<16xf32>
      %add3A_550 = arith.addf %add3A_538, %unpack3A_548 : vector<16xf32>
      %add3A_551 = arith.addf %add3A_550, %unpack3A_549 : vector<16xf32>
      %get3A_552 = arith.index_cast %add3A_510 : i32 to index
      %get3A_553 = arith.constant 48 : index
      %get3A_554 = tpu.vector_load %arg25[%get3A_552, %get3A_553] {strides = array<i32>} : memref<80x64xi32, #tpu.memory_space<vmem>>, vector<16xi32>,
      %bitcast3A_555 = vector.bitcast %get3A_554 : vector<16xi32> to vector<32xbf16>
      %get3A_556 = arith.index_cast %add3A_510 : i32 to index
      %get3A_557 = arith.constant 48 : index
      %get3A_558 = tpu.vector_load %arg26[%get3A_556, %get3A_557] {strides = array<i32>} : memref<80x64xi32, #tpu.memory_space<vmem>>, vector<16xi32>,
      %bitcast3A_559 = vector.bitcast %get3A_558 : vector<16xi32> to vector<32xbf16>
      %mul3A_560 = arith.mulf %bitcast3A_555, %bitcast3A_559 : vector<32xbf16>
      %unpack3A_561 = tpu.unpack_subelements %mul3A_560, 0 {pack_format = #tpu.pack_format<interleaved>} : vector<32xbf16> -> vector<16xf32>
      %unpack3A_562 = tpu.unpack_subelements %mul3A_560, 1 {pack_format = #tpu.pack_format<interleaved>} : vector<32xbf16> -> vector<16xf32>
      %add3A_563 = arith.addf %add3A_551, %unpack3A_561 : vector<16xf32>
      %add3A_564 = arith.addf %add3A_563, %unpack3A_562 : vector<16xf32>
      %reduce_sum3A_565 = arith.constant true
      %reduce_sum3A_566 = vector.broadcast %reduce_sum3A_565 : i1 to vector<16xi1>
      %reduce_sum3A_567 = tpu.scan <sum>, %add3A_564 masked %reduce_sum3A_566 : vector<16xf32>, vector<16xi1> -> vector<16xf32>
      %reduce_sum3A_568 = vector.extract %reduce_sum3A_567[15] : f32 from vector<16xf32>
      %eq3A_569 = arith.constant 7 : i32
      %eq3A_570 = vector.broadcast %eq3A_569 : i32 to vector<16xi32>
      %eq3A_571 = arith.cmpi eq, %iota3A, %eq3A_570 : vector<16xi32>
      %broadcast_in_dim3A_572 = vector.broadcast %reduce_sum3A_568 : f32 to vector<16xf32>
      %select_n3A_573 = arith.select %eq3A_571, %broadcast_in_dim3A_572, %select_n3A_506 : vector<16xi1>, vector<16xf32>
      %mul3A_574 = arith.constant 16 : i32
      %mul3A_575 = arith.muli %scan3A_40, %mul3A_574 : i32
      %add3A_576 = arith.constant 8 : i32
      %add3A_577 = arith.addi %mul3A_575, %add3A_576 : i32
      %broadcast_in_dim3A_578 = arith.constant 0.000000e+00 : f32
      %broadcast_in_dim3A_579 = vector.broadcast %broadcast_in_dim3A_578 : f32 to vector<16xf32>
      %get3A_580 = arith.index_cast %add3A_577 : i32 to index
      %get3A_581 = arith.constant 0 : index
      %get3A_582 = tpu.vector_load %arg25[%get3A_580, %get3A_581] {strides = array<i32>} : memref<80x64xi32, #tpu.memory_space<vmem>>, vector<16xi32>,
      %bitcast3A_583 = vector.bitcast %get3A_582 : vector<16xi32> to vector<32xbf16>
      %get3A_584 = arith.index_cast %add3A_577 : i32 to index
      %get3A_585 = arith.constant 0 : index
      %get3A_586 = tpu.vector_load %arg26[%get3A_584, %get3A_585] {strides = array<i32>} : memref<80x64xi32, #tpu.memory_space<vmem>>, vector<16xi32>,
      %bitcast3A_587 = vector.bitcast %get3A_586 : vector<16xi32> to vector<32xbf16>
      %mul3A_588 = arith.mulf %bitcast3A_583, %bitcast3A_587 : vector<32xbf16>
      %unpack3A_589 = tpu.unpack_subelements %mul3A_588, 0 {pack_format = #tpu.pack_format<interleaved>} : vector<32xbf16> -> vector<16xf32>
      %unpack3A_590 = tpu.unpack_subelements %mul3A_588, 1 {pack_format = #tpu.pack_format<interleaved>} : vector<32xbf16> -> vector<16xf32>
      %add3A_591 = arith.addf %broadcast_in_dim3A_579, %unpack3A_589 : vector<16xf32>
      %add3A_592 = arith.addf %add3A_591, %unpack3A_590 : vector<16xf32>
      %get3A_593 = arith.index_cast %add3A_577 : i32 to index
      %get3A_594 = arith.constant 16 : index
      %get3A_595 = tpu.vector_load %arg25[%get3A_593, %get3A_594] {strides = array<i32>} : memref<80x64xi32, #tpu.memory_space<vmem>>, vector<16xi32>,
      %bitcast3A_596 = vector.bitcast %get3A_595 : vector<16xi32> to vector<32xbf16>
      %get3A_597 = arith.index_cast %add3A_577 : i32 to index
      %get3A_598 = arith.constant 16 : index
      %get3A_599 = tpu.vector_load %arg26[%get3A_597, %get3A_598] {strides = array<i32>} : memref<80x64xi32, #tpu.memory_space<vmem>>, vector<16xi32>,
      %bitcast3A_600 = vector.bitcast %get3A_599 : vector<16xi32> to vector<32xbf16>
      %mul3A_601 = arith.mulf %bitcast3A_596, %bitcast3A_600 : vector<32xbf16>
      %unpack3A_602 = tpu.unpack_subelements %mul3A_601, 0 {pack_format = #tpu.pack_format<interleaved>} : vector<32xbf16> -> vector<16xf32>
      %unpack3A_603 = tpu.unpack_subelements %mul3A_601, 1 {pack_format = #tpu.pack_format<interleaved>} : vector<32xbf16> -> vector<16xf32>
      %add3A_604 = arith.addf %add3A_592, %unpack3A_602 : vector<16xf32>
      %add3A_605 = arith.addf %add3A_604, %unpack3A_603 : vector<16xf32>
      %get3A_606 = arith.index_cast %add3A_577 : i32 to index
      %get3A_607 = arith.constant 32 : index
      %get3A_608 = tpu.vector_load %arg25[%get3A_606, %get3A_607] {strides = array<i32>} : memref<80x64xi32, #tpu.memory_space<vmem>>, vector<16xi32>,
      %bitcast3A_609 = vector.bitcast %get3A_608 : vector<16xi32> to vector<32xbf16>
      %get3A_610 = arith.index_cast %add3A_577 : i32 to index
      %get3A_611 = arith.constant 32 : index
      %get3A_612 = tpu.vector_load %arg26[%get3A_610, %get3A_611] {strides = array<i32>} : memref<80x64xi32, #tpu.memory_space<vmem>>, vector<16xi32>,
      %bitcast3A_613 = vector.bitcast %get3A_612 : vector<16xi32> to vector<32xbf16>
      %mul3A_614 = arith.mulf %bitcast3A_609, %bitcast3A_613 : vector<32xbf16>
      %unpack3A_615 = tpu.unpack_subelements %mul3A_614, 0 {pack_format = #tpu.pack_format<interleaved>} : vector<32xbf16> -> vector<16xf32>
      %unpack3A_616 = tpu.unpack_subelements %mul3A_614, 1 {pack_format = #tpu.pack_format<interleaved>} : vector<32xbf16> -> vector<16xf32>
      %add3A_617 = arith.addf %add3A_605, %unpack3A_615 : vector<16xf32>
      %add3A_618 = arith.addf %add3A_617, %unpack3A_616 : vector<16xf32>
      %get3A_619 = arith.index_cast %add3A_577 : i32 to index
      %get3A_620 = arith.constant 48 : index
      %get3A_621 = tpu.vector_load %arg25[%get3A_619, %get3A_620] {strides = array<i32>} : memref<80x64xi32, #tpu.memory_space<vmem>>, vector<16xi32>,
      %bitcast3A_622 = vector.bitcast %get3A_621 : vector<16xi32> to vector<32xbf16>
      %get3A_623 = arith.index_cast %add3A_577 : i32 to index
      %get3A_624 = arith.constant 48 : index
      %get3A_625 = tpu.vector_load %arg26[%get3A_623, %get3A_624] {strides = array<i32>} : memref<80x64xi32, #tpu.memory_space<vmem>>, vector<16xi32>,
      %bitcast3A_626 = vector.bitcast %get3A_625 : vector<16xi32> to vector<32xbf16>
      %mul3A_627 = arith.mulf %bitcast3A_622, %bitcast3A_626 : vector<32xbf16>
      %unpack3A_628 = tpu.unpack_subelements %mul3A_627, 0 {pack_format = #tpu.pack_format<interleaved>} : vector<32xbf16> -> vector<16xf32>
      %unpack3A_629 = tpu.unpack_subelements %mul3A_627, 1 {pack_format = #tpu.pack_format<interleaved>} : vector<32xbf16> -> vector<16xf32>
      %add3A_630 = arith.addf %add3A_618, %unpack3A_628 : vector<16xf32>
      %add3A_631 = arith.addf %add3A_630, %unpack3A_629 : vector<16xf32>
      %reduce_sum3A_632 = arith.constant true
      %reduce_sum3A_633 = vector.broadcast %reduce_sum3A_632 : i1 to vector<16xi1>
      %reduce_sum3A_634 = tpu.scan <sum>, %add3A_631 masked %reduce_sum3A_633 : vector<16xf32>, vector<16xi1> -> vector<16xf32>
      %reduce_sum3A_635 = vector.extract %reduce_sum3A_634[15] : f32 from vector<16xf32>
      %eq3A_636 = arith.constant 8 : i32
      %eq3A_637 = vector.broadcast %eq3A_636 : i32 to vector<16xi32>
      %eq3A_638 = arith.cmpi eq, %iota3A, %eq3A_637 : vector<16xi32>
      %broadcast_in_dim3A_639 = vector.broadcast %reduce_sum3A_635 : f32 to vector<16xf32>
      %select_n3A_640 = arith.select %eq3A_638, %broadcast_in_dim3A_639, %select_n3A_573 : vector<16xi1>, vector<16xf32>
      %mul3A_641 = arith.constant 16 : i32
      %mul3A_642 = arith.muli %scan3A_40, %mul3A_641 : i32
      %add3A_643 = arith.constant 9 : i32
      %add3A_644 = arith.addi %mul3A_642, %add3A_643 : i32
      %broadcast_in_dim3A_645 = arith.constant 0.000000e+00 : f32
      %broadcast_in_dim3A_646 = vector.broadcast %broadcast_in_dim3A_645 : f32 to vector<16xf32>
      %get3A_647 = arith.index_cast %add3A_644 : i32 to index
      %get3A_648 = arith.constant 0 : index
      %get3A_649 = tpu.vector_load %arg25[%get3A_647, %get3A_648] {strides = array<i32>} : memref<80x64xi32, #tpu.memory_space<vmem>>, vector<16xi32>,
      %bitcast3A_650 = vector.bitcast %get3A_649 : vector<16xi32> to vector<32xbf16>
      %get3A_651 = arith.index_cast %add3A_644 : i32 to index
      %get3A_652 = arith.constant 0 : index
      %get3A_653 = tpu.vector_load %arg26[%get3A_651, %get3A_652] {strides = array<i32>} : memref<80x64xi32, #tpu.memory_space<vmem>>, vector<16xi32>,
      %bitcast3A_654 = vector.bitcast %get3A_653 : vector<16xi32> to vector<32xbf16>
      %mul3A_655 = arith.mulf %bitcast3A_650, %bitcast3A_654 : vector<32xbf16>
      %unpack3A_656 = tpu.unpack_subelements %mul3A_655, 0 {pack_format = #tpu.pack_format<interleaved>} : vector<32xbf16> -> vector<16xf32>
      %unpack3A_657 = tpu.unpack_subelements %mul3A_655, 1 {pack_format = #tpu.pack_format<interleaved>} : vector<32xbf16> -> vector<16xf32>
      %add3A_658 = arith.addf %broadcast_in_dim3A_646, %unpack3A_656 : vector<16xf32>
      %add3A_659 = arith.addf %add3A_658, %unpack3A_657 : vector<16xf32>
      %get3A_660 = arith.index_cast %add3A_644 : i32 to index
      %get3A_661 = arith.constant 16 : index
      %get3A_662 = tpu.vector_load %arg25[%get3A_660, %get3A_661] {strides = array<i32>} : memref<80x64xi32, #tpu.memory_space<vmem>>, vector<16xi32>,
      %bitcast3A_663 = vector.bitcast %get3A_662 : vector<16xi32> to vector<32xbf16>
      %get3A_664 = arith.index_cast %add3A_644 : i32 to index
      %get3A_665 = arith.constant 16 : index
      %get3A_666 = tpu.vector_load %arg26[%get3A_664, %get3A_665] {strides = array<i32>} : memref<80x64xi32, #tpu.memory_space<vmem>>, vector<16xi32>,
      %bitcast3A_667 = vector.bitcast %get3A_666 : vector<16xi32> to vector<32xbf16>
      %mul3A_668 = arith.mulf %bitcast3A_663, %bitcast3A_667 : vector<32xbf16>
      %unpack3A_669 = tpu.unpack_subelements %mul3A_668, 0 {pack_format = #tpu.pack_format<interleaved>} : vector<32xbf16> -> vector<16xf32>
      %unpack3A_670 = tpu.unpack_subelements %mul3A_668, 1 {pack_format = #tpu.pack_format<interleaved>} : vector<32xbf16> -> vector<16xf32>
      %add3A_671 = arith.addf %add3A_659, %unpack3A_669 : vector<16xf32>
      %add3A_672 = arith.addf %add3A_671, %unpack3A_670 : vector<16xf32>
      %get3A_673 = arith.index_cast %add3A_644 : i32 to index
      %get3A_674 = arith.constant 32 : index
      %get3A_675 = tpu.vector_load %arg25[%get3A_673, %get3A_674] {strides = array<i32>} : memref<80x64xi32, #tpu.memory_space<vmem>>, vector<16xi32>,
      %bitcast3A_676 = vector.bitcast %get3A_675 : vector<16xi32> to vector<32xbf16>
      %get3A_677 = arith.index_cast %add3A_644 : i32 to index
      %get3A_678 = arith.constant 32 : index
      %get3A_679 = tpu.vector_load %arg26[%get3A_677, %get3A_678] {strides = array<i32>} : memref<80x64xi32, #tpu.memory_space<vmem>>, vector<16xi32>,
      %bitcast3A_680 = vector.bitcast %get3A_679 : vector<16xi32> to vector<32xbf16>
      %mul3A_681 = arith.mulf %bitcast3A_676, %bitcast3A_680 : vector<32xbf16>
      %unpack3A_682 = tpu.unpack_subelements %mul3A_681, 0 {pack_format = #tpu.pack_format<interleaved>} : vector<32xbf16> -> vector<16xf32>
      %unpack3A_683 = tpu.unpack_subelements %mul3A_681, 1 {pack_format = #tpu.pack_format<interleaved>} : vector<32xbf16> -> vector<16xf32>
      %add3A_684 = arith.addf %add3A_672, %unpack3A_682 : vector<16xf32>
      %add3A_685 = arith.addf %add3A_684, %unpack3A_683 : vector<16xf32>
      %get3A_686 = arith.index_cast %add3A_644 : i32 to index
      %get3A_687 = arith.constant 48 : index
      %get3A_688 = tpu.vector_load %arg25[%get3A_686, %get3A_687] {strides = array<i32>} : memref<80x64xi32, #tpu.memory_space<vmem>>, vector<16xi32>,
      %bitcast3A_689 = vector.bitcast %get3A_688 : vector<16xi32> to vector<32xbf16>
      %get3A_690 = arith.index_cast %add3A_644 : i32 to index
      %get3A_691 = arith.constant 48 : index
      %get3A_692 = tpu.vector_load %arg26[%get3A_690, %get3A_691] {strides = array<i32>} : memref<80x64xi32, #tpu.memory_space<vmem>>, vector<16xi32>,
      %bitcast3A_693 = vector.bitcast %get3A_692 : vector<16xi32> to vector<32xbf16>
      %mul3A_694 = arith.mulf %bitcast3A_689, %bitcast3A_693 : vector<32xbf16>
      %unpack3A_695 = tpu.unpack_subelements %mul3A_694, 0 {pack_format = #tpu.pack_format<interleaved>} : vector<32xbf16> -> vector<16xf32>
      %unpack3A_696 = tpu.unpack_subelements %mul3A_694, 1 {pack_format = #tpu.pack_format<interleaved>} : vector<32xbf16> -> vector<16xf32>
      %add3A_697 = arith.addf %add3A_685, %unpack3A_695 : vector<16xf32>
      %add3A_698 = arith.addf %add3A_697, %unpack3A_696 : vector<16xf32>
      %reduce_sum3A_699 = arith.constant true
      %reduce_sum3A_700 = vector.broadcast %reduce_sum3A_699 : i1 to vector<16xi1>
      %reduce_sum3A_701 = tpu.scan <sum>, %add3A_698 masked %reduce_sum3A_700 : vector<16xf32>, vector<16xi1> -> vector<16xf32>
      %reduce_sum3A_702 = vector.extract %reduce_sum3A_701[15] : f32 from vector<16xf32>
      %eq3A_703 = arith.constant 9 : i32
      %eq3A_704 = vector.broadcast %eq3A_703 : i32 to vector<16xi32>
      %eq3A_705 = arith.cmpi eq, %iota3A, %eq3A_704 : vector<16xi32>
      %broadcast_in_dim3A_706 = vector.broadcast %reduce_sum3A_702 : f32 to vector<16xf32>
      %select_n3A_707 = arith.select %eq3A_705, %broadcast_in_dim3A_706, %select_n3A_640 : vector<16xi1>, vector<16xf32>
      %mul3A_708 = arith.constant 16 : i32
      %mul3A_709 = arith.muli %scan3A_40, %mul3A_708 : i32
      %add3A_710 = arith.constant 10 : i32
      %add3A_711 = arith.addi %mul3A_709, %add3A_710 : i32
      %broadcast_in_dim3A_712 = arith.constant 0.000000e+00 : f32
      %broadcast_in_dim3A_713 = vector.broadcast %broadcast_in_dim3A_712 : f32 to vector<16xf32>
      %get3A_714 = arith.index_cast %add3A_711 : i32 to index
      %get3A_715 = arith.constant 0 : index
      %get3A_716 = tpu.vector_load %arg25[%get3A_714, %get3A_715] {strides = array<i32>} : memref<80x64xi32, #tpu.memory_space<vmem>>, vector<16xi32>,
      %bitcast3A_717 = vector.bitcast %get3A_716 : vector<16xi32> to vector<32xbf16>
      %get3A_718 = arith.index_cast %add3A_711 : i32 to index
      %get3A_719 = arith.constant 0 : index
      %get3A_720 = tpu.vector_load %arg26[%get3A_718, %get3A_719] {strides = array<i32>} : memref<80x64xi32, #tpu.memory_space<vmem>>, vector<16xi32>,
      %bitcast3A_721 = vector.bitcast %get3A_720 : vector<16xi32> to vector<32xbf16>
      %mul3A_722 = arith.mulf %bitcast3A_717, %bitcast3A_721 : vector<32xbf16>
      %unpack3A_723 = tpu.unpack_subelements %mul3A_722, 0 {pack_format = #tpu.pack_format<interleaved>} : vector<32xbf16> -> vector<16xf32>
      %unpack3A_724 = tpu.unpack_subelements %mul3A_722, 1 {pack_format = #tpu.pack_format<interleaved>} : vector<32xbf16> -> vector<16xf32>
      %add3A_725 = arith.addf %broadcast_in_dim3A_713, %unpack3A_723 : vector<16xf32>
      %add3A_726 = arith.addf %add3A_725, %unpack3A_724 : vector<16xf32>
      %get3A_727 = arith.index_cast %add3A_711 : i32 to index
      %get3A_728 = arith.constant 16 : index
      %get3A_729 = tpu.vector_load %arg25[%get3A_727, %get3A_728] {strides = array<i32>} : memref<80x64xi32, #tpu.memory_space<vmem>>, vector<16xi32>,
      %bitcast3A_730 = vector.bitcast %get3A_729 : vector<16xi32> to vector<32xbf16>
      %get3A_731 = arith.index_cast %add3A_711 : i32 to index
      %get3A_732 = arith.constant 16 : index
      %get3A_733 = tpu.vector_load %arg26[%get3A_731, %get3A_732] {strides = array<i32>} : memref<80x64xi32, #tpu.memory_space<vmem>>, vector<16xi32>,
      %bitcast3A_734 = vector.bitcast %get3A_733 : vector<16xi32> to vector<32xbf16>
      %mul3A_735 = arith.mulf %bitcast3A_730, %bitcast3A_734 : vector<32xbf16>
      %unpack3A_736 = tpu.unpack_subelements %mul3A_735, 0 {pack_format = #tpu.pack_format<interleaved>} : vector<32xbf16> -> vector<16xf32>
      %unpack3A_737 = tpu.unpack_subelements %mul3A_735, 1 {pack_format = #tpu.pack_format<interleaved>} : vector<32xbf16> -> vector<16xf32>
      %add3A_738 = arith.addf %add3A_726, %unpack3A_736 : vector<16xf32>
      %add3A_739 = arith.addf %add3A_738, %unpack3A_737 : vector<16xf32>
      %get3A_740 = arith.index_cast %add3A_711 : i32 to index
      %get3A_741 = arith.constant 32 : index
      %get3A_742 = tpu.vector_load %arg25[%get3A_740, %get3A_741] {strides = array<i32>} : memref<80x64xi32, #tpu.memory_space<vmem>>, vector<16xi32>,
      %bitcast3A_743 = vector.bitcast %get3A_742 : vector<16xi32> to vector<32xbf16>
      %get3A_744 = arith.index_cast %add3A_711 : i32 to index
      %get3A_745 = arith.constant 32 : index
      %get3A_746 = tpu.vector_load %arg26[%get3A_744, %get3A_745] {strides = array<i32>} : memref<80x64xi32, #tpu.memory_space<vmem>>, vector<16xi32>,
      %bitcast3A_747 = vector.bitcast %get3A_746 : vector<16xi32> to vector<32xbf16>
      %mul3A_748 = arith.mulf %bitcast3A_743, %bitcast3A_747 : vector<32xbf16>
      %unpack3A_749 = tpu.unpack_subelements %mul3A_748, 0 {pack_format = #tpu.pack_format<interleaved>} : vector<32xbf16> -> vector<16xf32>
      %unpack3A_750 = tpu.unpack_subelements %mul3A_748, 1 {pack_format = #tpu.pack_format<interleaved>} : vector<32xbf16> -> vector<16xf32>
      %add3A_751 = arith.addf %add3A_739, %unpack3A_749 : vector<16xf32>
      %add3A_752 = arith.addf %add3A_751, %unpack3A_750 : vector<16xf32>
      %get3A_753 = arith.index_cast %add3A_711 : i32 to index
      %get3A_754 = arith.constant 48 : index
      %get3A_755 = tpu.vector_load %arg25[%get3A_753, %get3A_754] {strides = array<i32>} : memref<80x64xi32, #tpu.memory_space<vmem>>, vector<16xi32>,
      %bitcast3A_756 = vector.bitcast %get3A_755 : vector<16xi32> to vector<32xbf16>
      %get3A_757 = arith.index_cast %add3A_711 : i32 to index
      %get3A_758 = arith.constant 48 : index
      %get3A_759 = tpu.vector_load %arg26[%get3A_757, %get3A_758] {strides = array<i32>} : memref<80x64xi32, #tpu.memory_space<vmem>>, vector<16xi32>,
      %bitcast3A_760 = vector.bitcast %get3A_759 : vector<16xi32> to vector<32xbf16>
      %mul3A_761 = arith.mulf %bitcast3A_756, %bitcast3A_760 : vector<32xbf16>
      %unpack3A_762 = tpu.unpack_subelements %mul3A_761, 0 {pack_format = #tpu.pack_format<interleaved>} : vector<32xbf16> -> vector<16xf32>
      %unpack3A_763 = tpu.unpack_subelements %mul3A_761, 1 {pack_format = #tpu.pack_format<interleaved>} : vector<32xbf16> -> vector<16xf32>
      %add3A_764 = arith.addf %add3A_752, %unpack3A_762 : vector<16xf32>
      %add3A_765 = arith.addf %add3A_764, %unpack3A_763 : vector<16xf32>
      %reduce_sum3A_766 = arith.constant true
      %reduce_sum3A_767 = vector.broadcast %reduce_sum3A_766 : i1 to vector<16xi1>
      %reduce_sum3A_768 = tpu.scan <sum>, %add3A_765 masked %reduce_sum3A_767 : vector<16xf32>, vector<16xi1> -> vector<16xf32>
      %reduce_sum3A_769 = vector.extract %reduce_sum3A_768[15] : f32 from vector<16xf32>
      %eq3A_770 = arith.constant 10 : i32
      %eq3A_771 = vector.broadcast %eq3A_770 : i32 to vector<16xi32>
      %eq3A_772 = arith.cmpi eq, %iota3A, %eq3A_771 : vector<16xi32>
      %broadcast_in_dim3A_773 = vector.broadcast %reduce_sum3A_769 : f32 to vector<16xf32>
      %select_n3A_774 = arith.select %eq3A_772, %broadcast_in_dim3A_773, %select_n3A_707 : vector<16xi1>, vector<16xf32>
      %mul3A_775 = arith.constant 16 : i32
      %mul3A_776 = arith.muli %scan3A_40, %mul3A_775 : i32
      %add3A_777 = arith.constant 11 : i32
      %add3A_778 = arith.addi %mul3A_776, %add3A_777 : i32
      %broadcast_in_dim3A_779 = arith.constant 0.000000e+00 : f32
      %broadcast_in_dim3A_780 = vector.broadcast %broadcast_in_dim3A_779 : f32 to vector<16xf32>
      %get3A_781 = arith.index_cast %add3A_778 : i32 to index
      %get3A_782 = arith.constant 0 : index
      %get3A_783 = tpu.vector_load %arg25[%get3A_781, %get3A_782] {strides = array<i32>} : memref<80x64xi32, #tpu.memory_space<vmem>>, vector<16xi32>,
      %bitcast3A_784 = vector.bitcast %get3A_783 : vector<16xi32> to vector<32xbf16>
      %get3A_785 = arith.index_cast %add3A_778 : i32 to index
      %get3A_786 = arith.constant 0 : index
      %get3A_787 = tpu.vector_load %arg26[%get3A_785, %get3A_786] {strides = array<i32>} : memref<80x64xi32, #tpu.memory_space<vmem>>, vector<16xi32>,
      %bitcast3A_788 = vector.bitcast %get3A_787 : vector<16xi32> to vector<32xbf16>
      %mul3A_789 = arith.mulf %bitcast3A_784, %bitcast3A_788 : vector<32xbf16>
      %unpack3A_790 = tpu.unpack_subelements %mul3A_789, 0 {pack_format = #tpu.pack_format<interleaved>} : vector<32xbf16> -> vector<16xf32>
      %unpack3A_791 = tpu.unpack_subelements %mul3A_789, 1 {pack_format = #tpu.pack_format<interleaved>} : vector<32xbf16> -> vector<16xf32>
      %add3A_792 = arith.addf %broadcast_in_dim3A_780, %unpack3A_790 : vector<16xf32>
      %add3A_793 = arith.addf %add3A_792, %unpack3A_791 : vector<16xf32>
      %get3A_794 = arith.index_cast %add3A_778 : i32 to index
      %get3A_795 = arith.constant 16 : index
      %get3A_796 = tpu.vector_load %arg25[%get3A_794, %get3A_795] {strides = array<i32>} : memref<80x64xi32, #tpu.memory_space<vmem>>, vector<16xi32>,
      %bitcast3A_797 = vector.bitcast %get3A_796 : vector<16xi32> to vector<32xbf16>
      %get3A_798 = arith.index_cast %add3A_778 : i32 to index
      %get3A_799 = arith.constant 16 : index
      %get3A_800 = tpu.vector_load %arg26[%get3A_798, %get3A_799] {strides = array<i32>} : memref<80x64xi32, #tpu.memory_space<vmem>>, vector<16xi32>,
      %bitcast3A_801 = vector.bitcast %get3A_800 : vector<16xi32> to vector<32xbf16>
      %mul3A_802 = arith.mulf %bitcast3A_797, %bitcast3A_801 : vector<32xbf16>
      %unpack3A_803 = tpu.unpack_subelements %mul3A_802, 0 {pack_format = #tpu.pack_format<interleaved>} : vector<32xbf16> -> vector<16xf32>
      %unpack3A_804 = tpu.unpack_subelements %mul3A_802, 1 {pack_format = #tpu.pack_format<interleaved>} : vector<32xbf16> -> vector<16xf32>
      %add3A_805 = arith.addf %add3A_793, %unpack3A_803 : vector<16xf32>
      %add3A_806 = arith.addf %add3A_805, %unpack3A_804 : vector<16xf32>
      %get3A_807 = arith.index_cast %add3A_778 : i32 to index
      %get3A_808 = arith.constant 32 : index
      %get3A_809 = tpu.vector_load %arg25[%get3A_807, %get3A_808] {strides = array<i32>} : memref<80x64xi32, #tpu.memory_space<vmem>>, vector<16xi32>,
      %bitcast3A_810 = vector.bitcast %get3A_809 : vector<16xi32> to vector<32xbf16>
      %get3A_811 = arith.index_cast %add3A_778 : i32 to index
      %get3A_812 = arith.constant 32 : index
      %get3A_813 = tpu.vector_load %arg26[%get3A_811, %get3A_812] {strides = array<i32>} : memref<80x64xi32, #tpu.memory_space<vmem>>, vector<16xi32>,
      %bitcast3A_814 = vector.bitcast %get3A_813 : vector<16xi32> to vector<32xbf16>
      %mul3A_815 = arith.mulf %bitcast3A_810, %bitcast3A_814 : vector<32xbf16>
      %unpack3A_816 = tpu.unpack_subelements %mul3A_815, 0 {pack_format = #tpu.pack_format<interleaved>} : vector<32xbf16> -> vector<16xf32>
      %unpack3A_817 = tpu.unpack_subelements %mul3A_815, 1 {pack_format = #tpu.pack_format<interleaved>} : vector<32xbf16> -> vector<16xf32>
      %add3A_818 = arith.addf %add3A_806, %unpack3A_816 : vector<16xf32>
      %add3A_819 = arith.addf %add3A_818, %unpack3A_817 : vector<16xf32>
      %get3A_820 = arith.index_cast %add3A_778 : i32 to index
      %get3A_821 = arith.constant 48 : index
      %get3A_822 = tpu.vector_load %arg25[%get3A_820, %get3A_821] {strides = array<i32>} : memref<80x64xi32, #tpu.memory_space<vmem>>, vector<16xi32>,
      %bitcast3A_823 = vector.bitcast %get3A_822 : vector<16xi32> to vector<32xbf16>
      %get3A_824 = arith.index_cast %add3A_778 : i32 to index
      %get3A_825 = arith.constant 48 : index
      %get3A_826 = tpu.vector_load %arg26[%get3A_824, %get3A_825] {strides = array<i32>} : memref<80x64xi32, #tpu.memory_space<vmem>>, vector<16xi32>,
      %bitcast3A_827 = vector.bitcast %get3A_826 : vector<16xi32> to vector<32xbf16>
      %mul3A_828 = arith.mulf %bitcast3A_823, %bitcast3A_827 : vector<32xbf16>
      %unpack3A_829 = tpu.unpack_subelements %mul3A_828, 0 {pack_format = #tpu.pack_format<interleaved>} : vector<32xbf16> -> vector<16xf32>
      %unpack3A_830 = tpu.unpack_subelements %mul3A_828, 1 {pack_format = #tpu.pack_format<interleaved>} : vector<32xbf16> -> vector<16xf32>
      %add3A_831 = arith.addf %add3A_819, %unpack3A_829 : vector<16xf32>
      %add3A_832 = arith.addf %add3A_831, %unpack3A_830 : vector<16xf32>
      %reduce_sum3A_833 = arith.constant true
      %reduce_sum3A_834 = vector.broadcast %reduce_sum3A_833 : i1 to vector<16xi1>
      %reduce_sum3A_835 = tpu.scan <sum>, %add3A_832 masked %reduce_sum3A_834 : vector<16xf32>, vector<16xi1> -> vector<16xf32>
      %reduce_sum3A_836 = vector.extract %reduce_sum3A_835[15] : f32 from vector<16xf32>
      %eq3A_837 = arith.constant 11 : i32
      %eq3A_838 = vector.broadcast %eq3A_837 : i32 to vector<16xi32>
      %eq3A_839 = arith.cmpi eq, %iota3A, %eq3A_838 : vector<16xi32>
      %broadcast_in_dim3A_840 = vector.broadcast %reduce_sum3A_836 : f32 to vector<16xf32>
      %select_n3A_841 = arith.select %eq3A_839, %broadcast_in_dim3A_840, %select_n3A_774 : vector<16xi1>, vector<16xf32>
      %mul3A_842 = arith.constant 16 : i32
      %mul3A_843 = arith.muli %scan3A_40, %mul3A_842 : i32
      %add3A_844 = arith.constant 12 : i32
      %add3A_845 = arith.addi %mul3A_843, %add3A_844 : i32
      %broadcast_in_dim3A_846 = arith.constant 0.000000e+00 : f32
      %broadcast_in_dim3A_847 = vector.broadcast %broadcast_in_dim3A_846 : f32 to vector<16xf32>
      %get3A_848 = arith.index_cast %add3A_845 : i32 to index
      %get3A_849 = arith.constant 0 : index
      %get3A_850 = tpu.vector_load %arg25[%get3A_848, %get3A_849] {strides = array<i32>} : memref<80x64xi32, #tpu.memory_space<vmem>>, vector<16xi32>,
      %bitcast3A_851 = vector.bitcast %get3A_850 : vector<16xi32> to vector<32xbf16>
      %get3A_852 = arith.index_cast %add3A_845 : i32 to index
      %get3A_853 = arith.constant 0 : index
      %get3A_854 = tpu.vector_load %arg26[%get3A_852, %get3A_853] {strides = array<i32>} : memref<80x64xi32, #tpu.memory_space<vmem>>, vector<16xi32>,
      %bitcast3A_855 = vector.bitcast %get3A_854 : vector<16xi32> to vector<32xbf16>
      %mul3A_856 = arith.mulf %bitcast3A_851, %bitcast3A_855 : vector<32xbf16>
      %unpack3A_857 = tpu.unpack_subelements %mul3A_856, 0 {pack_format = #tpu.pack_format<interleaved>} : vector<32xbf16> -> vector<16xf32>
      %unpack3A_858 = tpu.unpack_subelements %mul3A_856, 1 {pack_format = #tpu.pack_format<interleaved>} : vector<32xbf16> -> vector<16xf32>
      %add3A_859 = arith.addf %broadcast_in_dim3A_847, %unpack3A_857 : vector<16xf32>
      %add3A_860 = arith.addf %add3A_859, %unpack3A_858 : vector<16xf32>
      %get3A_861 = arith.index_cast %add3A_845 : i32 to index
      %get3A_862 = arith.constant 16 : index
      %get3A_863 = tpu.vector_load %arg25[%get3A_861, %get3A_862] {strides = array<i32>} : memref<80x64xi32, #tpu.memory_space<vmem>>, vector<16xi32>,
      %bitcast3A_864 = vector.bitcast %get3A_863 : vector<16xi32> to vector<32xbf16>
      %get3A_865 = arith.index_cast %add3A_845 : i32 to index
      %get3A_866 = arith.constant 16 : index
      %get3A_867 = tpu.vector_load %arg26[%get3A_865, %get3A_866] {strides = array<i32>} : memref<80x64xi32, #tpu.memory_space<vmem>>, vector<16xi32>,
      %bitcast3A_868 = vector.bitcast %get3A_867 : vector<16xi32> to vector<32xbf16>
      %mul3A_869 = arith.mulf %bitcast3A_864, %bitcast3A_868 : vector<32xbf16>
      %unpack3A_870 = tpu.unpack_subelements %mul3A_869, 0 {pack_format = #tpu.pack_format<interleaved>} : vector<32xbf16> -> vector<16xf32>
      %unpack3A_871 = tpu.unpack_subelements %mul3A_869, 1 {pack_format = #tpu.pack_format<interleaved>} : vector<32xbf16> -> vector<16xf32>
      %add3A_872 = arith.addf %add3A_860, %unpack3A_870 : vector<16xf32>
      %add3A_873 = arith.addf %add3A_872, %unpack3A_871 : vector<16xf32>
      %get3A_874 = arith.index_cast %add3A_845 : i32 to index
      %get3A_875 = arith.constant 32 : index
      %get3A_876 = tpu.vector_load %arg25[%get3A_874, %get3A_875] {strides = array<i32>} : memref<80x64xi32, #tpu.memory_space<vmem>>, vector<16xi32>,
      %bitcast3A_877 = vector.bitcast %get3A_876 : vector<16xi32> to vector<32xbf16>
      %get3A_878 = arith.index_cast %add3A_845 : i32 to index
      %get3A_879 = arith.constant 32 : index
      %get3A_880 = tpu.vector_load %arg26[%get3A_878, %get3A_879] {strides = array<i32>} : memref<80x64xi32, #tpu.memory_space<vmem>>, vector<16xi32>,
      %bitcast3A_881 = vector.bitcast %get3A_880 : vector<16xi32> to vector<32xbf16>
      %mul3A_882 = arith.mulf %bitcast3A_877, %bitcast3A_881 : vector<32xbf16>
      %unpack3A_883 = tpu.unpack_subelements %mul3A_882, 0 {pack_format = #tpu.pack_format<interleaved>} : vector<32xbf16> -> vector<16xf32>
      %unpack3A_884 = tpu.unpack_subelements %mul3A_882, 1 {pack_format = #tpu.pack_format<interleaved>} : vector<32xbf16> -> vector<16xf32>
      %add3A_885 = arith.addf %add3A_873, %unpack3A_883 : vector<16xf32>
      %add3A_886 = arith.addf %add3A_885, %unpack3A_884 : vector<16xf32>
      %get3A_887 = arith.index_cast %add3A_845 : i32 to index
      %get3A_888 = arith.constant 48 : index
      %get3A_889 = tpu.vector_load %arg25[%get3A_887, %get3A_888] {strides = array<i32>} : memref<80x64xi32, #tpu.memory_space<vmem>>, vector<16xi32>,
      %bitcast3A_890 = vector.bitcast %get3A_889 : vector<16xi32> to vector<32xbf16>
      %get3A_891 = arith.index_cast %add3A_845 : i32 to index
      %get3A_892 = arith.constant 48 : index
      %get3A_893 = tpu.vector_load %arg26[%get3A_891, %get3A_892] {strides = array<i32>} : memref<80x64xi32, #tpu.memory_space<vmem>>, vector<16xi32>,
      %bitcast3A_894 = vector.bitcast %get3A_893 : vector<16xi32> to vector<32xbf16>
      %mul3A_895 = arith.mulf %bitcast3A_890, %bitcast3A_894 : vector<32xbf16>
      %unpack3A_896 = tpu.unpack_subelements %mul3A_895, 0 {pack_format = #tpu.pack_format<interleaved>} : vector<32xbf16> -> vector<16xf32>
      %unpack3A_897 = tpu.unpack_subelements %mul3A_895, 1 {pack_format = #tpu.pack_format<interleaved>} : vector<32xbf16> -> vector<16xf32>
      %add3A_898 = arith.addf %add3A_886, %unpack3A_896 : vector<16xf32>
      %add3A_899 = arith.addf %add3A_898, %unpack3A_897 : vector<16xf32>
      %reduce_sum3A_900 = arith.constant true
      %reduce_sum3A_901 = vector.broadcast %reduce_sum3A_900 : i1 to vector<16xi1>
      %reduce_sum3A_902 = tpu.scan <sum>, %add3A_899 masked %reduce_sum3A_901 : vector<16xf32>, vector<16xi1> -> vector<16xf32>
      %reduce_sum3A_903 = vector.extract %reduce_sum3A_902[15] : f32 from vector<16xf32>
      %eq3A_904 = arith.constant 12 : i32
      %eq3A_905 = vector.broadcast %eq3A_904 : i32 to vector<16xi32>
      %eq3A_906 = arith.cmpi eq, %iota3A, %eq3A_905 : vector<16xi32>
      %broadcast_in_dim3A_907 = vector.broadcast %reduce_sum3A_903 : f32 to vector<16xf32>
      %select_n3A_908 = arith.select %eq3A_906, %broadcast_in_dim3A_907, %select_n3A_841 : vector<16xi1>, vector<16xf32>
      %mul3A_909 = arith.constant 16 : i32
      %mul3A_910 = arith.muli %scan3A_40, %mul3A_909 : i32
      %add3A_911 = arith.constant 13 : i32
      %add3A_912 = arith.addi %mul3A_910, %add3A_911 : i32
      %broadcast_in_dim3A_913 = arith.constant 0.000000e+00 : f32
      %broadcast_in_dim3A_914 = vector.broadcast %broadcast_in_dim3A_913 : f32 to vector<16xf32>
      %get3A_915 = arith.index_cast %add3A_912 : i32 to index
      %get3A_916 = arith.constant 0 : index
      %get3A_917 = tpu.vector_load %arg25[%get3A_915, %get3A_916] {strides = array<i32>} : memref<80x64xi32, #tpu.memory_space<vmem>>, vector<16xi32>,
      %bitcast3A_918 = vector.bitcast %get3A_917 : vector<16xi32> to vector<32xbf16>
      %get3A_919 = arith.index_cast %add3A_912 : i32 to index
      %get3A_920 = arith.constant 0 : index
      %get3A_921 = tpu.vector_load %arg26[%get3A_919, %get3A_920] {strides = array<i32>} : memref<80x64xi32, #tpu.memory_space<vmem>>, vector<16xi32>,
      %bitcast3A_922 = vector.bitcast %get3A_921 : vector<16xi32> to vector<32xbf16>
      %mul3A_923 = arith.mulf %bitcast3A_918, %bitcast3A_922 : vector<32xbf16>
      %unpack3A_924 = tpu.unpack_subelements %mul3A_923, 0 {pack_format = #tpu.pack_format<interleaved>} : vector<32xbf16> -> vector<16xf32>
      %unpack3A_925 = tpu.unpack_subelements %mul3A_923, 1 {pack_format = #tpu.pack_format<interleaved>} : vector<32xbf16> -> vector<16xf32>
      %add3A_926 = arith.addf %broadcast_in_dim3A_914, %unpack3A_924 : vector<16xf32>
      %add3A_927 = arith.addf %add3A_926, %unpack3A_925 : vector<16xf32>
      %get3A_928 = arith.index_cast %add3A_912 : i32 to index
      %get3A_929 = arith.constant 16 : index
      %get3A_930 = tpu.vector_load %arg25[%get3A_928, %get3A_929] {strides = array<i32>} : memref<80x64xi32, #tpu.memory_space<vmem>>, vector<16xi32>,
      %bitcast3A_931 = vector.bitcast %get3A_930 : vector<16xi32> to vector<32xbf16>
      %get3A_932 = arith.index_cast %add3A_912 : i32 to index
      %get3A_933 = arith.constant 16 : index
      %get3A_934 = tpu.vector_load %arg26[%get3A_932, %get3A_933] {strides = array<i32>} : memref<80x64xi32, #tpu.memory_space<vmem>>, vector<16xi32>,
      %bitcast3A_935 = vector.bitcast %get3A_934 : vector<16xi32> to vector<32xbf16>
      %mul3A_936 = arith.mulf %bitcast3A_931, %bitcast3A_935 : vector<32xbf16>
      %unpack3A_937 = tpu.unpack_subelements %mul3A_936, 0 {pack_format = #tpu.pack_format<interleaved>} : vector<32xbf16> -> vector<16xf32>
      %unpack3A_938 = tpu.unpack_subelements %mul3A_936, 1 {pack_format = #tpu.pack_format<interleaved>} : vector<32xbf16> -> vector<16xf32>
      %add3A_939 = arith.addf %add3A_927, %unpack3A_937 : vector<16xf32>
      %add3A_940 = arith.addf %add3A_939, %unpack3A_938 : vector<16xf32>
      %get3A_941 = arith.index_cast %add3A_912 : i32 to index
      %get3A_942 = arith.constant 32 : index
      %get3A_943 = tpu.vector_load %arg25[%get3A_941, %get3A_942] {strides = array<i32>} : memref<80x64xi32, #tpu.memory_space<vmem>>, vector<16xi32>,
      %bitcast3A_944 = vector.bitcast %get3A_943 : vector<16xi32> to vector<32xbf16>
      %get3A_945 = arith.index_cast %add3A_912 : i32 to index
      %get3A_946 = arith.constant 32 : index
      %get3A_947 = tpu.vector_load %arg26[%get3A_945, %get3A_946] {strides = array<i32>} : memref<80x64xi32, #tpu.memory_space<vmem>>, vector<16xi32>,
      %bitcast3A_948 = vector.bitcast %get3A_947 : vector<16xi32> to vector<32xbf16>
      %mul3A_949 = arith.mulf %bitcast3A_944, %bitcast3A_948 : vector<32xbf16>
      %unpack3A_950 = tpu.unpack_subelements %mul3A_949, 0 {pack_format = #tpu.pack_format<interleaved>} : vector<32xbf16> -> vector<16xf32>
      %unpack3A_951 = tpu.unpack_subelements %mul3A_949, 1 {pack_format = #tpu.pack_format<interleaved>} : vector<32xbf16> -> vector<16xf32>
      %add3A_952 = arith.addf %add3A_940, %unpack3A_950 : vector<16xf32>
      %add3A_953 = arith.addf %add3A_952, %unpack3A_951 : vector<16xf32>
      %get3A_954 = arith.index_cast %add3A_912 : i32 to index
      %get3A_955 = arith.constant 48 : index
      %get3A_956 = tpu.vector_load %arg25[%get3A_954, %get3A_955] {strides = array<i32>} : memref<80x64xi32, #tpu.memory_space<vmem>>, vector<16xi32>,
      %bitcast3A_957 = vector.bitcast %get3A_956 : vector<16xi32> to vector<32xbf16>
      %get3A_958 = arith.index_cast %add3A_912 : i32 to index
      %get3A_959 = arith.constant 48 : index
      %get3A_960 = tpu.vector_load %arg26[%get3A_958, %get3A_959] {strides = array<i32>} : memref<80x64xi32, #tpu.memory_space<vmem>>, vector<16xi32>,
      %bitcast3A_961 = vector.bitcast %get3A_960 : vector<16xi32> to vector<32xbf16>
      %mul3A_962 = arith.mulf %bitcast3A_957, %bitcast3A_961 : vector<32xbf16>
      %unpack3A_963 = tpu.unpack_subelements %mul3A_962, 0 {pack_format = #tpu.pack_format<interleaved>} : vector<32xbf16> -> vector<16xf32>
      %unpack3A_964 = tpu.unpack_subelements %mul3A_962, 1 {pack_format = #tpu.pack_format<interleaved>} : vector<32xbf16> -> vector<16xf32>
      %add3A_965 = arith.addf %add3A_953, %unpack3A_963 : vector<16xf32>
      %add3A_966 = arith.addf %add3A_965, %unpack3A_964 : vector<16xf32>
      %reduce_sum3A_967 = arith.constant true
      %reduce_sum3A_968 = vector.broadcast %reduce_sum3A_967 : i1 to vector<16xi1>
      %reduce_sum3A_969 = tpu.scan <sum>, %add3A_966 masked %reduce_sum3A_968 : vector<16xf32>, vector<16xi1> -> vector<16xf32>
      %reduce_sum3A_970 = vector.extract %reduce_sum3A_969[15] : f32 from vector<16xf32>
      %eq3A_971 = arith.constant 13 : i32
      %eq3A_972 = vector.broadcast %eq3A_971 : i32 to vector<16xi32>
      %eq3A_973 = arith.cmpi eq, %iota3A, %eq3A_972 : vector<16xi32>
      %broadcast_in_dim3A_974 = vector.broadcast %reduce_sum3A_970 : f32 to vector<16xf32>
      %select_n3A_975 = arith.select %eq3A_973, %broadcast_in_dim3A_974, %select_n3A_908 : vector<16xi1>, vector<16xf32>
      %mul3A_976 = arith.constant 16 : i32
      %mul3A_977 = arith.muli %scan3A_40, %mul3A_976 : i32
      %add3A_978 = arith.constant 14 : i32
      %add3A_979 = arith.addi %mul3A_977, %add3A_978 : i32
      %broadcast_in_dim3A_980 = arith.constant 0.000000e+00 : f32
      %broadcast_in_dim3A_981 = vector.broadcast %broadcast_in_dim3A_980 : f32 to vector<16xf32>
      %get3A_982 = arith.index_cast %add3A_979 : i32 to index
      %get3A_983 = arith.constant 0 : index
      %get3A_984 = tpu.vector_load %arg25[%get3A_982, %get3A_983] {strides = array<i32>} : memref<80x64xi32, #tpu.memory_space<vmem>>, vector<16xi32>,
      %bitcast3A_985 = vector.bitcast %get3A_984 : vector<16xi32> to vector<32xbf16>
      %get3A_986 = arith.index_cast %add3A_979 : i32 to index
      %get3A_987 = arith.constant 0 : index
      %get3A_988 = tpu.vector_load %arg26[%get3A_986, %get3A_987] {strides = array<i32>} : memref<80x64xi32, #tpu.memory_space<vmem>>, vector<16xi32>,
      %bitcast3A_989 = vector.bitcast %get3A_988 : vector<16xi32> to vector<32xbf16>
      %mul3A_990 = arith.mulf %bitcast3A_985, %bitcast3A_989 : vector<32xbf16>
      %unpack3A_991 = tpu.unpack_subelements %mul3A_990, 0 {pack_format = #tpu.pack_format<interleaved>} : vector<32xbf16> -> vector<16xf32>
      %unpack3A_992 = tpu.unpack_subelements %mul3A_990, 1 {pack_format = #tpu.pack_format<interleaved>} : vector<32xbf16> -> vector<16xf32>
      %add3A_993 = arith.addf %broadcast_in_dim3A_981, %unpack3A_991 : vector<16xf32>
      %add3A_994 = arith.addf %add3A_993, %unpack3A_992 : vector<16xf32>
      %get3A_995 = arith.index_cast %add3A_979 : i32 to index
      %get3A_996 = arith.constant 16 : index
      %get3A_997 = tpu.vector_load %arg25[%get3A_995, %get3A_996] {strides = array<i32>} : memref<80x64xi32, #tpu.memory_space<vmem>>, vector<16xi32>,
      %bitcast3A_998 = vector.bitcast %get3A_997 : vector<16xi32> to vector<32xbf16>
      %get3A_999 = arith.index_cast %add3A_979 : i32 to index
      %get3A_1000 = arith.constant 16 : index
      %get3A_1001 = tpu.vector_load %arg26[%get3A_999, %get3A_1000] {strides = array<i32>} : memref<80x64xi32, #tpu.memory_space<vmem>>, vector<16xi32>,
      %bitcast3A_1002 = vector.bitcast %get3A_1001 : vector<16xi32> to vector<32xbf16>
      %mul3A_1003 = arith.mulf %bitcast3A_998, %bitcast3A_1002 : vector<32xbf16>
      %unpack3A_1004 = tpu.unpack_subelements %mul3A_1003, 0 {pack_format = #tpu.pack_format<interleaved>} : vector<32xbf16> -> vector<16xf32>
      %unpack3A_1005 = tpu.unpack_subelements %mul3A_1003, 1 {pack_format = #tpu.pack_format<interleaved>} : vector<32xbf16> -> vector<16xf32>
      %add3A_1006 = arith.addf %add3A_994, %unpack3A_1004 : vector<16xf32>
      %add3A_1007 = arith.addf %add3A_1006, %unpack3A_1005 : vector<16xf32>
      %get3A_1008 = arith.index_cast %add3A_979 : i32 to index
      %get3A_1009 = arith.constant 32 : index
      %get3A_1010 = tpu.vector_load %arg25[%get3A_1008, %get3A_1009] {strides = array<i32>} : memref<80x64xi32, #tpu.memory_space<vmem>>, vector<16xi32>,
      %bitcast3A_1011 = vector.bitcast %get3A_1010 : vector<16xi32> to vector<32xbf16>
      %get3A_1012 = arith.index_cast %add3A_979 : i32 to index
      %get3A_1013 = arith.constant 32 : index
      %get3A_1014 = tpu.vector_load %arg26[%get3A_1012, %get3A_1013] {strides = array<i32>} : memref<80x64xi32, #tpu.memory_space<vmem>>, vector<16xi32>,
      %bitcast3A_1015 = vector.bitcast %get3A_1014 : vector<16xi32> to vector<32xbf16>
      %mul3A_1016 = arith.mulf %bitcast3A_1011, %bitcast3A_1015 : vector<32xbf16>
      %unpack3A_1017 = tpu.unpack_subelements %mul3A_1016, 0 {pack_format = #tpu.pack_format<interleaved>} : vector<32xbf16> -> vector<16xf32>
      %unpack3A_1018 = tpu.unpack_subelements %mul3A_1016, 1 {pack_format = #tpu.pack_format<interleaved>} : vector<32xbf16> -> vector<16xf32>
      %add3A_1019 = arith.addf %add3A_1007, %unpack3A_1017 : vector<16xf32>
      %add3A_1020 = arith.addf %add3A_1019, %unpack3A_1018 : vector<16xf32>
      %get3A_1021 = arith.index_cast %add3A_979 : i32 to index
      %get3A_1022 = arith.constant 48 : index
      %get3A_1023 = tpu.vector_load %arg25[%get3A_1021, %get3A_1022] {strides = array<i32>} : memref<80x64xi32, #tpu.memory_space<vmem>>, vector<16xi32>,
      %bitcast3A_1024 = vector.bitcast %get3A_1023 : vector<16xi32> to vector<32xbf16>
      %get3A_1025 = arith.index_cast %add3A_979 : i32 to index
      %get3A_1026 = arith.constant 48 : index
      %get3A_1027 = tpu.vector_load %arg26[%get3A_1025, %get3A_1026] {strides = array<i32>} : memref<80x64xi32, #tpu.memory_space<vmem>>, vector<16xi32>,
      %bitcast3A_1028 = vector.bitcast %get3A_1027 : vector<16xi32> to vector<32xbf16>
      %mul3A_1029 = arith.mulf %bitcast3A_1024, %bitcast3A_1028 : vector<32xbf16>
      %unpack3A_1030 = tpu.unpack_subelements %mul3A_1029, 0 {pack_format = #tpu.pack_format<interleaved>} : vector<32xbf16> -> vector<16xf32>
      %unpack3A_1031 = tpu.unpack_subelements %mul3A_1029, 1 {pack_format = #tpu.pack_format<interleaved>} : vector<32xbf16> -> vector<16xf32>
      %add3A_1032 = arith.addf %add3A_1020, %unpack3A_1030 : vector<16xf32>
      %add3A_1033 = arith.addf %add3A_1032, %unpack3A_1031 : vector<16xf32>
      %reduce_sum3A_1034 = arith.constant true
      %reduce_sum3A_1035 = vector.broadcast %reduce_sum3A_1034 : i1 to vector<16xi1>
      %reduce_sum3A_1036 = tpu.scan <sum>, %add3A_1033 masked %reduce_sum3A_1035 : vector<16xf32>, vector<16xi1> -> vector<16xf32>
      %reduce_sum3A_1037 = vector.extract %reduce_sum3A_1036[15] : f32 from vector<16xf32>
      %eq3A_1038 = arith.constant 14 : i32
      %eq3A_1039 = vector.broadcast %eq3A_1038 : i32 to vector<16xi32>
      %eq3A_1040 = arith.cmpi eq, %iota3A, %eq3A_1039 : vector<16xi32>
      %broadcast_in_dim3A_1041 = vector.broadcast %reduce_sum3A_1037 : f32 to vector<16xf32>
      %select_n3A_1042 = arith.select %eq3A_1040, %broadcast_in_dim3A_1041, %select_n3A_975 : vector<16xi1>, vector<16xf32>
      %mul3A_1043 = arith.constant 16 : i32
      %mul3A_1044 = arith.muli %scan3A_40, %mul3A_1043 : i32
      %add3A_1045 = arith.constant 15 : i32
      %add3A_1046 = arith.addi %mul3A_1044, %add3A_1045 : i32
      %broadcast_in_dim3A_1047 = arith.constant 0.000000e+00 : f32
      %broadcast_in_dim3A_1048 = vector.broadcast %broadcast_in_dim3A_1047 : f32 to vector<16xf32>
      %get3A_1049 = arith.index_cast %add3A_1046 : i32 to index
      %get3A_1050 = arith.constant 0 : index
      %get3A_1051 = tpu.vector_load %arg25[%get3A_1049, %get3A_1050] {strides = array<i32>} : memref<80x64xi32, #tpu.memory_space<vmem>>, vector<16xi32>,
      %bitcast3A_1052 = vector.bitcast %get3A_1051 : vector<16xi32> to vector<32xbf16>
      %get3A_1053 = arith.index_cast %add3A_1046 : i32 to index
      %get3A_1054 = arith.constant 0 : index
      %get3A_1055 = tpu.vector_load %arg26[%get3A_1053, %get3A_1054] {strides = array<i32>} : memref<80x64xi32, #tpu.memory_space<vmem>>, vector<16xi32>,
      %bitcast3A_1056 = vector.bitcast %get3A_1055 : vector<16xi32> to vector<32xbf16>
      %mul3A_1057 = arith.mulf %bitcast3A_1052, %bitcast3A_1056 : vector<32xbf16>
      %unpack3A_1058 = tpu.unpack_subelements %mul3A_1057, 0 {pack_format = #tpu.pack_format<interleaved>} : vector<32xbf16> -> vector<16xf32>
      %unpack3A_1059 = tpu.unpack_subelements %mul3A_1057, 1 {pack_format = #tpu.pack_format<interleaved>} : vector<32xbf16> -> vector<16xf32>
      %add3A_1060 = arith.addf %broadcast_in_dim3A_1048, %unpack3A_1058 : vector<16xf32>
      %add3A_1061 = arith.addf %add3A_1060, %unpack3A_1059 : vector<16xf32>
      %get3A_1062 = arith.index_cast %add3A_1046 : i32 to index
      %get3A_1063 = arith.constant 16 : index
      %get3A_1064 = tpu.vector_load %arg25[%get3A_1062, %get3A_1063] {strides = array<i32>} : memref<80x64xi32, #tpu.memory_space<vmem>>, vector<16xi32>,
      %bitcast3A_1065 = vector.bitcast %get3A_1064 : vector<16xi32> to vector<32xbf16>
      %get3A_1066 = arith.index_cast %add3A_1046 : i32 to index
      %get3A_1067 = arith.constant 16 : index
      %get3A_1068 = tpu.vector_load %arg26[%get3A_1066, %get3A_1067] {strides = array<i32>} : memref<80x64xi32, #tpu.memory_space<vmem>>, vector<16xi32>,
      %bitcast3A_1069 = vector.bitcast %get3A_1068 : vector<16xi32> to vector<32xbf16>
      %mul3A_1070 = arith.mulf %bitcast3A_1065, %bitcast3A_1069 : vector<32xbf16>
      %unpack3A_1071 = tpu.unpack_subelements %mul3A_1070, 0 {pack_format = #tpu.pack_format<interleaved>} : vector<32xbf16> -> vector<16xf32>
      %unpack3A_1072 = tpu.unpack_subelements %mul3A_1070, 1 {pack_format = #tpu.pack_format<interleaved>} : vector<32xbf16> -> vector<16xf32>
      %add3A_1073 = arith.addf %add3A_1061, %unpack3A_1071 : vector<16xf32>
      %add3A_1074 = arith.addf %add3A_1073, %unpack3A_1072 : vector<16xf32>
      %get3A_1075 = arith.index_cast %add3A_1046 : i32 to index
      %get3A_1076 = arith.constant 32 : index
      %get3A_1077 = tpu.vector_load %arg25[%get3A_1075, %get3A_1076] {strides = array<i32>} : memref<80x64xi32, #tpu.memory_space<vmem>>, vector<16xi32>,
      %bitcast3A_1078 = vector.bitcast %get3A_1077 : vector<16xi32> to vector<32xbf16>
      %get3A_1079 = arith.index_cast %add3A_1046 : i32 to index
      %get3A_1080 = arith.constant 32 : index
      %get3A_1081 = tpu.vector_load %arg26[%get3A_1079, %get3A_1080] {strides = array<i32>} : memref<80x64xi32, #tpu.memory_space<vmem>>, vector<16xi32>,
      %bitcast3A_1082 = vector.bitcast %get3A_1081 : vector<16xi32> to vector<32xbf16>
      %mul3A_1083 = arith.mulf %bitcast3A_1078, %bitcast3A_1082 : vector<32xbf16>
      %unpack3A_1084 = tpu.unpack_subelements %mul3A_1083, 0 {pack_format = #tpu.pack_format<interleaved>} : vector<32xbf16> -> vector<16xf32>
      %unpack3A_1085 = tpu.unpack_subelements %mul3A_1083, 1 {pack_format = #tpu.pack_format<interleaved>} : vector<32xbf16> -> vector<16xf32>
      %add3A_1086 = arith.addf %add3A_1074, %unpack3A_1084 : vector<16xf32>
      %add3A_1087 = arith.addf %add3A_1086, %unpack3A_1085 : vector<16xf32>
      %get3A_1088 = arith.index_cast %add3A_1046 : i32 to index
      %get3A_1089 = arith.constant 48 : index
      %get3A_1090 = tpu.vector_load %arg25[%get3A_1088, %get3A_1089] {strides = array<i32>} : memref<80x64xi32, #tpu.memory_space<vmem>>, vector<16xi32>,
      %bitcast3A_1091 = vector.bitcast %get3A_1090 : vector<16xi32> to vector<32xbf16>
      %get3A_1092 = arith.index_cast %add3A_1046 : i32 to index
      %get3A_1093 = arith.constant 48 : index
      %get3A_1094 = tpu.vector_load %arg26[%get3A_1092, %get3A_1093] {strides = array<i32>} : memref<80x64xi32, #tpu.memory_space<vmem>>, vector<16xi32>,
      %bitcast3A_1095 = vector.bitcast %get3A_1094 : vector<16xi32> to vector<32xbf16>
      %mul3A_1096 = arith.mulf %bitcast3A_1091, %bitcast3A_1095 : vector<32xbf16>
      %unpack3A_1097 = tpu.unpack_subelements %mul3A_1096, 0 {pack_format = #tpu.pack_format<interleaved>} : vector<32xbf16> -> vector<16xf32>
      %unpack3A_1098 = tpu.unpack_subelements %mul3A_1096, 1 {pack_format = #tpu.pack_format<interleaved>} : vector<32xbf16> -> vector<16xf32>
      %add3A_1099 = arith.addf %add3A_1087, %unpack3A_1097 : vector<16xf32>
      %add3A_1100 = arith.addf %add3A_1099, %unpack3A_1098 : vector<16xf32>
      %reduce_sum3A_1101 = arith.constant true
      %reduce_sum3A_1102 = vector.broadcast %reduce_sum3A_1101 : i1 to vector<16xi1>
      %reduce_sum3A_1103 = tpu.scan <sum>, %add3A_1100 masked %reduce_sum3A_1102 : vector<16xf32>, vector<16xi1> -> vector<16xf32>
      %reduce_sum3A_1104 = vector.extract %reduce_sum3A_1103[15] : f32 from vector<16xf32>
      %eq3A_1105 = arith.constant 15 : i32
      %eq3A_1106 = vector.broadcast %eq3A_1105 : i32 to vector<16xi32>
      %eq3A_1107 = arith.cmpi eq, %iota3A, %eq3A_1106 : vector<16xi32>
      %broadcast_in_dim3A_1108 = vector.broadcast %reduce_sum3A_1104 : f32 to vector<16xf32>
      %select_n3A_1109 = arith.select %eq3A_1107, %broadcast_in_dim3A_1108, %select_n3A_1042 : vector<16xi1>, vector<16xf32>
      %mul3A_1110 = arith.constant 16 : i32
      %mul3A_1111 = arith.muli %scan3A_40, %mul3A_1110 : i32
      %get3A_1112 = arith.index_cast %mul3A_1111 : i32 to index
      %get3A_1113 = tpu.vector_load %arg18[%get3A_1112] {strides = array<i32>} : memref<80xi32, #tpu.memory_space<vmem>>, vector<16xi32>,
      %masked_sort3A = arith.constant dense<true> : vector<16xi1>
      %masked_sort3A_1114, %masked_sort3A_1115, %masked_sort3A_1116 = tpu.sort %select_n3A_1109, %get3A_1113 masked %masked_sort3A {descending = true} : (vector<16xf32>, vector<16xi32>, vector<16xi1>) -> (vector<16xi1>, vector<16xf32>, vector<16xi32>)
      %masked_sort3A_1117 = arith.constant dense<true> : vector<16xi1>
      %masked_sort3A_1118 = arith.constant -2147483648 : i32
      %masked_sort3A_1119 = vector.broadcast %masked_sort3A_1118 : i32 to vector<16xi32>
      %masked_sort3A_1120 = arith.xori %masked_sort3A_1116, %masked_sort3A_1119 : vector<16xi32>
      %masked_sort3A_1121, %masked_sort3A_1122, %masked_sort3A_1123 = tpu.sort %masked_sort3A_1120, %masked_sort3A_1115 masked %masked_sort3A_1117 : (vector<16xi32>, vector<16xf32>, vector<16xi1>) -> (vector<16xi1>, vector<16xi32>, vector<16xf32>)
      %masked_sort3A_1124 = arith.xori %masked_sort3A_1122, %masked_sort3A_1119 : vector<16xi32>
      %swap3A = arith.constant 0 : index
      %swap3A_1125 = tpu.vector_load %arg27[%swap3A] {strides = array<i32>} : memref<16xi32, #tpu.memory_space<vmem>>, vector<16xi32>,
      tpu.vector_store %arg27[%swap3A], %masked_sort3A_1124 {strides = array<i32>} : memref<16xi32, #tpu.memory_space<vmem>>, vector<16xi32>,
      %sub3A = arith.constant 1 : i32
      %sub3A_1126 = vector.broadcast %sub3A : i32 to vector<16xi32>
      %sub3A_1127 = arith.subi %iota3A, %sub3A_1126 : vector<16xi32>
      %max3A = arith.constant 0 : i32
      %max3A_1128 = vector.broadcast %max3A : i32 to vector<16xi32>
      %max3A_1129 = arith.maxsi %sub3A_1127, %max3A_1128 : vector<16xi32>
      %gather3A = tpu.vector_load_idx %arg27[%max3A_1129] : memref<16xi32, #tpu.memory_space<vmem>>[vector<16xi32>], vector<16xi32>,
      %eq3A_1130 = arith.constant 0 : i32
      %eq3A_1131 = vector.broadcast %eq3A_1130 : i32 to vector<16xi32>
      %eq3A_1132 = arith.cmpi eq, %iota3A, %eq3A_1131 : vector<16xi32>
      %ne3A = arith.cmpi ne, %masked_sort3A_1124, %gather3A : vector<16xi32>
      %or3A = arith.ori %eq3A_1132, %ne3A : vector<16xi1>
      %gather3A_1133 = tpu.vector_load_idx %arg13[%masked_sort3A_1124] : memref<10240xf32, #tpu.memory_space<vmem>>[vector<16xi32>], vector<16xf32>,
      %max3A_1134 = arith.maximumf %gather3A_1133, %masked_sort3A_1123 : vector<16xf32>
      tpu.vector_store_idx %arg13[%masked_sort3A_1124], %max3A_1134 masked %or3A : memref<10240xf32, #tpu.memory_space<vmem>>[vector<16xi32>], vector<16xf32>, vector<16xi1>
      %broadcast_in_dim3A_1135 = arith.constant 1.000000e+00 : f32
      %broadcast_in_dim3A_1136 = vector.broadcast %broadcast_in_dim3A_1135 : f32 to vector<16xf32>
      tpu.vector_store_idx %arg14[%masked_sort3A_1124], %broadcast_in_dim3A_1136 masked %or3A : memref<10240xf32, #tpu.memory_space<vmem>>[vector<16xi32>], vector<16xf32>, vector<16xi1>
      %scan3A_1137 = arith.constant 0 : i32
      scf.yield %scan3A_1137 : i32
    }
    %scan3A_33 = arith.constant 5 : i32
    %dma_wait3A_34 = arith.constant 0 : i32
    %dma_wait3A_35 = arith.constant 0 : i32
    %dma_wait3A_36 = tpu.memref_slice %arg4[%dma_wait3A_34, %dma_wait3A_35] : memref<2x320000xi32, #tpu.memory_space<hbm>> -> memref<2x80xi32, #tpu.memory_space<hbm>>
    %dma_wait3A_37 = arith.constant 0 : i32
    %dma_wait3A_38 = arith.constant 0 : i32
    %dma_wait3A_39 = tpu.memref_slice %arg4[%dma_wait3A_37, %dma_wait3A_38] : memref<2x320000xi32, #tpu.memory_space<hbm>> -> memref<2x80xi32, #tpu.memory_space<hbm>>
    tpu.wait_dma2 semaphore(%arg30 : memref<!tpu.dma_semaphore, #tpu.memory_space<semaphore_mem>>) src(%dma_wait3A_39 : memref<2x80xi32, #tpu.memory_space<hbm>>) dst(%arg15 : memref<2x80xi32, #tpu.memory_space<vmem>>)
    "tpu.region"() ({
      %run_scoped3A = tpu.sem_alloc : memref<!tpu.dma_semaphore, #tpu.memory_space<semaphore_mem>>
      %dma_start3A_40 = arith.constant 0 : i32
      %dma_start3A_41 = tpu.memref_slice %arg6[%add3A, %dma_start3A_40] : memref<32x10240xf32, #tpu.memory_space<hbm>> -> memref<1x10240xf32, #tpu.memory_space<hbm>>
      %dma_start3A_42 = tpu.memref_squeeze %dma_start3A_41 : memref<1x10240xf32, #tpu.memory_space<hbm>> -> memref<10240xf32, #tpu.memory_space<hbm>>
      %dma_start3A_43 = arith.constant 0 : i32
      %dma_start3A_44 = tpu.memref_slice %arg6[%add3A, %dma_start3A_43] : memref<32x10240xf32, #tpu.memory_space<hbm>> -> memref<1x10240xf32, #tpu.memory_space<hbm>>
      %dma_start3A_45 = tpu.memref_squeeze %dma_start3A_44 : memref<1x10240xf32, #tpu.memory_space<hbm>> -> memref<10240xf32, #tpu.memory_space<hbm>>
      tpu.enqueue_dma source(%arg11 : memref<10240xf32, #tpu.memory_space<vmem>>) target(%dma_start3A_45 : memref<10240xf32, #tpu.memory_space<hbm>>) target_semaphore(%run_scoped3A : memref<!tpu.dma_semaphore, #tpu.memory_space<semaphore_mem>>)
      %dma_wait3A_46 = arith.constant 0 : i32
      %dma_wait3A_47 = tpu.memref_slice %arg6[%add3A, %dma_wait3A_46] : memref<32x10240xf32, #tpu.memory_space<hbm>> -> memref<1x10240xf32, #tpu.memory_space<hbm>>
      %dma_wait3A_48 = tpu.memref_squeeze %dma_wait3A_47 : memref<1x10240xf32, #tpu.memory_space<hbm>> -> memref<10240xf32, #tpu.memory_space<hbm>>
      %dma_wait3A_49 = arith.constant 0 : i32
      %dma_wait3A_50 = tpu.memref_slice %arg6[%add3A, %dma_wait3A_49] : memref<32x10240xf32, #tpu.memory_space<hbm>> -> memref<1x10240xf32, #tpu.memory_space<hbm>>
      %dma_wait3A_51 = tpu.memref_squeeze %dma_wait3A_50 : memref<1x10240xf32, #tpu.memory_space<hbm>> -> memref<10240xf32, #tpu.memory_space<hbm>>
      tpu.wait_dma2 semaphore(%run_scoped3A : memref<!tpu.dma_semaphore, #tpu.memory_space<semaphore_mem>>) src(%arg11 : memref<10240xf32, #tpu.memory_space<vmem>>) dst(%dma_wait3A_51 : memref<10240xf32, #tpu.memory_space<hbm>>)
      tpu.yield
    }) : () -> ()
    "tpu.region"() ({
      %run_scoped3A = tpu.sem_alloc : memref<!tpu.dma_semaphore, #tpu.memory_space<semaphore_mem>>
      %dma_start3A_40 = arith.constant 0 : i32
      %dma_start3A_41 = tpu.memref_slice %arg7[%add3A, %dma_start3A_40] : memref<32x10240xf32, #tpu.memory_space<hbm>> -> memref<1x10240xf32, #tpu.memory_space<hbm>>
      %dma_start3A_42 = tpu.memref_squeeze %dma_start3A_41 : memref<1x10240xf32, #tpu.memory_space<hbm>> -> memref<10240xf32, #tpu.memory_space<hbm>>
      %dma_start3A_43 = arith.constant 0 : i32
      %dma_start3A_44 = tpu.memref_slice %arg7[%add3A, %dma_start3A_43] : memref<32x10240xf32, #tpu.memory_space<hbm>> -> memref<1x10240xf32, #tpu.memory_space<hbm>>
      %dma_start3A_45 = tpu.memref_squeeze %dma_start3A_44 : memref<1x10240xf32, #tpu.memory_space<hbm>> -> memref<10240xf32, #tpu.memory_space<hbm>>
      tpu.enqueue_dma source(%arg12 : memref<10240xf32, #tpu.memory_space<vmem>>) target(%dma_start3A_45 : memref<10240xf32, #tpu.memory_space<hbm>>) target_semaphore(%run_scoped3A : memref<!tpu.dma_semaphore, #tpu.memory_space<semaphore_mem>>)
      %dma_wait3A_46 = arith.constant 0 : i32
      %dma_wait3A_47 = tpu.memref_slice %arg7[%add3A, %dma_wait3A_46] : memref<32x10240xf32, #tpu.memory_space<hbm>> -> memref<1x10240xf32, #tpu.memory_space<hbm>>
      %dma_wait3A_48 = tpu.memref_squeeze %dma_wait3A_47 : memref<1x10240xf32, #tpu.memory_space<hbm>> -> memref<10240xf32, #tpu.memory_space<hbm>>
      %dma_wait3A_49 = arith.constant 0 : i32
      %dma_wait3A_50 = tpu.memref_slice %arg7[%add3A, %dma_wait3A_49] : memref<32x10240xf32, #tpu.memory_space<hbm>> -> memref<1x10240xf32, #tpu.memory_space<hbm>>
      %dma_wait3A_51 = tpu.memref_squeeze %dma_wait3A_50 : memref<1x10240xf32, #tpu.memory_space<hbm>> -> memref<10240xf32, #tpu.memory_space<hbm>>
      tpu.wait_dma2 semaphore(%run_scoped3A : memref<!tpu.dma_semaphore, #tpu.memory_space<semaphore_mem>>) src(%arg12 : memref<10240xf32, #tpu.memory_space<vmem>>) dst(%dma_wait3A_51 : memref<10240xf32, #tpu.memory_space<hbm>>)
      tpu.yield
    }) : () -> ()
    "tpu.region"() ({
      %run_scoped3A = tpu.sem_alloc : memref<!tpu.dma_semaphore, #tpu.memory_space<semaphore_mem>>
      %dma_start3A_40 = arith.constant 0 : i32
      %dma_start3A_41 = tpu.memref_slice %arg8[%add3A, %dma_start3A_40] : memref<32x10240xf32, #tpu.memory_space<hbm>> -> memref<1x10240xf32, #tpu.memory_space<hbm>>
      %dma_start3A_42 = tpu.memref_squeeze %dma_start3A_41 : memref<1x10240xf32, #tpu.memory_space<hbm>> -> memref<10240xf32, #tpu.memory_space<hbm>>
      %dma_start3A_43 = arith.constant 0 : i32
      %dma_start3A_44 = tpu.memref_slice %arg8[%add3A, %dma_start3A_43] : memref<32x10240xf32, #tpu.memory_space<hbm>> -> memref<1x10240xf32, #tpu.memory_space<hbm>>
      %dma_start3A_45 = tpu.memref_squeeze %dma_start3A_44 : memref<1x10240xf32, #tpu.memory_space<hbm>> -> memref<10240xf32, #tpu.memory_space<hbm>>
      tpu.enqueue_dma source(%arg13 : memref<10240xf32, #tpu.memory_space<vmem>>) target(%dma_start3A_45 : memref<10240xf32, #tpu.memory_space<hbm>>) target_semaphore(%run_scoped3A : memref<!tpu.dma_semaphore, #tpu.memory_space<semaphore_mem>>)
      %dma_wait3A_46 = arith.constant 0 : i32
      %dma_wait3A_47 = tpu.memref_slice %arg8[%add3A, %dma_wait3A_46] : memref<32x10240xf32, #tpu.memory_space<hbm>> -> memref<1x10240xf32, #tpu.memory_space<hbm>>
      %dma_wait3A_48 = tpu.memref_squeeze %dma_wait3A_47 : memref<1x10240xf32, #tpu.memory_space<hbm>> -> memref<10240xf32, #tpu.memory_space<hbm>>
      %dma_wait3A_49 = arith.constant 0 : i32
      %dma_wait3A_50 = tpu.memref_slice %arg8[%add3A, %dma_wait3A_49] : memref<32x10240xf32, #tpu.memory_space<hbm>> -> memref<1x10240xf32, #tpu.memory_space<hbm>>
      %dma_wait3A_51 = tpu.memref_squeeze %dma_wait3A_50 : memref<1x10240xf32, #tpu.memory_space<hbm>> -> memref<10240xf32, #tpu.memory_space<hbm>>
      tpu.wait_dma2 semaphore(%run_scoped3A : memref<!tpu.dma_semaphore, #tpu.memory_space<semaphore_mem>>) src(%arg13 : memref<10240xf32, #tpu.memory_space<vmem>>) dst(%dma_wait3A_51 : memref<10240xf32, #tpu.memory_space<hbm>>)
      tpu.yield
    }) : () -> ()
    "tpu.region"() ({
      %run_scoped3A = tpu.sem_alloc : memref<!tpu.dma_semaphore, #tpu.memory_space<semaphore_mem>>
      %dma_start3A_40 = arith.constant 0 : i32
      %dma_start3A_41 = tpu.memref_slice %arg9[%add3A, %dma_start3A_40] : memref<32x10240xf32, #tpu.memory_space<hbm>> -> memref<1x10240xf32, #tpu.memory_space<hbm>>
      %dma_start3A_42 = tpu.memref_squeeze %dma_start3A_41 : memref<1x10240xf32, #tpu.memory_space<hbm>> -> memref<10240xf32, #tpu.memory_space<hbm>>
      %dma_start3A_43 = arith.constant 0 : i32
      %dma_start3A_44 = tpu.memref_slice %arg9[%add3A, %dma_start3A_43] : memref<32x10240xf32, #tpu.memory_space<hbm>> -> memref<1x10240xf32, #tpu.memory_space<hbm>>
      %dma_start3A_45 = tpu.memref_squeeze %dma_start3A_44 : memref<1x10240xf32, #tpu.memory_space<hbm>> -> memref<10240xf32, #tpu.memory_space<hbm>>
      tpu.enqueue_dma source(%arg14 : memref<10240xf32, #tpu.memory_space<vmem>>) target(%dma_start3A_45 : memref<10240xf32, #tpu.memory_space<hbm>>) target_semaphore(%run_scoped3A : memref<!tpu.dma_semaphore, #tpu.memory_space<semaphore_mem>>)
      %dma_wait3A_46 = arith.constant 0 : i32
      %dma_wait3A_47 = tpu.memref_slice %arg9[%add3A, %dma_wait3A_46] : memref<32x10240xf32, #tpu.memory_space<hbm>> -> memref<1x10240xf32, #tpu.memory_space<hbm>>
      %dma_wait3A_48 = tpu.memref_squeeze %dma_wait3A_47 : memref<1x10240xf32, #tpu.memory_space<hbm>> -> memref<10240xf32, #tpu.memory_space<hbm>>
      %dma_wait3A_49 = arith.constant 0 : i32
      %dma_wait3A_50 = tpu.memref_slice %arg9[%add3A, %dma_wait3A_49] : memref<32x10240xf32, #tpu.memory_space<hbm>> -> memref<1x10240xf32, #tpu.memory_space<hbm>>
      %dma_wait3A_51 = tpu.memref_squeeze %dma_wait3A_50 : memref<1x10240xf32, #tpu.memory_space<hbm>> -> memref<10240xf32, #tpu.memory_space<hbm>>
      tpu.wait_dma2 semaphore(%run_scoped3A : memref<!tpu.dma_semaphore, #tpu.memory_space<semaphore_mem>>) src(%arg14 : memref<10240xf32, #tpu.memory_space<vmem>>) dst(%dma_wait3A_51 : memref<10240xf32, #tpu.memory_space<hbm>>)
      tpu.yield
    }) : () -> ()
    return
  }
}

module attributes {stable_mosaic.version = 14 : i64} {
  func.func @_combine_body(%arg0: memref<32x10240xf32, #tpu.memory_space<vmem>>, %arg1: memref<32x10240xf32, #tpu.memory_space<vmem>>, %arg2: memref<32x10240xf32, #tpu.memory_space<vmem>>, %arg3: memref<32x10240xf32, #tpu.memory_space<vmem>>, %arg4: memref<1x1xf32, #tpu.memory_space<vmem>>) attributes {dimension_semantics = [], scalar_prefetch = 0 : i64, scratch_operands = 0 : i64, tpu.core_type = #tpu.core_type<tc>} {
    %get3A = arith.constant 0 : index
    %get3A_0 = arith.constant 0 : index
    %get3A_1 = vector.load %arg0[%get3A, %get3A_0] : memref<32x10240xf32, #tpu.memory_space<vmem>>, vector<32x10240xf32>
    %reduce_sum3A = arith.constant dense<0.000000e+00> : vector<10240xf32>
    %reduce_sum3A_2 = vector.multi_reduction <add>, %get3A_1, %reduce_sum3A [0] : vector<32x10240xf32> to vector<10240xf32>
    %broadcast_in_dim3A = vector.shape_cast %reduce_sum3A_2 : vector<10240xf32> to vector<1x10240xf32>
    %get3A_3 = arith.constant 0 : index
    %get3A_4 = arith.constant 0 : index
    %get3A_5 = vector.load %arg1[%get3A_3, %get3A_4] : memref<32x10240xf32, #tpu.memory_space<vmem>>, vector<32x10240xf32>
    %reduce_sum3A_6 = arith.constant dense<0.000000e+00> : vector<10240xf32>
    %reduce_sum3A_7 = vector.multi_reduction <add>, %get3A_5, %reduce_sum3A_6 [0] : vector<32x10240xf32> to vector<10240xf32>
    %broadcast_in_dim3A_8 = vector.shape_cast %reduce_sum3A_7 : vector<10240xf32> to vector<1x10240xf32>
    %get3A_9 = arith.constant 0 : index
    %get3A_10 = arith.constant 0 : index
    %get3A_11 = vector.load %arg2[%get3A_9, %get3A_10] : memref<32x10240xf32, #tpu.memory_space<vmem>>, vector<32x10240xf32>
    %reduce_max3A = arith.constant dense<0xFF800000> : vector<10240xf32>
    %reduce_max3A_12 = vector.multi_reduction <maximumf>, %get3A_11, %reduce_max3A [0] : vector<32x10240xf32> to vector<10240xf32>
    %broadcast_in_dim3A_13 = vector.shape_cast %reduce_max3A_12 : vector<10240xf32> to vector<1x10240xf32>
    %get3A_14 = arith.constant 0 : index
    %get3A_15 = arith.constant 0 : index
    %get3A_16 = vector.load %arg3[%get3A_14, %get3A_15] : memref<32x10240xf32, #tpu.memory_space<vmem>>, vector<32x10240xf32>
    %reduce_sum3A_17 = arith.constant dense<0.000000e+00> : vector<10240xf32>
    %reduce_sum3A_18 = vector.multi_reduction <add>, %get3A_16, %reduce_sum3A_17 [0] : vector<32x10240xf32> to vector<10240xf32>
    %broadcast_in_dim3A_19 = vector.shape_cast %reduce_sum3A_18 : vector<10240xf32> to vector<1x10240xf32>
    %max3A = arith.constant 1.000000e+00 : f32
    %max3A_20 = vector.broadcast %max3A : f32 to vector<1x10240xf32>
    %max3A_21 = arith.maximumf %broadcast_in_dim3A_8, %max3A_20 : vector<1x10240xf32>
    %div3A = arith.divf %broadcast_in_dim3A, %max3A_21 : vector<1x10240xf32>
    %gt3A = arith.constant 0.000000e+00 : f32
    %gt3A_22 = vector.broadcast %gt3A : f32 to vector<1x10240xf32>
    %gt3A_23 = arith.cmpf ogt, %broadcast_in_dim3A_19, %gt3A_22 : vector<1x10240xf32>
    %jit3A = arith.constant 0.000000e+00 : f32
    %broadcast_in_dim3A_24 = vector.broadcast %jit3A : f32 to vector<1x10240xf32>
    %select_n3A = arith.select %gt3A_23, %broadcast_in_dim3A_13, %broadcast_in_dim3A_24 : vector<1x10240xi1>, vector<1x10240xf32>
    %sub3A = arith.subf %select_n3A, %div3A : vector<1x10240xf32>
    %add3A = arith.constant 1.000000e+00 : f32
    %add3A_25 = vector.broadcast %add3A : f32 to vector<1x10240xf32>
    %add3A_26 = arith.addf %sub3A, %add3A_25 : vector<1x10240xf32>
    %max3A_27 = arith.constant 0.000000e+00 : f32
    %max3A_28 = vector.broadcast %max3A_27 : f32 to vector<1x10240xf32>
    %max3A_29 = arith.maximumf %add3A_26, %max3A_28 : vector<1x10240xf32>
    %iota3A = tpu.iota {dimensions = array<i32: 1>} : vector<1x10240xi32>
    %lt3A = arith.constant 10000 : i32
    %lt3A_30 = vector.broadcast %lt3A : i32 to vector<1x10240xi32>
    %lt3A_31 = arith.cmpi slt, %iota3A, %lt3A_30 : vector<1x10240xi32>
    %jit3A_32 = arith.constant 0.000000e+00 : f32
    %broadcast_in_dim3A_33 = vector.broadcast %jit3A_32 : f32 to vector<1x10240xf32>
    %select_n3A_34 = arith.select %lt3A_31, %max3A_29, %broadcast_in_dim3A_33 : vector<1x10240xi1>, vector<1x10240xf32>
    %reduce_sum3A_35 = vector.shape_cast %select_n3A_34 : vector<1x10240xf32> to vector<1x1x10240xf32>
    %reduce_sum3A_36 = arith.constant dense<0.000000e+00> : vector<1xf32>
    %reduce_sum3A_37 = vector.multi_reduction <add>, %reduce_sum3A_35, %reduce_sum3A_36 [1, 2] : vector<1x1x10240xf32> to vector<1xf32>
    %reduce_sum3A_38 = vector.shape_cast %reduce_sum3A_37 : vector<1xf32> to vector<1x1x1xf32>
    %reduce_sum3A_39 = vector.extract %reduce_sum3A_38[0, 0, 0] : f32 from vector<1x1x1xf32>
    %div3A_40 = arith.constant 1.000000e+04 : f32
    %div3A_41 = arith.divf %reduce_sum3A_39, %div3A_40 : f32
    %reshape3A = vector.broadcast %div3A_41 : f32 to vector<1x1xf32>
    %swap3A = arith.constant 0 : index
    %swap3A_42 = arith.constant 0 : index
    %swap3A_43 = vector.load %arg4[%swap3A, %swap3A_42] : memref<1x1xf32, #tpu.memory_space<vmem>>, vector<1x1xf32>
    tpu.vector_store %arg4[%swap3A, %swap3A_42], %reshape3A {strides = array<i32>} : memref<1x1xf32, #tpu.memory_space<vmem>>, vector<1x1xf32>,
    return
  }
}

</mosaic_0001>

<sc_bundles>
// kernel: kernel.4.cloned.1.call-start
scs
__scs_entry_jumppad:
0x0: {  	(pc) =	sbr.rel $0x88, $3  }
0x1: {  	(tag) =	ssettag $0x0;
	lr =	simm.s32 $0x1  }
0x2: {  	[smem:$0x3F9D] =	sst lr;
	_ =	strace $0xD0000000  }
0x3: {  	_ = 	snop  }
0x4: {  	_ = 	snop  }
0x5: {  	_ = 	snop  }
0x6: {  	_ = 	snop  }
0x7: {  	_ = 	snop  }
__scs_overlays_trampoline_lowered:
0x8: {  	[smem:$0x3FAC] =	sst s0  }
0x9: {  	[smem:$0x3FAD] =	sst s1  }
0xa: {  	[smem:$0x3FAE] =	sst s2  }
0xb: {  	[smem:$0x3FAF] =	sst s3  }
0xc: {  	[smem:$0x3FB0] =	sst s4  }
0xd: {  	[smem:$0x3FB1] =	sst s5  }
0xe: {  	[smem:$0x3FB2] =	sst s6  }
0xf: {  	[smem:$0x3FB3] =	sst s7  }
0x10: {  	[smem:$0x3FB4] =	sst s8  }
0x11: {  	[smem:$0x3FB5] =	sst s9;
	s0 =	simm.s32 @!p0 $0x0  }
0x12: {  	s1 =	sld [smem:$0x3F9B];
	s0 =	simm.s32 @p0 $0x1  }
0x13: {  	[smem:$0x3FB6] =	sst s0;
	s0 =	simm.s32 @!p1 $0x0  }
0x14: {  	s2 =	sld [smem:$0x3F9A];
	s0 =	simm.s32 @p1 $0x1  }
0x15: {  	[smem:$0x3FB7] =	sst s0;
	s0 =	simm.s32 @!p2 $0x0  }
0x16: {  	s3 =	sld [smem:$0x3FDB];
	s0 =	simm.s32 @p2 $0x1  }
0x17: {  	s4 =	simm.s32 $0x1BF5;
	[smem:$0x3FB9] =	sst s0  }
0x18: {  	s0 =	sld [smem:$0x3F9C];
	_ =	swait.ge [sflag:s4], $0x0  }
0x19: {  	s7 =	sld [smem:$0x3F9D]  }
0x1a: {  	s8 =	sadd.s32 $0xFFFFE003, lr  }
0x1b: {  	s9 =	sadd.s32 $0xFFFFFEF7, lr;
	s5 =	simm.s32 $0xFFFFFFFF;
	p2 =	slt.u32 s8, $0xFFFFF086  }
0x1c: {  	p1 =	slt.u32 s9, $0xF7A;
	s5 =	simm.s32 @!p2 $0x0  }
0x1d: {  	s5 =	simm.s32 @p1 $0x1;
	p0 =	seq.s32 s7, s2  }
0x1e: {  	s7 =	smul.u32 @!p0 $0xF7A, s2;
	p2 =	seq.s32 @!p0 s5, $0x0  }
0x1f: {  	s9 =	smul.u32 $0xF7A, s1;
	s8 =	simm.s32 @!p0 $0x1BF5;
	p2 =	por !p2, p0  }
0x20: {  	[sflag:s8] =	ssyncset.s32 @!p0 $0xFFFFF086;
	s6 =	sadd.s32 @!p0 s3, s7;
	s7 =	simm.s32 @!p0 $0x108  }
0x21: {  	s3 =	sadd.s32 s3, s9;
	s6 =	sadd.s32 @!p0 $0x88, s6;
	s7 =	simm.s32 @p2 $0x1082  }
0x22: {  	[simem:s7], [sflag:s8] =	dma.local @!p0 [hbm:s6], $0xF7A  }
0x23: {  	s9 =	sor.u32 $0xD0000000, s2;
	s6 =	simm.s32 $0x108;
	_ =	swait.ge @!p0 [sflag:s8], $0x0  }
0x24: {  	s3 =	sadd.s32 $0x88, s3;
	s6 =	simm.s32 @!p1 $0x1082;
	[sflag:s4] =	ssyncset.s32 $0xFFFFF086  }
0x25: {  	[simem:s6], [sflag:s4] =	dma.local [hbm:s3], $0xF7A  }
0x26: {  	[smem:$0x3F9D] =	sst s1;
	(tag) =	ssettag s2;
	_ =	strace s9  }
0x27: {  	s1 =	sld [smem:$0x3FAD]  }
0x28: {  	s2 =	sld [smem:$0x3FAE]  }
0x29: {  	s4 =	sld [smem:$0x3FB0]  }
0x2a: {  	p0 =	seq.s32 s5, $0x0;
	s5 =	sld [smem:$0x3FB1]  }
0x2b: {  	s6 =	sld [smem:$0x3FB2]  }
0x2c: {  	s7 =	sld [smem:$0x3FB3]  }
0x2d: {  	s3 =	simm.s32 $0x108;
	s8 =	sld [smem:$0x3FB4]  }
0x2e: {  	s3 =	simm.s32 @!p0 $0x1082;
	s9 =	sld [smem:$0x3FB5]  }
0x2f: {  	lr =	sadd.s32 s0, s3;
	s0 =	sld [smem:$0x3FAC]  }
0x30: {  	s3 =	sld [smem:$0x3FAF]  }
0x31: {  	[smem:$0x3FB8] =	sst s10  }
0x32: {  	s10 =	sld [smem:$0x3FB6];
	_ =	sdelay $0x3  }
0x33: {  	p0 =	seq.s32 s10, $0x1;
	s10 =	sld [smem:$0x3FB8];
	_ =	sdelay $0x3  }
0x34: {  	[smem:$0x3FB8] =	sst s10  }
0x35: {  	s10 =	sld [smem:$0x3FB7];
	_ =	sdelay $0x3  }
0x36: {  	p1 =	seq.s32 s10, $0x1;
	s10 =	sld [smem:$0x3FB8];
	_ =	sdelay $0x3  }
0x37: {  	[smem:$0x3FB8] =	sst s10  }
0x38: {  	s10 =	sld [smem:$0x3FB9]  }
0x39: {  	_ = 	snop;
	(pc) =	sbr.ind lr, $3  }
0x3a: {  	_ = 	snop  }
0x3b: {  	_ = 	snop  }
0x3c: {  	p2 =	seq.s32 s10, $0x1;
	s10 =	sld [smem:$0x3FB8]  }
0x3d: {  	_ =	shalt  }
0x3e: {  	_ =	shalt  }
0x3f: {  	_ =	shalt  }
0x40: {  	_ =	shalt  }
0x41: {  	_ =	shalt  }
0x42: {  	_ =	shalt  }
0x43: {  	_ =	shalt  }
0x44: {  	_ =	shalt  }
0x45: {  	_ =	shalt  }
0x46: {  	_ =	shalt  }
0x47: {  	_ =	shalt  }
0x48: {  	_ =	shalt  }
0x49: {  	_ =	shalt  }
0x4a: {  	_ =	shalt  }
0x4b: {  	_ =	shalt  }
0x4c: {  	_ =	shalt  }
0x4d: {  	_ =	shalt  }
0x4e: {  	_ =	shalt  }
0x4f: {  	_ =	shalt  }
0x50: {  	_ =	shalt  }
0x51: {  	_ =	shalt  }
0x52: {  	_ =	shalt  }
0x53: {  	_ =	shalt  }
0x54: {  	_ =	shalt  }
0x55: {  	_ =	shalt  }
0x56: {  	_ =	shalt  }
0x57: {  	_ =	shalt  }
0x58: {  	_ =	shalt  }
0x59: {  	_ =	shalt  }
0x5a: {  	_ =	shalt  }
0x5b: {  	_ =	shalt  }
0x5c: {  	_ =	shalt  }
0x5d: {  	_ =	shalt  }
0x5e: {  	_ =	shalt  }
0x5f: {  	_ =	shalt  }
0x60: {  	_ =	shalt  }
0x61: {  	_ =	shalt  }
0x62: {  	_ =	shalt  }
0x63: {  	_ =	shalt  }
0x64: {  	_ =	shalt  }
0x65: {  	_ =	shalt  }
0x66: {  	_ =	shalt  }
0x67: {  	_ =	shalt  }
0x68: {  	_ =	shalt  }
0x69: {  	_ =	shalt  }
0x6a: {  	_ =	shalt  }
0x6b: {  	_ =	shalt  }
0x6c: {  	_ =	shalt  }
0x6d: {  	_ =	shalt  }
0x6e: {  	_ =	shalt  }
0x6f: {  	_ =	shalt  }
0x70: {  	_ =	shalt  }
0x71: {  	_ =	shalt  }
0x72: {  	_ =	shalt  }
0x73: {  	_ =	shalt  }
0x74: {  	_ =	shalt  }
0x75: {  	_ =	shalt  }
0x76: {  	_ =	shalt  }
0x77: {  	_ =	shalt  }
0x78: {  	_ =	shalt  }
0x79: {  	_ =	shalt  }
0x7a: {  	_ =	shalt  }
0x7b: {  	_ =	shalt  }
0x7c: {  	_ =	shalt  }
0x7d: {  	_ =	shalt  }
0x7e: {  	_ =	shalt  }
0x7f: {  	_ =	shalt  }
0x80: {  	_ =	shalt  }
0x81: {  	_ =	shalt  }
0x82: {  	_ =	shalt  }
0x83: {  	_ =	shalt  }
0x84: {  	_ =	shalt  }
0x85: {  	_ =	shalt  }
0x86: {  	_ =	shalt  }
0x87: {  	_ =	shalt  }
.Lfunc_end0:
.L_simem_size_0:
called_computation_lowered:
.L_overlay_start_0:
0x88: {  	s2 =	sld [smem:$0x3FD9]  }
0x89: {  	s3 =	sld [smem:$0x3FFE];
	_ =	sdelay $0x1  }
0x8a: {  	s1 =	srdreg.scid  }
0x8b: {  	s0 =	sand.u32 $0x1, s1  }
0x8c: {  	s17 =	sshll.u32 s0, $0xA;
	s2 =	sadd.s32 s3, s2  }
0x8d: {  	s2 =	sadd.s32 s2, s17  }
0x8e: {  	[smem:$0x3FC4] =	sst s2  }
0x8f: {  	_ = 	snop  }
0x90: {  	s2 =	sld [smem:$0x3FC8];
	(tm) =	ssettm $0x1  }
0x91: {  	s18 =	sld [smem:$0x3FFB];
	_ =	sdelay $0x3  }
0x92: {  	_ =	strace s18  }
0x93: {  	s3 =	sld [smem:$0x3FFC];
	_ =	sdelay $0x3  }
0x94: {  	_ =	strace s3  }
0x95: {  	s3 =	sld [smem:$0x3FFD];
	_ =	sdelay $0x3  }
0x96: {  	_ =	strace s3  }
0x97: {  	_ =	strace $0x8FFFFFFF  }
0x98: {  	s19 =	sld [smem:$0x3FDB];
	_ =	sdelay $0x1  }
0x99: {  	s4 =	simm.s32 $_scs_section_size  }
0x9a: {  	s5 =	simm.s32 $_size__tile_overlayer_lowered;
	s6 =	simm.s32 $_tile_overlayer_lowered  }
0x9b: {  	s22 =	simm.s32 $0x1BFF;
	s21 =	sshll.u32 s6, $0x1;
	s3 =	sadd.s32 s4, s19  }
0x9c: {  	s7 =	simm.s32 $0x0;
	s20 =	sshll.u32 s5, $0x1;
	s5 =	sadd.s32 s21, s3  }
0x9d: {  	[timem:s7], [sflag:s22] =	dma.local [hbm:s5], s20  }
0x9e: {  	_ =	swait.ge [sflag:s22], s20  }
0x9f: {  	s4 =	ssub.s32 $0x0, s20;
	[sflag:s22] =	ssyncset.done $0x0  }
0xa0: {  	[sflag:s22] =	ssyncadd.s32 s4;
	_ =	sdelay $0x1  }
0xa1: {  	s23 =	simm.s32 $0x1B8B  }
0xa2: {  	_ =	swait.ge [sflag:s23], $0x1  }
0xa3: {  	[sflag:s23] =	ssyncset.done $0x0  }
0xa4: {  	s25 =	simm.s32 $0x1B8E;
	s24 =	sld [smem:$0x3FFE];
	[sflag:s23] =	ssyncadd.s32 $0xFFFFFFFF  }
0xa5: {  	s26 =	simm.s32 $execute0_lowered;
	[smem:$0x3FD2] =	sst s25  }
0xa6: {  	s5 =	sshll.u32 s26, $0x1;
	_ =	strace $0x80000046;
	[dreg:$0x1] =	wrdreg $0xFFFFFFFF  }
0xa7: {  	s28 =	simm.s32 $_size_execute0_lowered;
	s3 =	sadd.s32 s3, s5;
	[dreg:$0x0] =	wrdreg $0x0  }
0xa8: {  	s5 =	sshll.u32 s28, $0x1;
	[dreg:$0x2] =	wrdreg s3  }
0xa9: {  	[dreg:$0x3] =	wrdreg s5  }
0xaa: {  	[dreg:$0x4] =	wrdreg $0xC0  }
0xab: {  	_ =	task [dreg:s7], $0x5FFFF  }
0xac: {  	[dreg:$0x1] =	wrdreg $0xFFFFFFFF  }
0xad: {  	[dreg:$0x0] =	wrdreg $0x60  }
0xae: {  	[dreg:$0x2] =	wrdreg s24  }
0xaf: {  	[dreg:$0x3] =	wrdreg s2  }
0xb0: {  	[dreg:$0x4] =	wrdreg $0x9  }
0xb1: {  	_ =	task.clear_ibuf [dreg:s7], $0x5FFFF;
	_ =	strace $0x90000046  }
0xb2: {  	s29 =	simm.s32 $0x9;
	_ =	strace $0x80000048  }
0xb3: {  	_ =	swait.ge [sflag:s29], $0x1  }
0xb4: {  	[sflag:s29] =	ssyncadd.s32 $0xFFFFFFFF  }
0xb5: {  	_ =	strace $0x90000048  }
0xb6: {  	_ =	sfence  }
0xb7: {  	s30 =	sld [smem:$0x0];
	_ =	sdelay $0x2  }
0xb8: {  	s31 =	sshll.u32 s1, $0xD;
	s1 =	sshrl.u32 s1, $0x2  }
0xb9: {  	s3 =	sand.u32 $0x4000, s31;
	s1 =	sadd.s32 s1, s30  }
0xba: {  	s0 =	sor.u32 s3, s0;
	s1 =	sshll.u32 s1, $0x11  }
0xbb: {  	s0 =	sor.u32 s1, s0  }
0xbc: {  	s0 =	sadd.s32 $0x8F2B, s0  }
0xbd: {  	[sflag:s0] =	ssyncadd.remote.s32 $0x1  }
0xbe: {  	_ =	sfence.sel $0xFFFF  }
0xbf: {  	[dreg:$0x0] =	wrdreg $0xFFFFFFFF;
	(pc) =	sbr.abs _section_cstart, $3  }
0xc0: {  	[dreg:$0x1] =	wrdreg $0xFFFFFFFF  }
0xc1: {  	_ =	task.clear_ibuf [dreg:s7], $0x2FFFF;
	_ =	strace $0x9FFFFFFF  }
0xc2: {  	(tm) =	ssettm $0x7FFFFFFF  }
0xc3: {  	_ =	shalt  }
tec
execute0_lowered:
.L_overlay_start_1:
0x0: {  	(tag) =	ssettag $0x1  }
0x1: {  	s0 =	rddreg [dreg:$0x0]  }
0x2: {  	s1 =	srdreg.scid;
	s2 =	stileid.u32;
	s3 =	simm.s32 $0x0  }
0x3: {  	s13 =	simm.s32 $0x50;
	s14 =	simm.s32 $0x4E200;
	s15 =	simm.s32 $0xC710  }
0x4: {  	s18 =	simm.s32 $0x1;
	s28 =	simm.s32 $0xC9E0;
	s29 =	simm.s32 $0x10630  }
0x5: {  	s30 =	simm.s32 $0x3;
	s31 =	simm.s32 $0x4;
	s9 =	simm.s32 $0x5  }
0x6: {  	v0 =	vimm.f32 $0.0e+00;
	v1 =	vimm.f32 $-3.000000010e+38;
	s10 =	simm.s32 $0x6;
	s11 =	simm.s32 $0x7710;
	s12 =	simm.s32 $0x9F10  }
0x7: {  	vm0 =	vmmov $0x1;
	vm1 =	vmmov $0x3;
	vm2 =	vmmov $0x7;
	s17 =	simm.s32 $0x0;
	s1 =	sand.u32 $0x1, s1;
	s2 =	sshll.u32 s2, $0x1  }
0x8: {  	v2 =	vimm.s32 $0x0;
	vm15 =	vmmov $0xf;
	vm4 =	vmmov $0x1f;
	[smem:$0x7FF] =	sst s3;
	s4 =	sadd.s32 $0xE00, s0;
	s6 =	sadd.s32 $0x28200, s0  }
0x9: {  	vm5 =	vmmov $0x3f;
	vm6 =	vmmov $0x7f;
	vm7 =	vmmov $0xff;
	s7 =	sadd.s32 $0x14800, s0;
	s2 =	sor.u32 s1, s2;
	s1 =	ssub.s32 $0x2, s1  }
0xa: {  	vm8 =	vmmov $0x1ff;
	vm9 =	vmmov $0x3ff;
	v3 =	vimm.s32 $0xEDCBA987;
	_ =	strace $0x80000047;
	s5 =	smul.u32 $0x2710, s2;
	s20 =	sshrl.u32 s1, $0x1  }
0xb: {  	vm10 =	vmmov $0x7ff;
	v4 =	vimm.s32 $0xFFEDCBA9;
	v5 =	vimm.s32 $0x87654321;
	s8 =	smul.u32 $0x500, s2;
	s2 =	simm.s32 $0x2710;
	s1 =	ssub.s32 s1, s20  }
0xc: {  	vm11 =	vmmov $0xfff;
	v2 =	vsel vm2, $0xFFFFFFFF, v2;
	v3 =	vunpack.c.l.s4.s8 v3;
	s20 =	simm.s32 $0x7;
	s21 =	sshrl.u32 s5, $0x3;
	s26 =	smax.u32 s1, $0x1  }
0xd: {  	v4 =	vunpack.c.l.s4.s8 v4;
	v5 =	vunpack.c.l.s4.s8 v5;
	[tilespmem:$0x1FFE0] =	vst v2;
	v2 =	vimm.s32 $0x65432100;
	s0 =	sadd.s32 s8, s0;
	s22 =	sadd.s32 s6, s21;
	[dreg:$0x8] =	wrdreg s26  }
0xe: {  	vm12 =	vmmov $0x1fff;
	vm13 =	vmmov $0x3fff;
	v2 =	vunpack.c.l.s4.s8 v2;
	s1 =	simm.s32 $0x11A30;
	s23 =	sadd.s32 $0x59C00, s0;
	[dreg:$0x3] =	wrdreg s22  }
0xf: {  	v3 =	vunpack.c.0.s8.s32 v3;
	v4 =	vunpack.c.0.s8.s32 v4;
	v5 =	vunpack.c.0.s8.s32 v5;
	s8 =	simm.s32 $0x4F10;
	s24 =	sadd.s32 $0x4FC00, s0;
	[dreg:$0x4] =	wrdreg s23  }
0x10: {  	vm14 =	vmmov $0x7fff;
	v6 =	vlaneseq.u32;
	v2 =	vunpack.c.0.s8.s32 v2;
	s25 =	sadd.s32 $0x45C00, s0;
	s0 =	sadd.s32 $0x3BC00, s0;
	[dreg:$0x5] =	wrdreg s24  }
0x11: {  	v7 =	vimm.s32 $0x0;
	v3 =	vand.u32 $0xF, v3;
	v5 =	vcombine.low v5, v4;
	s21 =	simm.s32 $0xC940;
	s26 =	simm.s32 $0xF230;
	[dreg:$0x6] =	wrdreg s25  }
0x12: {  	v7 =	vsel vm15, $0xFFFFFFFF, v7;
	v4 =	vadd.s32 $0x1, v6;
	[dreg:$0x7] =	wrdreg s0;
	s22 =	simm.s32 $0xDE30;
	s23 =	simm.s32 $0xC7B0;
	v2 =	vcombine.low v2, v3  }
0x13: {  	[tilespmem:$0x1FFF0] =	vst v7;
	s24 =	simm.s32 $0x2;
	s25 =	simm.s32 $0xC990;
	s0 =	simm.s32 $0x11A40;
	v3 =	vor.u32 $0x80000000, v6;
	v5 =	vand.u32 $0xF, v5;
	v6 =	vimm.f32 $1.000000000e+00  }
.LBB2_1:
0x14: {  	[dreg:$0x9] =	wrdreg s17;
	s17 =	simm.s32 $0x40;
	s16 =	simm.s32 $0x0  }
.LBB2_2:
0x15: {  	p0 =	sne.s32 s17, $0x9FC0;
	[tilespmem:s16+$0x9F10] =	vst v0;
	s19 =	smov.u32 s17;
	s17 =	sadd.s32 $0x40, s17  }
.Ltmp0:
0x16: {  	[tilespmem:s16+$0x7710] =	vst v1;
	(pc) =	sbr.rel @p0 .LBB2_2-.Ltmp0, $3  }
0x17: {  	[tilespmem:s16+$0x2710] =	vst v0  }
0x18: {  	[tilespmem:s16+$0x4F10] =	vst v0;
	_ =	sdelay $0x1  }
0x19: {  	s16 =	sshra.s32 s19, $0x2  }
0x1a: {  	[tilespmem:s16+$0x9F10] =	vst v0  }
0x1b: {  	[tilespmem:s16+$0x7710] =	vst v1  }
0x1c: {  	[tilespmem:s16+$0x2710] =	vst v0  }
0x1d: {  	[tilespmem:s16+$0x4F10] =	vst v0;
	s16 =	simm.s32 $0x0;
	s17 =	rddreg [dreg:$0x1]  }
0x1e: {  	[tilespmem:s16], [sflag:$0x7] =	stream.linear.gather [hbm4b:s17+s16], $0x2710, $0x38;
	[tilespmem:$0x11A50] =	vst v63  }
0x1f: {  	_ =	swait.ge [sflag:s20], $0x2710  }
0x20: {  	[sflag:s20] =	ssyncset.done $0x0  }
0x21: {  	[sflag:s20] =	ssyncadd.s32 $0xFFFFD8F0;
	s20 =	rddreg [dreg:$0x3]  }
0x22: {  	[tilespmem:s15], [sflag:$0x1] =	stream.strided.gather [hbm4b:s20+s13], $0xA0, s14, s13, $0x38;
	[tilespmem:$0x11A50] =	vst v63  }
.LBB2_5:
0x23: {  	_ =	swait.ge [sflag:s18], $0xA0  }
0x24: {  	[sflag:s18] =	ssyncset.done $0x0  }
0x25: {  	[sflag:s18] =	ssyncadd.s32 $0xFFFFFF60  }
0x26: {  	v7 =	vld [tilespmem:$0xC710];
	_ =	sdelay $0x5  }
0x27: {  	v8 =	vld [tilespmem:$0xC760];
	_ =	sdelay $0x1  }
0x28: {  	v9 =	vld.idx.msk [tilespmem:v7+s3+$0x0], $0xffff;
	_ =	sdelay $0x4  }
0x29: {  	v62 =	vld [tilespmem:$0xC720];
	[tilespmem:$0xC8F0] =	vst v9  }
0x2a: {  	v8 =	vld.idx.msk [tilespmem:v8+s3+$0x0], $0xffff;
	_ =	sdelay $0x4  }
0x2b: {  	[tilespmem:$0xC940] =	vst v8;
	v8 =	vld [tilespmem:$0xC770]  }
0x2c: {  	[tilespmem:$0xC850] =	vst v7  }
0x2d: {  	v7 =	vld.idx.msk [tilespmem:v62+s3+$0x0], $0xffff;
	_ =	sdelay $0x4  }
0x2e: {  	[tilespmem:$0xC900] =	vst v7;
	v7 =	vld [tilespmem:$0xC730]  }
0x2f: {  	v8 =	vld.idx.msk [tilespmem:v8+s3+$0x0], $0xffff;
	_ =	sdelay $0x4  }
0x30: {  	[tilespmem:$0xC950] =	vst v8;
	v8 =	vld [tilespmem:$0xC780]  }
0x31: {  	[tilespmem:$0xC860] =	vst v62  }
0x32: {  	v9 =	vld.idx.msk [tilespmem:v7+s3+$0x0], $0xffff;
	_ =	sdelay $0x4  }
0x33: {  	v63 =	vld [tilespmem:$0xC740];
	[tilespmem:$0xC910] =	vst v9  }
0x34: {  	v8 =	vld.idx.msk [tilespmem:v8+s3+$0x0], $0xffff;
	_ =	sdelay $0x4  }
0x35: {  	[tilespmem:$0xC960] =	vst v8;
	v8 =	vld [tilespmem:$0xC790]  }
0x36: {  	[tilespmem:$0xC870] =	vst v7  }
0x37: {  	v7 =	vld.idx.msk [tilespmem:v63+s3+$0x0], $0xffff;
	_ =	sdelay $0x4  }
0x38: {  	[tilespmem:$0xC920] =	vst v7;
	v7 =	vld [tilespmem:$0xC750]  }
0x39: {  	v8 =	vld.idx.msk [tilespmem:v8+s3+$0x0], $0xffff;
	_ =	sdelay $0x4  }
0x3a: {  	[tilespmem:$0xC970] =	vst v8;
	v8 =	vld [tilespmem:$0xC7A0]  }
0x3b: {  	[tilespmem:$0xC880] =	vst v63  }
0x3c: {  	v9 =	vld.idx.msk [tilespmem:v7+s3+$0x0], $0xffff;
	_ =	sdelay $0x4  }
0x3d: {  	[tilespmem:$0xC930] =	vst v9  }
0x3e: {  	v8 =	vld.idx.msk [tilespmem:v8+s3+$0x0], $0xffff  }
0x3f: {  	[tilespmem:$0xC890] =	vst v7;
	v7 =	vld [tilespmem:$0x1FFE0];
	_ =	sdelay $0x2  }
0x40: {  	s17 =	simm.s32 $0xC8F0  }
0x41: {  	s19 =	simm.s32 $0xCA30;
	s20 =	smul.u32 $0x50, s16;
	p0 =	seq.s32 s16, $0x0;
	[tilespmem:$0xC980] =	vst v8  }
0x42: {  	vm2 =	vnez.u8 v7;
	v7 =	vld [tilespmem:$0x1FFF0];
	[tilespmem:s19], [sflag:$0x3] =	stream.indirect.gather [hbm4b:s4+s13], $0x40, s17, s13, $0xb8  }
.Ltmp1:
0x43: {  	s17 =	sadd.s32 s5, s20;
	(pc) =	sbr.rel @p0 .LBB2_8-.Ltmp1, $4  }
0x44: {  	s17 =	sshrl.u32 s17, $0x3  }
0x45: {  	[tilespmem:s22], [sflag:$0x4] =	stream.indirect.gather [hbm4b:s4+s13], $0x40, s21, s13, $0xb8;
	[tilespmem:$0x11A50] =	vst v63  }
0x46: {  	s17 =	sadd.s32 s7, s17  }
0x47: {  	[tilespmem:s23], [sflag:$0x2] =	stream.strided.gather [hbm4b:s17+s13], $0xA0, s14, s13, $0x38;
	vm3 =	vnez.u8 v7;
	[tilespmem:$0x11A50] =	vst v63  }
0x48: {  	_ =	swait.ge [sflag:s9], $0x1400  }
0x49: {  	[sflag:s9] =	ssyncset.done $0x0  }
0x4a: {  	[sflag:s9] =	ssyncadd.s32 $0xFFFFEC00  }
0x4b: {  	_ =	swait.ge [sflag:s10], $0x1400  }
0x4c: {  	[sflag:s10] =	ssyncset.done $0x0  }
0x4d: {  	s17 =	simm.s32 $0xFC0;
	s19 =	simm.s32 $0xC8A0;
	[sflag:s10] =	ssyncadd.s32 $0xFFFFEC00  }
.LBB2_7:
0x4e: {  	s20 =	sshra.s32 s17, $0x2  }
0x4f: {  	v7 =	vld [tilespmem:s20+$0xEE40]  }
0x50: {  	v8 =	vld [tilespmem:s20+$0x10240]  }
0x51: {  	v9 =	vld [tilespmem:s20+$0xEE50]  }
0x52: {  	v10 =	vld [tilespmem:s20+$0x10250]  }
0x53: {  	v11 =	vld [tilespmem:s20+$0xEE60]  }
0x54: {  	v12 =	vld [tilespmem:s20+$0x10260]  }
0x55: {  	v13 =	vld [tilespmem:s20+$0xEE70]  }
0x56: {  	v14 =	vld [tilespmem:s20+$0x10270]  }
0x57: {  	v15 =	vld [tilespmem:s20+$0xEE80]  }
0x58: {  	v16 =	vld [tilespmem:s20+$0x10280]  }
0x59: {  	v17 =	vld [tilespmem:s20+$0xEE90]  }
0x5a: {  	v18 =	vld [tilespmem:s20+$0x10290]  }
0x5b: {  	v19 =	vld [tilespmem:s20+$0xEEA0]  }
0x5c: {  	v20 =	vld [tilespmem:s20+$0x102A0]  }
0x5d: {  	v21 =	vld [tilespmem:s20+$0xEEB0]  }
0x5e: {  	v22 =	vld [tilespmem:s20+$0x102B0]  }
0x5f: {  	v23 =	vld [tilespmem:s20+$0xEEC0]  }
0x60: {  	v24 =	vld [tilespmem:s20+$0x102C0]  }
0x61: {  	v25 =	vld [tilespmem:s20+$0xEED0]  }
0x62: {  	v26 =	vld [tilespmem:s20+$0x102D0]  }
0x63: {  	v27 =	vld [tilespmem:s20+$0x102E0]  }
0x64: {  	v29 =	vld [tilespmem:s20+$0xEEF0]  }
0x65: {  	v30 =	vld [tilespmem:s20+$0x102F0]  }
0x66: {  	v56 =	vld [tilespmem:s20+$0xEF00]  }
0x67: {  	v57 =	vld [tilespmem:s20+$0x10300]  }
0x68: {  	v32 =	vld [tilespmem:s20+$0xEF10]  }
0x69: {  	v58 =	vld [tilespmem:s20+$0x10310]  }
0x6a: {  	v35 =	vld [tilespmem:s20+$0xEF40]  }
0x6b: {  	v36 =	vld [tilespmem:s20+$0xEF60]  }
0x6c: {  	v46 =	vld [tilespmem:s20+$0xEF80];
	v7 =	vmul.bf16 v8, v7;
	v9 =	vmul.bf16 v10, v9  }
0x6d: {  	v48 =	vld [tilespmem:s20+$0x10380];
	v11 =	vmul.bf16 v12, v11;
	v15 =	vmul.bf16 v16, v15  }
0x6e: {  	v49 =	vld [tilespmem:s20+$0xEF90];
	v59 =	vmul.bf16 v14, v13;
	v17 =	vmul.bf16 v18, v17  }
0x6f: {  	v50 =	vld [tilespmem:s20+$0x10390];
	v61 =	vmul.bf16 v24, v23;
	v19 =	vmul.bf16 v20, v19  }
0x70: {  	v54 =	vld [tilespmem:s20+$0xEFA0];
	v42 =	vmul.bf16 v26, v25;
	v10 =	vmul.bf16 v57, v56  }
0x71: {  	v8 =	vld [tilespmem:s20+$0xEEE0];
	v51 =	vmul.bf16 v22, v21;
	v29 =	vmul.bf16 v30, v29  }
0x72: {  	v12 =	vld [tilespmem:s20+$0xEF20];
	v28 =	vunpack.i.l.bf16.f32 v7;
	v7 =	vunpack.i.u.bf16.f32 v7;
	v31 =	vunpack.i.l.bf16.f32 v9  }
0x73: {  	v16 =	vld [tilespmem:s20+$0xEF30];
	v9 =	vunpack.i.u.bf16.f32 v9;
	v33 =	vunpack.i.l.bf16.f32 v11;
	v11 =	vunpack.i.u.bf16.f32 v11  }
0x74: {  	v14 =	vld [tilespmem:s20+$0x10340];
	v34 =	vunpack.i.l.bf16.f32 v15;
	v15 =	vunpack.i.u.bf16.f32 v15;
	v62 =	vunpack.i.l.bf16.f32 v59  }
0x75: {  	v23 =	vld [tilespmem:s20+$0xEF50];
	v63 =	vunpack.i.l.bf16.f32 v17;
	v40 =	vunpack.i.l.bf16.f32 v61;
	v17 =	vunpack.i.u.bf16.f32 v17  }
0x76: {  	v25 =	vld [tilespmem:s20+$0xEF70];
	v18 =	vunpack.i.u.bf16.f32 v61;
	v44 =	vunpack.i.l.bf16.f32 v19;
	v45 =	vunpack.i.l.bf16.f32 v42  }
0x77: {  	v56 =	vld [tilespmem:s20+$0x103A0];
	v19 =	vunpack.i.u.bf16.f32 v19;
	v20 =	vunpack.i.u.bf16.f32 v42;
	v28 =	vadd.f32 $0.0e+00, v28  }
0x78: {  	v21 =	vld [tilespmem:s20+$0x103B0];
	v53 =	vunpack.i.l.bf16.f32 v10;
	v60 =	vadd.f32 $0.0e+00, v34;
	v41 =	vadd.f32 $0.0e+00, v40  }
0x79: {  	v26 =	vld [tilespmem:s20+$0xEFF0];
	v57 =	vunpack.i.u.bf16.f32 v51;
	v55 =	vadd.f32 $0.0e+00, v53;
	v7 =	vadd.f32 v28, v7  }
0x7a: {  	v22 =	vld [tilespmem:s20+$0xF030];
	v10 =	vunpack.i.u.bf16.f32 v10;
	v13 =	vadd.f32 v60, v15;
	v43 =	vadd.f32 v41, v18  }
0x7b: {  	v30 =	vld [tilespmem:s20+$0xF1B0];
	v8 =	vmul.bf16 v27, v8;
	v10 =	vadd.f32 v55, v10;
	v60 =	vunpack.i.l.bf16.f32 v29  }
0x7c: {  	v15 =	vld [tilespmem:s20+$0x10350];
	v29 =	vunpack.i.u.bf16.f32 v29;
	v14 =	vmul.bf16 v14, v35;
	v7 =	vadd.f32 v31, v7  }
0x7d: {  	v18 =	vld [tilespmem:s20+$0x10370];
	v53 =	vmul.bf16 v56, v54;
	v13 =	vadd.f32 v63, v13;
	v47 =	vadd.f32 v45, v43  }
0x7e: {  	v61 =	vld [tilespmem:s20+$0x103C0];
	v52 =	vunpack.i.l.bf16.f32 v8;
	v31 =	vmul.bf16 v58, v32;
	v8 =	vunpack.i.u.bf16.f32 v8  }
0x7f: {  	v34 =	vld [tilespmem:s20+$0x10360];
	v38 =	vunpack.i.l.bf16.f32 v14;
	v39 =	vunpack.i.u.bf16.f32 v14;
	v7 =	vadd.f32 v7, v9  }
0x80: {  	v54 =	vunpack.i.l.bf16.f32 v53;
	v9 =	vld [tilespmem:s20+$0x10320];
	v13 =	vadd.f32 v13, v17;
	v58 =	vunpack.i.l.bf16.f32 v31  }
0x81: {  	v17 =	vmul.bf16 v48, v46;
	v40 =	vmul.bf16 v15, v23;
	v15 =	vld [tilespmem:s20+$0x103F0];
	v7 =	vadd.f32 v33, v7  }
0x82: {  	v28 =	vld [tilespmem:s20+$0xEFE0];
	v10 =	vadd.f32 v58, v10;
	v18 =	vmul.bf16 v18, v25;
	v58 =	vunpack.i.u.bf16.f32 v53  }
0x83: {  	v33 =	vld [tilespmem:s20+$0x10330];
	v42 =	vunpack.i.l.bf16.f32 v17;
	v17 =	vunpack.i.u.bf16.f32 v17;
	v7 =	vadd.f32 v7, v11  }
0x84: {  	v55 =	vld [tilespmem:s20+$0xF040];
	v14 =	vunpack.i.u.bf16.f32 v40;
	v56 =	vunpack.i.u.bf16.f32 v18;
	v18 =	vunpack.i.l.bf16.f32 v18  }
0x85: {  	v32 =	vld [tilespmem:s20+$0xEFB0];
	v12 =	vmul.bf16 v9, v12;
	v7 =	vadd.f32 v62, v7;
	v62 =	vunpack.i.u.bf16.f32 v31  }
0x86: {  	v63 =	vld [tilespmem:s20+$0x103D0];
	v11 =	vunpack.i.u.bf16.f32 v59;
	v15 =	vmul.bf16 v15, v26;
	v10 =	vadd.f32 v10, v62  }
0x87: {  	v43 =	vld [tilespmem:s20+$0xF000];
	v37 =	vunpack.i.l.bf16.f32 v12;
	v12 =	vunpack.i.u.bf16.f32 v12;
	v7 =	vadd.f32 v7, v11  }
0x88: {  	v45 =	vld [tilespmem:s20+$0x10400];
	v16 =	vmul.bf16 v33, v16;
	v11 =	vadd.f32 v44, v13;
	v13 =	vadd.f32 v47, v20  }
0x89: {  	v59 =	vld [tilespmem:s20+$0xEFC0];
	v20 =	vunpack.i.l.bf16.f32 v51;
	v44 =	vunpack.i.l.bf16.f32 v40;
	v47 =	vmul.bf16 v34, v36  }
0x8a: {  	v31 =	vld [tilespmem:s20+$0xEFD0];
	v10 =	vadd.f32 v37, v10;
	v41 =	vunpack.i.l.bf16.f32 v16;
	v16 =	vunpack.i.u.bf16.f32 v16  }
0x8b: {  	v46 =	vld [tilespmem:s20+$0xF010];
	v11 =	vadd.f32 v11, v19;
	v13 =	vadd.f32 v52, v13;
	v19 =	vmul.bf16 v50, v49  }
0x8c: {  	v48 =	vld [tilespmem:s20+$0x10410];
	v50 =	vunpack.i.l.bf16.f32 v47;
	v10 =	vadd.f32 v10, v12;
	v12 =	vadd.f32 $0.0e+00, v42  }
0x8d: {  	v35 =	vld [tilespmem:s20+$0xF070];
	v24 =	vunpack.i.u.bf16.f32 v47;
	v8 =	vadd.f32 v13, v8;
	v11 =	vadd.f32 v20, v11  }
0x8e: {  	v25 =	vld [tilespmem:s20+$0xF0A0];
	v49 =	vunpack.i.l.bf16.f32 v19;
	v52 =	vunpack.i.u.bf16.f32 v19;
	v13 =	vmul.bf16 v61, v59  }
0x8f: {  	v62 =	vld [tilespmem:s20+$0x10450];
	v61 =	vmul.bf16 v21, v32;
	v20 =	vmul.bf16 v63, v31;
	v10 =	vadd.f32 v41, v10  }
0x90: {  	v34 =	vld [tilespmem:s20+$0xF020];
	v63 =	vmul.bf16 v45, v43;
	v12 =	vadd.f32 v12, v17;
	v8 =	vadd.f32 v60, v8  }
0x91: {  	v51 =	vld [tilespmem:s20+$0x10420];
	v17 =	vmul.bf16 v48, v46;
	v9 =	vadd.f32 v11, v57;
	v11 =	vadd.f32 $0.0e+00, v38  }
0x92: {  	v36 =	vld [tilespmem:s20+$0xF060];
	v59 =	vunpack.i.l.bf16.f32 v13;
	v13 =	vunpack.i.u.bf16.f32 v13;
	v37 =	vunpack.i.l.bf16.f32 v61  }
0x93: {  	v60 =	vld [tilespmem:s20+$0xF050];
	v33 =	vunpack.i.l.bf16.f32 v63;
	v10 =	vadd.f32 v10, v16;
	v12 =	vadd.f32 v49, v12  }
0x94: {  	v38 =	vld [tilespmem:s20+$0x10460];
	v41 =	vunpack.i.u.bf16.f32 v63;
	v19 =	vadd.f32 $0.0e+00, v59;
	v40 =	vadd.f32 $0.0e+00, v33  }
0x95: {  	v16 =	vld [tilespmem:s20+$0x10430];
	v46 =	vunpack.i.l.bf16.f32 v17;
	v8 =	vadd.f32 v8, v29;
	v11 =	vadd.f32 v11, v39  }
0x96: {  	v33 =	vld [tilespmem:s20+$0x10470];
	v17 =	vunpack.i.u.bf16.f32 v17;
	v12 =	vadd.f32 v12, v52;
	v13 =	vadd.f32 v19, v13  }
0x97: {  	v29 =	vld [tilespmem:s20+$0x103E0];
	v39 =	vunpack.i.l.bf16.f32 v20;
	v43 =	vadd.f32 v40, v41;
	v11 =	vadd.f32 v44, v11  }
0x98: {  	v47 =	vld [tilespmem:s20+$0xF090];
	v20 =	vunpack.i.u.bf16.f32 v20;
	v12 =	vadd.f32 v54, v12;
	v13 =	vadd.f32 v39, v13  }
0x99: {  	v49 =	vld [tilespmem:s20+$0x10490];
	v48 =	vadd.f32 v46, v43;
	v54 =	vunpack.i.u.bf16.f32 v15;
	v21 =	vmul.bf16 v62, v60  }
0x9a: {  	v42 =	vld [tilespmem:s20+$0xF080];
	v19 =	vmul.bf16 v38, v36;
	v11 =	vadd.f32 v11, v14;
	v14 =	vmul.bf16 v51, v34  }
0x9b: {  	v31 =	vld [tilespmem:s20+$0xF130];
	v15 =	vunpack.i.l.bf16.f32 v15;
	v16 =	vmul.bf16 v16, v22;
	v33 =	vmul.bf16 v33, v35  }
0x9c: {  	v44 =	vld [tilespmem:s20+$0x10480];
	v12 =	vadd.f32 v12, v58;
	v28 =	vmul.bf16 v29, v28;
	v13 =	vadd.f32 v13, v20  }
0x9d: {  	v57 =	vld [tilespmem:s20+$0x10440];
	v17 =	vadd.f32 v48, v17;
	v58 =	vunpack.i.l.bf16.f32 v21;
	v62 =	vunpack.i.u.bf16.f32 v21  }
0x9e: {  	v63 =	vld [tilespmem:s20+$0xF0E0];
	v20 =	vmul.bf16 v49, v47;
	v11 =	vadd.f32 v50, v11;
	v51 =	vunpack.i.l.bf16.f32 v14  }
0x9f: {  	v36 =	vld [tilespmem:s20+$0x104E0];
	v14 =	vunpack.i.u.bf16.f32 v14;
	v60 =	vunpack.i.l.bf16.f32 v16;
	v16 =	vunpack.i.u.bf16.f32 v16  }
0xa0: {  	v41 =	vld [tilespmem:s20+$0xF100];
	v12 =	vadd.f32 v37, v12;
	v45 =	vunpack.i.l.bf16.f32 v28;
	v28 =	vunpack.i.u.bf16.f32 v28  }
0xa1: {  	v43 =	vld [tilespmem:s20+$0x10500];
	v17 =	vadd.f32 v51, v17;
	v23 =	vmul.bf16 v44, v42;
	v37 =	vunpack.i.l.bf16.f32 v19  }
0xa2: {  	v46 =	vld [tilespmem:s20+$0xF110];
	v19 =	vunpack.i.u.bf16.f32 v19;
	v44 =	vunpack.i.l.bf16.f32 v33;
	v47 =	vunpack.i.l.bf16.f32 v20  }
0xa3: {  	v48 =	vld [tilespmem:s20+$0x10510];
	v20 =	vunpack.i.u.bf16.f32 v20;
	v51 =	vunpack.i.u.bf16.f32 v33;
	v11 =	vadd.f32 v11, v24  }
0xa4: {  	v50 =	vld [tilespmem:s20+$0x104A0];
	v13 =	vadd.f32 v45, v13;
	v24 =	vmul.bf16 v57, v55;
	v21 =	vmul.bf16 v36, v63  }
0xa5: {  	v59 =	vld [tilespmem:s20+$0xF0D0];
	v14 =	vadd.f32 v17, v14;
	v39 =	vunpack.i.l.bf16.f32 v23;
	v42 =	vunpack.i.u.bf16.f32 v23  }
0xa6: {  	v55 =	vld [tilespmem:s20+$0xF0C0];
	v23 =	vmul.bf16 v43, v41;
	v11 =	vadd.f32 v18, v11;
	v52 =	vunpack.i.l.bf16.f32 v24  }
0xa7: {  	v57 =	vld [tilespmem:s20+$0x104C0];
	v18 =	vunpack.i.u.bf16.f32 v61;
	v13 =	vadd.f32 v13, v28;
	v53 =	vadd.f32 $0.0e+00, v52  }
0xa8: {  	v40 =	vld [tilespmem:s20+$0x104F0];
	v24 =	vunpack.i.u.bf16.f32 v24;
	v36 =	vmul.bf16 v48, v46;
	v12 =	vadd.f32 v12, v18  }
0xa9: {  	v38 =	vld [tilespmem:s20+$0xF0F0];
	v18 =	vmul.bf16 v50, v25;
	v11 =	vadd.f32 v11, v56;
	v56 =	vadd.f32 v53, v24  }
0xaa: {  	v29 =	vld [tilespmem:s20+$0xF0B0];
	v13 =	vadd.f32 v15, v13;
	v15 =	vadd.f32 v60, v14;
	v60 =	vunpack.i.l.bf16.f32 v23  }
0xab: {  	v61 =	vld [tilespmem:s20+$0x104D0];
	v23 =	vunpack.i.u.bf16.f32 v23;
	v32 =	vunpack.i.u.bf16.f32 v36;
	v17 =	vadd.f32 v58, v56  }
0xac: {  	v28 =	vld [tilespmem:s20+$0x104B0];
	v24 =	vmul.bf16 v57, v55;
	v53 =	vunpack.i.l.bf16.f32 v18;
	v18 =	vunpack.i.u.bf16.f32 v18  }
0xad: {  	v49 =	vld [tilespmem:s20+$0xF120];
	v57 =	vunpack.i.l.bf16.f32 v21;
	v21 =	vunpack.i.u.bf16.f32 v21;
	v17 =	vadd.f32 v17, v62  }
0xae: {  	v46 =	vld [tilespmem:s20+$0x10590];
	v14 =	vadd.f32 v13, v54;
	v13 =	vadd.f32 v15, v16;
	v16 =	vmul.bf16 v40, v38  }
0xaf: {  	v50 =	vld [tilespmem:s20+$0x10520];
	v40 =	vunpack.i.l.bf16.f32 v36;
	v15 =	vadd.f32 v37, v17;
	v17 =	vadd.f32 $0.0e+00, v39  }
0xb0: {  	v54 =	vld [tilespmem:s20+$0xF140];
	v45 =	vunpack.i.l.bf16.f32 v24;
	v24 =	vunpack.i.u.bf16.f32 v24;
	v22 =	vmul.bf16 v61, v59  }
0xb1: {  	v55 =	vmul.bf16 v28, v29;
	v56 =	vld [tilespmem:s20+$0x10540];
	v38 =	vunpack.i.l.bf16.f32 v16;
	v17 =	vadd.f32 v17, v42  }
0xb2: {  	v16 =	vunpack.i.u.bf16.f32 v16;
	v15 =	vadd.f32 v15, v19;
	v19 =	vadd.f32 $0.0e+00, v45;
	v45 =	vld [tilespmem:s20+$0xF190]  }
0xb3: {  	v52 =	vunpack.i.l.bf16.f32 v22;
	v22 =	vunpack.i.u.bf16.f32 v22;
	v42 =	vld [tilespmem:s20+$0xF180];
	v17 =	vadd.f32 v47, v17  }
0xb4: {  	v29 =	vunpack.i.u.bf16.f32 v55;
	v15 =	vadd.f32 v44, v15;
	v19 =	vadd.f32 v19, v24;
	v44 =	vld [tilespmem:s20+$0x10580]  }
0xb5: {  	v58 =	vld [tilespmem:s20+$0xF150];
	v62 =	vadd.f32 $0.0e+00, v60;
	v24 =	vmul.bf16 v50, v49;
	v17 =	vadd.f32 v17, v20  }
0xb6: {  	v59 =	vld [tilespmem:s20+$0x10550];
	v27 =	vunpack.i.l.bf16.f32 v55;
	v15 =	vadd.f32 v15, v51;
	v19 =	vadd.f32 v52, v19  }
0xb7: {  	v20 =	vld [tilespmem:s20+$0x10530];
	v47 =	vunpack.i.l.bf16.f32 v24;
	v24 =	vunpack.i.u.bf16.f32 v24;
	v26 =	vmul.bf16 v46, v45  }
0xb8: {  	v63 =	vld [tilespmem:s20+$0x10560];
	v17 =	vadd.f32 v53, v17;
	v19 =	vadd.f32 v19, v22;
	v22 =	vmul.bf16 v56, v54  }
0xb9: {  	v61 =	vld [tilespmem:s20+$0xF160];
	v52 =	vmul.bf16 v44, v42;
	v36 =	vunpack.i.l.bf16.f32 v26;
	v26 =	vunpack.i.u.bf16.f32 v26  }
0xba: {  	v37 =	vld [tilespmem:s20+$0xF170];
	v17 =	vadd.f32 v17, v18;
	v18 =	vadd.f32 v57, v19;
	v41 =	vunpack.i.l.bf16.f32 v22  }
0xbb: {  	v39 =	vld [tilespmem:s20+$0x10570];
	v22 =	vunpack.i.u.bf16.f32 v22;
	v19 =	vmul.bf16 v59, v58;
	v43 =	vadd.f32 $0.0e+00, v41  }
0xbc: {  	v49 =	vld [tilespmem:s20+$0xF1A0];
	v20 =	vmul.bf16 v20, v31;
	v18 =	vadd.f32 v18, v21;
	v21 =	vadd.f32 v62, v23  }
0xbd: {  	v53 =	vld [tilespmem:s20+$0x105B0];
	v55 =	vunpack.i.l.bf16.f32 v52;
	v59 =	vunpack.i.u.bf16.f32 v52;
	v17 =	vadd.f32 v27, v17  }
0xbe: {  	v51 =	vld [tilespmem:s20+$0x105A0];
	v48 =	vunpack.i.l.bf16.f32 v19;
	v19 =	vunpack.i.u.bf16.f32 v19;
	v21 =	vadd.f32 v40, v21  }
0xbf: {  	v56 =	vld [tilespmem:s20+$0xF1C0];
	v27 =	vmul.bf16 v63, v61;
	v57 =	vadd.f32 $0.0e+00, v55;
	v22 =	vadd.f32 v43, v22  }
0xc0: {  	v58 =	vld [tilespmem:s20+$0x105C0];
	v23 =	vmul.bf16 v39, v37;
	v18 =	vadd.f32 v38, v18;
	v21 =	vadd.f32 v21, v32  }
0xc1: {  	v60 =	vld [tilespmem:s20+$0xF1D0];
	v61 =	vunpack.i.l.bf16.f32 v20;
	v20 =	vunpack.i.u.bf16.f32 v20;
	v17 =	vadd.f32 v17, v29  }
0xc2: {  	v62 =	vld [tilespmem:s20+$0xF200];
	v53 =	vmul.bf16 v53, v30;
	v16 =	vadd.f32 v18, v16;
	v18 =	vadd.f32 v47, v21  }
0xc3: {  	v37 =	vld [tilespmem:s20+$0x10600];
	v54 =	vunpack.i.l.bf16.f32 v27;
	v27 =	vunpack.i.u.bf16.f32 v27;
	v50 =	vadd.f32 v48, v22  }
0xc4: {  	v46 =	vld [tilespmem:s20+$0x10610];
	v63 =	vunpack.i.l.bf16.f32 v23;
	v18 =	vadd.f32 v18, v24;
	v24 =	vadd.f32 v57, v59  }
0xc5: {  	(xrf2) =	vadd.scan.msk.f32 $0xffff, v7;
	v38 =	vld [tilespmem:s20+$0x105D0];
	v22 =	vmul.bf16 v51, v49;
	v39 =	vmul.bf16 v58, v56;
	v19 =	vadd.f32 v50, v19  }
0xc6: {  	(xrf2) =	vadd.scan.msk.f32 $0xffff, v9;
	v52 =	vld [tilespmem:s20+$0xF220];
	v41 =	vunpack.i.u.bf16.f32 v23;
	v9 =	vunpack.i.u.bf16.f32 v53;
	v24 =	vadd.f32 v36, v24  }
0xc7: {  	v43 =	vld [tilespmem:s20+$0xF210];
	v44 =	vunpack.i.l.bf16.f32 v22;
	v45 =	vunpack.i.l.bf16.f32 v39;
	v19 =	vadd.f32 v54, v19  }
0xc8: {  	v40 =	vld [tilespmem:s20+$0xF1E0];
	v25 =	vmul.bf16 v37, v62;
	v18 =	vadd.f32 v61, v18;
	v42 =	vadd.f32 v24, v26  }
0xc9: {  	v48 =	vld [tilespmem:s20+$0x105E0];
	v29 =	vunpack.i.u.bf16.f32 v39;
	v47 =	vadd.f32 $0.0e+00, v45;
	v19 =	vadd.f32 v19, v27  }
0xca: {  	v55 =	vld [tilespmem:s20+$0x10620];
	v27 =	vmul.bf16 v38, v60;
	v18 =	vadd.f32 v18, v20;
	v20 =	vadd.f32 v44, v42  }
0xcb: {  	v22 =	vunpack.i.u.bf16.f32 v22;
	v51 =	vunpack.i.l.bf16.f32 v25;
	v50 =	vadd.f32 v47, v29  }
0xcc: {  	v49 =	vld [tilespmem:s20+$0xF1F0];
	v54 =	vunpack.i.l.bf16.f32 v27;
	v7 =	vadd.f32 v20, v22;
	v22 =	vadd.f32 $0.0e+00, v51  }
0xcd: {  	(xrf2) =	vadd.scan.msk.f32 $0xffff, v8;
	v56 =	vmul.bf16 v46, v43;
	v58 =	vunpack.i.u.bf16.f32 v25;
	v57 =	vld [tilespmem:s20+$0x105F0];
	v8 =	vadd.f32 v54, v50  }
0xce: {  	(xrf2) =	vadd.scan.msk.f32 $0xffff, v10;
	v59 =	vmul.bf16 v48, v40;
	v60 =	vunpack.i.u.bf16.f32 v27;
	v22 =	vadd.f32 v22, v58  }
0xcf: {  	(xrf2) =	vadd.scan.msk.f32 $0xffff, v11;
	v32 =	vld [tilespmem:s20+$0x10630];
	v33 =	vmul.bf16 v55, v52;
	v62 =	vunpack.i.l.bf16.f32 v56;
	v8 =	vadd.f32 v8, v60  }
0xd0: {  	(xrf2) =	vadd.scan.msk.f32 $0xffff, v12;
	v30 =	vunpack.i.l.bf16.f32 v59;
	v19 =	vadd.f32 v63, v19;
	v63 =	vld [tilespmem:s20+$0xF230];
	v31 =	vadd.f32 v62, v22  }
0xd1: {  	(xrf2) =	vadd.scan.msk.f32 $0xffff, v14;
	v39 =	vunpack.i.u.bf16.f32 v33;
	v34 =	vunpack.i.u.bf16.f32 v56;
	v8 =	vadd.f32 v30, v8  }
0xd2: {  	(xrf2) =	vadd.scan.msk.f32 $0xffff, v13;
	v10 =	vunpack.i.u.bf16.f32 v59;
	v35 =	vmul.bf16 v57, v49;
	v12 =	vadd.f32 v31, v34  }
0xd3: {  	(xrf2) =	vadd.scan.msk.f32 $0xffff, v15;
	v61 =	vunpack.i.l.bf16.f32 v53;
	v36 =	vunpack.i.l.bf16.f32 v33;
	v8 =	vadd.f32 v8, v10  }
0xd4: {  	(xrf2) =	vadd.scan.msk.f32 $0xffff, v17;
	v37 =	vunpack.i.l.bf16.f32 v35;
	v7 =	vadd.f32 v61, v7;
	v10 =	vadd.f32 v36, v12  }
0xd5: {  	v38, _, _ =	vpop (xrf2);
	(xrf2) =	vadd.scan.msk.f32 $0xffff, v16;
	v19 =	vadd.f32 v19, v41;
	v40 =	vmul.bf16 v32, v63;
	v8 =	vadd.f32 v37, v8  }
0xd6: {  	v41, _, _ =	vpop (xrf2);
	(xrf2) =	vadd.scan.msk.f32 $0xffff, v18;
	v13 =	vunpack.i.u.bf16.f32 v35;
	v7 =	vadd.f32 v7, v9;
	v9 =	vadd.f32 v10, v39  }
0xd7: {  	v43, _, _ =	vpop (xrf2);
	(xrf2) =	vadd.scan.msk.f32 $0xffff, v19;
	v44 =	vunpack.i.l.bf16.f32 v40;
	v8 =	vadd.f32 v8, v13  }
0xd8: {  	v42 =	vbroadcast v41, $0xF;
	v45, _, _ =	vpop (xrf2);
	(xrf2) =	vadd.scan.msk.f32 $0xffff, v7;
	v12 =	vbroadcast v38, $0xF;
	v7 =	vadd.f32 v44, v9  }
0xd9: {  	v46 =	vbroadcast v43, $0xF;
	v48, _, _ =	vpop (xrf2);
	(xrf2) =	vadd.scan.msk.f32 $0xffff, v8;
	v8 =	vunpack.i.u.bf16.f32 v40  }
0xda: {  	v47 =	vbroadcast v45, $0xF;
	v10 =	vsel vm0, v12, v42;
	v7 =	vadd.f32 v7, v8  }
0xdb: {  	v49, _, _ =	vpop (xrf2);
	v50 =	vbroadcast v48, $0xF;
	v9 =	vsel vm1, v10, v46  }
0xdc: {  	v11 =	vbroadcast v49, $0xF;
	v9 =	vsel vm2, v9, v47;
	v8, _, _ =	vpop (xrf2)  }
0xdd: {  	v9 =	vsel vm3, v9, v50;
	v8 =	vbroadcast v8, $0xF;
	v51, _, _ =	vpop (xrf2)  }
0xde: {  	v9 =	vsel vm4, v9, v11;
	(xrf2) =	vadd.scan.msk.f32 $0xffff, v7;
	v10 =	vbroadcast v51, $0xF;
	v7, _, _ =	vpop (xrf2)  }
0xdf: {  	v8 =	vsel vm5, v9, v8;
	v52, _, _ =	vpop (xrf2);
	v7 =	vbroadcast v7, $0xF  }
0xe0: {  	v8 =	vsel vm6, v8, v10;
	v53, _, _ =	vpop (xrf2);
	v54 =	vbroadcast v52, $0xF  }
0xe1: {  	v55, _, _ =	vpop (xrf2);
	v7 =	vsel vm7, v8, v7;
	v8 =	vbroadcast v53, $0xF  }
0xe2: {  	v56, _, _ =	vpop (xrf2);
	v7 =	vsel vm8, v7, v54;
	v57 =	vbroadcast v55, $0xF  }
0xe3: {  	v58, _, _ =	vpop (xrf2);
	v7 =	vsel vm9, v7, v8;
	v8 =	vbroadcast v56, $0xF  }
0xe4: {  	v59, _, _ =	vpop (xrf2);
	v7 =	vsel vm10, v7, v57  }
0xe5: {  	v7 =	vsel vm11, v7, v8;
	v8 =	vbroadcast v59, $0xF  }
0xe6: {  	v61 =	vld [tilespmem:s19+$0x0];
	v60 =	vbroadcast v58, $0xF;
	_ =	sdelay $0x1  }
0xe7: {  	v7 =	vsel vm12, v7, v60  }
0xe8: {  	v7 =	vsel vm13, v7, v8;
	v8, _, _ =	vpop (xrf2)  }
0xe9: {  	v7 =	vsel vm14, v7, v8  }
0xea: {  	(xrf1) =	vsort.dscd.msk.f32 $0xffff, v7, v61;
	_ =	sdelay $0xd  }
0xeb: {  	v7, v8, _ =	vpop (xrf1)  }
0xec: {  	v8 =	vxor.u32 $0x80000000, v8  }
0xed: {  	(xrf1) =	vsort.ascd.msk.u32 $0xffff, v8, v7;
	_ =	sdelay $0xd  }
0xee: {  	v7, v8, _ =	vpop (xrf1)  }
0xef: {  	v7 =	vxor.u32 $0x80000000, v7  }
0xf0: {  	[tilespmem:$0x11A30] =	vst v7  }
0xf1: {  	v62 =	vld.idx.msk [tilespmem:v2+s1+$0x0], $0xffff;
	_ =	sdelay $0x4  }
0xf2: {  	vm15 =	vne.s32 v7, v62  }
0xf3: {  	v63 =	vld.idx.msk [tilespmem:v7+s11+$0x0], $0xffff;
	vm15 =	vmor vm15, vm0;
	_ =	sdelay $0x1  }
0xf4: {  	p0 =	sne.s32 s17, $0x4FC0  }
.Ltmp2:
0xf5: {  	_ = 	snop;
	(pc) =	sbr.rel @p0 .LBB2_7-.Ltmp2, $4  }
0xf6: {  	_ = 	snop  }
0xf7: {  	v8 =	vmax.f32 v63, v8  }
0xf8: {  	[tilespmem:v7+s11+$0x0] =	vst.idx.msk vm15, v8  }
0xf9: {  	s17 =	sadd.s32 $0x1000, s17;
	s19 =	sadd.s32 $0x10, s19;
	[tilespmem:v7+s12+$0x0] =	vst.idx.msk vm15, v6  }
.LBB2_8:
0xfa: {  	_ =	swait.ge [sflag:s24], $0xA0  }
0xfb: {  	[sflag:s24] =	ssyncset.done $0x0  }
0xfc: {  	[sflag:s24] =	ssyncadd.s32 $0xFFFFFF60  }
0xfd: {  	v7 =	vld [tilespmem:$0xC7B0];
	_ =	sdelay $0x5  }
0xfe: {  	v8 =	vld [tilespmem:$0xC800];
	_ =	sdelay $0x1  }
0xff: {  	v9 =	vld.idx.msk [tilespmem:v7+s3+$0x0], $0xffff;
	_ =	sdelay $0x4  }
0x100: {  	v62 =	vld [tilespmem:$0xC7C0];
	[tilespmem:$0xC990] =	vst v9  }
0x101: {  	v8 =	vld.idx.msk [tilespmem:v8+s3+$0x0], $0xffff;
	_ =	sdelay $0x4  }
0x102: {  	[tilespmem:$0xC9E0] =	vst v8;
	v8 =	vld [tilespmem:$0xC810]  }
0x103: {  	[tilespmem:$0xC8A0] =	vst v7  }
0x104: {  	v7 =	vld.idx.msk [tilespmem:v62+s3+$0x0], $0xffff;
	_ =	sdelay $0x4  }
0x105: {  	[tilespmem:$0xC9A0] =	vst v7;
	v7 =	vld [tilespmem:$0xC7D0]  }
0x106: {  	v8 =	vld.idx.msk [tilespmem:v8+s3+$0x0], $0xffff;
	_ =	sdelay $0x4  }
0x107: {  	[tilespmem:$0xC9F0] =	vst v8;
	v8 =	vld [tilespmem:$0xC820]  }
0x108: {  	[tilespmem:$0xC8B0] =	vst v62  }
0x109: {  	v9 =	vld.idx.msk [tilespmem:v7+s3+$0x0], $0xffff;
	_ =	sdelay $0x4  }
0x10a: {  	v63 =	vld [tilespmem:$0xC7E0];
	[tilespmem:$0xC9B0] =	vst v9  }
0x10b: {  	v8 =	vld.idx.msk [tilespmem:v8+s3+$0x0], $0xffff;
	_ =	sdelay $0x4  }
0x10c: {  	[tilespmem:$0xCA00] =	vst v8;
	v8 =	vld [tilespmem:$0xC830]  }
0x10d: {  	[tilespmem:$0xC8C0] =	vst v7  }
0x10e: {  	v7 =	vld.idx.msk [tilespmem:v63+s3+$0x0], $0xffff;
	_ =	sdelay $0x4  }
0x10f: {  	[tilespmem:$0xC9C0] =	vst v7;
	v7 =	vld [tilespmem:$0xC7F0]  }
0x110: {  	v8 =	vld.idx.msk [tilespmem:v8+s3+$0x0], $0xffff;
	_ =	sdelay $0x4  }
0x111: {  	[tilespmem:$0xCA10] =	vst v8;
	v8 =	vld [tilespmem:$0xC840]  }
0x112: {  	[tilespmem:$0xC8D0] =	vst v63  }
0x113: {  	v9 =	vld.idx.msk [tilespmem:v7+s3+$0x0], $0xffff;
	_ =	sdelay $0x4  }
0x114: {  	[tilespmem:$0xC9D0] =	vst v9  }
0x115: {  	s16 =	sadd.s32 $0x1, s16;
	v8 =	vld.idx.msk [tilespmem:v8+s3+$0x0], $0xffff  }
0x116: {  	p0 =	slt.s32 s16, $0x7C;
	s17 =	smov.u32 s16  }
0x117: {  	s17 =	simm.s32 @!p0 $0x7C  }
0x118: {  	s17 =	smul.u32 $0x50, s17  }
0x119: {  	[tilespmem:$0xC8E0] =	vst v7  }
0x11a: {  	s17 =	sadd.s32 s5, s17;
	[tilespmem:$0xCA20] =	vst v8  }
0x11b: {  	[tilespmem:s26], [sflag:$0x5] =	stream.indirect.gather [hbm4b:s4+s13], $0x40, s25, s13, $0xb8;
	[tilespmem:$0x11A50] =	vst v63  }
0x11c: {  	s17 =	sshrl.u32 s17, $0x3  }
0x11d: {  	[tilespmem:s29], [sflag:$0x6] =	stream.indirect.gather [hbm4b:s4+s13], $0x40, s28, s13, $0xb8;
	[tilespmem:$0x11A50] =	vst v63  }
0x11e: {  	s17 =	sadd.s32 s6, s17  }
0x11f: {  	[tilespmem:s15], [sflag:$0x1] =	stream.strided.gather [hbm4b:s17+s13], $0xA0, s14, s13, $0x38;
	[tilespmem:$0x11A50] =	vst v63  }
0x120: {  	_ =	swait.ge [sflag:s30], $0x1400  }
0x121: {  	[sflag:s30] =	ssyncset.done $0x0  }
0x122: {  	[sflag:s30] =	ssyncadd.s32 $0xFFFFEC00  }
0x123: {  	_ =	swait.ge [sflag:s31], $0x1400  }
0x124: {  	[sflag:s31] =	ssyncset.done $0x0  }
0x125: {  	s19 =	simm.s32 $0xC850;
	vm3 =	vcmask $0x3F3C;
	s17 =	simm.s32 $0xFC0;
	[sflag:s31] =	ssyncadd.s32 $0xFFFFEC00  }
.LBB2_9:
0x126: {  	s20 =	sshra.s32 s17, $0x2  }
0x127: {  	v7 =	vld [tilespmem:s20+$0xC640]  }
0x128: {  	v8 =	vld [tilespmem:s20+$0xDA40]  }
0x129: {  	v9 =	vld [tilespmem:s20+$0xC650]  }
0x12a: {  	v10 =	vld [tilespmem:s20+$0xDA50]  }
0x12b: {  	v11 =	vld [tilespmem:s20+$0xC660]  }
0x12c: {  	v12 =	vld [tilespmem:s20+$0xDA60]  }
0x12d: {  	v13 =	vld [tilespmem:s20+$0xC670]  }
0x12e: {  	v14 =	vld [tilespmem:s20+$0xDA70]  }
0x12f: {  	v15 =	vld [tilespmem:s20+$0xC680]  }
0x130: {  	v16 =	vld [tilespmem:s20+$0xDA80]  }
0x131: {  	v17 =	vld [tilespmem:s20+$0xC690]  }
0x132: {  	v18 =	vld [tilespmem:s20+$0xDA90]  }
0x133: {  	v19 =	vld [tilespmem:s20+$0xC6A0]  }
0x134: {  	v20 =	vld [tilespmem:s20+$0xDAA0]  }
0x135: {  	v21 =	vld [tilespmem:s20+$0xC6B0]  }
0x136: {  	v22 =	vld [tilespmem:s20+$0xDAB0]  }
0x137: {  	v23 =	vld [tilespmem:s20+$0xC6C0]  }
0x138: {  	v24 =	vld [tilespmem:s20+$0xDAC0]  }
0x139: {  	v25 =	vld [tilespmem:s20+$0xC6D0]  }
0x13a: {  	v26 =	vld [tilespmem:s20+$0xDAD0]  }
0x13b: {  	v27 =	vld [tilespmem:s20+$0xDAE0]  }
0x13c: {  	v29 =	vld [tilespmem:s20+$0xC6F0]  }
0x13d: {  	v30 =	vld [tilespmem:s20+$0xDAF0]  }
0x13e: {  	v55 =	vld [tilespmem:s20+$0xC700]  }
0x13f: {  	v56 =	vld [tilespmem:s20+$0xDB00]  }
0x140: {  	v32 =	vld [tilespmem:s20+$0xC710]  }
0x141: {  	v57 =	vld [tilespmem:s20+$0xDB10]  }
0x142: {  	v35 =	vld [tilespmem:s20+$0xC740]  }
0x143: {  	v36 =	vld [tilespmem:s20+$0xC760]  }
0x144: {  	v45 =	vld [tilespmem:s20+$0xC780];
	v7 =	vmul.bf16 v8, v7;
	v9 =	vmul.bf16 v10, v9  }
0x145: {  	v47 =	vld [tilespmem:s20+$0xDB80];
	v11 =	vmul.bf16 v12, v11;
	v15 =	vmul.bf16 v16, v15  }
0x146: {  	v48 =	vld [tilespmem:s20+$0xC790];
	v58 =	vmul.bf16 v14, v13;
	v17 =	vmul.bf16 v18, v17  }
0x147: {  	v49 =	vld [tilespmem:s20+$0xDB90];
	v60 =	vmul.bf16 v24, v23;
	v19 =	vmul.bf16 v20, v19  }
0x148: {  	v53 =	vld [tilespmem:s20+$0xC7A0];
	v41 =	vmul.bf16 v26, v25;
	v10 =	vmul.bf16 v56, v55  }
0x149: {  	v8 =	vld [tilespmem:s20+$0xC6E0];
	v50 =	vmul.bf16 v22, v21;
	v29 =	vmul.bf16 v30, v29  }
0x14a: {  	v12 =	vld [tilespmem:s20+$0xC720];
	v28 =	vunpack.i.l.bf16.f32 v7;
	v7 =	vunpack.i.u.bf16.f32 v7;
	v31 =	vunpack.i.l.bf16.f32 v9  }
0x14b: {  	v16 =	vld [tilespmem:s20+$0xC730];
	v9 =	vunpack.i.u.bf16.f32 v9;
	v33 =	vunpack.i.l.bf16.f32 v11;
	v11 =	vunpack.i.u.bf16.f32 v11  }
0x14c: {  	v14 =	vld [tilespmem:s20+$0xDB40];
	v34 =	vunpack.i.l.bf16.f32 v15;
	v15 =	vunpack.i.u.bf16.f32 v15;
	v61 =	vunpack.i.l.bf16.f32 v58  }
0x14d: {  	v23 =	vld [tilespmem:s20+$0xC750];
	v62 =	vunpack.i.l.bf16.f32 v17;
	v63 =	vunpack.i.l.bf16.f32 v60;
	v17 =	vunpack.i.u.bf16.f32 v17  }
0x14e: {  	v25 =	vld [tilespmem:s20+$0xC770];
	v18 =	vunpack.i.u.bf16.f32 v60;
	v43 =	vunpack.i.l.bf16.f32 v19;
	v44 =	vunpack.i.l.bf16.f32 v41  }
0x14f: {  	v55 =	vld [tilespmem:s20+$0xDBA0];
	v19 =	vunpack.i.u.bf16.f32 v19;
	v20 =	vunpack.i.u.bf16.f32 v41;
	v28 =	vadd.f32 $0.0e+00, v28  }
0x150: {  	v21 =	vld [tilespmem:s20+$0xDBB0];
	v52 =	vunpack.i.l.bf16.f32 v10;
	v59 =	vadd.f32 $0.0e+00, v34;
	v40 =	vadd.f32 $0.0e+00, v63  }
0x151: {  	v26 =	vld [tilespmem:s20+$0xC7F0];
	v56 =	vunpack.i.u.bf16.f32 v50;
	v54 =	vadd.f32 $0.0e+00, v52;
	v7 =	vadd.f32 v28, v7  }
0x152: {  	v22 =	vld [tilespmem:s20+$0xC830];
	v10 =	vunpack.i.u.bf16.f32 v10;
	v13 =	vadd.f32 v59, v15;
	v42 =	vadd.f32 v40, v18  }
0x153: {  	v30 =	vld [tilespmem:s20+$0xC9B0];
	v8 =	vmul.bf16 v27, v8;
	v10 =	vadd.f32 v54, v10;
	v59 =	vunpack.i.l.bf16.f32 v29  }
0x154: {  	v15 =	vld [tilespmem:s20+$0xDB50];
	v29 =	vunpack.i.u.bf16.f32 v29;
	v14 =	vmul.bf16 v14, v35;
	v7 =	vadd.f32 v31, v7  }
0x155: {  	v18 =	vld [tilespmem:s20+$0xDB70];
	v52 =	vmul.bf16 v55, v53;
	v13 =	vadd.f32 v62, v13;
	v46 =	vadd.f32 v44, v42  }
0x156: {  	v60 =	vld [tilespmem:s20+$0xDBC0];
	v51 =	vunpack.i.l.bf16.f32 v8;
	v31 =	vmul.bf16 v57, v32;
	v8 =	vunpack.i.u.bf16.f32 v8  }
0x157: {  	v34 =	vld [tilespmem:s20+$0xDB60];
	v37 =	vunpack.i.l.bf16.f32 v14;
	v38 =	vunpack.i.u.bf16.f32 v14;
	v7 =	vadd.f32 v7, v9  }
0x158: {  	v53 =	vunpack.i.l.bf16.f32 v52;
	v9 =	vld [tilespmem:s20+$0xDB20];
	v13 =	vadd.f32 v13, v17;
	v57 =	vunpack.i.l.bf16.f32 v31  }
0x159: {  	v17 =	vmul.bf16 v47, v45;
	v39 =	vmul.bf16 v15, v23;
	v15 =	vld [tilespmem:s20+$0xDBF0];
	v7 =	vadd.f32 v33, v7  }
0x15a: {  	v63 =	vld [tilespmem:s20+$0xDBD0];
	v10 =	vadd.f32 v57, v10;
	v18 =	vmul.bf16 v18, v25;
	v57 =	vunpack.i.u.bf16.f32 v52  }
0x15b: {  	v33 =	vld [tilespmem:s20+$0xDB30];
	v41 =	vunpack.i.l.bf16.f32 v17;
	v17 =	vunpack.i.u.bf16.f32 v17;
	v7 =	vadd.f32 v7, v11  }
0x15c: {  	v28 =	vld [tilespmem:s20+$0xC7E0];
	v14 =	vunpack.i.u.bf16.f32 v39;
	v55 =	vunpack.i.u.bf16.f32 v18;
	v18 =	vunpack.i.l.bf16.f32 v18  }
0x15d: {  	v54 =	vld [tilespmem:s20+$0xC840];
	v12 =	vmul.bf16 v9, v12;
	v7 =	vadd.f32 v61, v7;
	v61 =	vunpack.i.u.bf16.f32 v31  }
0x15e: {  	v32 =	vld [tilespmem:s20+$0xC7B0];
	v11 =	vunpack.i.u.bf16.f32 v58;
	v15 =	vmul.bf16 v15, v26;
	v10 =	vadd.f32 v10, v61  }
0x15f: {  	v62 =	vld [tilespmem:s20+$0xC7D0];
	v35 =	vunpack.i.l.bf16.f32 v12;
	v12 =	vunpack.i.u.bf16.f32 v12;
	v7 =	vadd.f32 v7, v11  }
0x160: {  	v42 =	vld [tilespmem:s20+$0xC800];
	v16 =	vmul.bf16 v33, v16;
	v11 =	vadd.f32 v43, v13;
	v13 =	vadd.f32 v46, v20  }
0x161: {  	v58 =	vld [tilespmem:s20+$0xC7C0];
	v20 =	vunpack.i.l.bf16.f32 v50;
	v43 =	vunpack.i.l.bf16.f32 v39;
	v46 =	vmul.bf16 v34, v36  }
0x162: {  	v44 =	vld [tilespmem:s20+$0xDC00];
	v10 =	vadd.f32 v35, v10;
	v40 =	vunpack.i.l.bf16.f32 v16;
	v16 =	vunpack.i.u.bf16.f32 v16  }
0x163: {  	v45 =	vld [tilespmem:s20+$0xC810];
	v11 =	vadd.f32 v11, v19;
	v13 =	vadd.f32 v51, v13;
	v19 =	vmul.bf16 v49, v48  }
0x164: {  	v47 =	vld [tilespmem:s20+$0xDC10];
	v49 =	vunpack.i.l.bf16.f32 v46;
	v10 =	vadd.f32 v10, v12;
	v12 =	vadd.f32 $0.0e+00, v41  }
0x165: {  	v25 =	vld [tilespmem:s20+$0xC8A0];
	v24 =	vunpack.i.u.bf16.f32 v46;
	v8 =	vadd.f32 v13, v8;
	v11 =	vadd.f32 v20, v11  }
0x166: {  	v61 =	vld [tilespmem:s20+$0xDC50];
	v48 =	vunpack.i.l.bf16.f32 v19;
	v51 =	vunpack.i.u.bf16.f32 v19;
	v13 =	vmul.bf16 v60, v58  }
0x167: {  	v34 =	vld [tilespmem:s20+$0xC820];
	v60 =	vmul.bf16 v21, v32;
	v20 =	vmul.bf16 v63, v62;
	v10 =	vadd.f32 v40, v10  }
0x168: {  	v50 =	vld [tilespmem:s20+$0xDC20];
	v62 =	vmul.bf16 v44, v42;
	v12 =	vadd.f32 v12, v17;
	v8 =	vadd.f32 v59, v8  }
0x169: {  	v35 =	vld [tilespmem:s20+$0xC870];
	v17 =	vmul.bf16 v47, v45;
	v9 =	vadd.f32 v11, v56;
	v11 =	vadd.f32 $0.0e+00, v37  }
0x16a: {  	v63 =	vld [tilespmem:s20+$0xC860];
	v58 =	vunpack.i.l.bf16.f32 v13;
	v13 =	vunpack.i.u.bf16.f32 v13;
	v36 =	vunpack.i.l.bf16.f32 v60  }
0x16b: {  	v59 =	vld [tilespmem:s20+$0xC850];
	v33 =	vunpack.i.l.bf16.f32 v62;
	v10 =	vadd.f32 v10, v16;
	v12 =	vadd.f32 v48, v12  }
0x16c: {  	v37 =	vld [tilespmem:s20+$0xDC60];
	v40 =	vunpack.i.u.bf16.f32 v62;
	v19 =	vadd.f32 $0.0e+00, v58;
	v39 =	vadd.f32 $0.0e+00, v33  }
0x16d: {  	v16 =	vld [tilespmem:s20+$0xDC30];
	v45 =	vunpack.i.l.bf16.f32 v17;
	v8 =	vadd.f32 v8, v29;
	v11 =	vadd.f32 v11, v38  }
0x16e: {  	v33 =	vld [tilespmem:s20+$0xDC70];
	v17 =	vunpack.i.u.bf16.f32 v17;
	v12 =	vadd.f32 v12, v51;
	v13 =	vadd.f32 v19, v13  }
0x16f: {  	v29 =	vld [tilespmem:s20+$0xDBE0];
	v38 =	vunpack.i.l.bf16.f32 v20;
	v42 =	vadd.f32 v39, v40;
	v11 =	vadd.f32 v43, v11  }
0x170: {  	v46 =	vld [tilespmem:s20+$0xC890];
	v20 =	vunpack.i.u.bf16.f32 v20;
	v12 =	vadd.f32 v53, v12;
	v13 =	vadd.f32 v38, v13  }
0x171: {  	v48 =	vld [tilespmem:s20+$0xDC90];
	v47 =	vadd.f32 v45, v42;
	v53 =	vunpack.i.u.bf16.f32 v15;
	v21 =	vmul.bf16 v61, v59  }
0x172: {  	v31 =	vld [tilespmem:s20+$0xC930];
	v19 =	vmul.bf16 v37, v63;
	v11 =	vadd.f32 v11, v14;
	v14 =	vmul.bf16 v50, v34  }
0x173: {  	v41 =	vld [tilespmem:s20+$0xC880];
	v15 =	vunpack.i.l.bf16.f32 v15;
	v16 =	vmul.bf16 v16, v22;
	v33 =	vmul.bf16 v33, v35  }
0x174: {  	v43 =	vld [tilespmem:s20+$0xDC80];
	v12 =	vadd.f32 v12, v57;
	v28 =	vmul.bf16 v29, v28;
	v13 =	vadd.f32 v13, v20  }
0x175: {  	v56 =	vld [tilespmem:s20+$0xDC40];
	v17 =	vadd.f32 v47, v17;
	v57 =	vunpack.i.l.bf16.f32 v21;
	v61 =	vunpack.i.u.bf16.f32 v21  }
0x176: {  	v62 =	vld [tilespmem:s20+$0xC8E0];
	v20 =	vmul.bf16 v48, v46;
	v11 =	vadd.f32 v49, v11;
	v50 =	vunpack.i.l.bf16.f32 v14  }
0x177: {  	v63 =	vld [tilespmem:s20+$0xDCE0];
	v14 =	vunpack.i.u.bf16.f32 v14;
	v59 =	vunpack.i.l.bf16.f32 v16;
	v16 =	vunpack.i.u.bf16.f32 v16  }
0x178: {  	v40 =	vld [tilespmem:s20+$0xC900];
	v12 =	vadd.f32 v36, v12;
	v44 =	vunpack.i.l.bf16.f32 v28;
	v28 =	vunpack.i.u.bf16.f32 v28  }
0x179: {  	v42 =	vld [tilespmem:s20+$0xDD00];
	v17 =	vadd.f32 v50, v17;
	v23 =	vmul.bf16 v43, v41;
	v36 =	vunpack.i.l.bf16.f32 v19  }
0x17a: {  	v45 =	vld [tilespmem:s20+$0xC910];
	v19 =	vunpack.i.u.bf16.f32 v19;
	v43 =	vunpack.i.l.bf16.f32 v33;
	v46 =	vunpack.i.l.bf16.f32 v20  }
0x17b: {  	v47 =	vld [tilespmem:s20+$0xDD10];
	v20 =	vunpack.i.u.bf16.f32 v20;
	v50 =	vunpack.i.u.bf16.f32 v33;
	v11 =	vadd.f32 v11, v24  }
0x17c: {  	v49 =	vld [tilespmem:s20+$0xDCA0];
	v13 =	vadd.f32 v44, v13;
	v24 =	vmul.bf16 v56, v54;
	v21 =	vmul.bf16 v63, v62  }
0x17d: {  	v58 =	vld [tilespmem:s20+$0xC8D0];
	v14 =	vadd.f32 v17, v14;
	v38 =	vunpack.i.l.bf16.f32 v23;
	v41 =	vunpack.i.u.bf16.f32 v23  }
0x17e: {  	v54 =	vld [tilespmem:s20+$0xC8C0];
	v23 =	vmul.bf16 v42, v40;
	v11 =	vadd.f32 v18, v11;
	v51 =	vunpack.i.l.bf16.f32 v24  }
0x17f: {  	v56 =	vld [tilespmem:s20+$0xDCC0];
	v18 =	vunpack.i.u.bf16.f32 v60;
	v13 =	vadd.f32 v13, v28;
	v52 =	vadd.f32 $0.0e+00, v51  }
0x180: {  	v39 =	vld [tilespmem:s20+$0xDCF0];
	v24 =	vunpack.i.u.bf16.f32 v24;
	v63 =	vmul.bf16 v47, v45;
	v12 =	vadd.f32 v12, v18  }
0x181: {  	v37 =	vld [tilespmem:s20+$0xC8F0];
	v18 =	vmul.bf16 v49, v25;
	v11 =	vadd.f32 v11, v55;
	v55 =	vadd.f32 v52, v24  }
0x182: {  	v29 =	vld [tilespmem:s20+$0xC8B0];
	v13 =	vadd.f32 v15, v13;
	v15 =	vadd.f32 v59, v14;
	v59 =	vunpack.i.l.bf16.f32 v23  }
0x183: {  	v60 =	vld [tilespmem:s20+$0xDCD0];
	v23 =	vunpack.i.u.bf16.f32 v23;
	v32 =	vunpack.i.u.bf16.f32 v63;
	v17 =	vadd.f32 v57, v55  }
0x184: {  	v28 =	vld [tilespmem:s20+$0xDCB0];
	v24 =	vmul.bf16 v56, v54;
	v52 =	vunpack.i.l.bf16.f32 v18;
	v18 =	vunpack.i.u.bf16.f32 v18  }
0x185: {  	v48 =	vld [tilespmem:s20+$0xC920];
	v56 =	vunpack.i.l.bf16.f32 v21;
	v21 =	vunpack.i.u.bf16.f32 v21;
	v17 =	vadd.f32 v17, v61  }
0x186: {  	v45 =	vld [tilespmem:s20+$0xDD90];
	v14 =	vadd.f32 v13, v53;
	v13 =	vadd.f32 v15, v16;
	v16 =	vmul.bf16 v39, v37  }
0x187: {  	v49 =	vld [tilespmem:s20+$0xDD20];
	v39 =	vunpack.i.l.bf16.f32 v63;
	v15 =	vadd.f32 v36, v17;
	v17 =	vadd.f32 $0.0e+00, v38  }
0x188: {  	v53 =	vld [tilespmem:s20+$0xC940];
	v44 =	vunpack.i.l.bf16.f32 v24;
	v24 =	vunpack.i.u.bf16.f32 v24;
	v22 =	vmul.bf16 v60, v58  }
0x189: {  	v54 =	vmul.bf16 v28, v29;
	v55 =	vld [tilespmem:s20+$0xDD40];
	v37 =	vunpack.i.l.bf16.f32 v16;
	v17 =	vadd.f32 v17, v41  }
0x18a: {  	v16 =	vunpack.i.u.bf16.f32 v16;
	v15 =	vadd.f32 v15, v19;
	v19 =	vadd.f32 $0.0e+00, v44;
	v44 =	vld [tilespmem:s20+$0xC990]  }
0x18b: {  	v51 =	vunpack.i.l.bf16.f32 v22;
	v22 =	vunpack.i.u.bf16.f32 v22;
	v41 =	vld [tilespmem:s20+$0xC980];
	v17 =	vadd.f32 v46, v17  }
0x18c: {  	v29 =	vunpack.i.u.bf16.f32 v54;
	v15 =	vadd.f32 v43, v15;
	v19 =	vadd.f32 v19, v24;
	v43 =	vld [tilespmem:s20+$0xDD80]  }
0x18d: {  	v57 =	vld [tilespmem:s20+$0xC950];
	v61 =	vadd.f32 $0.0e+00, v59;
	v24 =	vmul.bf16 v49, v48;
	v17 =	vadd.f32 v17, v20  }
0x18e: {  	v58 =	vld [tilespmem:s20+$0xDD50];
	v27 =	vunpack.i.l.bf16.f32 v54;
	v15 =	vadd.f32 v15, v50;
	v19 =	vadd.f32 v51, v19  }
0x18f: {  	v20 =	vld [tilespmem:s20+$0xDD30];
	v46 =	vunpack.i.l.bf16.f32 v24;
	v24 =	vunpack.i.u.bf16.f32 v24;
	v26 =	vmul.bf16 v45, v44  }
0x190: {  	v62 =	vld [tilespmem:s20+$0xDD60];
	v17 =	vadd.f32 v52, v17;
	v19 =	vadd.f32 v19, v22;
	v22 =	vmul.bf16 v55, v53  }
0x191: {  	v60 =	vld [tilespmem:s20+$0xC960];
	v51 =	vmul.bf16 v43, v41;
	v63 =	vunpack.i.l.bf16.f32 v26;
	v26 =	vunpack.i.u.bf16.f32 v26  }
0x192: {  	v36 =	vld [tilespmem:s20+$0xC970];
	v17 =	vadd.f32 v17, v18;
	v18 =	vadd.f32 v56, v19;
	v40 =	vunpack.i.l.bf16.f32 v22  }
0x193: {  	v38 =	vld [tilespmem:s20+$0xDD70];
	v22 =	vunpack.i.u.bf16.f32 v22;
	v19 =	vmul.bf16 v58, v57;
	v42 =	vadd.f32 $0.0e+00, v40  }
0x194: {  	v48 =	vld [tilespmem:s20+$0xC9A0];
	v20 =	vmul.bf16 v20, v31;
	v18 =	vadd.f32 v18, v21;
	v21 =	vadd.f32 v61, v23  }
0x195: {  	v52 =	vld [tilespmem:s20+$0xDDB0];
	v54 =	vunpack.i.l.bf16.f32 v51;
	v58 =	vunpack.i.u.bf16.f32 v51;
	v17 =	vadd.f32 v27, v17  }
0x196: {  	v50 =	vld [tilespmem:s20+$0xDDA0];
	v47 =	vunpack.i.l.bf16.f32 v19;
	v19 =	vunpack.i.u.bf16.f32 v19;
	v21 =	vadd.f32 v39, v21  }
0x197: {  	v55 =	vld [tilespmem:s20+$0xC9C0];
	v27 =	vmul.bf16 v62, v60;
	v56 =	vadd.f32 $0.0e+00, v54;
	v22 =	vadd.f32 v42, v22  }
0x198: {  	v57 =	vld [tilespmem:s20+$0xDDC0];
	v23 =	vmul.bf16 v38, v36;
	v18 =	vadd.f32 v37, v18;
	v21 =	vadd.f32 v21, v32  }
0x199: {  	v60 =	vunpack.i.l.bf16.f32 v20;
	v20 =	vunpack.i.u.bf16.f32 v20;
	v17 =	vadd.f32 v17, v29  }
0x19a: {  	v61 =	vld [tilespmem:s20+$0xCA00];
	v52 =	vmul.bf16 v52, v30;
	v16 =	vadd.f32 v18, v16;
	v18 =	vadd.f32 v46, v21  }
0x19b: {  	v36 =	vld [tilespmem:s20+$0xDE00];
	v53 =	vunpack.i.l.bf16.f32 v27;
	v27 =	vunpack.i.u.bf16.f32 v27;
	v49 =	vadd.f32 v47, v22  }
0x19c: {  	v59 =	vld [tilespmem:s20+$0xC9D0];
	v62 =	vunpack.i.l.bf16.f32 v23;
	v18 =	vadd.f32 v18, v24;
	v24 =	vadd.f32 v56, v58  }
0x19d: {  	(xrf2) =	vadd.scan.msk.f32 $0xffff, v7;
	v37 =	vld [tilespmem:s20+$0xDDD0];
	v22 =	vmul.bf16 v50, v48;
	v38 =	vmul.bf16 v57, v55;
	v19 =	vadd.f32 v49, v19  }
0x19e: {  	(xrf2) =	vadd.scan.msk.f32 $0xffff, v9;
	v45 =	vld [tilespmem:s20+$0xDE10];
	v40 =	vunpack.i.u.bf16.f32 v23;
	v9 =	vunpack.i.u.bf16.f32 v52;
	v24 =	vadd.f32 v63, v24  }
0x19f: {  	v42 =	vld [tilespmem:s20+$0xCA10];
	v43 =	vunpack.i.l.bf16.f32 v22;
	v44 =	vunpack.i.l.bf16.f32 v38;
	v19 =	vadd.f32 v53, v19  }
0x1a0: {  	v39 =	vld [tilespmem:s20+$0xC9E0];
	v25 =	vmul.bf16 v36, v61;
	v18 =	vadd.f32 v60, v18;
	v41 =	vadd.f32 v24, v26  }
0x1a1: {  	v47 =	vld [tilespmem:s20+$0xDDE0];
	v29 =	vunpack.i.u.bf16.f32 v38;
	v46 =	vadd.f32 $0.0e+00, v44;
	v19 =	vadd.f32 v19, v27  }
0x1a2: {  	v51 =	vld [tilespmem:s20+$0xCA20];
	v27 =	vmul.bf16 v37, v59;
	v18 =	vadd.f32 v18, v20;
	v20 =	vadd.f32 v43, v41  }
0x1a3: {  	v54 =	vld [tilespmem:s20+$0xDE20];
	v22 =	vunpack.i.u.bf16.f32 v22;
	v50 =	vunpack.i.l.bf16.f32 v25;
	v49 =	vadd.f32 v46, v29  }
0x1a4: {  	v48 =	vld [tilespmem:s20+$0xC9F0];
	v53 =	vunpack.i.l.bf16.f32 v27;
	v7 =	vadd.f32 v20, v22;
	v22 =	vadd.f32 $0.0e+00, v50  }
0x1a5: {  	(xrf2) =	vadd.scan.msk.f32 $0xffff, v8;
	v55 =	vmul.bf16 v45, v42;
	v57 =	vunpack.i.u.bf16.f32 v25;
	v56 =	vld [tilespmem:s20+$0xDDF0];
	v8 =	vadd.f32 v53, v49  }
0x1a6: {  	(xrf2) =	vadd.scan.msk.f32 $0xffff, v10;
	v58 =	vmul.bf16 v47, v39;
	v59 =	vunpack.i.u.bf16.f32 v27;
	v22 =	vadd.f32 v22, v57  }
0x1a7: {  	(xrf2) =	vadd.scan.msk.f32 $0xffff, v11;
	v61 =	vunpack.i.l.bf16.f32 v55;
	v19 =	vadd.f32 v62, v19;
	v62 =	vld [tilespmem:s20+$0xCA30];
	v8 =	vadd.f32 v8, v59  }
0x1a8: {  	(xrf2) =	vadd.scan.msk.f32 $0xffff, v12;
	v29 =	vunpack.i.u.bf16.f32 v55;
	v63 =	vunpack.i.l.bf16.f32 v58;
	v26 =	vld [tilespmem:s20+$0xDE30];
	v24 =	vadd.f32 v61, v22  }
0x1a9: {  	(xrf2) =	vadd.scan.msk.f32 $0xffff, v14;
	v60 =	vunpack.i.l.bf16.f32 v52;
	v27 =	vmul.bf16 v54, v51;
	v8 =	vadd.f32 v63, v8  }
0x1aa: {  	(xrf2) =	vadd.scan.msk.f32 $0xffff, v13;
	v10 =	vunpack.i.u.bf16.f32 v58;
	v30 =	vmul.bf16 v56, v48;
	v12 =	vadd.f32 v24, v29  }
0x1ab: {  	(xrf2) =	vadd.scan.msk.f32 $0xffff, v15;
	v19 =	vadd.f32 v19, v40;
	v31 =	vunpack.i.l.bf16.f32 v27;
	v8 =	vadd.f32 v8, v10  }
0x1ac: {  	(xrf2) =	vadd.scan.msk.f32 $0xffff, v17;
	v32 =	vunpack.i.l.bf16.f32 v30;
	v7 =	vadd.f32 v60, v7;
	v10 =	vadd.f32 v31, v12  }
0x1ad: {  	v33, _, _ =	vpop (xrf2);
	(xrf2) =	vadd.scan.msk.f32 $0xffff, v16;
	v34 =	vunpack.i.u.bf16.f32 v27;
	v35 =	vmul.bf16 v26, v62;
	v8 =	vadd.f32 v32, v8  }
0x1ae: {  	v36, _, _ =	vpop (xrf2);
	v46 =	vld [tilespmem:$0x1FFE0];
	(xrf2) =	vadd.scan.msk.f32 $0xffff, v18;
	v13 =	vunpack.i.u.bf16.f32 v30;
	v7 =	vadd.f32 v7, v9;
	v9 =	vadd.f32 v10, v34  }
0x1af: {  	v38, _, _ =	vpop (xrf2);
	v47 =	vld [tilespmem:$0x1FFF0];
	(xrf2) =	vadd.scan.msk.f32 $0xffff, v19;
	v39 =	vunpack.i.l.bf16.f32 v35;
	v8 =	vadd.f32 v8, v13  }
0x1b0: {  	v37 =	vbroadcast v36, $0xF;
	v40, _, _ =	vpop (xrf2);
	(xrf2) =	vadd.scan.msk.f32 $0xffff, v7;
	v12 =	vbroadcast v33, $0xF;
	v7 =	vadd.f32 v39, v9  }
0x1b1: {  	v41 =	vbroadcast v38, $0xF;
	v43, _, _ =	vpop (xrf2);
	(xrf2) =	vadd.scan.msk.f32 $0xffff, v8;
	v8 =	vunpack.i.u.bf16.f32 v35  }
0x1b2: {  	v42 =	vbroadcast v40, $0xF;
	v10 =	vsel vm0, v12, v37;
	v7 =	vadd.f32 v7, v8  }
0x1b3: {  	vm2 =	vnez.u8 v46;
	v44, _, _ =	vpop (xrf2);
	v45 =	vbroadcast v43, $0xF;
	v9 =	vsel vm1, v10, v41  }
0x1b4: {  	v11 =	vbroadcast v44, $0xF;
	v9 =	vsel vm2, v9, v42;
	vm2 =	vnez.u8 v47;
	v8, _, _ =	vpop (xrf2)  }
0x1b5: {  	v9 =	vsel vm2, v9, v45;
	v8 =	vbroadcast v8, $0xF;
	v48, _, _ =	vpop (xrf2)  }
0x1b6: {  	v9 =	vsel vm4, v9, v11;
	(xrf2) =	vadd.scan.msk.f32 $0xffff, v7;
	v10 =	vbroadcast v48, $0xF;
	v7, _, _ =	vpop (xrf2)  }
0x1b7: {  	v8 =	vsel vm5, v9, v8;
	v49, _, _ =	vpop (xrf2);
	v7 =	vbroadcast v7, $0xF  }
0x1b8: {  	v8 =	vsel vm6, v8, v10;
	v50, _, _ =	vpop (xrf2);
	v51 =	vbroadcast v49, $0xF  }
0x1b9: {  	v52, _, _ =	vpop (xrf2);
	v7 =	vsel vm7, v8, v7;
	v8 =	vbroadcast v50, $0xF  }
0x1ba: {  	v53, _, _ =	vpop (xrf2);
	v7 =	vsel vm8, v7, v51;
	v54 =	vbroadcast v52, $0xF  }
0x1bb: {  	v55, _, _ =	vpop (xrf2);
	v7 =	vsel vm9, v7, v8;
	v8 =	vbroadcast v53, $0xF  }
0x1bc: {  	v57, _, _ =	vpop (xrf2);
	v7 =	vsel vm10, v7, v54  }
0x1bd: {  	v56 =	vld [tilespmem:s19+$0x0];
	v7 =	vsel vm11, v7, v8;
	v8 =	vbroadcast v57, $0xF  }
0x1be: {  	v58 =	vbroadcast v55, $0xF;
	_ =	sdelay $0x1  }
0x1bf: {  	v7 =	vsel vm12, v7, v58  }
0x1c0: {  	v7 =	vsel vm13, v7, v8;
	v8, _, _ =	vpop (xrf2)  }
0x1c1: {  	v7 =	vsel vm14, v7, v8;
	v8 =	vxor.u32 $0x80000000, v56  }
0x1c2: {  	(xrf1) =	vsort.ascd.msk.u32 $0xffff, v8, v7;
	_ =	sdelay $0xd  }
0x1c3: {  	v7, v8, _ =	vpop (xrf1)  }
0x1c4: {  	v7 =	vxor.u32 $0x80000000, v7  }
0x1c5: {  	[tilespmem:$0x11A30] =	vst v7  }
0x1c6: {  	v59 =	vld.idx.msk [tilespmem:v2+s1+$0x0], $0xffff;
	_ =	sdelay $0x4  }
0x1c7: {  	vm15 =	veq.s32 v7, v59  }
0x1c8: {  	(xrf2) =	vadd.scan.msk.f32 $0xffff, v8;
	v9 =	vsel vm15, $0x80000000, v3  }
0x1c9: {  	(xrf0) =	vmax.scan.msk.u32 $0xffff, v9;
	_ =	sdelay $0x5  }
0x1ca: {  	v8, _, _ =	vpop (xrf0)  }
0x1cb: {  	v60 =	vadd.s32 $0x7FFFFFFF, v8  }
0x1cc: {  	vm15 =	vgt.s32 v60, $0x0  }
0x1cd: {  	v9 =	vnsel vm15, $0x0, v60  }
0x1ce: {  	v61, _, _ =	vpop (xrf2)  }
0x1cf: {  	[tilespmem:$0x11A40] =	vst v61  }
0x1d0: {  	v62 =	vld.idx.msk [tilespmem:v5+s1+$0x0], $0xffff;
	_ =	sdelay $0x1  }
0x1d1: {  	v9 =	vld.idx.msk [tilespmem:v9+s0+$0x0], $0xffff;
	_ =	sdelay $0x2  }
0x1d2: {  	v63 =	vld.idx.msk [tilespmem:v7+s2+$0x0], $0xffff;
	v8 =	vxor.u32 $0x80000000, v8;
	vm15 =	vne.s32 v7, v62  }
0x1d3: {  	vm2 =	vmmov vm1;
	vm1 =	vgt.s32 v8, $0x0;
	vm15 =	vmor vm15, vm3  }
0x1d4: {  	v9 =	vnsel vm1, $0x0, v9  }
0x1d5: {  	v9 =	vsub.f32 v61, v9;
	_ =	sdelay $0x1  }
0x1d6: {  	v9 =	vadd.f32 v9, v63;
	_ =	sdelay $0x1  }
0x1d7: {  	[tilespmem:v7+s2+$0x0] =	vst.idx.msk vm15, v9  }
0x1d8: {  	v9 =	vld.idx.msk [tilespmem:v7+s8+$0x0], $0xffff;
	_ =	sdelay $0x1  }
0x1d9: {  	p0 =	seq.s32 s17, $0x4FC0;
	v8 =	vsub.s32 v4, v8  }
.Ltmp3:
0x1da: {  	v8 =	vcvt.s32.f32 v8;
	(pc) =	sbr.rel @!p0 .LBB2_9-.Ltmp3, $3  }
0x1db: {  	_ = 	snop  }
0x1dc: {  	v8 =	vadd.f32 v8, v9;
	_ =	sdelay $0x1  }
0x1dd: {  	s17 =	sadd.s32 $0x1000, s17;
	s19 =	sadd.s32 $0x10, s19;
	vm1 =	vmmov vm2;
	[tilespmem:v7+s8+$0x0] =	vst.idx.msk vm15, v8  }
0x1de: {  	p0 =	seq.s32 s16, $0x7D  }
.Ltmp4:
0x1df: {  	_ = 	snop;
	(pc) =	sbr.rel @!p0 .LBB2_5-.Ltmp4, $1  }
0x1e0: {  	_ =	sdelay $0x3  }
0x1e1: {  	_ =	swait.ge [sflag:s9], $0x1400  }
0x1e2: {  	[sflag:s9] =	ssyncset.done $0x0  }
0x1e3: {  	[sflag:s9] =	ssyncadd.s32 $0xFFFFEC00  }
0x1e4: {  	_ =	swait.ge [sflag:s10], $0x1400  }
0x1e5: {  	v7 =	vld [tilespmem:$0x1FFE0];
	_ =	sdelay $0x4  }
0x1e6: {  	vm3 =	vnez.u8 v7;
	v7 =	vld [tilespmem:$0x1FFF0];
	_ =	sdelay $0x3  }
0x1e7: {  	[sflag:s10] =	ssyncset.done $0x0  }
0x1e8: {  	s16 =	simm.s32 $0xFC0;
	s17 =	simm.s32 $0xC8A0;
	[sflag:s10] =	ssyncadd.s32 $0xFFFFEC00;
	vm15 =	vnez.u8 v7  }
.LBB2_11:
0x1e9: {  	s19 =	sshra.s32 s16, $0x2  }
0x1ea: {  	v7 =	vld [tilespmem:s19+$0xEE40]  }
0x1eb: {  	v8 =	vld [tilespmem:s19+$0x10240]  }
0x1ec: {  	v9 =	vld [tilespmem:s19+$0xEE50]  }
0x1ed: {  	v10 =	vld [tilespmem:s19+$0x10250]  }
0x1ee: {  	v11 =	vld [tilespmem:s19+$0xEE60]  }
0x1ef: {  	v12 =	vld [tilespmem:s19+$0x10260]  }
0x1f0: {  	v13 =	vld [tilespmem:s19+$0xEE70]  }
0x1f1: {  	v14 =	vld [tilespmem:s19+$0x10270]  }
0x1f2: {  	v15 =	vld [tilespmem:s19+$0xEE80]  }
0x1f3: {  	v16 =	vld [tilespmem:s19+$0x10280]  }
0x1f4: {  	v17 =	vld [tilespmem:s19+$0xEE90]  }
0x1f5: {  	v18 =	vld [tilespmem:s19+$0x10290]  }
0x1f6: {  	v19 =	vld [tilespmem:s19+$0xEEA0]  }
0x1f7: {  	v20 =	vld [tilespmem:s19+$0x102A0]  }
0x1f8: {  	v21 =	vld [tilespmem:s19+$0xEEB0]  }
0x1f9: {  	v22 =	vld [tilespmem:s19+$0x102B0]  }
0x1fa: {  	v23 =	vld [tilespmem:s19+$0xEEC0]  }
0x1fb: {  	v24 =	vld [tilespmem:s19+$0x102C0]  }
0x1fc: {  	v25 =	vld [tilespmem:s19+$0xEED0]  }
0x1fd: {  	v26 =	vld [tilespmem:s19+$0x102D0]  }
0x1fe: {  	v27 =	vld [tilespmem:s19+$0x102E0]  }
0x1ff: {  	v29 =	vld [tilespmem:s19+$0xEEF0]  }
0x200: {  	v30 =	vld [tilespmem:s19+$0x102F0]  }
0x201: {  	v56 =	vld [tilespmem:s19+$0xEF00]  }
0x202: {  	v57 =	vld [tilespmem:s19+$0x10300]  }
0x203: {  	v32 =	vld [tilespmem:s19+$0xEF10]  }
0x204: {  	v58 =	vld [tilespmem:s19+$0x10310]  }
0x205: {  	v35 =	vld [tilespmem:s19+$0xEF40]  }
0x206: {  	v36 =	vld [tilespmem:s19+$0xEF60]  }
0x207: {  	v46 =	vld [tilespmem:s19+$0xEF80];
	v7 =	vmul.bf16 v8, v7;
	v9 =	vmul.bf16 v10, v9  }
0x208: {  	v48 =	vld [tilespmem:s19+$0x10380];
	v11 =	vmul.bf16 v12, v11;
	v15 =	vmul.bf16 v16, v15  }
0x209: {  	v49 =	vld [tilespmem:s19+$0xEF90];
	v59 =	vmul.bf16 v14, v13;
	v17 =	vmul.bf16 v18, v17  }
0x20a: {  	v50 =	vld [tilespmem:s19+$0x10390];
	v61 =	vmul.bf16 v24, v23;
	v19 =	vmul.bf16 v20, v19  }
0x20b: {  	v54 =	vld [tilespmem:s19+$0xEFA0];
	v42 =	vmul.bf16 v26, v25;
	v10 =	vmul.bf16 v57, v56  }
0x20c: {  	v8 =	vld [tilespmem:s19+$0xEEE0];
	v51 =	vmul.bf16 v22, v21;
	v29 =	vmul.bf16 v30, v29  }
0x20d: {  	v12 =	vld [tilespmem:s19+$0xEF20];
	v28 =	vunpack.i.l.bf16.f32 v7;
	v7 =	vunpack.i.u.bf16.f32 v7;
	v31 =	vunpack.i.l.bf16.f32 v9  }
0x20e: {  	v16 =	vld [tilespmem:s19+$0xEF30];
	v9 =	vunpack.i.u.bf16.f32 v9;
	v33 =	vunpack.i.l.bf16.f32 v11;
	v11 =	vunpack.i.u.bf16.f32 v11  }
0x20f: {  	v14 =	vld [tilespmem:s19+$0x10340];
	v34 =	vunpack.i.l.bf16.f32 v15;
	v15 =	vunpack.i.u.bf16.f32 v15;
	v62 =	vunpack.i.l.bf16.f32 v59  }
0x210: {  	v23 =	vld [tilespmem:s19+$0xEF50];
	v63 =	vunpack.i.l.bf16.f32 v17;
	v40 =	vunpack.i.l.bf16.f32 v61;
	v17 =	vunpack.i.u.bf16.f32 v17  }
0x211: {  	v25 =	vld [tilespmem:s19+$0xEF70];
	v18 =	vunpack.i.u.bf16.f32 v61;
	v44 =	vunpack.i.l.bf16.f32 v19;
	v45 =	vunpack.i.l.bf16.f32 v42  }
0x212: {  	v56 =	vld [tilespmem:s19+$0x103A0];
	v19 =	vunpack.i.u.bf16.f32 v19;
	v20 =	vunpack.i.u.bf16.f32 v42;
	v28 =	vadd.f32 $0.0e+00, v28  }
0x213: {  	v21 =	vld [tilespmem:s19+$0x103B0];
	v53 =	vunpack.i.l.bf16.f32 v10;
	v60 =	vadd.f32 $0.0e+00, v34;
	v41 =	vadd.f32 $0.0e+00, v40  }
0x214: {  	v26 =	vld [tilespmem:s19+$0xEFF0];
	v57 =	vunpack.i.u.bf16.f32 v51;
	v55 =	vadd.f32 $0.0e+00, v53;
	v7 =	vadd.f32 v28, v7  }
0x215: {  	v22 =	vld [tilespmem:s19+$0xF030];
	v10 =	vunpack.i.u.bf16.f32 v10;
	v13 =	vadd.f32 v60, v15;
	v43 =	vadd.f32 v41, v18  }
0x216: {  	v30 =	vld [tilespmem:s19+$0xF1B0];
	v8 =	vmul.bf16 v27, v8;
	v10 =	vadd.f32 v55, v10;
	v60 =	vunpack.i.l.bf16.f32 v29  }
0x217: {  	v15 =	vld [tilespmem:s19+$0x10350];
	v29 =	vunpack.i.u.bf16.f32 v29;
	v14 =	vmul.bf16 v14, v35;
	v7 =	vadd.f32 v31, v7  }
0x218: {  	v18 =	vld [tilespmem:s19+$0x10370];
	v53 =	vmul.bf16 v56, v54;
	v13 =	vadd.f32 v63, v13;
	v47 =	vadd.f32 v45, v43  }
0x219: {  	v61 =	vld [tilespmem:s19+$0x103C0];
	v52 =	vunpack.i.l.bf16.f32 v8;
	v31 =	vmul.bf16 v58, v32;
	v8 =	vunpack.i.u.bf16.f32 v8  }
0x21a: {  	v34 =	vld [tilespmem:s19+$0x10360];
	v38 =	vunpack.i.l.bf16.f32 v14;
	v39 =	vunpack.i.u.bf16.f32 v14;
	v7 =	vadd.f32 v7, v9  }
0x21b: {  	v54 =	vunpack.i.l.bf16.f32 v53;
	v9 =	vld [tilespmem:s19+$0x10320];
	v13 =	vadd.f32 v13, v17;
	v58 =	vunpack.i.l.bf16.f32 v31  }
0x21c: {  	v17 =	vmul.bf16 v48, v46;
	v40 =	vmul.bf16 v15, v23;
	v15 =	vld [tilespmem:s19+$0x103F0];
	v7 =	vadd.f32 v33, v7  }
0x21d: {  	v28 =	vld [tilespmem:s19+$0xEFE0];
	v10 =	vadd.f32 v58, v10;
	v18 =	vmul.bf16 v18, v25;
	v58 =	vunpack.i.u.bf16.f32 v53  }
0x21e: {  	v33 =	vld [tilespmem:s19+$0x10330];
	v42 =	vunpack.i.l.bf16.f32 v17;
	v17 =	vunpack.i.u.bf16.f32 v17;
	v7 =	vadd.f32 v7, v11  }
0x21f: {  	v55 =	vld [tilespmem:s19+$0xF040];
	v14 =	vunpack.i.u.bf16.f32 v40;
	v56 =	vunpack.i.u.bf16.f32 v18;
	v18 =	vunpack.i.l.bf16.f32 v18  }
0x220: {  	v32 =	vld [tilespmem:s19+$0xEFB0];
	v12 =	vmul.bf16 v9, v12;
	v7 =	vadd.f32 v62, v7;
	v62 =	vunpack.i.u.bf16.f32 v31  }
0x221: {  	v63 =	vld [tilespmem:s19+$0x103D0];
	v11 =	vunpack.i.u.bf16.f32 v59;
	v15 =	vmul.bf16 v15, v26;
	v10 =	vadd.f32 v10, v62  }
0x222: {  	v43 =	vld [tilespmem:s19+$0xF000];
	v37 =	vunpack.i.l.bf16.f32 v12;
	v12 =	vunpack.i.u.bf16.f32 v12;
	v7 =	vadd.f32 v7, v11  }
0x223: {  	v45 =	vld [tilespmem:s19+$0x10400];
	v16 =	vmul.bf16 v33, v16;
	v11 =	vadd.f32 v44, v13;
	v13 =	vadd.f32 v47, v20  }
0x224: {  	v59 =	vld [tilespmem:s19+$0xEFC0];
	v20 =	vunpack.i.l.bf16.f32 v51;
	v44 =	vunpack.i.l.bf16.f32 v40;
	v47 =	vmul.bf16 v34, v36  }
0x225: {  	v31 =	vld [tilespmem:s19+$0xEFD0];
	v10 =	vadd.f32 v37, v10;
	v41 =	vunpack.i.l.bf16.f32 v16;
	v16 =	vunpack.i.u.bf16.f32 v16  }
0x226: {  	v46 =	vld [tilespmem:s19+$0xF010];
	v11 =	vadd.f32 v11, v19;
	v13 =	vadd.f32 v52, v13;
	v19 =	vmul.bf16 v50, v49  }
0x227: {  	v48 =	vld [tilespmem:s19+$0x10410];
	v50 =	vunpack.i.l.bf16.f32 v47;
	v10 =	vadd.f32 v10, v12;
	v12 =	vadd.f32 $0.0e+00, v42  }
0x228: {  	v35 =	vld [tilespmem:s19+$0xF070];
	v24 =	vunpack.i.u.bf16.f32 v47;
	v8 =	vadd.f32 v13, v8;
	v11 =	vadd.f32 v20, v11  }
0x229: {  	v25 =	vld [tilespmem:s19+$0xF0A0];
	v49 =	vunpack.i.l.bf16.f32 v19;
	v52 =	vunpack.i.u.bf16.f32 v19;
	v13 =	vmul.bf16 v61, v59  }
0x22a: {  	v62 =	vld [tilespmem:s19+$0x10450];
	v61 =	vmul.bf16 v21, v32;
	v20 =	vmul.bf16 v63, v31;
	v10 =	vadd.f32 v41, v10  }
0x22b: {  	v34 =	vld [tilespmem:s19+$0xF020];
	v63 =	vmul.bf16 v45, v43;
	v12 =	vadd.f32 v12, v17;
	v8 =	vadd.f32 v60, v8  }
0x22c: {  	v51 =	vld [tilespmem:s19+$0x10420];
	v17 =	vmul.bf16 v48, v46;
	v9 =	vadd.f32 v11, v57;
	v11 =	vadd.f32 $0.0e+00, v38  }
0x22d: {  	v36 =	vld [tilespmem:s19+$0xF060];
	v59 =	vunpack.i.l.bf16.f32 v13;
	v13 =	vunpack.i.u.bf16.f32 v13;
	v37 =	vunpack.i.l.bf16.f32 v61  }
0x22e: {  	v60 =	vld [tilespmem:s19+$0xF050];
	v33 =	vunpack.i.l.bf16.f32 v63;
	v10 =	vadd.f32 v10, v16;
	v12 =	vadd.f32 v49, v12  }
0x22f: {  	v38 =	vld [tilespmem:s19+$0x10460];
	v41 =	vunpack.i.u.bf16.f32 v63;
	v19 =	vadd.f32 $0.0e+00, v59;
	v40 =	vadd.f32 $0.0e+00, v33  }
0x230: {  	v16 =	vld [tilespmem:s19+$0x10430];
	v46 =	vunpack.i.l.bf16.f32 v17;
	v8 =	vadd.f32 v8, v29;
	v11 =	vadd.f32 v11, v39  }
0x231: {  	v33 =	vld [tilespmem:s19+$0x10470];
	v17 =	vunpack.i.u.bf16.f32 v17;
	v12 =	vadd.f32 v12, v52;
	v13 =	vadd.f32 v19, v13  }
0x232: {  	v29 =	vld [tilespmem:s19+$0x103E0];
	v39 =	vunpack.i.l.bf16.f32 v20;
	v43 =	vadd.f32 v40, v41;
	v11 =	vadd.f32 v44, v11  }
0x233: {  	v47 =	vld [tilespmem:s19+$0xF090];
	v20 =	vunpack.i.u.bf16.f32 v20;
	v12 =	vadd.f32 v54, v12;
	v13 =	vadd.f32 v39, v13  }
0x234: {  	v49 =	vld [tilespmem:s19+$0x10490];
	v48 =	vadd.f32 v46, v43;
	v54 =	vunpack.i.u.bf16.f32 v15;
	v21 =	vmul.bf16 v62, v60  }
0x235: {  	v42 =	vld [tilespmem:s19+$0xF080];
	v19 =	vmul.bf16 v38, v36;
	v11 =	vadd.f32 v11, v14;
	v14 =	vmul.bf16 v51, v34  }
0x236: {  	v31 =	vld [tilespmem:s19+$0xF130];
	v15 =	vunpack.i.l.bf16.f32 v15;
	v16 =	vmul.bf16 v16, v22;
	v33 =	vmul.bf16 v33, v35  }
0x237: {  	v44 =	vld [tilespmem:s19+$0x10480];
	v12 =	vadd.f32 v12, v58;
	v28 =	vmul.bf16 v29, v28;
	v13 =	vadd.f32 v13, v20  }
0x238: {  	v57 =	vld [tilespmem:s19+$0x10440];
	v17 =	vadd.f32 v48, v17;
	v58 =	vunpack.i.l.bf16.f32 v21;
	v62 =	vunpack.i.u.bf16.f32 v21  }
0x239: {  	v63 =	vld [tilespmem:s19+$0xF0E0];
	v20 =	vmul.bf16 v49, v47;
	v11 =	vadd.f32 v50, v11;
	v51 =	vunpack.i.l.bf16.f32 v14  }
0x23a: {  	v36 =	vld [tilespmem:s19+$0x104E0];
	v14 =	vunpack.i.u.bf16.f32 v14;
	v60 =	vunpack.i.l.bf16.f32 v16;
	v16 =	vunpack.i.u.bf16.f32 v16  }
0x23b: {  	v41 =	vld [tilespmem:s19+$0xF100];
	v12 =	vadd.f32 v37, v12;
	v45 =	vunpack.i.l.bf16.f32 v28;
	v28 =	vunpack.i.u.bf16.f32 v28  }
0x23c: {  	v43 =	vld [tilespmem:s19+$0x10500];
	v17 =	vadd.f32 v51, v17;
	v23 =	vmul.bf16 v44, v42;
	v37 =	vunpack.i.l.bf16.f32 v19  }
0x23d: {  	v46 =	vld [tilespmem:s19+$0xF110];
	v19 =	vunpack.i.u.bf16.f32 v19;
	v44 =	vunpack.i.l.bf16.f32 v33;
	v47 =	vunpack.i.l.bf16.f32 v20  }
0x23e: {  	v48 =	vld [tilespmem:s19+$0x10510];
	v20 =	vunpack.i.u.bf16.f32 v20;
	v51 =	vunpack.i.u.bf16.f32 v33;
	v11 =	vadd.f32 v11, v24  }
0x23f: {  	v50 =	vld [tilespmem:s19+$0x104A0];
	v13 =	vadd.f32 v45, v13;
	v24 =	vmul.bf16 v57, v55;
	v21 =	vmul.bf16 v36, v63  }
0x240: {  	v59 =	vld [tilespmem:s19+$0xF0D0];
	v14 =	vadd.f32 v17, v14;
	v39 =	vunpack.i.l.bf16.f32 v23;
	v42 =	vunpack.i.u.bf16.f32 v23  }
0x241: {  	v55 =	vld [tilespmem:s19+$0xF0C0];
	v23 =	vmul.bf16 v43, v41;
	v11 =	vadd.f32 v18, v11;
	v52 =	vunpack.i.l.bf16.f32 v24  }
0x242: {  	v57 =	vld [tilespmem:s19+$0x104C0];
	v18 =	vunpack.i.u.bf16.f32 v61;
	v13 =	vadd.f32 v13, v28;
	v53 =	vadd.f32 $0.0e+00, v52  }
0x243: {  	v40 =	vld [tilespmem:s19+$0x104F0];
	v24 =	vunpack.i.u.bf16.f32 v24;
	v36 =	vmul.bf16 v48, v46;
	v12 =	vadd.f32 v12, v18  }
0x244: {  	v38 =	vld [tilespmem:s19+$0xF0F0];
	v18 =	vmul.bf16 v50, v25;
	v11 =	vadd.f32 v11, v56;
	v56 =	vadd.f32 v53, v24  }
0x245: {  	v29 =	vld [tilespmem:s19+$0xF0B0];
	v13 =	vadd.f32 v15, v13;
	v15 =	vadd.f32 v60, v14;
	v60 =	vunpack.i.l.bf16.f32 v23  }
0x246: {  	v61 =	vld [tilespmem:s19+$0x104D0];
	v23 =	vunpack.i.u.bf16.f32 v23;
	v32 =	vunpack.i.u.bf16.f32 v36;
	v17 =	vadd.f32 v58, v56  }
0x247: {  	v28 =	vld [tilespmem:s19+$0x104B0];
	v24 =	vmul.bf16 v57, v55;
	v53 =	vunpack.i.l.bf16.f32 v18;
	v18 =	vunpack.i.u.bf16.f32 v18  }
0x248: {  	v49 =	vld [tilespmem:s19+$0xF120];
	v57 =	vunpack.i.l.bf16.f32 v21;
	v21 =	vunpack.i.u.bf16.f32 v21;
	v17 =	vadd.f32 v17, v62  }
0x249: {  	v46 =	vld [tilespmem:s19+$0x10590];
	v14 =	vadd.f32 v13, v54;
	v13 =	vadd.f32 v15, v16;
	v16 =	vmul.bf16 v40, v38  }
0x24a: {  	v50 =	vld [tilespmem:s19+$0x10520];
	v40 =	vunpack.i.l.bf16.f32 v36;
	v15 =	vadd.f32 v37, v17;
	v17 =	vadd.f32 $0.0e+00, v39  }
0x24b: {  	v54 =	vld [tilespmem:s19+$0xF140];
	v45 =	vunpack.i.l.bf16.f32 v24;
	v24 =	vunpack.i.u.bf16.f32 v24;
	v22 =	vmul.bf16 v61, v59  }
0x24c: {  	v55 =	vmul.bf16 v28, v29;
	v56 =	vld [tilespmem:s19+$0x10540];
	v38 =	vunpack.i.l.bf16.f32 v16;
	v17 =	vadd.f32 v17, v42  }
0x24d: {  	v16 =	vunpack.i.u.bf16.f32 v16;
	v15 =	vadd.f32 v15, v19;
	v19 =	vadd.f32 $0.0e+00, v45;
	v45 =	vld [tilespmem:s19+$0xF190]  }
0x24e: {  	v52 =	vunpack.i.l.bf16.f32 v22;
	v22 =	vunpack.i.u.bf16.f32 v22;
	v42 =	vld [tilespmem:s19+$0xF180];
	v17 =	vadd.f32 v47, v17  }
0x24f: {  	v29 =	vunpack.i.u.bf16.f32 v55;
	v15 =	vadd.f32 v44, v15;
	v19 =	vadd.f32 v19, v24;
	v44 =	vld [tilespmem:s19+$0x10580]  }
0x250: {  	v58 =	vld [tilespmem:s19+$0xF150];
	v62 =	vadd.f32 $0.0e+00, v60;
	v24 =	vmul.bf16 v50, v49;
	v17 =	vadd.f32 v17, v20  }
0x251: {  	v59 =	vld [tilespmem:s19+$0x10550];
	v27 =	vunpack.i.l.bf16.f32 v55;
	v15 =	vadd.f32 v15, v51;
	v19 =	vadd.f32 v52, v19  }
0x252: {  	v20 =	vld [tilespmem:s19+$0x10530];
	v47 =	vunpack.i.l.bf16.f32 v24;
	v24 =	vunpack.i.u.bf16.f32 v24;
	v26 =	vmul.bf16 v46, v45  }
0x253: {  	v63 =	vld [tilespmem:s19+$0x10560];
	v17 =	vadd.f32 v53, v17;
	v19 =	vadd.f32 v19, v22;
	v22 =	vmul.bf16 v56, v54  }
0x254: {  	v61 =	vld [tilespmem:s19+$0xF160];
	v52 =	vmul.bf16 v44, v42;
	v36 =	vunpack.i.l.bf16.f32 v26;
	v26 =	vunpack.i.u.bf16.f32 v26  }
0x255: {  	v37 =	vld [tilespmem:s19+$0xF170];
	v17 =	vadd.f32 v17, v18;
	v18 =	vadd.f32 v57, v19;
	v41 =	vunpack.i.l.bf16.f32 v22  }
0x256: {  	v39 =	vld [tilespmem:s19+$0x10570];
	v22 =	vunpack.i.u.bf16.f32 v22;
	v19 =	vmul.bf16 v59, v58;
	v43 =	vadd.f32 $0.0e+00, v41  }
0x257: {  	v49 =	vld [tilespmem:s19+$0xF1A0];
	v20 =	vmul.bf16 v20, v31;
	v18 =	vadd.f32 v18, v21;
	v21 =	vadd.f32 v62, v23  }
0x258: {  	v53 =	vld [tilespmem:s19+$0x105B0];
	v55 =	vunpack.i.l.bf16.f32 v52;
	v59 =	vunpack.i.u.bf16.f32 v52;
	v17 =	vadd.f32 v27, v17  }
0x259: {  	v51 =	vld [tilespmem:s19+$0x105A0];
	v48 =	vunpack.i.l.bf16.f32 v19;
	v19 =	vunpack.i.u.bf16.f32 v19;
	v21 =	vadd.f32 v40, v21  }
0x25a: {  	v56 =	vld [tilespmem:s19+$0xF1C0];
	v27 =	vmul.bf16 v63, v61;
	v57 =	vadd.f32 $0.0e+00, v55;
	v22 =	vadd.f32 v43, v22  }
0x25b: {  	v58 =	vld [tilespmem:s19+$0x105C0];
	v23 =	vmul.bf16 v39, v37;
	v18 =	vadd.f32 v38, v18;
	v21 =	vadd.f32 v21, v32  }
0x25c: {  	v60 =	vld [tilespmem:s19+$0xF1D0];
	v61 =	vunpack.i.l.bf16.f32 v20;
	v20 =	vunpack.i.u.bf16.f32 v20;
	v17 =	vadd.f32 v17, v29  }
0x25d: {  	v62 =	vld [tilespmem:s19+$0xF200];
	v53 =	vmul.bf16 v53, v30;
	v16 =	vadd.f32 v18, v16;
	v18 =	vadd.f32 v47, v21  }
0x25e: {  	v37 =	vld [tilespmem:s19+$0x10600];
	v54 =	vunpack.i.l.bf16.f32 v27;
	v27 =	vunpack.i.u.bf16.f32 v27;
	v50 =	vadd.f32 v48, v22  }
0x25f: {  	v46 =	vld [tilespmem:s19+$0x10610];
	v63 =	vunpack.i.l.bf16.f32 v23;
	v18 =	vadd.f32 v18, v24;
	v24 =	vadd.f32 v57, v59  }
0x260: {  	(xrf2) =	vadd.scan.msk.f32 $0xffff, v7;
	v38 =	vld [tilespmem:s19+$0x105D0];
	v22 =	vmul.bf16 v51, v49;
	v39 =	vmul.bf16 v58, v56;
	v19 =	vadd.f32 v50, v19  }
0x261: {  	(xrf2) =	vadd.scan.msk.f32 $0xffff, v9;
	v52 =	vld [tilespmem:s19+$0xF220];
	v41 =	vunpack.i.u.bf16.f32 v23;
	v9 =	vunpack.i.u.bf16.f32 v53;
	v24 =	vadd.f32 v36, v24  }
0x262: {  	v43 =	vld [tilespmem:s19+$0xF210];
	v44 =	vunpack.i.l.bf16.f32 v22;
	v45 =	vunpack.i.l.bf16.f32 v39;
	v19 =	vadd.f32 v54, v19  }
0x263: {  	v40 =	vld [tilespmem:s19+$0xF1E0];
	v25 =	vmul.bf16 v37, v62;
	v18 =	vadd.f32 v61, v18;
	v42 =	vadd.f32 v24, v26  }
0x264: {  	v48 =	vld [tilespmem:s19+$0x105E0];
	v29 =	vunpack.i.u.bf16.f32 v39;
	v47 =	vadd.f32 $0.0e+00, v45;
	v19 =	vadd.f32 v19, v27  }
0x265: {  	v55 =	vld [tilespmem:s19+$0x10620];
	v27 =	vmul.bf16 v38, v60;
	v18 =	vadd.f32 v18, v20;
	v20 =	vadd.f32 v44, v42  }
0x266: {  	v22 =	vunpack.i.u.bf16.f32 v22;
	v51 =	vunpack.i.l.bf16.f32 v25;
	v50 =	vadd.f32 v47, v29  }
0x267: {  	v49 =	vld [tilespmem:s19+$0xF1F0];
	v54 =	vunpack.i.l.bf16.f32 v27;
	v7 =	vadd.f32 v20, v22;
	v22 =	vadd.f32 $0.0e+00, v51  }
0x268: {  	(xrf2) =	vadd.scan.msk.f32 $0xffff, v8;
	v56 =	vmul.bf16 v46, v43;
	v58 =	vunpack.i.u.bf16.f32 v25;
	v57 =	vld [tilespmem:s19+$0x105F0];
	v8 =	vadd.f32 v54, v50  }
0x269: {  	(xrf2) =	vadd.scan.msk.f32 $0xffff, v10;
	v59 =	vmul.bf16 v48, v40;
	v60 =	vunpack.i.u.bf16.f32 v27;
	v22 =	vadd.f32 v22, v58  }
0x26a: {  	(xrf2) =	vadd.scan.msk.f32 $0xffff, v11;
	v32 =	vld [tilespmem:s19+$0x10630];
	v33 =	vmul.bf16 v55, v52;
	v62 =	vunpack.i.l.bf16.f32 v56;
	v8 =	vadd.f32 v8, v60  }
0x26b: {  	(xrf2) =	vadd.scan.msk.f32 $0xffff, v12;
	v30 =	vunpack.i.l.bf16.f32 v59;
	v19 =	vadd.f32 v63, v19;
	v63 =	vld [tilespmem:s19+$0xF230];
	v31 =	vadd.f32 v62, v22  }
0x26c: {  	(xrf2) =	vadd.scan.msk.f32 $0xffff, v14;
	v39 =	vunpack.i.u.bf16.f32 v33;
	v34 =	vunpack.i.u.bf16.f32 v56;
	v8 =	vadd.f32 v30, v8  }
0x26d: {  	(xrf2) =	vadd.scan.msk.f32 $0xffff, v13;
	v10 =	vunpack.i.u.bf16.f32 v59;
	v35 =	vmul.bf16 v57, v49;
	v12 =	vadd.f32 v31, v34  }
0x26e: {  	(xrf2) =	vadd.scan.msk.f32 $0xffff, v15;
	v61 =	vunpack.i.l.bf16.f32 v53;
	v36 =	vunpack.i.l.bf16.f32 v33;
	v8 =	vadd.f32 v8, v10  }
0x26f: {  	(xrf2) =	vadd.scan.msk.f32 $0xffff, v17;
	v37 =	vunpack.i.l.bf16.f32 v35;
	v7 =	vadd.f32 v61, v7;
	v10 =	vadd.f32 v36, v12  }
0x270: {  	v38, _, _ =	vpop (xrf2);
	(xrf2) =	vadd.scan.msk.f32 $0xffff, v16;
	v19 =	vadd.f32 v19, v41;
	v40 =	vmul.bf16 v32, v63;
	v8 =	vadd.f32 v37, v8  }
0x271: {  	v41, _, _ =	vpop (xrf2);
	(xrf2) =	vadd.scan.msk.f32 $0xffff, v18;
	v13 =	vunpack.i.u.bf16.f32 v35;
	v7 =	vadd.f32 v7, v9;
	v9 =	vadd.f32 v10, v39  }
0x272: {  	v43, _, _ =	vpop (xrf2);
	(xrf2) =	vadd.scan.msk.f32 $0xffff, v19;
	v44 =	vunpack.i.l.bf16.f32 v40;
	v8 =	vadd.f32 v8, v13  }
0x273: {  	v42 =	vbroadcast v41, $0xF;
	v45, _, _ =	vpop (xrf2);
	(xrf2) =	vadd.scan.msk.f32 $0xffff, v7;
	v12 =	vbroadcast v38, $0xF;
	v7 =	vadd.f32 v44, v9  }
0x274: {  	v46 =	vbroadcast v43, $0xF;
	v48, _, _ =	vpop (xrf2);
	(xrf2) =	vadd.scan.msk.f32 $0xffff, v8;
	v8 =	vunpack.i.u.bf16.f32 v40  }
0x275: {  	v47 =	vbroadcast v45, $0xF;
	v10 =	vsel vm0, v12, v42;
	v7 =	vadd.f32 v7, v8  }
0x276: {  	v49, _, _ =	vpop (xrf2);
	v50 =	vbroadcast v48, $0xF;
	v9 =	vsel vm1, v10, v46  }
0x277: {  	v11 =	vbroadcast v49, $0xF;
	v9 =	vsel vm3, v9, v47;
	v8, _, _ =	vpop (xrf2)  }
0x278: {  	v9 =	vsel vm15, v9, v50;
	v8 =	vbroadcast v8, $0xF;
	v51, _, _ =	vpop (xrf2)  }
0x279: {  	v9 =	vsel vm4, v9, v11;
	(xrf2) =	vadd.scan.msk.f32 $0xffff, v7;
	v10 =	vbroadcast v51, $0xF;
	v7, _, _ =	vpop (xrf2)  }
0x27a: {  	v8 =	vsel vm5, v9, v8;
	v52, _, _ =	vpop (xrf2);
	v7 =	vbroadcast v7, $0xF  }
0x27b: {  	v8 =	vsel vm6, v8, v10;
	v53, _, _ =	vpop (xrf2);
	v54 =	vbroadcast v52, $0xF  }
0x27c: {  	v55, _, _ =	vpop (xrf2);
	v7 =	vsel vm7, v8, v7;
	v8 =	vbroadcast v53, $0xF  }
0x27d: {  	v56, _, _ =	vpop (xrf2);
	v7 =	vsel vm8, v7, v54;
	v57 =	vbroadcast v55, $0xF  }
0x27e: {  	v58, _, _ =	vpop (xrf2);
	v7 =	vsel vm9, v7, v8;
	v8 =	vbroadcast v56, $0xF  }
0x27f: {  	v59, _, _ =	vpop (xrf2);
	v7 =	vsel vm10, v7, v57  }
0x280: {  	v7 =	vsel vm11, v7, v8;
	v8 =	vbroadcast v59, $0xF  }
0x281: {  	v61 =	vld [tilespmem:s17+$0x0];
	v60 =	vbroadcast v58, $0xF;
	_ =	sdelay $0x1  }
0x282: {  	v7 =	vsel vm12, v7, v60  }
0x283: {  	v7 =	vsel vm13, v7, v8;
	v8, _, _ =	vpop (xrf2)  }
0x284: {  	v7 =	vsel vm14, v7, v8  }
0x285: {  	(xrf1) =	vsort.dscd.msk.f32 $0xffff, v7, v61;
	_ =	sdelay $0xd  }
0x286: {  	v7, v8, _ =	vpop (xrf1)  }
0x287: {  	v8 =	vxor.u32 $0x80000000, v8  }
0x288: {  	(xrf1) =	vsort.ascd.msk.u32 $0xffff, v8, v7;
	_ =	sdelay $0xd  }
0x289: {  	v7, v8, _ =	vpop (xrf1)  }
0x28a: {  	v7 =	vxor.u32 $0x80000000, v7  }
0x28b: {  	[tilespmem:$0x11A30] =	vst v7  }
0x28c: {  	v62 =	vld.idx.msk [tilespmem:v2+s1+$0x0], $0xffff;
	_ =	sdelay $0x4  }
0x28d: {  	vm1 =	vne.s32 v7, v62  }
0x28e: {  	v63 =	vld.idx.msk [tilespmem:v7+s11+$0x0], $0xffff;
	vm1 =	vmor vm1, vm0;
	_ =	sdelay $0x1  }
0x28f: {  	p0 =	sne.s32 s16, $0x4FC0  }
.Ltmp5:
0x290: {  	_ = 	snop;
	(pc) =	sbr.rel @p0 .LBB2_11-.Ltmp5, $4  }
0x291: {  	_ = 	snop  }
0x292: {  	v8 =	vmax.f32 v63, v8  }
0x293: {  	[tilespmem:v7+s11+$0x0] =	vst.idx.msk vm1, v8  }
0x294: {  	s16 =	sadd.s32 $0x1000, s16;
	s17 =	sadd.s32 $0x10, s17;
	[tilespmem:v7+s12+$0x0] =	vst.idx.msk vm1, v6;
	vm1 =	vmmov vm2  }
0x295: {  	_ =	swait.ge [sflag:s18], $0xA0  }
0x296: {  	[sflag:s18] =	ssyncset.done $0x0  }
0x297: {  	s20 =	simm.s32 $0x7;
	s16 =	rddreg [dreg:$0x4];
	[sflag:s18] =	ssyncadd.s32 $0xFFFFFF60  }
0x298: {  	[hbm4b:s16+s3] =	stream.linear.scatter [tilespmem:s2], [sflag:$0x7], $0x2800, $0x38;
	[tilespmem:$0x11A50] =	vst v63  }
0x299: {  	_ =	swait.ge [sflag:s20], $0x2800  }
0x29a: {  	[sflag:s20] =	ssyncset.done $0x0  }
0x29b: {  	s17 =	rddreg [dreg:$0x5];
	[sflag:s20] =	ssyncadd.s32 $0xFFFFD800  }
0x29c: {  	[hbm4b:s17+s3] =	stream.linear.scatter [tilespmem:s8], [sflag:$0x7], $0x2800, $0x38;
	[tilespmem:$0x11A50] =	vst v63  }
0x29d: {  	_ =	swait.ge [sflag:s20], $0x2800  }
0x29e: {  	[sflag:s20] =	ssyncset.done $0x0  }
0x29f: {  	s19 =	rddreg [dreg:$0x6];
	[sflag:s20] =	ssyncadd.s32 $0xFFFFD800  }
0x2a0: {  	[hbm4b:s19+s3] =	stream.linear.scatter [tilespmem:s11], [sflag:$0x7], $0x2800, $0x38;
	[tilespmem:$0x11A50] =	vst v63  }
0x2a1: {  	_ =	swait.ge [sflag:s20], $0x2800  }
0x2a2: {  	[sflag:s20] =	ssyncset.done $0x0  }
0x2a3: {  	s17 =	rddreg [dreg:$0x7];
	[sflag:s20] =	ssyncadd.s32 $0xFFFFD800  }
0x2a4: {  	[hbm4b:s17+s3] =	stream.linear.scatter [tilespmem:s12], [sflag:$0x7], $0x2800, $0x38;
	[tilespmem:$0x11A50] =	vst v63  }
0x2a5: {  	_ =	swait.ge [sflag:s20], $0x2800  }
0x2a6: {  	s17 =	rddreg [dreg:$0x9]  }
0x2a7: {  	s19 =	rddreg [dreg:$0x8];
	s17 =	sadd.s32 $0x1, s17  }
0x2a8: {  	p0 =	sne.s32 s17, s19  }
.Ltmp6:
0x2a9: {  	_ = 	snop;
	(pc) =	sbr.rel @p0 .LBB2_1-.Ltmp6, $3  }
0x2aa: {  	_ =	sdelay $0x1  }
0x2ab: {  	[sflag:s20] =	ssyncset.done $0x0  }
0x2ac: {  	[sflag:s20] =	ssyncadd.s32 $0xFFFFD800  }
0x2ad: {  	_ =	sfence.sel $0x180000  }
0x2ae: {  	[bflag:$0x0] =	sbarrier.arrive $0xFFFF  }
0x2af: {  	_ =	strace $0x90000047  }
0x2b0: {  	s0 =	stileid.u32;
	[bflag:$0x2] =	sbarrier.arrive $0xFFFF  }
0x2b1: {  	p0 =	sne.s32 s0, $0x0;
	s0 =	rddreg [dreg:$0x2]  }
0x2b2: {  	s0 =	sadd.s32 @!p0 $0x100000, s0  }
0x2b3: {  	[sflag:s0] =	ssyncadd.tile.s32 @!p0 $0x1;
	_ =	shalt  }
.Lfunc_end2:
_tile_overlayer_lowered:
.L_overlay_start_2:
0x2b4: {  	(tag) =	ssettag $0x2  }
0x2b5: {  	s0 =	rddreg [dreg:$0x0];
	s2 =	stileid.u32  }
0x2b6: {  	s1 =	rddreg [dreg:$0x1];
	p0 =	sne.s32 s2, $0x0  }
0x2b7: {  	s3 =	rddreg [dreg:$0x2];
	[bflag:$0x3] =	sbarrier.arrive $0xFFFF;
	s2 =	simm.s32 @!p0 $0x1C07  }
0x2b8: {  	[timem:s3], [sflag:s2] =	dma.local @!p0 [hbm:s0], s1  }
0x2b9: {  	s0 =	simm.s32 @!p0 $0x7  }
0x2ba: {  	_ =	swait.ge @!p0 [sflag:s0], s1  }
0x2bb: {  	s1 =	ssub.s32 @!p0 $0x0, s1;
	[sflag:s0] =	ssyncset.done @!p0 $0x0  }
0x2bc: {  	[sflag:s0] =	ssyncadd.s32 @!p0 s1  }
0x2bd: {  	[bflag:$0x3] =	sbarrier.arrive $0xFFFF  }
0x2be: {  	_ =	shalt  }

</sc_bundles>
